<compile_context>
chip_gen: v7x
topology: tpu7x:2x2x1
jax: 0.10.2.dev20260603
libtpu: 0.0.44.dev20260713+nightly
codegen_flags: <defaults>
</compile_context>

<pallas_src>
import functools

import jax
import jax.numpy as jnp
from jax import lax
from jax.experimental import pallas as pl
from jax.experimental.pallas import tpu as pltpu
from jax.experimental.pallas import tpu_sc as plsc

N, A, B, C = 128, 64, 64, 64
BATCH = 4096
TABLE_WORDS = N * A * B * C
LANES = 16

_info = plsc.get_sparse_core_info()
NC = _info.num_cores
NS = _info.num_subcores
NW = NC * NS
ROWS_W = 8
COLS_W = 2048
PER_W = ROWS_W * COLS_W
UNROLL = 8


def _sc_body(table_h, a_h, b_h, c_h, out_h, a_v, b_v, c_v, idx_v, res_v,
             sems, sem2):
    wid = lax.axis_index("s") * NC + lax.axis_index("c")
    g = wid >> 1
    col0 = (wid & 1) * COLS_W
    n_base = ROWS_W * g

    for r in range(ROWS_W):
        pltpu.async_copy(a_h.at[n_base + r, pl.ds(col0, COLS_W)],
                         a_v.at[pl.ds(r * COLS_W, COLS_W)], sem2)
        pltpu.async_copy(b_h.at[n_base + r, pl.ds(col0, COLS_W)],
                         b_v.at[pl.ds(r * COLS_W, COLS_W)], sem2)
        pltpu.async_copy(c_h.at[n_base + r, pl.ds(col0, COLS_W)],
                         c_v.at[pl.ds(r * COLS_W, COLS_W)], sem2)

    for r in range(ROWS_W):
        for v in (a_v, b_v, c_v):
            pltpu.make_async_copy(
                a_h.at[n_base, pl.ds(col0, COLS_W)],
                v.at[pl.ds(r * COLS_W, COLS_W)], sem2).wait()

        def idx_body(j, _, r=r):
            n_vec = jnp.full((LANES,), n_base + r, jnp.int32)
            for u in range(UNROLL):
                s = pl.ds(r * COLS_W + (j * UNROLL + u) * LANES, LANES)
                idx_v[s] = (a_v[s] << 19) | (b_v[s] << 13) | (c_v[s] << 7) | n_vec
            return 0

        lax.fori_loop(0, COLS_W // LANES // UNROLL, idx_body, 0)
        s_row = pl.ds(r * COLS_W, COLS_W)
        pltpu.async_copy(table_h.at[idx_v.at[s_row]], res_v.at[s_row],
                         sems.at[r])

    for r in range(ROWS_W):
        s_row = pl.ds(r * COLS_W, COLS_W)
        pltpu.make_async_copy(table_h.at[idx_v.at[s_row]],
                              res_v.at[s_row], sems.at[r]).wait()
        pltpu.async_copy(res_v.at[s_row],
                         out_h.at[n_base + r, pl.ds(col0, COLS_W)], sem2)
    for r in range(ROWS_W):
        pltpu.make_async_copy(res_v.at[pl.ds(r * COLS_W, COLS_W)],
                              out_h.at[n_base + r, pl.ds(col0, COLS_W)],
                              sem2).wait()


@jax.jit
def _sc_gather(table, a, b, c):
    mesh = plsc.VectorSubcoreMesh(core_axis_name="c", subcore_axis_name="s")
    return pl.kernel(
        _sc_body,
        mesh=mesh,
        out_type=jax.ShapeDtypeStruct((N, BATCH), jnp.float32),
        scratch_types=[
            pltpu.VMEM((PER_W,), jnp.int32),
            pltpu.VMEM((PER_W,), jnp.int32),
            pltpu.VMEM((PER_W,), jnp.int32),
            pltpu.VMEM((PER_W,), jnp.int32),
            pltpu.VMEM((PER_W,), jnp.float32),
            pltpu.SemaphoreType.DMA((ROWS_W,)),
            pltpu.SemaphoreType.DMA,
        ],
    )(table, a, b, c)


def kernel(joint, a, b, c):
    table = jnp.transpose(joint, (1, 2, 3, 0)).reshape(-1)
    return _sc_gather(
        table,
        a.astype(jnp.int32),
        b.astype(jnp.int32),
        c.astype(jnp.int32),
    )

# --- scband reference (transcript-rebuilt; emitter-appended) ---
"""Pipeline reference for scband-joint-module-73358041415890 (READ-ONLY COPY).

The authoritative reference and input builder live on the scoring server;
editing this copy changes nothing except your own understanding.
"""

import jax, jax.numpy as jnp
import numpy as np

N, A, B, C = 128, 64, 64, 64
BATCH = 4096

def setup_inputs(seed: int = 0) -> dict:
    key = jax.random.key(seed)
    k1, k2, k3, k4 = jax.random.split(key, 4)
    joint = jax.random.normal(k1, (N, A, B, C), dtype=jnp.float32)
    a = jax.random.randint(k2, (N, BATCH), 0, A)
    b = jax.random.randint(k3, (N, BATCH), 0, B)
    c = jax.random.randint(k4, (N, BATCH), 0, C)
    return {"joint": joint, "a": a, "b": b, "c": c}

def reference(joint, a, b, c):
    n = joint.shape[0]
    batch_size = a.shape[1]
    # rows = arange(n) repeated along batch dim, matching torch repeat(1, batch_size)
    rows = jnp.repeat(jnp.arange(n)[:, None], batch_size, axis=1)
    gathered = joint[rows.reshape(-1),
                     a.reshape(-1).astype(jnp.int32),
                     b.reshape(-1).astype(jnp.int32),
                     c.reshape(-1).astype(jnp.int32)]
    return gathered.reshape(n, batch_size)

if __name__ == "__main__":
    import jax
    _d = setup_inputs()
    print(jax.jit(kernel)(*tuple(_d.values())))

</pallas_src>

<mosaic_0001>
#map = affine_map<(d0, d1) -> (0)>
#map1 = affine_map<(d0, d1) -> (0, 0)>
module attributes {stable_mosaic.version = 14 : i64} {
  func.func @_sc_body(%arg0: i32, %arg1: i32, %arg2: memref<33554432xf32, #tpu.memory_space<hbm>>, %arg3: memref<128x4096xi32, #tpu.memory_space<hbm>>, %arg4: memref<128x4096xi32, #tpu.memory_space<hbm>>, %arg5: memref<128x4096xi32, #tpu.memory_space<hbm>>, %arg6: memref<128x4096xf32, #tpu.memory_space<hbm>>, %arg7: memref<16384xi32, #tpu.memory_space<vmem>>, %arg8: memref<16384xi32, #tpu.memory_space<vmem>>, %arg9: memref<16384xi32, #tpu.memory_space<vmem>>, %arg10: memref<16384xi32, #tpu.memory_space<vmem>>, %arg11: memref<16384xf32, #tpu.memory_space<vmem>>, %arg12: memref<8x!tpu.dma_semaphore, #tpu.memory_space<semaphore_mem>>, %arg13: memref<!tpu.dma_semaphore, #tpu.memory_space<semaphore_mem>>) attributes {dimension_semantics = [#tpu.dimension_semantics<core_parallel>, #tpu.dimension_semantics<subcore_parallel>], iteration_bounds = array<i64: 2, 16>, scalar_prefetch = 0 : i64, scratch_operands = 7 : i64, tpu.core_type = #tpu.core_type<sc_vector_subcore>, window_params = [{transform_indices = #map}, {transform_indices = #map1}, {transform_indices = #map1}, {transform_indices = #map1}, {transform_indices = #map1}]} {
    %mul3A = arith.constant 2 : i32
    %mul3A_0 = arith.muli %arg1, %mul3A : i32
    %add3A = arith.addi %mul3A_0, %arg0 : i32
    %shift_right_arithmetic3A = arith.constant 1 : i32
    %shift_right_arithmetic3A_1 = arith.shrsi %add3A, %shift_right_arithmetic3A : i32
    %and3A = arith.constant 1 : i32
    %and3A_2 = arith.andi %add3A, %and3A : i32
    %mul3A_3 = arith.constant 2048 : i32
    %mul3A_4 = arith.muli %and3A_2, %mul3A_3 : i32
    %mul3A_5 = arith.constant 8 : i32
    %mul3A_6 = arith.muli %mul3A_5, %shift_right_arithmetic3A_1 : i32
    %add3A_7 = arith.constant 0 : i32
    %add3A_8 = arith.addi %mul3A_6, %add3A_7 : i32
    %dma_start3A = arith.constant 0 : i32
    %dma_start3A_9 = tpu.memref_slice %arg7[%dma_start3A] : memref<16384xi32, #tpu.memory_space<vmem>> -> memref<2048xi32, #tpu.memory_space<vmem>>
    %dma_start3A_10 = tpu.memref_slice %arg3[%add3A_8, %mul3A_4] : memref<128x4096xi32, #tpu.memory_space<hbm>> -> memref<1x2048xi32, #tpu.memory_space<hbm>>
    %dma_start3A_11 = tpu.memref_squeeze %dma_start3A_10 : memref<1x2048xi32, #tpu.memory_space<hbm>> -> memref<2048xi32, #tpu.memory_space<hbm>>
    %dma_start3A_12 = arith.constant 0 : i32
    %dma_start3A_13 = tpu.memref_slice %arg7[%dma_start3A_12] : memref<16384xi32, #tpu.memory_space<vmem>> -> memref<2048xi32, #tpu.memory_space<vmem>>
    %dma_start3A_14 = tpu.memref_slice %arg3[%add3A_8, %mul3A_4] : memref<128x4096xi32, #tpu.memory_space<hbm>> -> memref<1x2048xi32, #tpu.memory_space<hbm>>
    %dma_start3A_15 = tpu.memref_squeeze %dma_start3A_14 : memref<1x2048xi32, #tpu.memory_space<hbm>> -> memref<2048xi32, #tpu.memory_space<hbm>>
    tpu.enqueue_dma source(%dma_start3A_15 : memref<2048xi32, #tpu.memory_space<hbm>>) target(%dma_start3A_13 : memref<2048xi32, #tpu.memory_space<vmem>>) target_semaphore(%arg13 : memref<!tpu.dma_semaphore, #tpu.memory_space<semaphore_mem>>)
    %add3A_16 = arith.constant 0 : i32
    %add3A_17 = arith.addi %mul3A_6, %add3A_16 : i32
    %dma_start3A_18 = arith.constant 0 : i32
    %dma_start3A_19 = tpu.memref_slice %arg8[%dma_start3A_18] : memref<16384xi32, #tpu.memory_space<vmem>> -> memref<2048xi32, #tpu.memory_space<vmem>>
    %dma_start3A_20 = tpu.memref_slice %arg4[%add3A_17, %mul3A_4] : memref<128x4096xi32, #tpu.memory_space<hbm>> -> memref<1x2048xi32, #tpu.memory_space<hbm>>
    %dma_start3A_21 = tpu.memref_squeeze %dma_start3A_20 : memref<1x2048xi32, #tpu.memory_space<hbm>> -> memref<2048xi32, #tpu.memory_space<hbm>>
    %dma_start3A_22 = arith.constant 0 : i32
    %dma_start3A_23 = tpu.memref_slice %arg8[%dma_start3A_22] : memref<16384xi32, #tpu.memory_space<vmem>> -> memref<2048xi32, #tpu.memory_space<vmem>>
    %dma_start3A_24 = tpu.memref_slice %arg4[%add3A_17, %mul3A_4] : memref<128x4096xi32, #tpu.memory_space<hbm>> -> memref<1x2048xi32, #tpu.memory_space<hbm>>
    %dma_start3A_25 = tpu.memref_squeeze %dma_start3A_24 : memref<1x2048xi32, #tpu.memory_space<hbm>> -> memref<2048xi32, #tpu.memory_space<hbm>>
    tpu.enqueue_dma source(%dma_start3A_25 : memref<2048xi32, #tpu.memory_space<hbm>>) target(%dma_start3A_23 : memref<2048xi32, #tpu.memory_space<vmem>>) target_semaphore(%arg13 : memref<!tpu.dma_semaphore, #tpu.memory_space<semaphore_mem>>)
    %add3A_26 = arith.constant 0 : i32
    %add3A_27 = arith.addi %mul3A_6, %add3A_26 : i32
    %dma_start3A_28 = arith.constant 0 : i32
    %dma_start3A_29 = tpu.memref_slice %arg9[%dma_start3A_28] : memref<16384xi32, #tpu.memory_space<vmem>> -> memref<2048xi32, #tpu.memory_space<vmem>>
    %dma_start3A_30 = tpu.memref_slice %arg5[%add3A_27, %mul3A_4] : memref<128x4096xi32, #tpu.memory_space<hbm>> -> memref<1x2048xi32, #tpu.memory_space<hbm>>
    %dma_start3A_31 = tpu.memref_squeeze %dma_start3A_30 : memref<1x2048xi32, #tpu.memory_space<hbm>> -> memref<2048xi32, #tpu.memory_space<hbm>>
    %dma_start3A_32 = arith.constant 0 : i32
    %dma_start3A_33 = tpu.memref_slice %arg9[%dma_start3A_32] : memref<16384xi32, #tpu.memory_space<vmem>> -> memref<2048xi32, #tpu.memory_space<vmem>>
    %dma_start3A_34 = tpu.memref_slice %arg5[%add3A_27, %mul3A_4] : memref<128x4096xi32, #tpu.memory_space<hbm>> -> memref<1x2048xi32, #tpu.memory_space<hbm>>
    %dma_start3A_35 = tpu.memref_squeeze %dma_start3A_34 : memref<1x2048xi32, #tpu.memory_space<hbm>> -> memref<2048xi32, #tpu.memory_space<hbm>>
    tpu.enqueue_dma source(%dma_start3A_35 : memref<2048xi32, #tpu.memory_space<hbm>>) target(%dma_start3A_33 : memref<2048xi32, #tpu.memory_space<vmem>>) target_semaphore(%arg13 : memref<!tpu.dma_semaphore, #tpu.memory_space<semaphore_mem>>)
    %add3A_36 = arith.constant 1 : i32
    %add3A_37 = arith.addi %mul3A_6, %add3A_36 : i32
    %dma_start3A_38 = arith.constant 2048 : i32
    %dma_start3A_39 = tpu.memref_slice %arg7[%dma_start3A_38] : memref<16384xi32, #tpu.memory_space<vmem>> -> memref<2048xi32, #tpu.memory_space<vmem>>
    %dma_start3A_40 = tpu.memref_slice %arg3[%add3A_37, %mul3A_4] : memref<128x4096xi32, #tpu.memory_space<hbm>> -> memref<1x2048xi32, #tpu.memory_space<hbm>>
    %dma_start3A_41 = tpu.memref_squeeze %dma_start3A_40 : memref<1x2048xi32, #tpu.memory_space<hbm>> -> memref<2048xi32, #tpu.memory_space<hbm>>
    %dma_start3A_42 = arith.constant 2048 : i32
    %dma_start3A_43 = tpu.memref_slice %arg7[%dma_start3A_42] : memref<16384xi32, #tpu.memory_space<vmem>> -> memref<2048xi32, #tpu.memory_space<vmem>>
    %dma_start3A_44 = tpu.memref_slice %arg3[%add3A_37, %mul3A_4] : memref<128x4096xi32, #tpu.memory_space<hbm>> -> memref<1x2048xi32, #tpu.memory_space<hbm>>
    %dma_start3A_45 = tpu.memref_squeeze %dma_start3A_44 : memref<1x2048xi32, #tpu.memory_space<hbm>> -> memref<2048xi32, #tpu.memory_space<hbm>>
    tpu.enqueue_dma source(%dma_start3A_45 : memref<2048xi32, #tpu.memory_space<hbm>>) target(%dma_start3A_43 : memref<2048xi32, #tpu.memory_space<vmem>>) target_semaphore(%arg13 : memref<!tpu.dma_semaphore, #tpu.memory_space<semaphore_mem>>)
    %add3A_46 = arith.constant 1 : i32
    %add3A_47 = arith.addi %mul3A_6, %add3A_46 : i32
    %dma_start3A_48 = arith.constant 2048 : i32
    %dma_start3A_49 = tpu.memref_slice %arg8[%dma_start3A_48] : memref<16384xi32, #tpu.memory_space<vmem>> -> memref<2048xi32, #tpu.memory_space<vmem>>
    %dma_start3A_50 = tpu.memref_slice %arg4[%add3A_47, %mul3A_4] : memref<128x4096xi32, #tpu.memory_space<hbm>> -> memref<1x2048xi32, #tpu.memory_space<hbm>>
    %dma_start3A_51 = tpu.memref_squeeze %dma_start3A_50 : memref<1x2048xi32, #tpu.memory_space<hbm>> -> memref<2048xi32, #tpu.memory_space<hbm>>
    %dma_start3A_52 = arith.constant 2048 : i32
    %dma_start3A_53 = tpu.memref_slice %arg8[%dma_start3A_52] : memref<16384xi32, #tpu.memory_space<vmem>> -> memref<2048xi32, #tpu.memory_space<vmem>>
    %dma_start3A_54 = tpu.memref_slice %arg4[%add3A_47, %mul3A_4] : memref<128x4096xi32, #tpu.memory_space<hbm>> -> memref<1x2048xi32, #tpu.memory_space<hbm>>
    %dma_start3A_55 = tpu.memref_squeeze %dma_start3A_54 : memref<1x2048xi32, #tpu.memory_space<hbm>> -> memref<2048xi32, #tpu.memory_space<hbm>>
    tpu.enqueue_dma source(%dma_start3A_55 : memref<2048xi32, #tpu.memory_space<hbm>>) target(%dma_start3A_53 : memref<2048xi32, #tpu.memory_space<vmem>>) target_semaphore(%arg13 : memref<!tpu.dma_semaphore, #tpu.memory_space<semaphore_mem>>)
    %add3A_56 = arith.constant 1 : i32
    %add3A_57 = arith.addi %mul3A_6, %add3A_56 : i32
    %dma_start3A_58 = arith.constant 2048 : i32
    %dma_start3A_59 = tpu.memref_slice %arg9[%dma_start3A_58] : memref<16384xi32, #tpu.memory_space<vmem>> -> memref<2048xi32, #tpu.memory_space<vmem>>
    %dma_start3A_60 = tpu.memref_slice %arg5[%add3A_57, %mul3A_4] : memref<128x4096xi32, #tpu.memory_space<hbm>> -> memref<1x2048xi32, #tpu.memory_space<hbm>>
    %dma_start3A_61 = tpu.memref_squeeze %dma_start3A_60 : memref<1x2048xi32, #tpu.memory_space<hbm>> -> memref<2048xi32, #tpu.memory_space<hbm>>
    %dma_start3A_62 = arith.constant 2048 : i32
    %dma_start3A_63 = tpu.memref_slice %arg9[%dma_start3A_62] : memref<16384xi32, #tpu.memory_space<vmem>> -> memref<2048xi32, #tpu.memory_space<vmem>>
    %dma_start3A_64 = tpu.memref_slice %arg5[%add3A_57, %mul3A_4] : memref<128x4096xi32, #tpu.memory_space<hbm>> -> memref<1x2048xi32, #tpu.memory_space<hbm>>
    %dma_start3A_65 = tpu.memref_squeeze %dma_start3A_64 : memref<1x2048xi32, #tpu.memory_space<hbm>> -> memref<2048xi32, #tpu.memory_space<hbm>>
    tpu.enqueue_dma source(%dma_start3A_65 : memref<2048xi32, #tpu.memory_space<hbm>>) target(%dma_start3A_63 : memref<2048xi32, #tpu.memory_space<vmem>>) target_semaphore(%arg13 : memref<!tpu.dma_semaphore, #tpu.memory_space<semaphore_mem>>)
    %add3A_66 = arith.constant 2 : i32
    %add3A_67 = arith.addi %mul3A_6, %add3A_66 : i32
    %dma_start3A_68 = arith.constant 4096 : i32
    %dma_start3A_69 = tpu.memref_slice %arg7[%dma_start3A_68] : memref<16384xi32, #tpu.memory_space<vmem>> -> memref<2048xi32, #tpu.memory_space<vmem>>
    %dma_start3A_70 = tpu.memref_slice %arg3[%add3A_67, %mul3A_4] : memref<128x4096xi32, #tpu.memory_space<hbm>> -> memref<1x2048xi32, #tpu.memory_space<hbm>>
    %dma_start3A_71 = tpu.memref_squeeze %dma_start3A_70 : memref<1x2048xi32, #tpu.memory_space<hbm>> -> memref<2048xi32, #tpu.memory_space<hbm>>
    %dma_start3A_72 = arith.constant 4096 : i32
    %dma_start3A_73 = tpu.memref_slice %arg7[%dma_start3A_72] : memref<16384xi32, #tpu.memory_space<vmem>> -> memref<2048xi32, #tpu.memory_space<vmem>>
    %dma_start3A_74 = tpu.memref_slice %arg3[%add3A_67, %mul3A_4] : memref<128x4096xi32, #tpu.memory_space<hbm>> -> memref<1x2048xi32, #tpu.memory_space<hbm>>
    %dma_start3A_75 = tpu.memref_squeeze %dma_start3A_74 : memref<1x2048xi32, #tpu.memory_space<hbm>> -> memref<2048xi32, #tpu.memory_space<hbm>>
    tpu.enqueue_dma source(%dma_start3A_75 : memref<2048xi32, #tpu.memory_space<hbm>>) target(%dma_start3A_73 : memref<2048xi32, #tpu.memory_space<vmem>>) target_semaphore(%arg13 : memref<!tpu.dma_semaphore, #tpu.memory_space<semaphore_mem>>)
    %add3A_76 = arith.constant 2 : i32
    %add3A_77 = arith.addi %mul3A_6, %add3A_76 : i32
    %dma_start3A_78 = arith.constant 4096 : i32
    %dma_start3A_79 = tpu.memref_slice %arg8[%dma_start3A_78] : memref<16384xi32, #tpu.memory_space<vmem>> -> memref<2048xi32, #tpu.memory_space<vmem>>
    %dma_start3A_80 = tpu.memref_slice %arg4[%add3A_77, %mul3A_4] : memref<128x4096xi32, #tpu.memory_space<hbm>> -> memref<1x2048xi32, #tpu.memory_space<hbm>>
    %dma_start3A_81 = tpu.memref_squeeze %dma_start3A_80 : memref<1x2048xi32, #tpu.memory_space<hbm>> -> memref<2048xi32, #tpu.memory_space<hbm>>
    %dma_start3A_82 = arith.constant 4096 : i32
    %dma_start3A_83 = tpu.memref_slice %arg8[%dma_start3A_82] : memref<16384xi32, #tpu.memory_space<vmem>> -> memref<2048xi32, #tpu.memory_space<vmem>>
    %dma_start3A_84 = tpu.memref_slice %arg4[%add3A_77, %mul3A_4] : memref<128x4096xi32, #tpu.memory_space<hbm>> -> memref<1x2048xi32, #tpu.memory_space<hbm>>
    %dma_start3A_85 = tpu.memref_squeeze %dma_start3A_84 : memref<1x2048xi32, #tpu.memory_space<hbm>> -> memref<2048xi32, #tpu.memory_space<hbm>>
    tpu.enqueue_dma source(%dma_start3A_85 : memref<2048xi32, #tpu.memory_space<hbm>>) target(%dma_start3A_83 : memref<2048xi32, #tpu.memory_space<vmem>>) target_semaphore(%arg13 : memref<!tpu.dma_semaphore, #tpu.memory_space<semaphore_mem>>)
    %add3A_86 = arith.constant 2 : i32
    %add3A_87 = arith.addi %mul3A_6, %add3A_86 : i32
    %dma_start3A_88 = arith.constant 4096 : i32
    %dma_start3A_89 = tpu.memref_slice %arg9[%dma_start3A_88] : memref<16384xi32, #tpu.memory_space<vmem>> -> memref<2048xi32, #tpu.memory_space<vmem>>
    %dma_start3A_90 = tpu.memref_slice %arg5[%add3A_87, %mul3A_4] : memref<128x4096xi32, #tpu.memory_space<hbm>> -> memref<1x2048xi32, #tpu.memory_space<hbm>>
    %dma_start3A_91 = tpu.memref_squeeze %dma_start3A_90 : memref<1x2048xi32, #tpu.memory_space<hbm>> -> memref<2048xi32, #tpu.memory_space<hbm>>
    %dma_start3A_92 = arith.constant 4096 : i32
    %dma_start3A_93 = tpu.memref_slice %arg9[%dma_start3A_92] : memref<16384xi32, #tpu.memory_space<vmem>> -> memref<2048xi32, #tpu.memory_space<vmem>>
    %dma_start3A_94 = tpu.memref_slice %arg5[%add3A_87, %mul3A_4] : memref<128x4096xi32, #tpu.memory_space<hbm>> -> memref<1x2048xi32, #tpu.memory_space<hbm>>
    %dma_start3A_95 = tpu.memref_squeeze %dma_start3A_94 : memref<1x2048xi32, #tpu.memory_space<hbm>> -> memref<2048xi32, #tpu.memory_space<hbm>>
    tpu.enqueue_dma source(%dma_start3A_95 : memref<2048xi32, #tpu.memory_space<hbm>>) target(%dma_start3A_93 : memref<2048xi32, #tpu.memory_space<vmem>>) target_semaphore(%arg13 : memref<!tpu.dma_semaphore, #tpu.memory_space<semaphore_mem>>)
    %add3A_96 = arith.constant 3 : i32
    %add3A_97 = arith.addi %mul3A_6, %add3A_96 : i32
    %dma_start3A_98 = arith.constant 6144 : i32
    %dma_start3A_99 = tpu.memref_slice %arg7[%dma_start3A_98] : memref<16384xi32, #tpu.memory_space<vmem>> -> memref<2048xi32, #tpu.memory_space<vmem>>
    %dma_start3A_100 = tpu.memref_slice %arg3[%add3A_97, %mul3A_4] : memref<128x4096xi32, #tpu.memory_space<hbm>> -> memref<1x2048xi32, #tpu.memory_space<hbm>>
    %dma_start3A_101 = tpu.memref_squeeze %dma_start3A_100 : memref<1x2048xi32, #tpu.memory_space<hbm>> -> memref<2048xi32, #tpu.memory_space<hbm>>
    %dma_start3A_102 = arith.constant 6144 : i32
    %dma_start3A_103 = tpu.memref_slice %arg7[%dma_start3A_102] : memref<16384xi32, #tpu.memory_space<vmem>> -> memref<2048xi32, #tpu.memory_space<vmem>>
    %dma_start3A_104 = tpu.memref_slice %arg3[%add3A_97, %mul3A_4] : memref<128x4096xi32, #tpu.memory_space<hbm>> -> memref<1x2048xi32, #tpu.memory_space<hbm>>
    %dma_start3A_105 = tpu.memref_squeeze %dma_start3A_104 : memref<1x2048xi32, #tpu.memory_space<hbm>> -> memref<2048xi32, #tpu.memory_space<hbm>>
    tpu.enqueue_dma source(%dma_start3A_105 : memref<2048xi32, #tpu.memory_space<hbm>>) target(%dma_start3A_103 : memref<2048xi32, #tpu.memory_space<vmem>>) target_semaphore(%arg13 : memref<!tpu.dma_semaphore, #tpu.memory_space<semaphore_mem>>)
    %add3A_106 = arith.constant 3 : i32
    %add3A_107 = arith.addi %mul3A_6, %add3A_106 : i32
    %dma_start3A_108 = arith.constant 6144 : i32
    %dma_start3A_109 = tpu.memref_slice %arg8[%dma_start3A_108] : memref<16384xi32, #tpu.memory_space<vmem>> -> memref<2048xi32, #tpu.memory_space<vmem>>
    %dma_start3A_110 = tpu.memref_slice %arg4[%add3A_107, %mul3A_4] : memref<128x4096xi32, #tpu.memory_space<hbm>> -> memref<1x2048xi32, #tpu.memory_space<hbm>>
    %dma_start3A_111 = tpu.memref_squeeze %dma_start3A_110 : memref<1x2048xi32, #tpu.memory_space<hbm>> -> memref<2048xi32, #tpu.memory_space<hbm>>
    %dma_start3A_112 = arith.constant 6144 : i32
    %dma_start3A_113 = tpu.memref_slice %arg8[%dma_start3A_112] : memref<16384xi32, #tpu.memory_space<vmem>> -> memref<2048xi32, #tpu.memory_space<vmem>>
    %dma_start3A_114 = tpu.memref_slice %arg4[%add3A_107, %mul3A_4] : memref<128x4096xi32, #tpu.memory_space<hbm>> -> memref<1x2048xi32, #tpu.memory_space<hbm>>
    %dma_start3A_115 = tpu.memref_squeeze %dma_start3A_114 : memref<1x2048xi32, #tpu.memory_space<hbm>> -> memref<2048xi32, #tpu.memory_space<hbm>>
    tpu.enqueue_dma source(%dma_start3A_115 : memref<2048xi32, #tpu.memory_space<hbm>>) target(%dma_start3A_113 : memref<2048xi32, #tpu.memory_space<vmem>>) target_semaphore(%arg13 : memref<!tpu.dma_semaphore, #tpu.memory_space<semaphore_mem>>)
    %add3A_116 = arith.constant 3 : i32
    %add3A_117 = arith.addi %mul3A_6, %add3A_116 : i32
    %dma_start3A_118 = arith.constant 6144 : i32
    %dma_start3A_119 = tpu.memref_slice %arg9[%dma_start3A_118] : memref<16384xi32, #tpu.memory_space<vmem>> -> memref<2048xi32, #tpu.memory_space<vmem>>
    %dma_start3A_120 = tpu.memref_slice %arg5[%add3A_117, %mul3A_4] : memref<128x4096xi32, #tpu.memory_space<hbm>> -> memref<1x2048xi32, #tpu.memory_space<hbm>>
    %dma_start3A_121 = tpu.memref_squeeze %dma_start3A_120 : memref<1x2048xi32, #tpu.memory_space<hbm>> -> memref<2048xi32, #tpu.memory_space<hbm>>
    %dma_start3A_122 = arith.constant 6144 : i32
    %dma_start3A_123 = tpu.memref_slice %arg9[%dma_start3A_122] : memref<16384xi32, #tpu.memory_space<vmem>> -> memref<2048xi32, #tpu.memory_space<vmem>>
    %dma_start3A_124 = tpu.memref_slice %arg5[%add3A_117, %mul3A_4] : memref<128x4096xi32, #tpu.memory_space<hbm>> -> memref<1x2048xi32, #tpu.memory_space<hbm>>
    %dma_start3A_125 = tpu.memref_squeeze %dma_start3A_124 : memref<1x2048xi32, #tpu.memory_space<hbm>> -> memref<2048xi32, #tpu.memory_space<hbm>>
    tpu.enqueue_dma source(%dma_start3A_125 : memref<2048xi32, #tpu.memory_space<hbm>>) target(%dma_start3A_123 : memref<2048xi32, #tpu.memory_space<vmem>>) target_semaphore(%arg13 : memref<!tpu.dma_semaphore, #tpu.memory_space<semaphore_mem>>)
    %add3A_126 = arith.constant 4 : i32
    %add3A_127 = arith.addi %mul3A_6, %add3A_126 : i32
    %dma_start3A_128 = arith.constant 8192 : i32
    %dma_start3A_129 = tpu.memref_slice %arg7[%dma_start3A_128] : memref<16384xi32, #tpu.memory_space<vmem>> -> memref<2048xi32, #tpu.memory_space<vmem>>
    %dma_start3A_130 = tpu.memref_slice %arg3[%add3A_127, %mul3A_4] : memref<128x4096xi32, #tpu.memory_space<hbm>> -> memref<1x2048xi32, #tpu.memory_space<hbm>>
    %dma_start3A_131 = tpu.memref_squeeze %dma_start3A_130 : memref<1x2048xi32, #tpu.memory_space<hbm>> -> memref<2048xi32, #tpu.memory_space<hbm>>
    %dma_start3A_132 = arith.constant 8192 : i32
    %dma_start3A_133 = tpu.memref_slice %arg7[%dma_start3A_132] : memref<16384xi32, #tpu.memory_space<vmem>> -> memref<2048xi32, #tpu.memory_space<vmem>>
    %dma_start3A_134 = tpu.memref_slice %arg3[%add3A_127, %mul3A_4] : memref<128x4096xi32, #tpu.memory_space<hbm>> -> memref<1x2048xi32, #tpu.memory_space<hbm>>
    %dma_start3A_135 = tpu.memref_squeeze %dma_start3A_134 : memref<1x2048xi32, #tpu.memory_space<hbm>> -> memref<2048xi32, #tpu.memory_space<hbm>>
    tpu.enqueue_dma source(%dma_start3A_135 : memref<2048xi32, #tpu.memory_space<hbm>>) target(%dma_start3A_133 : memref<2048xi32, #tpu.memory_space<vmem>>) target_semaphore(%arg13 : memref<!tpu.dma_semaphore, #tpu.memory_space<semaphore_mem>>)
    %add3A_136 = arith.constant 4 : i32
    %add3A_137 = arith.addi %mul3A_6, %add3A_136 : i32
    %dma_start3A_138 = arith.constant 8192 : i32
    %dma_start3A_139 = tpu.memref_slice %arg8[%dma_start3A_138] : memref<16384xi32, #tpu.memory_space<vmem>> -> memref<2048xi32, #tpu.memory_space<vmem>>
    %dma_start3A_140 = tpu.memref_slice %arg4[%add3A_137, %mul3A_4] : memref<128x4096xi32, #tpu.memory_space<hbm>> -> memref<1x2048xi32, #tpu.memory_space<hbm>>
    %dma_start3A_141 = tpu.memref_squeeze %dma_start3A_140 : memref<1x2048xi32, #tpu.memory_space<hbm>> -> memref<2048xi32, #tpu.memory_space<hbm>>
    %dma_start3A_142 = arith.constant 8192 : i32
    %dma_start3A_143 = tpu.memref_slice %arg8[%dma_start3A_142] : memref<16384xi32, #tpu.memory_space<vmem>> -> memref<2048xi32, #tpu.memory_space<vmem>>
    %dma_start3A_144 = tpu.memref_slice %arg4[%add3A_137, %mul3A_4] : memref<128x4096xi32, #tpu.memory_space<hbm>> -> memref<1x2048xi32, #tpu.memory_space<hbm>>
    %dma_start3A_145 = tpu.memref_squeeze %dma_start3A_144 : memref<1x2048xi32, #tpu.memory_space<hbm>> -> memref<2048xi32, #tpu.memory_space<hbm>>
    tpu.enqueue_dma source(%dma_start3A_145 : memref<2048xi32, #tpu.memory_space<hbm>>) target(%dma_start3A_143 : memref<2048xi32, #tpu.memory_space<vmem>>) target_semaphore(%arg13 : memref<!tpu.dma_semaphore, #tpu.memory_space<semaphore_mem>>)
    %add3A_146 = arith.constant 4 : i32
    %add3A_147 = arith.addi %mul3A_6, %add3A_146 : i32
    %dma_start3A_148 = arith.constant 8192 : i32
    %dma_start3A_149 = tpu.memref_slice %arg9[%dma_start3A_148] : memref<16384xi32, #tpu.memory_space<vmem>> -> memref<2048xi32, #tpu.memory_space<vmem>>
    %dma_start3A_150 = tpu.memref_slice %arg5[%add3A_147, %mul3A_4] : memref<128x4096xi32, #tpu.memory_space<hbm>> -> memref<1x2048xi32, #tpu.memory_space<hbm>>
    %dma_start3A_151 = tpu.memref_squeeze %dma_start3A_150 : memref<1x2048xi32, #tpu.memory_space<hbm>> -> memref<2048xi32, #tpu.memory_space<hbm>>
    %dma_start3A_152 = arith.constant 8192 : i32
    %dma_start3A_153 = tpu.memref_slice %arg9[%dma_start3A_152] : memref<16384xi32, #tpu.memory_space<vmem>> -> memref<2048xi32, #tpu.memory_space<vmem>>
    %dma_start3A_154 = tpu.memref_slice %arg5[%add3A_147, %mul3A_4] : memref<128x4096xi32, #tpu.memory_space<hbm>> -> memref<1x2048xi32, #tpu.memory_space<hbm>>
    %dma_start3A_155 = tpu.memref_squeeze %dma_start3A_154 : memref<1x2048xi32, #tpu.memory_space<hbm>> -> memref<2048xi32, #tpu.memory_space<hbm>>
    tpu.enqueue_dma source(%dma_start3A_155 : memref<2048xi32, #tpu.memory_space<hbm>>) target(%dma_start3A_153 : memref<2048xi32, #tpu.memory_space<vmem>>) target_semaphore(%arg13 : memref<!tpu.dma_semaphore, #tpu.memory_space<semaphore_mem>>)
    %add3A_156 = arith.constant 5 : i32
    %add3A_157 = arith.addi %mul3A_6, %add3A_156 : i32
    %dma_start3A_158 = arith.constant 10240 : i32
    %dma_start3A_159 = tpu.memref_slice %arg7[%dma_start3A_158] : memref<16384xi32, #tpu.memory_space<vmem>> -> memref<2048xi32, #tpu.memory_space<vmem>>
    %dma_start3A_160 = tpu.memref_slice %arg3[%add3A_157, %mul3A_4] : memref<128x4096xi32, #tpu.memory_space<hbm>> -> memref<1x2048xi32, #tpu.memory_space<hbm>>
    %dma_start3A_161 = tpu.memref_squeeze %dma_start3A_160 : memref<1x2048xi32, #tpu.memory_space<hbm>> -> memref<2048xi32, #tpu.memory_space<hbm>>
    %dma_start3A_162 = arith.constant 10240 : i32
    %dma_start3A_163 = tpu.memref_slice %arg7[%dma_start3A_162] : memref<16384xi32, #tpu.memory_space<vmem>> -> memref<2048xi32, #tpu.memory_space<vmem>>
    %dma_start3A_164 = tpu.memref_slice %arg3[%add3A_157, %mul3A_4] : memref<128x4096xi32, #tpu.memory_space<hbm>> -> memref<1x2048xi32, #tpu.memory_space<hbm>>
    %dma_start3A_165 = tpu.memref_squeeze %dma_start3A_164 : memref<1x2048xi32, #tpu.memory_space<hbm>> -> memref<2048xi32, #tpu.memory_space<hbm>>
    tpu.enqueue_dma source(%dma_start3A_165 : memref<2048xi32, #tpu.memory_space<hbm>>) target(%dma_start3A_163 : memref<2048xi32, #tpu.memory_space<vmem>>) target_semaphore(%arg13 : memref<!tpu.dma_semaphore, #tpu.memory_space<semaphore_mem>>)
    %add3A_166 = arith.constant 5 : i32
    %add3A_167 = arith.addi %mul3A_6, %add3A_166 : i32
    %dma_start3A_168 = arith.constant 10240 : i32
    %dma_start3A_169 = tpu.memref_slice %arg8[%dma_start3A_168] : memref<16384xi32, #tpu.memory_space<vmem>> -> memref<2048xi32, #tpu.memory_space<vmem>>
    %dma_start3A_170 = tpu.memref_slice %arg4[%add3A_167, %mul3A_4] : memref<128x4096xi32, #tpu.memory_space<hbm>> -> memref<1x2048xi32, #tpu.memory_space<hbm>>
    %dma_start3A_171 = tpu.memref_squeeze %dma_start3A_170 : memref<1x2048xi32, #tpu.memory_space<hbm>> -> memref<2048xi32, #tpu.memory_space<hbm>>
    %dma_start3A_172 = arith.constant 10240 : i32
    %dma_start3A_173 = tpu.memref_slice %arg8[%dma_start3A_172] : memref<16384xi32, #tpu.memory_space<vmem>> -> memref<2048xi32, #tpu.memory_space<vmem>>
    %dma_start3A_174 = tpu.memref_slice %arg4[%add3A_167, %mul3A_4] : memref<128x4096xi32, #tpu.memory_space<hbm>> -> memref<1x2048xi32, #tpu.memory_space<hbm>>
    %dma_start3A_175 = tpu.memref_squeeze %dma_start3A_174 : memref<1x2048xi32, #tpu.memory_space<hbm>> -> memref<2048xi32, #tpu.memory_space<hbm>>
    tpu.enqueue_dma source(%dma_start3A_175 : memref<2048xi32, #tpu.memory_space<hbm>>) target(%dma_start3A_173 : memref<2048xi32, #tpu.memory_space<vmem>>) target_semaphore(%arg13 : memref<!tpu.dma_semaphore, #tpu.memory_space<semaphore_mem>>)
    %add3A_176 = arith.constant 5 : i32
    %add3A_177 = arith.addi %mul3A_6, %add3A_176 : i32
    %dma_start3A_178 = arith.constant 10240 : i32
    %dma_start3A_179 = tpu.memref_slice %arg9[%dma_start3A_178] : memref<16384xi32, #tpu.memory_space<vmem>> -> memref<2048xi32, #tpu.memory_space<vmem>>
    %dma_start3A_180 = tpu.memref_slice %arg5[%add3A_177, %mul3A_4] : memref<128x4096xi32, #tpu.memory_space<hbm>> -> memref<1x2048xi32, #tpu.memory_space<hbm>>
    %dma_start3A_181 = tpu.memref_squeeze %dma_start3A_180 : memref<1x2048xi32, #tpu.memory_space<hbm>> -> memref<2048xi32, #tpu.memory_space<hbm>>
    %dma_start3A_182 = arith.constant 10240 : i32
    %dma_start3A_183 = tpu.memref_slice %arg9[%dma_start3A_182] : memref<16384xi32, #tpu.memory_space<vmem>> -> memref<2048xi32, #tpu.memory_space<vmem>>
    %dma_start3A_184 = tpu.memref_slice %arg5[%add3A_177, %mul3A_4] : memref<128x4096xi32, #tpu.memory_space<hbm>> -> memref<1x2048xi32, #tpu.memory_space<hbm>>
    %dma_start3A_185 = tpu.memref_squeeze %dma_start3A_184 : memref<1x2048xi32, #tpu.memory_space<hbm>> -> memref<2048xi32, #tpu.memory_space<hbm>>
    tpu.enqueue_dma source(%dma_start3A_185 : memref<2048xi32, #tpu.memory_space<hbm>>) target(%dma_start3A_183 : memref<2048xi32, #tpu.memory_space<vmem>>) target_semaphore(%arg13 : memref<!tpu.dma_semaphore, #tpu.memory_space<semaphore_mem>>)
    %add3A_186 = arith.constant 6 : i32
    %add3A_187 = arith.addi %mul3A_6, %add3A_186 : i32
    %dma_start3A_188 = arith.constant 12288 : i32
    %dma_start3A_189 = tpu.memref_slice %arg7[%dma_start3A_188] : memref<16384xi32, #tpu.memory_space<vmem>> -> memref<2048xi32, #tpu.memory_space<vmem>>
    %dma_start3A_190 = tpu.memref_slice %arg3[%add3A_187, %mul3A_4] : memref<128x4096xi32, #tpu.memory_space<hbm>> -> memref<1x2048xi32, #tpu.memory_space<hbm>>
    %dma_start3A_191 = tpu.memref_squeeze %dma_start3A_190 : memref<1x2048xi32, #tpu.memory_space<hbm>> -> memref<2048xi32, #tpu.memory_space<hbm>>
    %dma_start3A_192 = arith.constant 12288 : i32
    %dma_start3A_193 = tpu.memref_slice %arg7[%dma_start3A_192] : memref<16384xi32, #tpu.memory_space<vmem>> -> memref<2048xi32, #tpu.memory_space<vmem>>
    %dma_start3A_194 = tpu.memref_slice %arg3[%add3A_187, %mul3A_4] : memref<128x4096xi32, #tpu.memory_space<hbm>> -> memref<1x2048xi32, #tpu.memory_space<hbm>>
    %dma_start3A_195 = tpu.memref_squeeze %dma_start3A_194 : memref<1x2048xi32, #tpu.memory_space<hbm>> -> memref<2048xi32, #tpu.memory_space<hbm>>
    tpu.enqueue_dma source(%dma_start3A_195 : memref<2048xi32, #tpu.memory_space<hbm>>) target(%dma_start3A_193 : memref<2048xi32, #tpu.memory_space<vmem>>) target_semaphore(%arg13 : memref<!tpu.dma_semaphore, #tpu.memory_space<semaphore_mem>>)
    %add3A_196 = arith.constant 6 : i32
    %add3A_197 = arith.addi %mul3A_6, %add3A_196 : i32
    %dma_start3A_198 = arith.constant 12288 : i32
    %dma_start3A_199 = tpu.memref_slice %arg8[%dma_start3A_198] : memref<16384xi32, #tpu.memory_space<vmem>> -> memref<2048xi32, #tpu.memory_space<vmem>>
    %dma_start3A_200 = tpu.memref_slice %arg4[%add3A_197, %mul3A_4] : memref<128x4096xi32, #tpu.memory_space<hbm>> -> memref<1x2048xi32, #tpu.memory_space<hbm>>
    %dma_start3A_201 = tpu.memref_squeeze %dma_start3A_200 : memref<1x2048xi32, #tpu.memory_space<hbm>> -> memref<2048xi32, #tpu.memory_space<hbm>>
    %dma_start3A_202 = arith.constant 12288 : i32
    %dma_start3A_203 = tpu.memref_slice %arg8[%dma_start3A_202] : memref<16384xi32, #tpu.memory_space<vmem>> -> memref<2048xi32, #tpu.memory_space<vmem>>
    %dma_start3A_204 = tpu.memref_slice %arg4[%add3A_197, %mul3A_4] : memref<128x4096xi32, #tpu.memory_space<hbm>> -> memref<1x2048xi32, #tpu.memory_space<hbm>>
    %dma_start3A_205 = tpu.memref_squeeze %dma_start3A_204 : memref<1x2048xi32, #tpu.memory_space<hbm>> -> memref<2048xi32, #tpu.memory_space<hbm>>
    tpu.enqueue_dma source(%dma_start3A_205 : memref<2048xi32, #tpu.memory_space<hbm>>) target(%dma_start3A_203 : memref<2048xi32, #tpu.memory_space<vmem>>) target_semaphore(%arg13 : memref<!tpu.dma_semaphore, #tpu.memory_space<semaphore_mem>>)
    %add3A_206 = arith.constant 6 : i32
    %add3A_207 = arith.addi %mul3A_6, %add3A_206 : i32
    %dma_start3A_208 = arith.constant 12288 : i32
    %dma_start3A_209 = tpu.memref_slice %arg9[%dma_start3A_208] : memref<16384xi32, #tpu.memory_space<vmem>> -> memref<2048xi32, #tpu.memory_space<vmem>>
    %dma_start3A_210 = tpu.memref_slice %arg5[%add3A_207, %mul3A_4] : memref<128x4096xi32, #tpu.memory_space<hbm>> -> memref<1x2048xi32, #tpu.memory_space<hbm>>
    %dma_start3A_211 = tpu.memref_squeeze %dma_start3A_210 : memref<1x2048xi32, #tpu.memory_space<hbm>> -> memref<2048xi32, #tpu.memory_space<hbm>>
    %dma_start3A_212 = arith.constant 12288 : i32
    %dma_start3A_213 = tpu.memref_slice %arg9[%dma_start3A_212] : memref<16384xi32, #tpu.memory_space<vmem>> -> memref<2048xi32, #tpu.memory_space<vmem>>
    %dma_start3A_214 = tpu.memref_slice %arg5[%add3A_207, %mul3A_4] : memref<128x4096xi32, #tpu.memory_space<hbm>> -> memref<1x2048xi32, #tpu.memory_space<hbm>>
    %dma_start3A_215 = tpu.memref_squeeze %dma_start3A_214 : memref<1x2048xi32, #tpu.memory_space<hbm>> -> memref<2048xi32, #tpu.memory_space<hbm>>
    tpu.enqueue_dma source(%dma_start3A_215 : memref<2048xi32, #tpu.memory_space<hbm>>) target(%dma_start3A_213 : memref<2048xi32, #tpu.memory_space<vmem>>) target_semaphore(%arg13 : memref<!tpu.dma_semaphore, #tpu.memory_space<semaphore_mem>>)
    %add3A_216 = arith.constant 7 : i32
    %add3A_217 = arith.addi %mul3A_6, %add3A_216 : i32
    %dma_start3A_218 = arith.constant 14336 : i32
    %dma_start3A_219 = tpu.memref_slice %arg7[%dma_start3A_218] : memref<16384xi32, #tpu.memory_space<vmem>> -> memref<2048xi32, #tpu.memory_space<vmem>>
    %dma_start3A_220 = tpu.memref_slice %arg3[%add3A_217, %mul3A_4] : memref<128x4096xi32, #tpu.memory_space<hbm>> -> memref<1x2048xi32, #tpu.memory_space<hbm>>
    %dma_start3A_221 = tpu.memref_squeeze %dma_start3A_220 : memref<1x2048xi32, #tpu.memory_space<hbm>> -> memref<2048xi32, #tpu.memory_space<hbm>>
    %dma_start3A_222 = arith.constant 14336 : i32
    %dma_start3A_223 = tpu.memref_slice %arg7[%dma_start3A_222] : memref<16384xi32, #tpu.memory_space<vmem>> -> memref<2048xi32, #tpu.memory_space<vmem>>
    %dma_start3A_224 = tpu.memref_slice %arg3[%add3A_217, %mul3A_4] : memref<128x4096xi32, #tpu.memory_space<hbm>> -> memref<1x2048xi32, #tpu.memory_space<hbm>>
    %dma_start3A_225 = tpu.memref_squeeze %dma_start3A_224 : memref<1x2048xi32, #tpu.memory_space<hbm>> -> memref<2048xi32, #tpu.memory_space<hbm>>
    tpu.enqueue_dma source(%dma_start3A_225 : memref<2048xi32, #tpu.memory_space<hbm>>) target(%dma_start3A_223 : memref<2048xi32, #tpu.memory_space<vmem>>) target_semaphore(%arg13 : memref<!tpu.dma_semaphore, #tpu.memory_space<semaphore_mem>>)
    %add3A_226 = arith.constant 7 : i32
    %add3A_227 = arith.addi %mul3A_6, %add3A_226 : i32
    %dma_start3A_228 = arith.constant 14336 : i32
    %dma_start3A_229 = tpu.memref_slice %arg8[%dma_start3A_228] : memref<16384xi32, #tpu.memory_space<vmem>> -> memref<2048xi32, #tpu.memory_space<vmem>>
    %dma_start3A_230 = tpu.memref_slice %arg4[%add3A_227, %mul3A_4] : memref<128x4096xi32, #tpu.memory_space<hbm>> -> memref<1x2048xi32, #tpu.memory_space<hbm>>
    %dma_start3A_231 = tpu.memref_squeeze %dma_start3A_230 : memref<1x2048xi32, #tpu.memory_space<hbm>> -> memref<2048xi32, #tpu.memory_space<hbm>>
    %dma_start3A_232 = arith.constant 14336 : i32
    %dma_start3A_233 = tpu.memref_slice %arg8[%dma_start3A_232] : memref<16384xi32, #tpu.memory_space<vmem>> -> memref<2048xi32, #tpu.memory_space<vmem>>
    %dma_start3A_234 = tpu.memref_slice %arg4[%add3A_227, %mul3A_4] : memref<128x4096xi32, #tpu.memory_space<hbm>> -> memref<1x2048xi32, #tpu.memory_space<hbm>>
    %dma_start3A_235 = tpu.memref_squeeze %dma_start3A_234 : memref<1x2048xi32, #tpu.memory_space<hbm>> -> memref<2048xi32, #tpu.memory_space<hbm>>
    tpu.enqueue_dma source(%dma_start3A_235 : memref<2048xi32, #tpu.memory_space<hbm>>) target(%dma_start3A_233 : memref<2048xi32, #tpu.memory_space<vmem>>) target_semaphore(%arg13 : memref<!tpu.dma_semaphore, #tpu.memory_space<semaphore_mem>>)
    %add3A_236 = arith.constant 7 : i32
    %add3A_237 = arith.addi %mul3A_6, %add3A_236 : i32
    %dma_start3A_238 = arith.constant 14336 : i32
    %dma_start3A_239 = tpu.memref_slice %arg9[%dma_start3A_238] : memref<16384xi32, #tpu.memory_space<vmem>> -> memref<2048xi32, #tpu.memory_space<vmem>>
    %dma_start3A_240 = tpu.memref_slice %arg5[%add3A_237, %mul3A_4] : memref<128x4096xi32, #tpu.memory_space<hbm>> -> memref<1x2048xi32, #tpu.memory_space<hbm>>
    %dma_start3A_241 = tpu.memref_squeeze %dma_start3A_240 : memref<1x2048xi32, #tpu.memory_space<hbm>> -> memref<2048xi32, #tpu.memory_space<hbm>>
    %dma_start3A_242 = arith.constant 14336 : i32
    %dma_start3A_243 = tpu.memref_slice %arg9[%dma_start3A_242] : memref<16384xi32, #tpu.memory_space<vmem>> -> memref<2048xi32, #tpu.memory_space<vmem>>
    %dma_start3A_244 = tpu.memref_slice %arg5[%add3A_237, %mul3A_4] : memref<128x4096xi32, #tpu.memory_space<hbm>> -> memref<1x2048xi32, #tpu.memory_space<hbm>>
    %dma_start3A_245 = tpu.memref_squeeze %dma_start3A_244 : memref<1x2048xi32, #tpu.memory_space<hbm>> -> memref<2048xi32, #tpu.memory_space<hbm>>
    tpu.enqueue_dma source(%dma_start3A_245 : memref<2048xi32, #tpu.memory_space<hbm>>) target(%dma_start3A_243 : memref<2048xi32, #tpu.memory_space<vmem>>) target_semaphore(%arg13 : memref<!tpu.dma_semaphore, #tpu.memory_space<semaphore_mem>>)
    %dma_wait3A = arith.constant 0 : i32
    %dma_wait3A_246 = tpu.memref_slice %arg7[%dma_wait3A] : memref<16384xi32, #tpu.memory_space<vmem>> -> memref<2048xi32, #tpu.memory_space<vmem>>
    %dma_wait3A_247 = tpu.memref_slice %arg3[%mul3A_6, %mul3A_4] : memref<128x4096xi32, #tpu.memory_space<hbm>> -> memref<1x2048xi32, #tpu.memory_space<hbm>>
    %dma_wait3A_248 = tpu.memref_squeeze %dma_wait3A_247 : memref<1x2048xi32, #tpu.memory_space<hbm>> -> memref<2048xi32, #tpu.memory_space<hbm>>
    %dma_wait3A_249 = arith.constant 0 : i32
    %dma_wait3A_250 = tpu.memref_slice %arg7[%dma_wait3A_249] : memref<16384xi32, #tpu.memory_space<vmem>> -> memref<2048xi32, #tpu.memory_space<vmem>>
    %dma_wait3A_251 = tpu.memref_slice %arg3[%mul3A_6, %mul3A_4] : memref<128x4096xi32, #tpu.memory_space<hbm>> -> memref<1x2048xi32, #tpu.memory_space<hbm>>
    %dma_wait3A_252 = tpu.memref_squeeze %dma_wait3A_251 : memref<1x2048xi32, #tpu.memory_space<hbm>> -> memref<2048xi32, #tpu.memory_space<hbm>>
    tpu.wait_dma2 semaphore(%arg13 : memref<!tpu.dma_semaphore, #tpu.memory_space<semaphore_mem>>) src(%dma_wait3A_252 : memref<2048xi32, #tpu.memory_space<hbm>>) dst(%dma_wait3A_250 : memref<2048xi32, #tpu.memory_space<vmem>>)
    %dma_wait3A_253 = arith.constant 0 : i32
    %dma_wait3A_254 = tpu.memref_slice %arg8[%dma_wait3A_253] : memref<16384xi32, #tpu.memory_space<vmem>> -> memref<2048xi32, #tpu.memory_space<vmem>>
    %dma_wait3A_255 = tpu.memref_slice %arg3[%mul3A_6, %mul3A_4] : memref<128x4096xi32, #tpu.memory_space<hbm>> -> memref<1x2048xi32, #tpu.memory_space<hbm>>
    %dma_wait3A_256 = tpu.memref_squeeze %dma_wait3A_255 : memref<1x2048xi32, #tpu.memory_space<hbm>> -> memref<2048xi32, #tpu.memory_space<hbm>>
    %dma_wait3A_257 = arith.constant 0 : i32
    %dma_wait3A_258 = tpu.memref_slice %arg8[%dma_wait3A_257] : memref<16384xi32, #tpu.memory_space<vmem>> -> memref<2048xi32, #tpu.memory_space<vmem>>
    %dma_wait3A_259 = tpu.memref_slice %arg3[%mul3A_6, %mul3A_4] : memref<128x4096xi32, #tpu.memory_space<hbm>> -> memref<1x2048xi32, #tpu.memory_space<hbm>>
    %dma_wait3A_260 = tpu.memref_squeeze %dma_wait3A_259 : memref<1x2048xi32, #tpu.memory_space<hbm>> -> memref<2048xi32, #tpu.memory_space<hbm>>
    tpu.wait_dma2 semaphore(%arg13 : memref<!tpu.dma_semaphore, #tpu.memory_space<semaphore_mem>>) src(%dma_wait3A_260 : memref<2048xi32, #tpu.memory_space<hbm>>) dst(%dma_wait3A_258 : memref<2048xi32, #tpu.memory_space<vmem>>)
    %dma_wait3A_261 = arith.constant 0 : i32
    %dma_wait3A_262 = tpu.memref_slice %arg9[%dma_wait3A_261] : memref<16384xi32, #tpu.memory_space<vmem>> -> memref<2048xi32, #tpu.memory_space<vmem>>
    %dma_wait3A_263 = tpu.memref_slice %arg3[%mul3A_6, %mul3A_4] : memref<128x4096xi32, #tpu.memory_space<hbm>> -> memref<1x2048xi32, #tpu.memory_space<hbm>>
    %dma_wait3A_264 = tpu.memref_squeeze %dma_wait3A_263 : memref<1x2048xi32, #tpu.memory_space<hbm>> -> memref<2048xi32, #tpu.memory_space<hbm>>
    %dma_wait3A_265 = arith.constant 0 : i32
    %dma_wait3A_266 = tpu.memref_slice %arg9[%dma_wait3A_265] : memref<16384xi32, #tpu.memory_space<vmem>> -> memref<2048xi32, #tpu.memory_space<vmem>>
    %dma_wait3A_267 = tpu.memref_slice %arg3[%mul3A_6, %mul3A_4] : memref<128x4096xi32, #tpu.memory_space<hbm>> -> memref<1x2048xi32, #tpu.memory_space<hbm>>
    %dma_wait3A_268 = tpu.memref_squeeze %dma_wait3A_267 : memref<1x2048xi32, #tpu.memory_space<hbm>> -> memref<2048xi32, #tpu.memory_space<hbm>>
    tpu.wait_dma2 semaphore(%arg13 : memref<!tpu.dma_semaphore, #tpu.memory_space<semaphore_mem>>) src(%dma_wait3A_268 : memref<2048xi32, #tpu.memory_space<hbm>>) dst(%dma_wait3A_266 : memref<2048xi32, #tpu.memory_space<vmem>>)
    %scan3A = arith.constant 0 : i32
    %scan3A_269 = arith.constant 0 : i32
    %scan3A_270 = arith.constant 16 : i32
    %scan3A_271 = arith.addi %scan3A_269, %scan3A_270 : i32
    %scan3A_272 = arith.constant 1 : i32
    %scan3A_273 = scf.for %scan3A_796 = %scan3A_269 to %scan3A_271 step %scan3A_272 iter_args(%scan3A_797 = %scan3A) -> (i32)  : i32 {
      %add3A_798 = arith.constant 0 : i32
      %add3A_799 = arith.addi %mul3A_6, %add3A_798 : i32
      %broadcast_in_dim3A = vector.broadcast %add3A_799 : i32 to vector<16xi32>
      %mul3A_800 = arith.constant 8 : i32
      %mul3A_801 = arith.muli %scan3A_796, %mul3A_800 : i32
      %add3A_802 = arith.constant 0 : i32
      %add3A_803 = arith.addi %mul3A_801, %add3A_802 : i32
      %mul3A_804 = arith.constant 16 : i32
      %mul3A_805 = arith.muli %add3A_803, %mul3A_804 : i32
      %add3A_806 = arith.constant 0 : i32
      %add3A_807 = arith.addi %add3A_806, %mul3A_805 : i32
      %get3A = arith.index_cast %add3A_807 : i32 to index
      %get3A_808 = tpu.vector_load %arg7[%get3A] {strides = array<i32>} : memref<16384xi32, #tpu.memory_space<vmem>>, vector<16xi32>,
      %get3A_809 = vector.shape_cast %get3A_808 : vector<16xi32> to vector<16xi32>
      %shift_left3A = arith.constant 19 : i32
      %shift_left3A_810 = vector.broadcast %shift_left3A : i32 to vector<16xi32>
      %shift_left3A_811 = arith.shli %get3A_809, %shift_left3A_810 : vector<16xi32>
      %get3A_812 = arith.index_cast %add3A_807 : i32 to index
      %get3A_813 = tpu.vector_load %arg8[%get3A_812] {strides = array<i32>} : memref<16384xi32, #tpu.memory_space<vmem>>, vector<16xi32>,
      %get3A_814 = vector.shape_cast %get3A_813 : vector<16xi32> to vector<16xi32>
      %shift_left3A_815 = arith.constant 13 : i32
      %shift_left3A_816 = vector.broadcast %shift_left3A_815 : i32 to vector<16xi32>
      %shift_left3A_817 = arith.shli %get3A_814, %shift_left3A_816 : vector<16xi32>
      %or3A = arith.ori %shift_left3A_811, %shift_left3A_817 : vector<16xi32>
      %get3A_818 = arith.index_cast %add3A_807 : i32 to index
      %get3A_819 = tpu.vector_load %arg9[%get3A_818] {strides = array<i32>} : memref<16384xi32, #tpu.memory_space<vmem>>, vector<16xi32>,
      %get3A_820 = vector.shape_cast %get3A_819 : vector<16xi32> to vector<16xi32>
      %shift_left3A_821 = arith.constant 7 : i32
      %shift_left3A_822 = vector.broadcast %shift_left3A_821 : i32 to vector<16xi32>
      %shift_left3A_823 = arith.shli %get3A_820, %shift_left3A_822 : vector<16xi32>
      %or3A_824 = arith.ori %or3A, %shift_left3A_823 : vector<16xi32>
      %or3A_825 = arith.ori %or3A_824, %broadcast_in_dim3A : vector<16xi32>
      %swap3A = arith.index_cast %add3A_807 : i32 to index
      %swap3A_826 = tpu.vector_load %arg10[%swap3A] {strides = array<i32>} : memref<16384xi32, #tpu.memory_space<vmem>>, vector<16xi32>,
      %swap3A_827 = vector.shape_cast %swap3A_826 : vector<16xi32> to vector<16xi32>
      %swap3A_828 = vector.shape_cast %or3A_825 : vector<16xi32> to vector<16xi32>
      tpu.vector_store %arg10[%swap3A], %swap3A_828 {strides = array<i32>} : memref<16384xi32, #tpu.memory_space<vmem>>, vector<16xi32>,
      %mul3A_829 = arith.constant 8 : i32
      %mul3A_830 = arith.muli %scan3A_796, %mul3A_829 : i32
      %add3A_831 = arith.constant 1 : i32
      %add3A_832 = arith.addi %mul3A_830, %add3A_831 : i32
      %mul3A_833 = arith.constant 16 : i32
      %mul3A_834 = arith.muli %add3A_832, %mul3A_833 : i32
      %add3A_835 = arith.constant 0 : i32
      %add3A_836 = arith.addi %add3A_835, %mul3A_834 : i32
      %get3A_837 = arith.index_cast %add3A_836 : i32 to index
      %get3A_838 = tpu.vector_load %arg7[%get3A_837] {strides = array<i32>} : memref<16384xi32, #tpu.memory_space<vmem>>, vector<16xi32>,
      %get3A_839 = vector.shape_cast %get3A_838 : vector<16xi32> to vector<16xi32>
      %shift_left3A_840 = arith.constant 19 : i32
      %shift_left3A_841 = vector.broadcast %shift_left3A_840 : i32 to vector<16xi32>
      %shift_left3A_842 = arith.shli %get3A_839, %shift_left3A_841 : vector<16xi32>
      %get3A_843 = arith.index_cast %add3A_836 : i32 to index
      %get3A_844 = tpu.vector_load %arg8[%get3A_843] {strides = array<i32>} : memref<16384xi32, #tpu.memory_space<vmem>>, vector<16xi32>,
      %get3A_845 = vector.shape_cast %get3A_844 : vector<16xi32> to vector<16xi32>
      %shift_left3A_846 = arith.constant 13 : i32
      %shift_left3A_847 = vector.broadcast %shift_left3A_846 : i32 to vector<16xi32>
      %shift_left3A_848 = arith.shli %get3A_845, %shift_left3A_847 : vector<16xi32>
      %or3A_849 = arith.ori %shift_left3A_842, %shift_left3A_848 : vector<16xi32>
      %get3A_850 = arith.index_cast %add3A_836 : i32 to index
      %get3A_851 = tpu.vector_load %arg9[%get3A_850] {strides = array<i32>} : memref<16384xi32, #tpu.memory_space<vmem>>, vector<16xi32>,
      %get3A_852 = vector.shape_cast %get3A_851 : vector<16xi32> to vector<16xi32>
      %shift_left3A_853 = arith.constant 7 : i32
      %shift_left3A_854 = vector.broadcast %shift_left3A_853 : i32 to vector<16xi32>
      %shift_left3A_855 = arith.shli %get3A_852, %shift_left3A_854 : vector<16xi32>
      %or3A_856 = arith.ori %or3A_849, %shift_left3A_855 : vector<16xi32>
      %or3A_857 = arith.ori %or3A_856, %broadcast_in_dim3A : vector<16xi32>
      %swap3A_858 = arith.index_cast %add3A_836 : i32 to index
      %swap3A_859 = tpu.vector_load %arg10[%swap3A_858] {strides = array<i32>} : memref<16384xi32, #tpu.memory_space<vmem>>, vector<16xi32>,
      %swap3A_860 = vector.shape_cast %swap3A_859 : vector<16xi32> to vector<16xi32>
      %swap3A_861 = vector.shape_cast %or3A_857 : vector<16xi32> to vector<16xi32>
      tpu.vector_store %arg10[%swap3A_858], %swap3A_861 {strides = array<i32>} : memref<16384xi32, #tpu.memory_space<vmem>>, vector<16xi32>,
      %mul3A_862 = arith.constant 8 : i32
      %mul3A_863 = arith.muli %scan3A_796, %mul3A_862 : i32
      %add3A_864 = arith.constant 2 : i32
      %add3A_865 = arith.addi %mul3A_863, %add3A_864 : i32
      %mul3A_866 = arith.constant 16 : i32
      %mul3A_867 = arith.muli %add3A_865, %mul3A_866 : i32
      %add3A_868 = arith.constant 0 : i32
      %add3A_869 = arith.addi %add3A_868, %mul3A_867 : i32
      %get3A_870 = arith.index_cast %add3A_869 : i32 to index
      %get3A_871 = tpu.vector_load %arg7[%get3A_870] {strides = array<i32>} : memref<16384xi32, #tpu.memory_space<vmem>>, vector<16xi32>,
      %get3A_872 = vector.shape_cast %get3A_871 : vector<16xi32> to vector<16xi32>
      %shift_left3A_873 = arith.constant 19 : i32
      %shift_left3A_874 = vector.broadcast %shift_left3A_873 : i32 to vector<16xi32>
      %shift_left3A_875 = arith.shli %get3A_872, %shift_left3A_874 : vector<16xi32>
      %get3A_876 = arith.index_cast %add3A_869 : i32 to index
      %get3A_877 = tpu.vector_load %arg8[%get3A_876] {strides = array<i32>} : memref<16384xi32, #tpu.memory_space<vmem>>, vector<16xi32>,
      %get3A_878 = vector.shape_cast %get3A_877 : vector<16xi32> to vector<16xi32>
      %shift_left3A_879 = arith.constant 13 : i32
      %shift_left3A_880 = vector.broadcast %shift_left3A_879 : i32 to vector<16xi32>
      %shift_left3A_881 = arith.shli %get3A_878, %shift_left3A_880 : vector<16xi32>
      %or3A_882 = arith.ori %shift_left3A_875, %shift_left3A_881 : vector<16xi32>
      %get3A_883 = arith.index_cast %add3A_869 : i32 to index
      %get3A_884 = tpu.vector_load %arg9[%get3A_883] {strides = array<i32>} : memref<16384xi32, #tpu.memory_space<vmem>>, vector<16xi32>,
      %get3A_885 = vector.shape_cast %get3A_884 : vector<16xi32> to vector<16xi32>
      %shift_left3A_886 = arith.constant 7 : i32
      %shift_left3A_887 = vector.broadcast %shift_left3A_886 : i32 to vector<16xi32>
      %shift_left3A_888 = arith.shli %get3A_885, %shift_left3A_887 : vector<16xi32>
      %or3A_889 = arith.ori %or3A_882, %shift_left3A_888 : vector<16xi32>
      %or3A_890 = arith.ori %or3A_889, %broadcast_in_dim3A : vector<16xi32>
      %swap3A_891 = arith.index_cast %add3A_869 : i32 to index
      %swap3A_892 = tpu.vector_load %arg10[%swap3A_891] {strides = array<i32>} : memref<16384xi32, #tpu.memory_space<vmem>>, vector<16xi32>,
      %swap3A_893 = vector.shape_cast %swap3A_892 : vector<16xi32> to vector<16xi32>
      %swap3A_894 = vector.shape_cast %or3A_890 : vector<16xi32> to vector<16xi32>
      tpu.vector_store %arg10[%swap3A_891], %swap3A_894 {strides = array<i32>} : memref<16384xi32, #tpu.memory_space<vmem>>, vector<16xi32>,
      %mul3A_895 = arith.constant 8 : i32
      %mul3A_896 = arith.muli %scan3A_796, %mul3A_895 : i32
      %add3A_897 = arith.constant 3 : i32
      %add3A_898 = arith.addi %mul3A_896, %add3A_897 : i32
      %mul3A_899 = arith.constant 16 : i32
      %mul3A_900 = arith.muli %add3A_898, %mul3A_899 : i32
      %add3A_901 = arith.constant 0 : i32
      %add3A_902 = arith.addi %add3A_901, %mul3A_900 : i32
      %get3A_903 = arith.index_cast %add3A_902 : i32 to index
      %get3A_904 = tpu.vector_load %arg7[%get3A_903] {strides = array<i32>} : memref<16384xi32, #tpu.memory_space<vmem>>, vector<16xi32>,
      %get3A_905 = vector.shape_cast %get3A_904 : vector<16xi32> to vector<16xi32>
      %shift_left3A_906 = arith.constant 19 : i32
      %shift_left3A_907 = vector.broadcast %shift_left3A_906 : i32 to vector<16xi32>
      %shift_left3A_908 = arith.shli %get3A_905, %shift_left3A_907 : vector<16xi32>
      %get3A_909 = arith.index_cast %add3A_902 : i32 to index
      %get3A_910 = tpu.vector_load %arg8[%get3A_909] {strides = array<i32>} : memref<16384xi32, #tpu.memory_space<vmem>>, vector<16xi32>,
      %get3A_911 = vector.shape_cast %get3A_910 : vector<16xi32> to vector<16xi32>
      %shift_left3A_912 = arith.constant 13 : i32
      %shift_left3A_913 = vector.broadcast %shift_left3A_912 : i32 to vector<16xi32>
      %shift_left3A_914 = arith.shli %get3A_911, %shift_left3A_913 : vector<16xi32>
      %or3A_915 = arith.ori %shift_left3A_908, %shift_left3A_914 : vector<16xi32>
      %get3A_916 = arith.index_cast %add3A_902 : i32 to index
      %get3A_917 = tpu.vector_load %arg9[%get3A_916] {strides = array<i32>} : memref<16384xi32, #tpu.memory_space<vmem>>, vector<16xi32>,
      %get3A_918 = vector.shape_cast %get3A_917 : vector<16xi32> to vector<16xi32>
      %shift_left3A_919 = arith.constant 7 : i32
      %shift_left3A_920 = vector.broadcast %shift_left3A_919 : i32 to vector<16xi32>
      %shift_left3A_921 = arith.shli %get3A_918, %shift_left3A_920 : vector<16xi32>
      %or3A_922 = arith.ori %or3A_915, %shift_left3A_921 : vector<16xi32>
      %or3A_923 = arith.ori %or3A_922, %broadcast_in_dim3A : vector<16xi32>
      %swap3A_924 = arith.index_cast %add3A_902 : i32 to index
      %swap3A_925 = tpu.vector_load %arg10[%swap3A_924] {strides = array<i32>} : memref<16384xi32, #tpu.memory_space<vmem>>, vector<16xi32>,
      %swap3A_926 = vector.shape_cast %swap3A_925 : vector<16xi32> to vector<16xi32>
      %swap3A_927 = vector.shape_cast %or3A_923 : vector<16xi32> to vector<16xi32>
      tpu.vector_store %arg10[%swap3A_924], %swap3A_927 {strides = array<i32>} : memref<16384xi32, #tpu.memory_space<vmem>>, vector<16xi32>,
      %mul3A_928 = arith.constant 8 : i32
      %mul3A_929 = arith.muli %scan3A_796, %mul3A_928 : i32
      %add3A_930 = arith.constant 4 : i32
      %add3A_931 = arith.addi %mul3A_929, %add3A_930 : i32
      %mul3A_932 = arith.constant 16 : i32
      %mul3A_933 = arith.muli %add3A_931, %mul3A_932 : i32
      %add3A_934 = arith.constant 0 : i32
      %add3A_935 = arith.addi %add3A_934, %mul3A_933 : i32
      %get3A_936 = arith.index_cast %add3A_935 : i32 to index
      %get3A_937 = tpu.vector_load %arg7[%get3A_936] {strides = array<i32>} : memref<16384xi32, #tpu.memory_space<vmem>>, vector<16xi32>,
      %get3A_938 = vector.shape_cast %get3A_937 : vector<16xi32> to vector<16xi32>
      %shift_left3A_939 = arith.constant 19 : i32
      %shift_left3A_940 = vector.broadcast %shift_left3A_939 : i32 to vector<16xi32>
      %shift_left3A_941 = arith.shli %get3A_938, %shift_left3A_940 : vector<16xi32>
      %get3A_942 = arith.index_cast %add3A_935 : i32 to index
      %get3A_943 = tpu.vector_load %arg8[%get3A_942] {strides = array<i32>} : memref<16384xi32, #tpu.memory_space<vmem>>, vector<16xi32>,
      %get3A_944 = vector.shape_cast %get3A_943 : vector<16xi32> to vector<16xi32>
      %shift_left3A_945 = arith.constant 13 : i32
      %shift_left3A_946 = vector.broadcast %shift_left3A_945 : i32 to vector<16xi32>
      %shift_left3A_947 = arith.shli %get3A_944, %shift_left3A_946 : vector<16xi32>
      %or3A_948 = arith.ori %shift_left3A_941, %shift_left3A_947 : vector<16xi32>
      %get3A_949 = arith.index_cast %add3A_935 : i32 to index
      %get3A_950 = tpu.vector_load %arg9[%get3A_949] {strides = array<i32>} : memref<16384xi32, #tpu.memory_space<vmem>>, vector<16xi32>,
      %get3A_951 = vector.shape_cast %get3A_950 : vector<16xi32> to vector<16xi32>
      %shift_left3A_952 = arith.constant 7 : i32
      %shift_left3A_953 = vector.broadcast %shift_left3A_952 : i32 to vector<16xi32>
      %shift_left3A_954 = arith.shli %get3A_951, %shift_left3A_953 : vector<16xi32>
      %or3A_955 = arith.ori %or3A_948, %shift_left3A_954 : vector<16xi32>
      %or3A_956 = arith.ori %or3A_955, %broadcast_in_dim3A : vector<16xi32>
      %swap3A_957 = arith.index_cast %add3A_935 : i32 to index
      %swap3A_958 = tpu.vector_load %arg10[%swap3A_957] {strides = array<i32>} : memref<16384xi32, #tpu.memory_space<vmem>>, vector<16xi32>,
      %swap3A_959 = vector.shape_cast %swap3A_958 : vector<16xi32> to vector<16xi32>
      %swap3A_960 = vector.shape_cast %or3A_956 : vector<16xi32> to vector<16xi32>
      tpu.vector_store %arg10[%swap3A_957], %swap3A_960 {strides = array<i32>} : memref<16384xi32, #tpu.memory_space<vmem>>, vector<16xi32>,
      %mul3A_961 = arith.constant 8 : i32
      %mul3A_962 = arith.muli %scan3A_796, %mul3A_961 : i32
      %add3A_963 = arith.constant 5 : i32
      %add3A_964 = arith.addi %mul3A_962, %add3A_963 : i32
      %mul3A_965 = arith.constant 16 : i32
      %mul3A_966 = arith.muli %add3A_964, %mul3A_965 : i32
      %add3A_967 = arith.constant 0 : i32
      %add3A_968 = arith.addi %add3A_967, %mul3A_966 : i32
      %get3A_969 = arith.index_cast %add3A_968 : i32 to index
      %get3A_970 = tpu.vector_load %arg7[%get3A_969] {strides = array<i32>} : memref<16384xi32, #tpu.memory_space<vmem>>, vector<16xi32>,
      %get3A_971 = vector.shape_cast %get3A_970 : vector<16xi32> to vector<16xi32>
      %shift_left3A_972 = arith.constant 19 : i32
      %shift_left3A_973 = vector.broadcast %shift_left3A_972 : i32 to vector<16xi32>
      %shift_left3A_974 = arith.shli %get3A_971, %shift_left3A_973 : vector<16xi32>
      %get3A_975 = arith.index_cast %add3A_968 : i32 to index
      %get3A_976 = tpu.vector_load %arg8[%get3A_975] {strides = array<i32>} : memref<16384xi32, #tpu.memory_space<vmem>>, vector<16xi32>,
      %get3A_977 = vector.shape_cast %get3A_976 : vector<16xi32> to vector<16xi32>
      %shift_left3A_978 = arith.constant 13 : i32
      %shift_left3A_979 = vector.broadcast %shift_left3A_978 : i32 to vector<16xi32>
      %shift_left3A_980 = arith.shli %get3A_977, %shift_left3A_979 : vector<16xi32>
      %or3A_981 = arith.ori %shift_left3A_974, %shift_left3A_980 : vector<16xi32>
      %get3A_982 = arith.index_cast %add3A_968 : i32 to index
      %get3A_983 = tpu.vector_load %arg9[%get3A_982] {strides = array<i32>} : memref<16384xi32, #tpu.memory_space<vmem>>, vector<16xi32>,
      %get3A_984 = vector.shape_cast %get3A_983 : vector<16xi32> to vector<16xi32>
      %shift_left3A_985 = arith.constant 7 : i32
      %shift_left3A_986 = vector.broadcast %shift_left3A_985 : i32 to vector<16xi32>
      %shift_left3A_987 = arith.shli %get3A_984, %shift_left3A_986 : vector<16xi32>
      %or3A_988 = arith.ori %or3A_981, %shift_left3A_987 : vector<16xi32>
      %or3A_989 = arith.ori %or3A_988, %broadcast_in_dim3A : vector<16xi32>
      %swap3A_990 = arith.index_cast %add3A_968 : i32 to index
      %swap3A_991 = tpu.vector_load %arg10[%swap3A_990] {strides = array<i32>} : memref<16384xi32, #tpu.memory_space<vmem>>, vector<16xi32>,
      %swap3A_992 = vector.shape_cast %swap3A_991 : vector<16xi32> to vector<16xi32>
      %swap3A_993 = vector.shape_cast %or3A_989 : vector<16xi32> to vector<16xi32>
      tpu.vector_store %arg10[%swap3A_990], %swap3A_993 {strides = array<i32>} : memref<16384xi32, #tpu.memory_space<vmem>>, vector<16xi32>,
      %mul3A_994 = arith.constant 8 : i32
      %mul3A_995 = arith.muli %scan3A_796, %mul3A_994 : i32
      %add3A_996 = arith.constant 6 : i32
      %add3A_997 = arith.addi %mul3A_995, %add3A_996 : i32
      %mul3A_998 = arith.constant 16 : i32
      %mul3A_999 = arith.muli %add3A_997, %mul3A_998 : i32
      %add3A_1000 = arith.constant 0 : i32
      %add3A_1001 = arith.addi %add3A_1000, %mul3A_999 : i32
      %get3A_1002 = arith.index_cast %add3A_1001 : i32 to index
      %get3A_1003 = tpu.vector_load %arg7[%get3A_1002] {strides = array<i32>} : memref<16384xi32, #tpu.memory_space<vmem>>, vector<16xi32>,
      %get3A_1004 = vector.shape_cast %get3A_1003 : vector<16xi32> to vector<16xi32>
      %shift_left3A_1005 = arith.constant 19 : i32
      %shift_left3A_1006 = vector.broadcast %shift_left3A_1005 : i32 to vector<16xi32>
      %shift_left3A_1007 = arith.shli %get3A_1004, %shift_left3A_1006 : vector<16xi32>
      %get3A_1008 = arith.index_cast %add3A_1001 : i32 to index
      %get3A_1009 = tpu.vector_load %arg8[%get3A_1008] {strides = array<i32>} : memref<16384xi32, #tpu.memory_space<vmem>>, vector<16xi32>,
      %get3A_1010 = vector.shape_cast %get3A_1009 : vector<16xi32> to vector<16xi32>
      %shift_left3A_1011 = arith.constant 13 : i32
      %shift_left3A_1012 = vector.broadcast %shift_left3A_1011 : i32 to vector<16xi32>
      %shift_left3A_1013 = arith.shli %get3A_1010, %shift_left3A_1012 : vector<16xi32>
      %or3A_1014 = arith.ori %shift_left3A_1007, %shift_left3A_1013 : vector<16xi32>
      %get3A_1015 = arith.index_cast %add3A_1001 : i32 to index
      %get3A_1016 = tpu.vector_load %arg9[%get3A_1015] {strides = array<i32>} : memref<16384xi32, #tpu.memory_space<vmem>>, vector<16xi32>,
      %get3A_1017 = vector.shape_cast %get3A_1016 : vector<16xi32> to vector<16xi32>
      %shift_left3A_1018 = arith.constant 7 : i32
      %shift_left3A_1019 = vector.broadcast %shift_left3A_1018 : i32 to vector<16xi32>
      %shift_left3A_1020 = arith.shli %get3A_1017, %shift_left3A_1019 : vector<16xi32>
      %or3A_1021 = arith.ori %or3A_1014, %shift_left3A_1020 : vector<16xi32>
      %or3A_1022 = arith.ori %or3A_1021, %broadcast_in_dim3A : vector<16xi32>
      %swap3A_1023 = arith.index_cast %add3A_1001 : i32 to index
      %swap3A_1024 = tpu.vector_load %arg10[%swap3A_1023] {strides = array<i32>} : memref<16384xi32, #tpu.memory_space<vmem>>, vector<16xi32>,
      %swap3A_1025 = vector.shape_cast %swap3A_1024 : vector<16xi32> to vector<16xi32>
      %swap3A_1026 = vector.shape_cast %or3A_1022 : vector<16xi32> to vector<16xi32>
      tpu.vector_store %arg10[%swap3A_1023], %swap3A_1026 {strides = array<i32>} : memref<16384xi32, #tpu.memory_space<vmem>>, vector<16xi32>,
      %mul3A_1027 = arith.constant 8 : i32
      %mul3A_1028 = arith.muli %scan3A_796, %mul3A_1027 : i32
      %add3A_1029 = arith.constant 7 : i32
      %add3A_1030 = arith.addi %mul3A_1028, %add3A_1029 : i32
      %mul3A_1031 = arith.constant 16 : i32
      %mul3A_1032 = arith.muli %add3A_1030, %mul3A_1031 : i32
      %add3A_1033 = arith.constant 0 : i32
      %add3A_1034 = arith.addi %add3A_1033, %mul3A_1032 : i32
      %get3A_1035 = arith.index_cast %add3A_1034 : i32 to index
      %get3A_1036 = tpu.vector_load %arg7[%get3A_1035] {strides = array<i32>} : memref<16384xi32, #tpu.memory_space<vmem>>, vector<16xi32>,
      %get3A_1037 = vector.shape_cast %get3A_1036 : vector<16xi32> to vector<16xi32>
      %shift_left3A_1038 = arith.constant 19 : i32
      %shift_left3A_1039 = vector.broadcast %shift_left3A_1038 : i32 to vector<16xi32>
      %shift_left3A_1040 = arith.shli %get3A_1037, %shift_left3A_1039 : vector<16xi32>
      %get3A_1041 = arith.index_cast %add3A_1034 : i32 to index
      %get3A_1042 = tpu.vector_load %arg8[%get3A_1041] {strides = array<i32>} : memref<16384xi32, #tpu.memory_space<vmem>>, vector<16xi32>,
      %get3A_1043 = vector.shape_cast %get3A_1042 : vector<16xi32> to vector<16xi32>
      %shift_left3A_1044 = arith.constant 13 : i32
      %shift_left3A_1045 = vector.broadcast %shift_left3A_1044 : i32 to vector<16xi32>
      %shift_left3A_1046 = arith.shli %get3A_1043, %shift_left3A_1045 : vector<16xi32>
      %or3A_1047 = arith.ori %shift_left3A_1040, %shift_left3A_1046 : vector<16xi32>
      %get3A_1048 = arith.index_cast %add3A_1034 : i32 to index
      %get3A_1049 = tpu.vector_load %arg9[%get3A_1048] {strides = array<i32>} : memref<16384xi32, #tpu.memory_space<vmem>>, vector<16xi32>,
      %get3A_1050 = vector.shape_cast %get3A_1049 : vector<16xi32> to vector<16xi32>
      %shift_left3A_1051 = arith.constant 7 : i32
      %shift_left3A_1052 = vector.broadcast %shift_left3A_1051 : i32 to vector<16xi32>
      %shift_left3A_1053 = arith.shli %get3A_1050, %shift_left3A_1052 : vector<16xi32>
      %or3A_1054 = arith.ori %or3A_1047, %shift_left3A_1053 : vector<16xi32>
      %or3A_1055 = arith.ori %or3A_1054, %broadcast_in_dim3A : vector<16xi32>
      %swap3A_1056 = arith.index_cast %add3A_1034 : i32 to index
      %swap3A_1057 = tpu.vector_load %arg10[%swap3A_1056] {strides = array<i32>} : memref<16384xi32, #tpu.memory_space<vmem>>, vector<16xi32>,
      %swap3A_1058 = vector.shape_cast %swap3A_1057 : vector<16xi32> to vector<16xi32>
      %swap3A_1059 = vector.shape_cast %or3A_1055 : vector<16xi32> to vector<16xi32>
      tpu.vector_store %arg10[%swap3A_1056], %swap3A_1059 {strides = array<i32>} : memref<16384xi32, #tpu.memory_space<vmem>>, vector<16xi32>,
      %scan3A_1060 = arith.constant 0 : i32
      scf.yield %scan3A_1060 : i32
    }
    %scan3A_274 = arith.constant 16 : i32
    %dma_start3A_275 = arith.constant 0 : i32
    %dma_start3A_276 = arith.constant 0 : i32
    %dma_start3A_277 = tpu.memref_slice %arg11[%dma_start3A_276] : memref<16384xf32, #tpu.memory_space<vmem>> -> memref<2048xf32, #tpu.memory_space<vmem>>
    %dma_start3A_278 = arith.constant 0 : i32
    %dma_start3A_279 = tpu.memref_slice %arg10[%dma_start3A_278] : memref<16384xi32, #tpu.memory_space<vmem>> -> memref<2048xi32, #tpu.memory_space<vmem>>
    %dma_start3A_280 = arith.constant 0 : i32
    %dma_start3A_281 = tpu.memref_slice %arg2[%dma_start3A_280] : memref<33554432xf32, #tpu.memory_space<hbm>> -> memref<33554432xf32, #tpu.memory_space<hbm>>
    %dma_start3A_282 = tpu.memref_slice %arg12[%dma_start3A_275] : memref<8x!tpu.dma_semaphore, #tpu.memory_space<semaphore_mem>> -> memref<1x!tpu.dma_semaphore, #tpu.memory_space<semaphore_mem>>
    %dma_start3A_283 = tpu.memref_squeeze %dma_start3A_282 : memref<1x!tpu.dma_semaphore, #tpu.memory_space<semaphore_mem>> -> memref<!tpu.dma_semaphore, #tpu.memory_space<semaphore_mem>>
    tpu.enqueue_indirect_dma source(%dma_start3A_281 : memref<33554432xf32, #tpu.memory_space<hbm>>) target(%dma_start3A_277 : memref<2048xf32, #tpu.memory_space<vmem>>) offsets(%dma_start3A_279 : memref<2048xi32, #tpu.memory_space<vmem>>) semaphore(%dma_start3A_283 : memref<!tpu.dma_semaphore, #tpu.memory_space<semaphore_mem>>)
    %dma_wait3A_284 = arith.constant 2048 : i32
    %dma_wait3A_285 = tpu.memref_slice %arg7[%dma_wait3A_284] : memref<16384xi32, #tpu.memory_space<vmem>> -> memref<2048xi32, #tpu.memory_space<vmem>>
    %dma_wait3A_286 = tpu.memref_slice %arg3[%mul3A_6, %mul3A_4] : memref<128x4096xi32, #tpu.memory_space<hbm>> -> memref<1x2048xi32, #tpu.memory_space<hbm>>
    %dma_wait3A_287 = tpu.memref_squeeze %dma_wait3A_286 : memref<1x2048xi32, #tpu.memory_space<hbm>> -> memref<2048xi32, #tpu.memory_space<hbm>>
    %dma_wait3A_288 = arith.constant 2048 : i32
    %dma_wait3A_289 = tpu.memref_slice %arg7[%dma_wait3A_288] : memref<16384xi32, #tpu.memory_space<vmem>> -> memref<2048xi32, #tpu.memory_space<vmem>>
    %dma_wait3A_290 = tpu.memref_slice %arg3[%mul3A_6, %mul3A_4] : memref<128x4096xi32, #tpu.memory_space<hbm>> -> memref<1x2048xi32, #tpu.memory_space<hbm>>
    %dma_wait3A_291 = tpu.memref_squeeze %dma_wait3A_290 : memref<1x2048xi32, #tpu.memory_space<hbm>> -> memref<2048xi32, #tpu.memory_space<hbm>>
    tpu.wait_dma2 semaphore(%arg13 : memref<!tpu.dma_semaphore, #tpu.memory_space<semaphore_mem>>) src(%dma_wait3A_291 : memref<2048xi32, #tpu.memory_space<hbm>>) dst(%dma_wait3A_289 : memref<2048xi32, #tpu.memory_space<vmem>>)
    %dma_wait3A_292 = arith.constant 2048 : i32
    %dma_wait3A_293 = tpu.memref_slice %arg8[%dma_wait3A_292] : memref<16384xi32, #tpu.memory_space<vmem>> -> memref<2048xi32, #tpu.memory_space<vmem>>
    %dma_wait3A_294 = tpu.memref_slice %arg3[%mul3A_6, %mul3A_4] : memref<128x4096xi32, #tpu.memory_space<hbm>> -> memref<1x2048xi32, #tpu.memory_space<hbm>>
    %dma_wait3A_295 = tpu.memref_squeeze %dma_wait3A_294 : memref<1x2048xi32, #tpu.memory_space<hbm>> -> memref<2048xi32, #tpu.memory_space<hbm>>
    %dma_wait3A_296 = arith.constant 2048 : i32
    %dma_wait3A_297 = tpu.memref_slice %arg8[%dma_wait3A_296] : memref<16384xi32, #tpu.memory_space<vmem>> -> memref<2048xi32, #tpu.memory_space<vmem>>
    %dma_wait3A_298 = tpu.memref_slice %arg3[%mul3A_6, %mul3A_4] : memref<128x4096xi32, #tpu.memory_space<hbm>> -> memref<1x2048xi32, #tpu.memory_space<hbm>>
    %dma_wait3A_299 = tpu.memref_squeeze %dma_wait3A_298 : memref<1x2048xi32, #tpu.memory_space<hbm>> -> memref<2048xi32, #tpu.memory_space<hbm>>
    tpu.wait_dma2 semaphore(%arg13 : memref<!tpu.dma_semaphore, #tpu.memory_space<semaphore_mem>>) src(%dma_wait3A_299 : memref<2048xi32, #tpu.memory_space<hbm>>) dst(%dma_wait3A_297 : memref<2048xi32, #tpu.memory_space<vmem>>)
    %dma_wait3A_300 = arith.constant 2048 : i32
    %dma_wait3A_301 = tpu.memref_slice %arg9[%dma_wait3A_300] : memref<16384xi32, #tpu.memory_space<vmem>> -> memref<2048xi32, #tpu.memory_space<vmem>>
    %dma_wait3A_302 = tpu.memref_slice %arg3[%mul3A_6, %mul3A_4] : memref<128x4096xi32, #tpu.memory_space<hbm>> -> memref<1x2048xi32, #tpu.memory_space<hbm>>
    %dma_wait3A_303 = tpu.memref_squeeze %dma_wait3A_302 : memref<1x2048xi32, #tpu.memory_space<hbm>> -> memref<2048xi32, #tpu.memory_space<hbm>>
    %dma_wait3A_304 = arith.constant 2048 : i32
    %dma_wait3A_305 = tpu.memref_slice %arg9[%dma_wait3A_304] : memref<16384xi32, #tpu.memory_space<vmem>> -> memref<2048xi32, #tpu.memory_space<vmem>>
    %dma_wait3A_306 = tpu.memref_slice %arg3[%mul3A_6, %mul3A_4] : memref<128x4096xi32, #tpu.memory_space<hbm>> -> memref<1x2048xi32, #tpu.memory_space<hbm>>
    %dma_wait3A_307 = tpu.memref_squeeze %dma_wait3A_306 : memref<1x2048xi32, #tpu.memory_space<hbm>> -> memref<2048xi32, #tpu.memory_space<hbm>>
    tpu.wait_dma2 semaphore(%arg13 : memref<!tpu.dma_semaphore, #tpu.memory_space<semaphore_mem>>) src(%dma_wait3A_307 : memref<2048xi32, #tpu.memory_space<hbm>>) dst(%dma_wait3A_305 : memref<2048xi32, #tpu.memory_space<vmem>>)
    %scan3A_308 = arith.constant 0 : i32
    %scan3A_309 = arith.constant 0 : i32
    %scan3A_310 = arith.constant 16 : i32
    %scan3A_311 = arith.addi %scan3A_309, %scan3A_310 : i32
    %scan3A_312 = arith.constant 1 : i32
    %scan3A_313 = scf.for %scan3A_796 = %scan3A_309 to %scan3A_311 step %scan3A_312 iter_args(%scan3A_797 = %scan3A_308) -> (i32)  : i32 {
      %add3A_798 = arith.constant 1 : i32
      %add3A_799 = arith.addi %mul3A_6, %add3A_798 : i32
      %broadcast_in_dim3A = vector.broadcast %add3A_799 : i32 to vector<16xi32>
      %mul3A_800 = arith.constant 8 : i32
      %mul3A_801 = arith.muli %scan3A_796, %mul3A_800 : i32
      %add3A_802 = arith.constant 0 : i32
      %add3A_803 = arith.addi %mul3A_801, %add3A_802 : i32
      %mul3A_804 = arith.constant 16 : i32
      %mul3A_805 = arith.muli %add3A_803, %mul3A_804 : i32
      %add3A_806 = arith.constant 2048 : i32
      %add3A_807 = arith.addi %add3A_806, %mul3A_805 : i32
      %get3A = arith.index_cast %add3A_807 : i32 to index
      %get3A_808 = tpu.vector_load %arg7[%get3A] {strides = array<i32>} : memref<16384xi32, #tpu.memory_space<vmem>>, vector<16xi32>,
      %get3A_809 = vector.shape_cast %get3A_808 : vector<16xi32> to vector<16xi32>
      %shift_left3A = arith.constant 19 : i32
      %shift_left3A_810 = vector.broadcast %shift_left3A : i32 to vector<16xi32>
      %shift_left3A_811 = arith.shli %get3A_809, %shift_left3A_810 : vector<16xi32>
      %get3A_812 = arith.index_cast %add3A_807 : i32 to index
      %get3A_813 = tpu.vector_load %arg8[%get3A_812] {strides = array<i32>} : memref<16384xi32, #tpu.memory_space<vmem>>, vector<16xi32>,
      %get3A_814 = vector.shape_cast %get3A_813 : vector<16xi32> to vector<16xi32>
      %shift_left3A_815 = arith.constant 13 : i32
      %shift_left3A_816 = vector.broadcast %shift_left3A_815 : i32 to vector<16xi32>
      %shift_left3A_817 = arith.shli %get3A_814, %shift_left3A_816 : vector<16xi32>
      %or3A = arith.ori %shift_left3A_811, %shift_left3A_817 : vector<16xi32>
      %get3A_818 = arith.index_cast %add3A_807 : i32 to index
      %get3A_819 = tpu.vector_load %arg9[%get3A_818] {strides = array<i32>} : memref<16384xi32, #tpu.memory_space<vmem>>, vector<16xi32>,
      %get3A_820 = vector.shape_cast %get3A_819 : vector<16xi32> to vector<16xi32>
      %shift_left3A_821 = arith.constant 7 : i32
      %shift_left3A_822 = vector.broadcast %shift_left3A_821 : i32 to vector<16xi32>
      %shift_left3A_823 = arith.shli %get3A_820, %shift_left3A_822 : vector<16xi32>
      %or3A_824 = arith.ori %or3A, %shift_left3A_823 : vector<16xi32>
      %or3A_825 = arith.ori %or3A_824, %broadcast_in_dim3A : vector<16xi32>
      %swap3A = arith.index_cast %add3A_807 : i32 to index
      %swap3A_826 = tpu.vector_load %arg10[%swap3A] {strides = array<i32>} : memref<16384xi32, #tpu.memory_space<vmem>>, vector<16xi32>,
      %swap3A_827 = vector.shape_cast %swap3A_826 : vector<16xi32> to vector<16xi32>
      %swap3A_828 = vector.shape_cast %or3A_825 : vector<16xi32> to vector<16xi32>
      tpu.vector_store %arg10[%swap3A], %swap3A_828 {strides = array<i32>} : memref<16384xi32, #tpu.memory_space<vmem>>, vector<16xi32>,
      %mul3A_829 = arith.constant 8 : i32
      %mul3A_830 = arith.muli %scan3A_796, %mul3A_829 : i32
      %add3A_831 = arith.constant 1 : i32
      %add3A_832 = arith.addi %mul3A_830, %add3A_831 : i32
      %mul3A_833 = arith.constant 16 : i32
      %mul3A_834 = arith.muli %add3A_832, %mul3A_833 : i32
      %add3A_835 = arith.constant 2048 : i32
      %add3A_836 = arith.addi %add3A_835, %mul3A_834 : i32
      %get3A_837 = arith.index_cast %add3A_836 : i32 to index
      %get3A_838 = tpu.vector_load %arg7[%get3A_837] {strides = array<i32>} : memref<16384xi32, #tpu.memory_space<vmem>>, vector<16xi32>,
      %get3A_839 = vector.shape_cast %get3A_838 : vector<16xi32> to vector<16xi32>
      %shift_left3A_840 = arith.constant 19 : i32
      %shift_left3A_841 = vector.broadcast %shift_left3A_840 : i32 to vector<16xi32>
      %shift_left3A_842 = arith.shli %get3A_839, %shift_left3A_841 : vector<16xi32>
      %get3A_843 = arith.index_cast %add3A_836 : i32 to index
      %get3A_844 = tpu.vector_load %arg8[%get3A_843] {strides = array<i32>} : memref<16384xi32, #tpu.memory_space<vmem>>, vector<16xi32>,
      %get3A_845 = vector.shape_cast %get3A_844 : vector<16xi32> to vector<16xi32>
      %shift_left3A_846 = arith.constant 13 : i32
      %shift_left3A_847 = vector.broadcast %shift_left3A_846 : i32 to vector<16xi32>
      %shift_left3A_848 = arith.shli %get3A_845, %shift_left3A_847 : vector<16xi32>
      %or3A_849 = arith.ori %shift_left3A_842, %shift_left3A_848 : vector<16xi32>
      %get3A_850 = arith.index_cast %add3A_836 : i32 to index
      %get3A_851 = tpu.vector_load %arg9[%get3A_850] {strides = array<i32>} : memref<16384xi32, #tpu.memory_space<vmem>>, vector<16xi32>,
      %get3A_852 = vector.shape_cast %get3A_851 : vector<16xi32> to vector<16xi32>
      %shift_left3A_853 = arith.constant 7 : i32
      %shift_left3A_854 = vector.broadcast %shift_left3A_853 : i32 to vector<16xi32>
      %shift_left3A_855 = arith.shli %get3A_852, %shift_left3A_854 : vector<16xi32>
      %or3A_856 = arith.ori %or3A_849, %shift_left3A_855 : vector<16xi32>
      %or3A_857 = arith.ori %or3A_856, %broadcast_in_dim3A : vector<16xi32>
      %swap3A_858 = arith.index_cast %add3A_836 : i32 to index
      %swap3A_859 = tpu.vector_load %arg10[%swap3A_858] {strides = array<i32>} : memref<16384xi32, #tpu.memory_space<vmem>>, vector<16xi32>,
      %swap3A_860 = vector.shape_cast %swap3A_859 : vector<16xi32> to vector<16xi32>
      %swap3A_861 = vector.shape_cast %or3A_857 : vector<16xi32> to vector<16xi32>
      tpu.vector_store %arg10[%swap3A_858], %swap3A_861 {strides = array<i32>} : memref<16384xi32, #tpu.memory_space<vmem>>, vector<16xi32>,
      %mul3A_862 = arith.constant 8 : i32
      %mul3A_863 = arith.muli %scan3A_796, %mul3A_862 : i32
      %add3A_864 = arith.constant 2 : i32
      %add3A_865 = arith.addi %mul3A_863, %add3A_864 : i32
      %mul3A_866 = arith.constant 16 : i32
      %mul3A_867 = arith.muli %add3A_865, %mul3A_866 : i32
      %add3A_868 = arith.constant 2048 : i32
      %add3A_869 = arith.addi %add3A_868, %mul3A_867 : i32
      %get3A_870 = arith.index_cast %add3A_869 : i32 to index
      %get3A_871 = tpu.vector_load %arg7[%get3A_870] {strides = array<i32>} : memref<16384xi32, #tpu.memory_space<vmem>>, vector<16xi32>,
      %get3A_872 = vector.shape_cast %get3A_871 : vector<16xi32> to vector<16xi32>
      %shift_left3A_873 = arith.constant 19 : i32
      %shift_left3A_874 = vector.broadcast %shift_left3A_873 : i32 to vector<16xi32>
      %shift_left3A_875 = arith.shli %get3A_872, %shift_left3A_874 : vector<16xi32>
      %get3A_876 = arith.index_cast %add3A_869 : i32 to index
      %get3A_877 = tpu.vector_load %arg8[%get3A_876] {strides = array<i32>} : memref<16384xi32, #tpu.memory_space<vmem>>, vector<16xi32>,
      %get3A_878 = vector.shape_cast %get3A_877 : vector<16xi32> to vector<16xi32>
      %shift_left3A_879 = arith.constant 13 : i32
      %shift_left3A_880 = vector.broadcast %shift_left3A_879 : i32 to vector<16xi32>
      %shift_left3A_881 = arith.shli %get3A_878, %shift_left3A_880 : vector<16xi32>
      %or3A_882 = arith.ori %shift_left3A_875, %shift_left3A_881 : vector<16xi32>
      %get3A_883 = arith.index_cast %add3A_869 : i32 to index
      %get3A_884 = tpu.vector_load %arg9[%get3A_883] {strides = array<i32>} : memref<16384xi32, #tpu.memory_space<vmem>>, vector<16xi32>,
      %get3A_885 = vector.shape_cast %get3A_884 : vector<16xi32> to vector<16xi32>
      %shift_left3A_886 = arith.constant 7 : i32
      %shift_left3A_887 = vector.broadcast %shift_left3A_886 : i32 to vector<16xi32>
      %shift_left3A_888 = arith.shli %get3A_885, %shift_left3A_887 : vector<16xi32>
      %or3A_889 = arith.ori %or3A_882, %shift_left3A_888 : vector<16xi32>
      %or3A_890 = arith.ori %or3A_889, %broadcast_in_dim3A : vector<16xi32>
      %swap3A_891 = arith.index_cast %add3A_869 : i32 to index
      %swap3A_892 = tpu.vector_load %arg10[%swap3A_891] {strides = array<i32>} : memref<16384xi32, #tpu.memory_space<vmem>>, vector<16xi32>,
      %swap3A_893 = vector.shape_cast %swap3A_892 : vector<16xi32> to vector<16xi32>
      %swap3A_894 = vector.shape_cast %or3A_890 : vector<16xi32> to vector<16xi32>
      tpu.vector_store %arg10[%swap3A_891], %swap3A_894 {strides = array<i32>} : memref<16384xi32, #tpu.memory_space<vmem>>, vector<16xi32>,
      %mul3A_895 = arith.constant 8 : i32
      %mul3A_896 = arith.muli %scan3A_796, %mul3A_895 : i32
      %add3A_897 = arith.constant 3 : i32
      %add3A_898 = arith.addi %mul3A_896, %add3A_897 : i32
      %mul3A_899 = arith.constant 16 : i32
      %mul3A_900 = arith.muli %add3A_898, %mul3A_899 : i32
      %add3A_901 = arith.constant 2048 : i32
      %add3A_902 = arith.addi %add3A_901, %mul3A_900 : i32
      %get3A_903 = arith.index_cast %add3A_902 : i32 to index
      %get3A_904 = tpu.vector_load %arg7[%get3A_903] {strides = array<i32>} : memref<16384xi32, #tpu.memory_space<vmem>>, vector<16xi32>,
      %get3A_905 = vector.shape_cast %get3A_904 : vector<16xi32> to vector<16xi32>
      %shift_left3A_906 = arith.constant 19 : i32
      %shift_left3A_907 = vector.broadcast %shift_left3A_906 : i32 to vector<16xi32>
      %shift_left3A_908 = arith.shli %get3A_905, %shift_left3A_907 : vector<16xi32>
      %get3A_909 = arith.index_cast %add3A_902 : i32 to index
      %get3A_910 = tpu.vector_load %arg8[%get3A_909] {strides = array<i32>} : memref<16384xi32, #tpu.memory_space<vmem>>, vector<16xi32>,
      %get3A_911 = vector.shape_cast %get3A_910 : vector<16xi32> to vector<16xi32>
      %shift_left3A_912 = arith.constant 13 : i32
      %shift_left3A_913 = vector.broadcast %shift_left3A_912 : i32 to vector<16xi32>
      %shift_left3A_914 = arith.shli %get3A_911, %shift_left3A_913 : vector<16xi32>
      %or3A_915 = arith.ori %shift_left3A_908, %shift_left3A_914 : vector<16xi32>
      %get3A_916 = arith.index_cast %add3A_902 : i32 to index
      %get3A_917 = tpu.vector_load %arg9[%get3A_916] {strides = array<i32>} : memref<16384xi32, #tpu.memory_space<vmem>>, vector<16xi32>,
      %get3A_918 = vector.shape_cast %get3A_917 : vector<16xi32> to vector<16xi32>
      %shift_left3A_919 = arith.constant 7 : i32
      %shift_left3A_920 = vector.broadcast %shift_left3A_919 : i32 to vector<16xi32>
      %shift_left3A_921 = arith.shli %get3A_918, %shift_left3A_920 : vector<16xi32>
      %or3A_922 = arith.ori %or3A_915, %shift_left3A_921 : vector<16xi32>
      %or3A_923 = arith.ori %or3A_922, %broadcast_in_dim3A : vector<16xi32>
      %swap3A_924 = arith.index_cast %add3A_902 : i32 to index
      %swap3A_925 = tpu.vector_load %arg10[%swap3A_924] {strides = array<i32>} : memref<16384xi32, #tpu.memory_space<vmem>>, vector<16xi32>,
      %swap3A_926 = vector.shape_cast %swap3A_925 : vector<16xi32> to vector<16xi32>
      %swap3A_927 = vector.shape_cast %or3A_923 : vector<16xi32> to vector<16xi32>
      tpu.vector_store %arg10[%swap3A_924], %swap3A_927 {strides = array<i32>} : memref<16384xi32, #tpu.memory_space<vmem>>, vector<16xi32>,
      %mul3A_928 = arith.constant 8 : i32
      %mul3A_929 = arith.muli %scan3A_796, %mul3A_928 : i32
      %add3A_930 = arith.constant 4 : i32
      %add3A_931 = arith.addi %mul3A_929, %add3A_930 : i32
      %mul3A_932 = arith.constant 16 : i32
      %mul3A_933 = arith.muli %add3A_931, %mul3A_932 : i32
      %add3A_934 = arith.constant 2048 : i32
      %add3A_935 = arith.addi %add3A_934, %mul3A_933 : i32
      %get3A_936 = arith.index_cast %add3A_935 : i32 to index
      %get3A_937 = tpu.vector_load %arg7[%get3A_936] {strides = array<i32>} : memref<16384xi32, #tpu.memory_space<vmem>>, vector<16xi32>,
      %get3A_938 = vector.shape_cast %get3A_937 : vector<16xi32> to vector<16xi32>
      %shift_left3A_939 = arith.constant 19 : i32
      %shift_left3A_940 = vector.broadcast %shift_left3A_939 : i32 to vector<16xi32>
      %shift_left3A_941 = arith.shli %get3A_938, %shift_left3A_940 : vector<16xi32>
      %get3A_942 = arith.index_cast %add3A_935 : i32 to index
      %get3A_943 = tpu.vector_load %arg8[%get3A_942] {strides = array<i32>} : memref<16384xi32, #tpu.memory_space<vmem>>, vector<16xi32>,
      %get3A_944 = vector.shape_cast %get3A_943 : vector<16xi32> to vector<16xi32>
      %shift_left3A_945 = arith.constant 13 : i32
      %shift_left3A_946 = vector.broadcast %shift_left3A_945 : i32 to vector<16xi32>
      %shift_left3A_947 = arith.shli %get3A_944, %shift_left3A_946 : vector<16xi32>
      %or3A_948 = arith.ori %shift_left3A_941, %shift_left3A_947 : vector<16xi32>
      %get3A_949 = arith.index_cast %add3A_935 : i32 to index
      %get3A_950 = tpu.vector_load %arg9[%get3A_949] {strides = array<i32>} : memref<16384xi32, #tpu.memory_space<vmem>>, vector<16xi32>,
      %get3A_951 = vector.shape_cast %get3A_950 : vector<16xi32> to vector<16xi32>
      %shift_left3A_952 = arith.constant 7 : i32
      %shift_left3A_953 = vector.broadcast %shift_left3A_952 : i32 to vector<16xi32>
      %shift_left3A_954 = arith.shli %get3A_951, %shift_left3A_953 : vector<16xi32>
      %or3A_955 = arith.ori %or3A_948, %shift_left3A_954 : vector<16xi32>
      %or3A_956 = arith.ori %or3A_955, %broadcast_in_dim3A : vector<16xi32>
      %swap3A_957 = arith.index_cast %add3A_935 : i32 to index
      %swap3A_958 = tpu.vector_load %arg10[%swap3A_957] {strides = array<i32>} : memref<16384xi32, #tpu.memory_space<vmem>>, vector<16xi32>,
      %swap3A_959 = vector.shape_cast %swap3A_958 : vector<16xi32> to vector<16xi32>
      %swap3A_960 = vector.shape_cast %or3A_956 : vector<16xi32> to vector<16xi32>
      tpu.vector_store %arg10[%swap3A_957], %swap3A_960 {strides = array<i32>} : memref<16384xi32, #tpu.memory_space<vmem>>, vector<16xi32>,
      %mul3A_961 = arith.constant 8 : i32
      %mul3A_962 = arith.muli %scan3A_796, %mul3A_961 : i32
      %add3A_963 = arith.constant 5 : i32
      %add3A_964 = arith.addi %mul3A_962, %add3A_963 : i32
      %mul3A_965 = arith.constant 16 : i32
      %mul3A_966 = arith.muli %add3A_964, %mul3A_965 : i32
      %add3A_967 = arith.constant 2048 : i32
      %add3A_968 = arith.addi %add3A_967, %mul3A_966 : i32
      %get3A_969 = arith.index_cast %add3A_968 : i32 to index
      %get3A_970 = tpu.vector_load %arg7[%get3A_969] {strides = array<i32>} : memref<16384xi32, #tpu.memory_space<vmem>>, vector<16xi32>,
      %get3A_971 = vector.shape_cast %get3A_970 : vector<16xi32> to vector<16xi32>
      %shift_left3A_972 = arith.constant 19 : i32
      %shift_left3A_973 = vector.broadcast %shift_left3A_972 : i32 to vector<16xi32>
      %shift_left3A_974 = arith.shli %get3A_971, %shift_left3A_973 : vector<16xi32>
      %get3A_975 = arith.index_cast %add3A_968 : i32 to index
      %get3A_976 = tpu.vector_load %arg8[%get3A_975] {strides = array<i32>} : memref<16384xi32, #tpu.memory_space<vmem>>, vector<16xi32>,
      %get3A_977 = vector.shape_cast %get3A_976 : vector<16xi32> to vector<16xi32>
      %shift_left3A_978 = arith.constant 13 : i32
      %shift_left3A_979 = vector.broadcast %shift_left3A_978 : i32 to vector<16xi32>
      %shift_left3A_980 = arith.shli %get3A_977, %shift_left3A_979 : vector<16xi32>
      %or3A_981 = arith.ori %shift_left3A_974, %shift_left3A_980 : vector<16xi32>
      %get3A_982 = arith.index_cast %add3A_968 : i32 to index
      %get3A_983 = tpu.vector_load %arg9[%get3A_982] {strides = array<i32>} : memref<16384xi32, #tpu.memory_space<vmem>>, vector<16xi32>,
      %get3A_984 = vector.shape_cast %get3A_983 : vector<16xi32> to vector<16xi32>
      %shift_left3A_985 = arith.constant 7 : i32
      %shift_left3A_986 = vector.broadcast %shift_left3A_985 : i32 to vector<16xi32>
      %shift_left3A_987 = arith.shli %get3A_984, %shift_left3A_986 : vector<16xi32>
      %or3A_988 = arith.ori %or3A_981, %shift_left3A_987 : vector<16xi32>
      %or3A_989 = arith.ori %or3A_988, %broadcast_in_dim3A : vector<16xi32>
      %swap3A_990 = arith.index_cast %add3A_968 : i32 to index
      %swap3A_991 = tpu.vector_load %arg10[%swap3A_990] {strides = array<i32>} : memref<16384xi32, #tpu.memory_space<vmem>>, vector<16xi32>,
      %swap3A_992 = vector.shape_cast %swap3A_991 : vector<16xi32> to vector<16xi32>
      %swap3A_993 = vector.shape_cast %or3A_989 : vector<16xi32> to vector<16xi32>
      tpu.vector_store %arg10[%swap3A_990], %swap3A_993 {strides = array<i32>} : memref<16384xi32, #tpu.memory_space<vmem>>, vector<16xi32>,
      %mul3A_994 = arith.constant 8 : i32
      %mul3A_995 = arith.muli %scan3A_796, %mul3A_994 : i32
      %add3A_996 = arith.constant 6 : i32
      %add3A_997 = arith.addi %mul3A_995, %add3A_996 : i32
      %mul3A_998 = arith.constant 16 : i32
      %mul3A_999 = arith.muli %add3A_997, %mul3A_998 : i32
      %add3A_1000 = arith.constant 2048 : i32
      %add3A_1001 = arith.addi %add3A_1000, %mul3A_999 : i32
      %get3A_1002 = arith.index_cast %add3A_1001 : i32 to index
      %get3A_1003 = tpu.vector_load %arg7[%get3A_1002] {strides = array<i32>} : memref<16384xi32, #tpu.memory_space<vmem>>, vector<16xi32>,
      %get3A_1004 = vector.shape_cast %get3A_1003 : vector<16xi32> to vector<16xi32>
      %shift_left3A_1005 = arith.constant 19 : i32
      %shift_left3A_1006 = vector.broadcast %shift_left3A_1005 : i32 to vector<16xi32>
      %shift_left3A_1007 = arith.shli %get3A_1004, %shift_left3A_1006 : vector<16xi32>
      %get3A_1008 = arith.index_cast %add3A_1001 : i32 to index
      %get3A_1009 = tpu.vector_load %arg8[%get3A_1008] {strides = array<i32>} : memref<16384xi32, #tpu.memory_space<vmem>>, vector<16xi32>,
      %get3A_1010 = vector.shape_cast %get3A_1009 : vector<16xi32> to vector<16xi32>
      %shift_left3A_1011 = arith.constant 13 : i32
      %shift_left3A_1012 = vector.broadcast %shift_left3A_1011 : i32 to vector<16xi32>
      %shift_left3A_1013 = arith.shli %get3A_1010, %shift_left3A_1012 : vector<16xi32>
      %or3A_1014 = arith.ori %shift_left3A_1007, %shift_left3A_1013 : vector<16xi32>
      %get3A_1015 = arith.index_cast %add3A_1001 : i32 to index
      %get3A_1016 = tpu.vector_load %arg9[%get3A_1015] {strides = array<i32>} : memref<16384xi32, #tpu.memory_space<vmem>>, vector<16xi32>,
      %get3A_1017 = vector.shape_cast %get3A_1016 : vector<16xi32> to vector<16xi32>
      %shift_left3A_1018 = arith.constant 7 : i32
      %shift_left3A_1019 = vector.broadcast %shift_left3A_1018 : i32 to vector<16xi32>
      %shift_left3A_1020 = arith.shli %get3A_1017, %shift_left3A_1019 : vector<16xi32>
      %or3A_1021 = arith.ori %or3A_1014, %shift_left3A_1020 : vector<16xi32>
      %or3A_1022 = arith.ori %or3A_1021, %broadcast_in_dim3A : vector<16xi32>
      %swap3A_1023 = arith.index_cast %add3A_1001 : i32 to index
      %swap3A_1024 = tpu.vector_load %arg10[%swap3A_1023] {strides = array<i32>} : memref<16384xi32, #tpu.memory_space<vmem>>, vector<16xi32>,
      %swap3A_1025 = vector.shape_cast %swap3A_1024 : vector<16xi32> to vector<16xi32>
      %swap3A_1026 = vector.shape_cast %or3A_1022 : vector<16xi32> to vector<16xi32>
      tpu.vector_store %arg10[%swap3A_1023], %swap3A_1026 {strides = array<i32>} : memref<16384xi32, #tpu.memory_space<vmem>>, vector<16xi32>,
      %mul3A_1027 = arith.constant 8 : i32
      %mul3A_1028 = arith.muli %scan3A_796, %mul3A_1027 : i32
      %add3A_1029 = arith.constant 7 : i32
      %add3A_1030 = arith.addi %mul3A_1028, %add3A_1029 : i32
      %mul3A_1031 = arith.constant 16 : i32
      %mul3A_1032 = arith.muli %add3A_1030, %mul3A_1031 : i32
      %add3A_1033 = arith.constant 2048 : i32
      %add3A_1034 = arith.addi %add3A_1033, %mul3A_1032 : i32
      %get3A_1035 = arith.index_cast %add3A_1034 : i32 to index
      %get3A_1036 = tpu.vector_load %arg7[%get3A_1035] {strides = array<i32>} : memref<16384xi32, #tpu.memory_space<vmem>>, vector<16xi32>,
      %get3A_1037 = vector.shape_cast %get3A_1036 : vector<16xi32> to vector<16xi32>
      %shift_left3A_1038 = arith.constant 19 : i32
      %shift_left3A_1039 = vector.broadcast %shift_left3A_1038 : i32 to vector<16xi32>
      %shift_left3A_1040 = arith.shli %get3A_1037, %shift_left3A_1039 : vector<16xi32>
      %get3A_1041 = arith.index_cast %add3A_1034 : i32 to index
      %get3A_1042 = tpu.vector_load %arg8[%get3A_1041] {strides = array<i32>} : memref<16384xi32, #tpu.memory_space<vmem>>, vector<16xi32>,
      %get3A_1043 = vector.shape_cast %get3A_1042 : vector<16xi32> to vector<16xi32>
      %shift_left3A_1044 = arith.constant 13 : i32
      %shift_left3A_1045 = vector.broadcast %shift_left3A_1044 : i32 to vector<16xi32>
      %shift_left3A_1046 = arith.shli %get3A_1043, %shift_left3A_1045 : vector<16xi32>
      %or3A_1047 = arith.ori %shift_left3A_1040, %shift_left3A_1046 : vector<16xi32>
      %get3A_1048 = arith.index_cast %add3A_1034 : i32 to index
      %get3A_1049 = tpu.vector_load %arg9[%get3A_1048] {strides = array<i32>} : memref<16384xi32, #tpu.memory_space<vmem>>, vector<16xi32>,
      %get3A_1050 = vector.shape_cast %get3A_1049 : vector<16xi32> to vector<16xi32>
      %shift_left3A_1051 = arith.constant 7 : i32
      %shift_left3A_1052 = vector.broadcast %shift_left3A_1051 : i32 to vector<16xi32>
      %shift_left3A_1053 = arith.shli %get3A_1050, %shift_left3A_1052 : vector<16xi32>
      %or3A_1054 = arith.ori %or3A_1047, %shift_left3A_1053 : vector<16xi32>
      %or3A_1055 = arith.ori %or3A_1054, %broadcast_in_dim3A : vector<16xi32>
      %swap3A_1056 = arith.index_cast %add3A_1034 : i32 to index
      %swap3A_1057 = tpu.vector_load %arg10[%swap3A_1056] {strides = array<i32>} : memref<16384xi32, #tpu.memory_space<vmem>>, vector<16xi32>,
      %swap3A_1058 = vector.shape_cast %swap3A_1057 : vector<16xi32> to vector<16xi32>
      %swap3A_1059 = vector.shape_cast %or3A_1055 : vector<16xi32> to vector<16xi32>
      tpu.vector_store %arg10[%swap3A_1056], %swap3A_1059 {strides = array<i32>} : memref<16384xi32, #tpu.memory_space<vmem>>, vector<16xi32>,
      %scan3A_1060 = arith.constant 0 : i32
      scf.yield %scan3A_1060 : i32
    }
    %scan3A_314 = arith.constant 16 : i32
    %dma_start3A_315 = arith.constant 1 : i32
    %dma_start3A_316 = arith.constant 2048 : i32
    %dma_start3A_317 = tpu.memref_slice %arg11[%dma_start3A_316] : memref<16384xf32, #tpu.memory_space<vmem>> -> memref<2048xf32, #tpu.memory_space<vmem>>
    %dma_start3A_318 = arith.constant 2048 : i32
    %dma_start3A_319 = tpu.memref_slice %arg10[%dma_start3A_318] : memref<16384xi32, #tpu.memory_space<vmem>> -> memref<2048xi32, #tpu.memory_space<vmem>>
    %dma_start3A_320 = arith.constant 0 : i32
    %dma_start3A_321 = tpu.memref_slice %arg2[%dma_start3A_320] : memref<33554432xf32, #tpu.memory_space<hbm>> -> memref<33554432xf32, #tpu.memory_space<hbm>>
    %dma_start3A_322 = tpu.memref_slice %arg12[%dma_start3A_315] : memref<8x!tpu.dma_semaphore, #tpu.memory_space<semaphore_mem>> -> memref<1x!tpu.dma_semaphore, #tpu.memory_space<semaphore_mem>>
    %dma_start3A_323 = tpu.memref_squeeze %dma_start3A_322 : memref<1x!tpu.dma_semaphore, #tpu.memory_space<semaphore_mem>> -> memref<!tpu.dma_semaphore, #tpu.memory_space<semaphore_mem>>
    tpu.enqueue_indirect_dma source(%dma_start3A_321 : memref<33554432xf32, #tpu.memory_space<hbm>>) target(%dma_start3A_317 : memref<2048xf32, #tpu.memory_space<vmem>>) offsets(%dma_start3A_319 : memref<2048xi32, #tpu.memory_space<vmem>>) semaphore(%dma_start3A_323 : memref<!tpu.dma_semaphore, #tpu.memory_space<semaphore_mem>>)
    %dma_wait3A_324 = arith.constant 4096 : i32
    %dma_wait3A_325 = tpu.memref_slice %arg7[%dma_wait3A_324] : memref<16384xi32, #tpu.memory_space<vmem>> -> memref<2048xi32, #tpu.memory_space<vmem>>
    %dma_wait3A_326 = tpu.memref_slice %arg3[%mul3A_6, %mul3A_4] : memref<128x4096xi32, #tpu.memory_space<hbm>> -> memref<1x2048xi32, #tpu.memory_space<hbm>>
    %dma_wait3A_327 = tpu.memref_squeeze %dma_wait3A_326 : memref<1x2048xi32, #tpu.memory_space<hbm>> -> memref<2048xi32, #tpu.memory_space<hbm>>
    %dma_wait3A_328 = arith.constant 4096 : i32
    %dma_wait3A_329 = tpu.memref_slice %arg7[%dma_wait3A_328] : memref<16384xi32, #tpu.memory_space<vmem>> -> memref<2048xi32, #tpu.memory_space<vmem>>
    %dma_wait3A_330 = tpu.memref_slice %arg3[%mul3A_6, %mul3A_4] : memref<128x4096xi32, #tpu.memory_space<hbm>> -> memref<1x2048xi32, #tpu.memory_space<hbm>>
    %dma_wait3A_331 = tpu.memref_squeeze %dma_wait3A_330 : memref<1x2048xi32, #tpu.memory_space<hbm>> -> memref<2048xi32, #tpu.memory_space<hbm>>
    tpu.wait_dma2 semaphore(%arg13 : memref<!tpu.dma_semaphore, #tpu.memory_space<semaphore_mem>>) src(%dma_wait3A_331 : memref<2048xi32, #tpu.memory_space<hbm>>) dst(%dma_wait3A_329 : memref<2048xi32, #tpu.memory_space<vmem>>)
    %dma_wait3A_332 = arith.constant 4096 : i32
    %dma_wait3A_333 = tpu.memref_slice %arg8[%dma_wait3A_332] : memref<16384xi32, #tpu.memory_space<vmem>> -> memref<2048xi32, #tpu.memory_space<vmem>>
    %dma_wait3A_334 = tpu.memref_slice %arg3[%mul3A_6, %mul3A_4] : memref<128x4096xi32, #tpu.memory_space<hbm>> -> memref<1x2048xi32, #tpu.memory_space<hbm>>
    %dma_wait3A_335 = tpu.memref_squeeze %dma_wait3A_334 : memref<1x2048xi32, #tpu.memory_space<hbm>> -> memref<2048xi32, #tpu.memory_space<hbm>>
    %dma_wait3A_336 = arith.constant 4096 : i32
    %dma_wait3A_337 = tpu.memref_slice %arg8[%dma_wait3A_336] : memref<16384xi32, #tpu.memory_space<vmem>> -> memref<2048xi32, #tpu.memory_space<vmem>>
    %dma_wait3A_338 = tpu.memref_slice %arg3[%mul3A_6, %mul3A_4] : memref<128x4096xi32, #tpu.memory_space<hbm>> -> memref<1x2048xi32, #tpu.memory_space<hbm>>
    %dma_wait3A_339 = tpu.memref_squeeze %dma_wait3A_338 : memref<1x2048xi32, #tpu.memory_space<hbm>> -> memref<2048xi32, #tpu.memory_space<hbm>>
    tpu.wait_dma2 semaphore(%arg13 : memref<!tpu.dma_semaphore, #tpu.memory_space<semaphore_mem>>) src(%dma_wait3A_339 : memref<2048xi32, #tpu.memory_space<hbm>>) dst(%dma_wait3A_337 : memref<2048xi32, #tpu.memory_space<vmem>>)
    %dma_wait3A_340 = arith.constant 4096 : i32
    %dma_wait3A_341 = tpu.memref_slice %arg9[%dma_wait3A_340] : memref<16384xi32, #tpu.memory_space<vmem>> -> memref<2048xi32, #tpu.memory_space<vmem>>
    %dma_wait3A_342 = tpu.memref_slice %arg3[%mul3A_6, %mul3A_4] : memref<128x4096xi32, #tpu.memory_space<hbm>> -> memref<1x2048xi32, #tpu.memory_space<hbm>>
    %dma_wait3A_343 = tpu.memref_squeeze %dma_wait3A_342 : memref<1x2048xi32, #tpu.memory_space<hbm>> -> memref<2048xi32, #tpu.memory_space<hbm>>
    %dma_wait3A_344 = arith.constant 4096 : i32
    %dma_wait3A_345 = tpu.memref_slice %arg9[%dma_wait3A_344] : memref<16384xi32, #tpu.memory_space<vmem>> -> memref<2048xi32, #tpu.memory_space<vmem>>
    %dma_wait3A_346 = tpu.memref_slice %arg3[%mul3A_6, %mul3A_4] : memref<128x4096xi32, #tpu.memory_space<hbm>> -> memref<1x2048xi32, #tpu.memory_space<hbm>>
    %dma_wait3A_347 = tpu.memref_squeeze %dma_wait3A_346 : memref<1x2048xi32, #tpu.memory_space<hbm>> -> memref<2048xi32, #tpu.memory_space<hbm>>
    tpu.wait_dma2 semaphore(%arg13 : memref<!tpu.dma_semaphore, #tpu.memory_space<semaphore_mem>>) src(%dma_wait3A_347 : memref<2048xi32, #tpu.memory_space<hbm>>) dst(%dma_wait3A_345 : memref<2048xi32, #tpu.memory_space<vmem>>)
    %scan3A_348 = arith.constant 0 : i32
    %scan3A_349 = arith.constant 0 : i32
    %scan3A_350 = arith.constant 16 : i32
    %scan3A_351 = arith.addi %scan3A_349, %scan3A_350 : i32
    %scan3A_352 = arith.constant 1 : i32
    %scan3A_353 = scf.for %scan3A_796 = %scan3A_349 to %scan3A_351 step %scan3A_352 iter_args(%scan3A_797 = %scan3A_348) -> (i32)  : i32 {
      %add3A_798 = arith.constant 2 : i32
      %add3A_799 = arith.addi %mul3A_6, %add3A_798 : i32
      %broadcast_in_dim3A = vector.broadcast %add3A_799 : i32 to vector<16xi32>
      %mul3A_800 = arith.constant 8 : i32
      %mul3A_801 = arith.muli %scan3A_796, %mul3A_800 : i32
      %add3A_802 = arith.constant 0 : i32
      %add3A_803 = arith.addi %mul3A_801, %add3A_802 : i32
      %mul3A_804 = arith.constant 16 : i32
      %mul3A_805 = arith.muli %add3A_803, %mul3A_804 : i32
      %add3A_806 = arith.constant 4096 : i32
      %add3A_807 = arith.addi %add3A_806, %mul3A_805 : i32
      %get3A = arith.index_cast %add3A_807 : i32 to index
      %get3A_808 = tpu.vector_load %arg7[%get3A] {strides = array<i32>} : memref<16384xi32, #tpu.memory_space<vmem>>, vector<16xi32>,
      %get3A_809 = vector.shape_cast %get3A_808 : vector<16xi32> to vector<16xi32>
      %shift_left3A = arith.constant 19 : i32
      %shift_left3A_810 = vector.broadcast %shift_left3A : i32 to vector<16xi32>
      %shift_left3A_811 = arith.shli %get3A_809, %shift_left3A_810 : vector<16xi32>
      %get3A_812 = arith.index_cast %add3A_807 : i32 to index
      %get3A_813 = tpu.vector_load %arg8[%get3A_812] {strides = array<i32>} : memref<16384xi32, #tpu.memory_space<vmem>>, vector<16xi32>,
      %get3A_814 = vector.shape_cast %get3A_813 : vector<16xi32> to vector<16xi32>
      %shift_left3A_815 = arith.constant 13 : i32
      %shift_left3A_816 = vector.broadcast %shift_left3A_815 : i32 to vector<16xi32>
      %shift_left3A_817 = arith.shli %get3A_814, %shift_left3A_816 : vector<16xi32>
      %or3A = arith.ori %shift_left3A_811, %shift_left3A_817 : vector<16xi32>
      %get3A_818 = arith.index_cast %add3A_807 : i32 to index
      %get3A_819 = tpu.vector_load %arg9[%get3A_818] {strides = array<i32>} : memref<16384xi32, #tpu.memory_space<vmem>>, vector<16xi32>,
      %get3A_820 = vector.shape_cast %get3A_819 : vector<16xi32> to vector<16xi32>
      %shift_left3A_821 = arith.constant 7 : i32
      %shift_left3A_822 = vector.broadcast %shift_left3A_821 : i32 to vector<16xi32>
      %shift_left3A_823 = arith.shli %get3A_820, %shift_left3A_822 : vector<16xi32>
      %or3A_824 = arith.ori %or3A, %shift_left3A_823 : vector<16xi32>
      %or3A_825 = arith.ori %or3A_824, %broadcast_in_dim3A : vector<16xi32>
      %swap3A = arith.index_cast %add3A_807 : i32 to index
      %swap3A_826 = tpu.vector_load %arg10[%swap3A] {strides = array<i32>} : memref<16384xi32, #tpu.memory_space<vmem>>, vector<16xi32>,
      %swap3A_827 = vector.shape_cast %swap3A_826 : vector<16xi32> to vector<16xi32>
      %swap3A_828 = vector.shape_cast %or3A_825 : vector<16xi32> to vector<16xi32>
      tpu.vector_store %arg10[%swap3A], %swap3A_828 {strides = array<i32>} : memref<16384xi32, #tpu.memory_space<vmem>>, vector<16xi32>,
      %mul3A_829 = arith.constant 8 : i32
      %mul3A_830 = arith.muli %scan3A_796, %mul3A_829 : i32
      %add3A_831 = arith.constant 1 : i32
      %add3A_832 = arith.addi %mul3A_830, %add3A_831 : i32
      %mul3A_833 = arith.constant 16 : i32
      %mul3A_834 = arith.muli %add3A_832, %mul3A_833 : i32
      %add3A_835 = arith.constant 4096 : i32
      %add3A_836 = arith.addi %add3A_835, %mul3A_834 : i32
      %get3A_837 = arith.index_cast %add3A_836 : i32 to index
      %get3A_838 = tpu.vector_load %arg7[%get3A_837] {strides = array<i32>} : memref<16384xi32, #tpu.memory_space<vmem>>, vector<16xi32>,
      %get3A_839 = vector.shape_cast %get3A_838 : vector<16xi32> to vector<16xi32>
      %shift_left3A_840 = arith.constant 19 : i32
      %shift_left3A_841 = vector.broadcast %shift_left3A_840 : i32 to vector<16xi32>
      %shift_left3A_842 = arith.shli %get3A_839, %shift_left3A_841 : vector<16xi32>
      %get3A_843 = arith.index_cast %add3A_836 : i32 to index
      %get3A_844 = tpu.vector_load %arg8[%get3A_843] {strides = array<i32>} : memref<16384xi32, #tpu.memory_space<vmem>>, vector<16xi32>,
      %get3A_845 = vector.shape_cast %get3A_844 : vector<16xi32> to vector<16xi32>
      %shift_left3A_846 = arith.constant 13 : i32
      %shift_left3A_847 = vector.broadcast %shift_left3A_846 : i32 to vector<16xi32>
      %shift_left3A_848 = arith.shli %get3A_845, %shift_left3A_847 : vector<16xi32>
      %or3A_849 = arith.ori %shift_left3A_842, %shift_left3A_848 : vector<16xi32>
      %get3A_850 = arith.index_cast %add3A_836 : i32 to index
      %get3A_851 = tpu.vector_load %arg9[%get3A_850] {strides = array<i32>} : memref<16384xi32, #tpu.memory_space<vmem>>, vector<16xi32>,
      %get3A_852 = vector.shape_cast %get3A_851 : vector<16xi32> to vector<16xi32>
      %shift_left3A_853 = arith.constant 7 : i32
      %shift_left3A_854 = vector.broadcast %shift_left3A_853 : i32 to vector<16xi32>
      %shift_left3A_855 = arith.shli %get3A_852, %shift_left3A_854 : vector<16xi32>
      %or3A_856 = arith.ori %or3A_849, %shift_left3A_855 : vector<16xi32>
      %or3A_857 = arith.ori %or3A_856, %broadcast_in_dim3A : vector<16xi32>
      %swap3A_858 = arith.index_cast %add3A_836 : i32 to index
      %swap3A_859 = tpu.vector_load %arg10[%swap3A_858] {strides = array<i32>} : memref<16384xi32, #tpu.memory_space<vmem>>, vector<16xi32>,
      %swap3A_860 = vector.shape_cast %swap3A_859 : vector<16xi32> to vector<16xi32>
      %swap3A_861 = vector.shape_cast %or3A_857 : vector<16xi32> to vector<16xi32>
      tpu.vector_store %arg10[%swap3A_858], %swap3A_861 {strides = array<i32>} : memref<16384xi32, #tpu.memory_space<vmem>>, vector<16xi32>,
      %mul3A_862 = arith.constant 8 : i32
      %mul3A_863 = arith.muli %scan3A_796, %mul3A_862 : i32
      %add3A_864 = arith.constant 2 : i32
      %add3A_865 = arith.addi %mul3A_863, %add3A_864 : i32
      %mul3A_866 = arith.constant 16 : i32
      %mul3A_867 = arith.muli %add3A_865, %mul3A_866 : i32
      %add3A_868 = arith.constant 4096 : i32
      %add3A_869 = arith.addi %add3A_868, %mul3A_867 : i32
      %get3A_870 = arith.index_cast %add3A_869 : i32 to index
      %get3A_871 = tpu.vector_load %arg7[%get3A_870] {strides = array<i32>} : memref<16384xi32, #tpu.memory_space<vmem>>, vector<16xi32>,
      %get3A_872 = vector.shape_cast %get3A_871 : vector<16xi32> to vector<16xi32>
      %shift_left3A_873 = arith.constant 19 : i32
      %shift_left3A_874 = vector.broadcast %shift_left3A_873 : i32 to vector<16xi32>
      %shift_left3A_875 = arith.shli %get3A_872, %shift_left3A_874 : vector<16xi32>
      %get3A_876 = arith.index_cast %add3A_869 : i32 to index
      %get3A_877 = tpu.vector_load %arg8[%get3A_876] {strides = array<i32>} : memref<16384xi32, #tpu.memory_space<vmem>>, vector<16xi32>,
      %get3A_878 = vector.shape_cast %get3A_877 : vector<16xi32> to vector<16xi32>
      %shift_left3A_879 = arith.constant 13 : i32
      %shift_left3A_880 = vector.broadcast %shift_left3A_879 : i32 to vector<16xi32>
      %shift_left3A_881 = arith.shli %get3A_878, %shift_left3A_880 : vector<16xi32>
      %or3A_882 = arith.ori %shift_left3A_875, %shift_left3A_881 : vector<16xi32>
      %get3A_883 = arith.index_cast %add3A_869 : i32 to index
      %get3A_884 = tpu.vector_load %arg9[%get3A_883] {strides = array<i32>} : memref<16384xi32, #tpu.memory_space<vmem>>, vector<16xi32>,
      %get3A_885 = vector.shape_cast %get3A_884 : vector<16xi32> to vector<16xi32>
      %shift_left3A_886 = arith.constant 7 : i32
      %shift_left3A_887 = vector.broadcast %shift_left3A_886 : i32 to vector<16xi32>
      %shift_left3A_888 = arith.shli %get3A_885, %shift_left3A_887 : vector<16xi32>
      %or3A_889 = arith.ori %or3A_882, %shift_left3A_888 : vector<16xi32>
      %or3A_890 = arith.ori %or3A_889, %broadcast_in_dim3A : vector<16xi32>
      %swap3A_891 = arith.index_cast %add3A_869 : i32 to index
      %swap3A_892 = tpu.vector_load %arg10[%swap3A_891] {strides = array<i32>} : memref<16384xi32, #tpu.memory_space<vmem>>, vector<16xi32>,
      %swap3A_893 = vector.shape_cast %swap3A_892 : vector<16xi32> to vector<16xi32>
      %swap3A_894 = vector.shape_cast %or3A_890 : vector<16xi32> to vector<16xi32>
      tpu.vector_store %arg10[%swap3A_891], %swap3A_894 {strides = array<i32>} : memref<16384xi32, #tpu.memory_space<vmem>>, vector<16xi32>,
      %mul3A_895 = arith.constant 8 : i32
      %mul3A_896 = arith.muli %scan3A_796, %mul3A_895 : i32
      %add3A_897 = arith.constant 3 : i32
      %add3A_898 = arith.addi %mul3A_896, %add3A_897 : i32
      %mul3A_899 = arith.constant 16 : i32
      %mul3A_900 = arith.muli %add3A_898, %mul3A_899 : i32
      %add3A_901 = arith.constant 4096 : i32
      %add3A_902 = arith.addi %add3A_901, %mul3A_900 : i32
      %get3A_903 = arith.index_cast %add3A_902 : i32 to index
      %get3A_904 = tpu.vector_load %arg7[%get3A_903] {strides = array<i32>} : memref<16384xi32, #tpu.memory_space<vmem>>, vector<16xi32>,
      %get3A_905 = vector.shape_cast %get3A_904 : vector<16xi32> to vector<16xi32>
      %shift_left3A_906 = arith.constant 19 : i32
      %shift_left3A_907 = vector.broadcast %shift_left3A_906 : i32 to vector<16xi32>
      %shift_left3A_908 = arith.shli %get3A_905, %shift_left3A_907 : vector<16xi32>
      %get3A_909 = arith.index_cast %add3A_902 : i32 to index
      %get3A_910 = tpu.vector_load %arg8[%get3A_909] {strides = array<i32>} : memref<16384xi32, #tpu.memory_space<vmem>>, vector<16xi32>,
      %get3A_911 = vector.shape_cast %get3A_910 : vector<16xi32> to vector<16xi32>
      %shift_left3A_912 = arith.constant 13 : i32
      %shift_left3A_913 = vector.broadcast %shift_left3A_912 : i32 to vector<16xi32>
      %shift_left3A_914 = arith.shli %get3A_911, %shift_left3A_913 : vector<16xi32>
      %or3A_915 = arith.ori %shift_left3A_908, %shift_left3A_914 : vector<16xi32>
      %get3A_916 = arith.index_cast %add3A_902 : i32 to index
      %get3A_917 = tpu.vector_load %arg9[%get3A_916] {strides = array<i32>} : memref<16384xi32, #tpu.memory_space<vmem>>, vector<16xi32>,
      %get3A_918 = vector.shape_cast %get3A_917 : vector<16xi32> to vector<16xi32>
      %shift_left3A_919 = arith.constant 7 : i32
      %shift_left3A_920 = vector.broadcast %shift_left3A_919 : i32 to vector<16xi32>
      %shift_left3A_921 = arith.shli %get3A_918, %shift_left3A_920 : vector<16xi32>
      %or3A_922 = arith.ori %or3A_915, %shift_left3A_921 : vector<16xi32>
      %or3A_923 = arith.ori %or3A_922, %broadcast_in_dim3A : vector<16xi32>
      %swap3A_924 = arith.index_cast %add3A_902 : i32 to index
      %swap3A_925 = tpu.vector_load %arg10[%swap3A_924] {strides = array<i32>} : memref<16384xi32, #tpu.memory_space<vmem>>, vector<16xi32>,
      %swap3A_926 = vector.shape_cast %swap3A_925 : vector<16xi32> to vector<16xi32>
      %swap3A_927 = vector.shape_cast %or3A_923 : vector<16xi32> to vector<16xi32>
      tpu.vector_store %arg10[%swap3A_924], %swap3A_927 {strides = array<i32>} : memref<16384xi32, #tpu.memory_space<vmem>>, vector<16xi32>,
      %mul3A_928 = arith.constant 8 : i32
      %mul3A_929 = arith.muli %scan3A_796, %mul3A_928 : i32
      %add3A_930 = arith.constant 4 : i32
      %add3A_931 = arith.addi %mul3A_929, %add3A_930 : i32
      %mul3A_932 = arith.constant 16 : i32
      %mul3A_933 = arith.muli %add3A_931, %mul3A_932 : i32
      %add3A_934 = arith.constant 4096 : i32
      %add3A_935 = arith.addi %add3A_934, %mul3A_933 : i32
      %get3A_936 = arith.index_cast %add3A_935 : i32 to index
      %get3A_937 = tpu.vector_load %arg7[%get3A_936] {strides = array<i32>} : memref<16384xi32, #tpu.memory_space<vmem>>, vector<16xi32>,
      %get3A_938 = vector.shape_cast %get3A_937 : vector<16xi32> to vector<16xi32>
      %shift_left3A_939 = arith.constant 19 : i32
      %shift_left3A_940 = vector.broadcast %shift_left3A_939 : i32 to vector<16xi32>
      %shift_left3A_941 = arith.shli %get3A_938, %shift_left3A_940 : vector<16xi32>
      %get3A_942 = arith.index_cast %add3A_935 : i32 to index
      %get3A_943 = tpu.vector_load %arg8[%get3A_942] {strides = array<i32>} : memref<16384xi32, #tpu.memory_space<vmem>>, vector<16xi32>,
      %get3A_944 = vector.shape_cast %get3A_943 : vector<16xi32> to vector<16xi32>
      %shift_left3A_945 = arith.constant 13 : i32
      %shift_left3A_946 = vector.broadcast %shift_left3A_945 : i32 to vector<16xi32>
      %shift_left3A_947 = arith.shli %get3A_944, %shift_left3A_946 : vector<16xi32>
      %or3A_948 = arith.ori %shift_left3A_941, %shift_left3A_947 : vector<16xi32>
      %get3A_949 = arith.index_cast %add3A_935 : i32 to index
      %get3A_950 = tpu.vector_load %arg9[%get3A_949] {strides = array<i32>} : memref<16384xi32, #tpu.memory_space<vmem>>, vector<16xi32>,
      %get3A_951 = vector.shape_cast %get3A_950 : vector<16xi32> to vector<16xi32>
      %shift_left3A_952 = arith.constant 7 : i32
      %shift_left3A_953 = vector.broadcast %shift_left3A_952 : i32 to vector<16xi32>
      %shift_left3A_954 = arith.shli %get3A_951, %shift_left3A_953 : vector<16xi32>
      %or3A_955 = arith.ori %or3A_948, %shift_left3A_954 : vector<16xi32>
      %or3A_956 = arith.ori %or3A_955, %broadcast_in_dim3A : vector<16xi32>
      %swap3A_957 = arith.index_cast %add3A_935 : i32 to index
      %swap3A_958 = tpu.vector_load %arg10[%swap3A_957] {strides = array<i32>} : memref<16384xi32, #tpu.memory_space<vmem>>, vector<16xi32>,
      %swap3A_959 = vector.shape_cast %swap3A_958 : vector<16xi32> to vector<16xi32>
      %swap3A_960 = vector.shape_cast %or3A_956 : vector<16xi32> to vector<16xi32>
      tpu.vector_store %arg10[%swap3A_957], %swap3A_960 {strides = array<i32>} : memref<16384xi32, #tpu.memory_space<vmem>>, vector<16xi32>,
      %mul3A_961 = arith.constant 8 : i32
      %mul3A_962 = arith.muli %scan3A_796, %mul3A_961 : i32
      %add3A_963 = arith.constant 5 : i32
      %add3A_964 = arith.addi %mul3A_962, %add3A_963 : i32
      %mul3A_965 = arith.constant 16 : i32
      %mul3A_966 = arith.muli %add3A_964, %mul3A_965 : i32
      %add3A_967 = arith.constant 4096 : i32
      %add3A_968 = arith.addi %add3A_967, %mul3A_966 : i32
      %get3A_969 = arith.index_cast %add3A_968 : i32 to index
      %get3A_970 = tpu.vector_load %arg7[%get3A_969] {strides = array<i32>} : memref<16384xi32, #tpu.memory_space<vmem>>, vector<16xi32>,
      %get3A_971 = vector.shape_cast %get3A_970 : vector<16xi32> to vector<16xi32>
      %shift_left3A_972 = arith.constant 19 : i32
      %shift_left3A_973 = vector.broadcast %shift_left3A_972 : i32 to vector<16xi32>
      %shift_left3A_974 = arith.shli %get3A_971, %shift_left3A_973 : vector<16xi32>
      %get3A_975 = arith.index_cast %add3A_968 : i32 to index
      %get3A_976 = tpu.vector_load %arg8[%get3A_975] {strides = array<i32>} : memref<16384xi32, #tpu.memory_space<vmem>>, vector<16xi32>,
      %get3A_977 = vector.shape_cast %get3A_976 : vector<16xi32> to vector<16xi32>
      %shift_left3A_978 = arith.constant 13 : i32
      %shift_left3A_979 = vector.broadcast %shift_left3A_978 : i32 to vector<16xi32>
      %shift_left3A_980 = arith.shli %get3A_977, %shift_left3A_979 : vector<16xi32>
      %or3A_981 = arith.ori %shift_left3A_974, %shift_left3A_980 : vector<16xi32>
      %get3A_982 = arith.index_cast %add3A_968 : i32 to index
      %get3A_983 = tpu.vector_load %arg9[%get3A_982] {strides = array<i32>} : memref<16384xi32, #tpu.memory_space<vmem>>, vector<16xi32>,
      %get3A_984 = vector.shape_cast %get3A_983 : vector<16xi32> to vector<16xi32>
      %shift_left3A_985 = arith.constant 7 : i32
      %shift_left3A_986 = vector.broadcast %shift_left3A_985 : i32 to vector<16xi32>
      %shift_left3A_987 = arith.shli %get3A_984, %shift_left3A_986 : vector<16xi32>
      %or3A_988 = arith.ori %or3A_981, %shift_left3A_987 : vector<16xi32>
      %or3A_989 = arith.ori %or3A_988, %broadcast_in_dim3A : vector<16xi32>
      %swap3A_990 = arith.index_cast %add3A_968 : i32 to index
      %swap3A_991 = tpu.vector_load %arg10[%swap3A_990] {strides = array<i32>} : memref<16384xi32, #tpu.memory_space<vmem>>, vector<16xi32>,
      %swap3A_992 = vector.shape_cast %swap3A_991 : vector<16xi32> to vector<16xi32>
      %swap3A_993 = vector.shape_cast %or3A_989 : vector<16xi32> to vector<16xi32>
      tpu.vector_store %arg10[%swap3A_990], %swap3A_993 {strides = array<i32>} : memref<16384xi32, #tpu.memory_space<vmem>>, vector<16xi32>,
      %mul3A_994 = arith.constant 8 : i32
      %mul3A_995 = arith.muli %scan3A_796, %mul3A_994 : i32
      %add3A_996 = arith.constant 6 : i32
      %add3A_997 = arith.addi %mul3A_995, %add3A_996 : i32
      %mul3A_998 = arith.constant 16 : i32
      %mul3A_999 = arith.muli %add3A_997, %mul3A_998 : i32
      %add3A_1000 = arith.constant 4096 : i32
      %add3A_1001 = arith.addi %add3A_1000, %mul3A_999 : i32
      %get3A_1002 = arith.index_cast %add3A_1001 : i32 to index
      %get3A_1003 = tpu.vector_load %arg7[%get3A_1002] {strides = array<i32>} : memref<16384xi32, #tpu.memory_space<vmem>>, vector<16xi32>,
      %get3A_1004 = vector.shape_cast %get3A_1003 : vector<16xi32> to vector<16xi32>
      %shift_left3A_1005 = arith.constant 19 : i32
      %shift_left3A_1006 = vector.broadcast %shift_left3A_1005 : i32 to vector<16xi32>
      %shift_left3A_1007 = arith.shli %get3A_1004, %shift_left3A_1006 : vector<16xi32>
      %get3A_1008 = arith.index_cast %add3A_1001 : i32 to index
      %get3A_1009 = tpu.vector_load %arg8[%get3A_1008] {strides = array<i32>} : memref<16384xi32, #tpu.memory_space<vmem>>, vector<16xi32>,
      %get3A_1010 = vector.shape_cast %get3A_1009 : vector<16xi32> to vector<16xi32>
      %shift_left3A_1011 = arith.constant 13 : i32
      %shift_left3A_1012 = vector.broadcast %shift_left3A_1011 : i32 to vector<16xi32>
      %shift_left3A_1013 = arith.shli %get3A_1010, %shift_left3A_1012 : vector<16xi32>
      %or3A_1014 = arith.ori %shift_left3A_1007, %shift_left3A_1013 : vector<16xi32>
      %get3A_1015 = arith.index_cast %add3A_1001 : i32 to index
      %get3A_1016 = tpu.vector_load %arg9[%get3A_1015] {strides = array<i32>} : memref<16384xi32, #tpu.memory_space<vmem>>, vector<16xi32>,
      %get3A_1017 = vector.shape_cast %get3A_1016 : vector<16xi32> to vector<16xi32>
      %shift_left3A_1018 = arith.constant 7 : i32
      %shift_left3A_1019 = vector.broadcast %shift_left3A_1018 : i32 to vector<16xi32>
      %shift_left3A_1020 = arith.shli %get3A_1017, %shift_left3A_1019 : vector<16xi32>
      %or3A_1021 = arith.ori %or3A_1014, %shift_left3A_1020 : vector<16xi32>
      %or3A_1022 = arith.ori %or3A_1021, %broadcast_in_dim3A : vector<16xi32>
      %swap3A_1023 = arith.index_cast %add3A_1001 : i32 to index
      %swap3A_1024 = tpu.vector_load %arg10[%swap3A_1023] {strides = array<i32>} : memref<16384xi32, #tpu.memory_space<vmem>>, vector<16xi32>,
      %swap3A_1025 = vector.shape_cast %swap3A_1024 : vector<16xi32> to vector<16xi32>
      %swap3A_1026 = vector.shape_cast %or3A_1022 : vector<16xi32> to vector<16xi32>
      tpu.vector_store %arg10[%swap3A_1023], %swap3A_1026 {strides = array<i32>} : memref<16384xi32, #tpu.memory_space<vmem>>, vector<16xi32>,
      %mul3A_1027 = arith.constant 8 : i32
      %mul3A_1028 = arith.muli %scan3A_796, %mul3A_1027 : i32
      %add3A_1029 = arith.constant 7 : i32
      %add3A_1030 = arith.addi %mul3A_1028, %add3A_1029 : i32
      %mul3A_1031 = arith.constant 16 : i32
      %mul3A_1032 = arith.muli %add3A_1030, %mul3A_1031 : i32
      %add3A_1033 = arith.constant 4096 : i32
      %add3A_1034 = arith.addi %add3A_1033, %mul3A_1032 : i32
      %get3A_1035 = arith.index_cast %add3A_1034 : i32 to index
      %get3A_1036 = tpu.vector_load %arg7[%get3A_1035] {strides = array<i32>} : memref<16384xi32, #tpu.memory_space<vmem>>, vector<16xi32>,
      %get3A_1037 = vector.shape_cast %get3A_1036 : vector<16xi32> to vector<16xi32>
      %shift_left3A_1038 = arith.constant 19 : i32
      %shift_left3A_1039 = vector.broadcast %shift_left3A_1038 : i32 to vector<16xi32>
      %shift_left3A_1040 = arith.shli %get3A_1037, %shift_left3A_1039 : vector<16xi32>
      %get3A_1041 = arith.index_cast %add3A_1034 : i32 to index
      %get3A_1042 = tpu.vector_load %arg8[%get3A_1041] {strides = array<i32>} : memref<16384xi32, #tpu.memory_space<vmem>>, vector<16xi32>,
      %get3A_1043 = vector.shape_cast %get3A_1042 : vector<16xi32> to vector<16xi32>
      %shift_left3A_1044 = arith.constant 13 : i32
      %shift_left3A_1045 = vector.broadcast %shift_left3A_1044 : i32 to vector<16xi32>
      %shift_left3A_1046 = arith.shli %get3A_1043, %shift_left3A_1045 : vector<16xi32>
      %or3A_1047 = arith.ori %shift_left3A_1040, %shift_left3A_1046 : vector<16xi32>
      %get3A_1048 = arith.index_cast %add3A_1034 : i32 to index
      %get3A_1049 = tpu.vector_load %arg9[%get3A_1048] {strides = array<i32>} : memref<16384xi32, #tpu.memory_space<vmem>>, vector<16xi32>,
      %get3A_1050 = vector.shape_cast %get3A_1049 : vector<16xi32> to vector<16xi32>
      %shift_left3A_1051 = arith.constant 7 : i32
      %shift_left3A_1052 = vector.broadcast %shift_left3A_1051 : i32 to vector<16xi32>
      %shift_left3A_1053 = arith.shli %get3A_1050, %shift_left3A_1052 : vector<16xi32>
      %or3A_1054 = arith.ori %or3A_1047, %shift_left3A_1053 : vector<16xi32>
      %or3A_1055 = arith.ori %or3A_1054, %broadcast_in_dim3A : vector<16xi32>
      %swap3A_1056 = arith.index_cast %add3A_1034 : i32 to index
      %swap3A_1057 = tpu.vector_load %arg10[%swap3A_1056] {strides = array<i32>} : memref<16384xi32, #tpu.memory_space<vmem>>, vector<16xi32>,
      %swap3A_1058 = vector.shape_cast %swap3A_1057 : vector<16xi32> to vector<16xi32>
      %swap3A_1059 = vector.shape_cast %or3A_1055 : vector<16xi32> to vector<16xi32>
      tpu.vector_store %arg10[%swap3A_1056], %swap3A_1059 {strides = array<i32>} : memref<16384xi32, #tpu.memory_space<vmem>>, vector<16xi32>,
      %scan3A_1060 = arith.constant 0 : i32
      scf.yield %scan3A_1060 : i32
    }
    %scan3A_354 = arith.constant 16 : i32
    %dma_start3A_355 = arith.constant 2 : i32
    %dma_start3A_356 = arith.constant 4096 : i32
    %dma_start3A_357 = tpu.memref_slice %arg11[%dma_start3A_356] : memref<16384xf32, #tpu.memory_space<vmem>> -> memref<2048xf32, #tpu.memory_space<vmem>>
    %dma_start3A_358 = arith.constant 4096 : i32
    %dma_start3A_359 = tpu.memref_slice %arg10[%dma_start3A_358] : memref<16384xi32, #tpu.memory_space<vmem>> -> memref<2048xi32, #tpu.memory_space<vmem>>
    %dma_start3A_360 = arith.constant 0 : i32
    %dma_start3A_361 = tpu.memref_slice %arg2[%dma_start3A_360] : memref<33554432xf32, #tpu.memory_space<hbm>> -> memref<33554432xf32, #tpu.memory_space<hbm>>
    %dma_start3A_362 = tpu.memref_slice %arg12[%dma_start3A_355] : memref<8x!tpu.dma_semaphore, #tpu.memory_space<semaphore_mem>> -> memref<1x!tpu.dma_semaphore, #tpu.memory_space<semaphore_mem>>
    %dma_start3A_363 = tpu.memref_squeeze %dma_start3A_362 : memref<1x!tpu.dma_semaphore, #tpu.memory_space<semaphore_mem>> -> memref<!tpu.dma_semaphore, #tpu.memory_space<semaphore_mem>>
    tpu.enqueue_indirect_dma source(%dma_start3A_361 : memref<33554432xf32, #tpu.memory_space<hbm>>) target(%dma_start3A_357 : memref<2048xf32, #tpu.memory_space<vmem>>) offsets(%dma_start3A_359 : memref<2048xi32, #tpu.memory_space<vmem>>) semaphore(%dma_start3A_363 : memref<!tpu.dma_semaphore, #tpu.memory_space<semaphore_mem>>)
    %dma_wait3A_364 = arith.constant 6144 : i32
    %dma_wait3A_365 = tpu.memref_slice %arg7[%dma_wait3A_364] : memref<16384xi32, #tpu.memory_space<vmem>> -> memref<2048xi32, #tpu.memory_space<vmem>>
    %dma_wait3A_366 = tpu.memref_slice %arg3[%mul3A_6, %mul3A_4] : memref<128x4096xi32, #tpu.memory_space<hbm>> -> memref<1x2048xi32, #tpu.memory_space<hbm>>
    %dma_wait3A_367 = tpu.memref_squeeze %dma_wait3A_366 : memref<1x2048xi32, #tpu.memory_space<hbm>> -> memref<2048xi32, #tpu.memory_space<hbm>>
    %dma_wait3A_368 = arith.constant 6144 : i32
    %dma_wait3A_369 = tpu.memref_slice %arg7[%dma_wait3A_368] : memref<16384xi32, #tpu.memory_space<vmem>> -> memref<2048xi32, #tpu.memory_space<vmem>>
    %dma_wait3A_370 = tpu.memref_slice %arg3[%mul3A_6, %mul3A_4] : memref<128x4096xi32, #tpu.memory_space<hbm>> -> memref<1x2048xi32, #tpu.memory_space<hbm>>
    %dma_wait3A_371 = tpu.memref_squeeze %dma_wait3A_370 : memref<1x2048xi32, #tpu.memory_space<hbm>> -> memref<2048xi32, #tpu.memory_space<hbm>>
    tpu.wait_dma2 semaphore(%arg13 : memref<!tpu.dma_semaphore, #tpu.memory_space<semaphore_mem>>) src(%dma_wait3A_371 : memref<2048xi32, #tpu.memory_space<hbm>>) dst(%dma_wait3A_369 : memref<2048xi32, #tpu.memory_space<vmem>>)
    %dma_wait3A_372 = arith.constant 6144 : i32
    %dma_wait3A_373 = tpu.memref_slice %arg8[%dma_wait3A_372] : memref<16384xi32, #tpu.memory_space<vmem>> -> memref<2048xi32, #tpu.memory_space<vmem>>
    %dma_wait3A_374 = tpu.memref_slice %arg3[%mul3A_6, %mul3A_4] : memref<128x4096xi32, #tpu.memory_space<hbm>> -> memref<1x2048xi32, #tpu.memory_space<hbm>>
    %dma_wait3A_375 = tpu.memref_squeeze %dma_wait3A_374 : memref<1x2048xi32, #tpu.memory_space<hbm>> -> memref<2048xi32, #tpu.memory_space<hbm>>
    %dma_wait3A_376 = arith.constant 6144 : i32
    %dma_wait3A_377 = tpu.memref_slice %arg8[%dma_wait3A_376] : memref<16384xi32, #tpu.memory_space<vmem>> -> memref<2048xi32, #tpu.memory_space<vmem>>
    %dma_wait3A_378 = tpu.memref_slice %arg3[%mul3A_6, %mul3A_4] : memref<128x4096xi32, #tpu.memory_space<hbm>> -> memref<1x2048xi32, #tpu.memory_space<hbm>>
    %dma_wait3A_379 = tpu.memref_squeeze %dma_wait3A_378 : memref<1x2048xi32, #tpu.memory_space<hbm>> -> memref<2048xi32, #tpu.memory_space<hbm>>
    tpu.wait_dma2 semaphore(%arg13 : memref<!tpu.dma_semaphore, #tpu.memory_space<semaphore_mem>>) src(%dma_wait3A_379 : memref<2048xi32, #tpu.memory_space<hbm>>) dst(%dma_wait3A_377 : memref<2048xi32, #tpu.memory_space<vmem>>)
    %dma_wait3A_380 = arith.constant 6144 : i32
    %dma_wait3A_381 = tpu.memref_slice %arg9[%dma_wait3A_380] : memref<16384xi32, #tpu.memory_space<vmem>> -> memref<2048xi32, #tpu.memory_space<vmem>>
    %dma_wait3A_382 = tpu.memref_slice %arg3[%mul3A_6, %mul3A_4] : memref<128x4096xi32, #tpu.memory_space<hbm>> -> memref<1x2048xi32, #tpu.memory_space<hbm>>
    %dma_wait3A_383 = tpu.memref_squeeze %dma_wait3A_382 : memref<1x2048xi32, #tpu.memory_space<hbm>> -> memref<2048xi32, #tpu.memory_space<hbm>>
    %dma_wait3A_384 = arith.constant 6144 : i32
    %dma_wait3A_385 = tpu.memref_slice %arg9[%dma_wait3A_384] : memref<16384xi32, #tpu.memory_space<vmem>> -> memref<2048xi32, #tpu.memory_space<vmem>>
    %dma_wait3A_386 = tpu.memref_slice %arg3[%mul3A_6, %mul3A_4] : memref<128x4096xi32, #tpu.memory_space<hbm>> -> memref<1x2048xi32, #tpu.memory_space<hbm>>
    %dma_wait3A_387 = tpu.memref_squeeze %dma_wait3A_386 : memref<1x2048xi32, #tpu.memory_space<hbm>> -> memref<2048xi32, #tpu.memory_space<hbm>>
    tpu.wait_dma2 semaphore(%arg13 : memref<!tpu.dma_semaphore, #tpu.memory_space<semaphore_mem>>) src(%dma_wait3A_387 : memref<2048xi32, #tpu.memory_space<hbm>>) dst(%dma_wait3A_385 : memref<2048xi32, #tpu.memory_space<vmem>>)
    %scan3A_388 = arith.constant 0 : i32
    %scan3A_389 = arith.constant 0 : i32
    %scan3A_390 = arith.constant 16 : i32
    %scan3A_391 = arith.addi %scan3A_389, %scan3A_390 : i32
    %scan3A_392 = arith.constant 1 : i32
    %scan3A_393 = scf.for %scan3A_796 = %scan3A_389 to %scan3A_391 step %scan3A_392 iter_args(%scan3A_797 = %scan3A_388) -> (i32)  : i32 {
      %add3A_798 = arith.constant 3 : i32
      %add3A_799 = arith.addi %mul3A_6, %add3A_798 : i32
      %broadcast_in_dim3A = vector.broadcast %add3A_799 : i32 to vector<16xi32>
      %mul3A_800 = arith.constant 8 : i32
      %mul3A_801 = arith.muli %scan3A_796, %mul3A_800 : i32
      %add3A_802 = arith.constant 0 : i32
      %add3A_803 = arith.addi %mul3A_801, %add3A_802 : i32
      %mul3A_804 = arith.constant 16 : i32
      %mul3A_805 = arith.muli %add3A_803, %mul3A_804 : i32
      %add3A_806 = arith.constant 6144 : i32
      %add3A_807 = arith.addi %add3A_806, %mul3A_805 : i32
      %get3A = arith.index_cast %add3A_807 : i32 to index
      %get3A_808 = tpu.vector_load %arg7[%get3A] {strides = array<i32>} : memref<16384xi32, #tpu.memory_space<vmem>>, vector<16xi32>,
      %get3A_809 = vector.shape_cast %get3A_808 : vector<16xi32> to vector<16xi32>
      %shift_left3A = arith.constant 19 : i32
      %shift_left3A_810 = vector.broadcast %shift_left3A : i32 to vector<16xi32>
      %shift_left3A_811 = arith.shli %get3A_809, %shift_left3A_810 : vector<16xi32>
      %get3A_812 = arith.index_cast %add3A_807 : i32 to index
      %get3A_813 = tpu.vector_load %arg8[%get3A_812] {strides = array<i32>} : memref<16384xi32, #tpu.memory_space<vmem>>, vector<16xi32>,
      %get3A_814 = vector.shape_cast %get3A_813 : vector<16xi32> to vector<16xi32>
      %shift_left3A_815 = arith.constant 13 : i32
      %shift_left3A_816 = vector.broadcast %shift_left3A_815 : i32 to vector<16xi32>
      %shift_left3A_817 = arith.shli %get3A_814, %shift_left3A_816 : vector<16xi32>
      %or3A = arith.ori %shift_left3A_811, %shift_left3A_817 : vector<16xi32>
      %get3A_818 = arith.index_cast %add3A_807 : i32 to index
      %get3A_819 = tpu.vector_load %arg9[%get3A_818] {strides = array<i32>} : memref<16384xi32, #tpu.memory_space<vmem>>, vector<16xi32>,
      %get3A_820 = vector.shape_cast %get3A_819 : vector<16xi32> to vector<16xi32>
      %shift_left3A_821 = arith.constant 7 : i32
      %shift_left3A_822 = vector.broadcast %shift_left3A_821 : i32 to vector<16xi32>
      %shift_left3A_823 = arith.shli %get3A_820, %shift_left3A_822 : vector<16xi32>
      %or3A_824 = arith.ori %or3A, %shift_left3A_823 : vector<16xi32>
      %or3A_825 = arith.ori %or3A_824, %broadcast_in_dim3A : vector<16xi32>
      %swap3A = arith.index_cast %add3A_807 : i32 to index
      %swap3A_826 = tpu.vector_load %arg10[%swap3A] {strides = array<i32>} : memref<16384xi32, #tpu.memory_space<vmem>>, vector<16xi32>,
      %swap3A_827 = vector.shape_cast %swap3A_826 : vector<16xi32> to vector<16xi32>
      %swap3A_828 = vector.shape_cast %or3A_825 : vector<16xi32> to vector<16xi32>
      tpu.vector_store %arg10[%swap3A], %swap3A_828 {strides = array<i32>} : memref<16384xi32, #tpu.memory_space<vmem>>, vector<16xi32>,
      %mul3A_829 = arith.constant 8 : i32
      %mul3A_830 = arith.muli %scan3A_796, %mul3A_829 : i32
      %add3A_831 = arith.constant 1 : i32
      %add3A_832 = arith.addi %mul3A_830, %add3A_831 : i32
      %mul3A_833 = arith.constant 16 : i32
      %mul3A_834 = arith.muli %add3A_832, %mul3A_833 : i32
      %add3A_835 = arith.constant 6144 : i32
      %add3A_836 = arith.addi %add3A_835, %mul3A_834 : i32
      %get3A_837 = arith.index_cast %add3A_836 : i32 to index
      %get3A_838 = tpu.vector_load %arg7[%get3A_837] {strides = array<i32>} : memref<16384xi32, #tpu.memory_space<vmem>>, vector<16xi32>,
      %get3A_839 = vector.shape_cast %get3A_838 : vector<16xi32> to vector<16xi32>
      %shift_left3A_840 = arith.constant 19 : i32
      %shift_left3A_841 = vector.broadcast %shift_left3A_840 : i32 to vector<16xi32>
      %shift_left3A_842 = arith.shli %get3A_839, %shift_left3A_841 : vector<16xi32>
      %get3A_843 = arith.index_cast %add3A_836 : i32 to index
      %get3A_844 = tpu.vector_load %arg8[%get3A_843] {strides = array<i32>} : memref<16384xi32, #tpu.memory_space<vmem>>, vector<16xi32>,
      %get3A_845 = vector.shape_cast %get3A_844 : vector<16xi32> to vector<16xi32>
      %shift_left3A_846 = arith.constant 13 : i32
      %shift_left3A_847 = vector.broadcast %shift_left3A_846 : i32 to vector<16xi32>
      %shift_left3A_848 = arith.shli %get3A_845, %shift_left3A_847 : vector<16xi32>
      %or3A_849 = arith.ori %shift_left3A_842, %shift_left3A_848 : vector<16xi32>
      %get3A_850 = arith.index_cast %add3A_836 : i32 to index
      %get3A_851 = tpu.vector_load %arg9[%get3A_850] {strides = array<i32>} : memref<16384xi32, #tpu.memory_space<vmem>>, vector<16xi32>,
      %get3A_852 = vector.shape_cast %get3A_851 : vector<16xi32> to vector<16xi32>
      %shift_left3A_853 = arith.constant 7 : i32
      %shift_left3A_854 = vector.broadcast %shift_left3A_853 : i32 to vector<16xi32>
      %shift_left3A_855 = arith.shli %get3A_852, %shift_left3A_854 : vector<16xi32>
      %or3A_856 = arith.ori %or3A_849, %shift_left3A_855 : vector<16xi32>
      %or3A_857 = arith.ori %or3A_856, %broadcast_in_dim3A : vector<16xi32>
      %swap3A_858 = arith.index_cast %add3A_836 : i32 to index
      %swap3A_859 = tpu.vector_load %arg10[%swap3A_858] {strides = array<i32>} : memref<16384xi32, #tpu.memory_space<vmem>>, vector<16xi32>,
      %swap3A_860 = vector.shape_cast %swap3A_859 : vector<16xi32> to vector<16xi32>
      %swap3A_861 = vector.shape_cast %or3A_857 : vector<16xi32> to vector<16xi32>
      tpu.vector_store %arg10[%swap3A_858], %swap3A_861 {strides = array<i32>} : memref<16384xi32, #tpu.memory_space<vmem>>, vector<16xi32>,
      %mul3A_862 = arith.constant 8 : i32
      %mul3A_863 = arith.muli %scan3A_796, %mul3A_862 : i32
      %add3A_864 = arith.constant 2 : i32
      %add3A_865 = arith.addi %mul3A_863, %add3A_864 : i32
      %mul3A_866 = arith.constant 16 : i32
      %mul3A_867 = arith.muli %add3A_865, %mul3A_866 : i32
      %add3A_868 = arith.constant 6144 : i32
      %add3A_869 = arith.addi %add3A_868, %mul3A_867 : i32
      %get3A_870 = arith.index_cast %add3A_869 : i32 to index
      %get3A_871 = tpu.vector_load %arg7[%get3A_870] {strides = array<i32>} : memref<16384xi32, #tpu.memory_space<vmem>>, vector<16xi32>,
      %get3A_872 = vector.shape_cast %get3A_871 : vector<16xi32> to vector<16xi32>
      %shift_left3A_873 = arith.constant 19 : i32
      %shift_left3A_874 = vector.broadcast %shift_left3A_873 : i32 to vector<16xi32>
      %shift_left3A_875 = arith.shli %get3A_872, %shift_left3A_874 : vector<16xi32>
      %get3A_876 = arith.index_cast %add3A_869 : i32 to index
      %get3A_877 = tpu.vector_load %arg8[%get3A_876] {strides = array<i32>} : memref<16384xi32, #tpu.memory_space<vmem>>, vector<16xi32>,
      %get3A_878 = vector.shape_cast %get3A_877 : vector<16xi32> to vector<16xi32>
      %shift_left3A_879 = arith.constant 13 : i32
      %shift_left3A_880 = vector.broadcast %shift_left3A_879 : i32 to vector<16xi32>
      %shift_left3A_881 = arith.shli %get3A_878, %shift_left3A_880 : vector<16xi32>
      %or3A_882 = arith.ori %shift_left3A_875, %shift_left3A_881 : vector<16xi32>
      %get3A_883 = arith.index_cast %add3A_869 : i32 to index
      %get3A_884 = tpu.vector_load %arg9[%get3A_883] {strides = array<i32>} : memref<16384xi32, #tpu.memory_space<vmem>>, vector<16xi32>,
      %get3A_885 = vector.shape_cast %get3A_884 : vector<16xi32> to vector<16xi32>
      %shift_left3A_886 = arith.constant 7 : i32
      %shift_left3A_887 = vector.broadcast %shift_left3A_886 : i32 to vector<16xi32>
      %shift_left3A_888 = arith.shli %get3A_885, %shift_left3A_887 : vector<16xi32>
      %or3A_889 = arith.ori %or3A_882, %shift_left3A_888 : vector<16xi32>
      %or3A_890 = arith.ori %or3A_889, %broadcast_in_dim3A : vector<16xi32>
      %swap3A_891 = arith.index_cast %add3A_869 : i32 to index
      %swap3A_892 = tpu.vector_load %arg10[%swap3A_891] {strides = array<i32>} : memref<16384xi32, #tpu.memory_space<vmem>>, vector<16xi32>,
      %swap3A_893 = vector.shape_cast %swap3A_892 : vector<16xi32> to vector<16xi32>
      %swap3A_894 = vector.shape_cast %or3A_890 : vector<16xi32> to vector<16xi32>
      tpu.vector_store %arg10[%swap3A_891], %swap3A_894 {strides = array<i32>} : memref<16384xi32, #tpu.memory_space<vmem>>, vector<16xi32>,
      %mul3A_895 = arith.constant 8 : i32
      %mul3A_896 = arith.muli %scan3A_796, %mul3A_895 : i32
      %add3A_897 = arith.constant 3 : i32
      %add3A_898 = arith.addi %mul3A_896, %add3A_897 : i32
      %mul3A_899 = arith.constant 16 : i32
      %mul3A_900 = arith.muli %add3A_898, %mul3A_899 : i32
      %add3A_901 = arith.constant 6144 : i32
      %add3A_902 = arith.addi %add3A_901, %mul3A_900 : i32
      %get3A_903 = arith.index_cast %add3A_902 : i32 to index
      %get3A_904 = tpu.vector_load %arg7[%get3A_903] {strides = array<i32>} : memref<16384xi32, #tpu.memory_space<vmem>>, vector<16xi32>,
      %get3A_905 = vector.shape_cast %get3A_904 : vector<16xi32> to vector<16xi32>
      %shift_left3A_906 = arith.constant 19 : i32
      %shift_left3A_907 = vector.broadcast %shift_left3A_906 : i32 to vector<16xi32>
      %shift_left3A_908 = arith.shli %get3A_905, %shift_left3A_907 : vector<16xi32>
      %get3A_909 = arith.index_cast %add3A_902 : i32 to index
      %get3A_910 = tpu.vector_load %arg8[%get3A_909] {strides = array<i32>} : memref<16384xi32, #tpu.memory_space<vmem>>, vector<16xi32>,
      %get3A_911 = vector.shape_cast %get3A_910 : vector<16xi32> to vector<16xi32>
      %shift_left3A_912 = arith.constant 13 : i32
      %shift_left3A_913 = vector.broadcast %shift_left3A_912 : i32 to vector<16xi32>
      %shift_left3A_914 = arith.shli %get3A_911, %shift_left3A_913 : vector<16xi32>
      %or3A_915 = arith.ori %shift_left3A_908, %shift_left3A_914 : vector<16xi32>
      %get3A_916 = arith.index_cast %add3A_902 : i32 to index
      %get3A_917 = tpu.vector_load %arg9[%get3A_916] {strides = array<i32>} : memref<16384xi32, #tpu.memory_space<vmem>>, vector<16xi32>,
      %get3A_918 = vector.shape_cast %get3A_917 : vector<16xi32> to vector<16xi32>
      %shift_left3A_919 = arith.constant 7 : i32
      %shift_left3A_920 = vector.broadcast %shift_left3A_919 : i32 to vector<16xi32>
      %shift_left3A_921 = arith.shli %get3A_918, %shift_left3A_920 : vector<16xi32>
      %or3A_922 = arith.ori %or3A_915, %shift_left3A_921 : vector<16xi32>
      %or3A_923 = arith.ori %or3A_922, %broadcast_in_dim3A : vector<16xi32>
      %swap3A_924 = arith.index_cast %add3A_902 : i32 to index
      %swap3A_925 = tpu.vector_load %arg10[%swap3A_924] {strides = array<i32>} : memref<16384xi32, #tpu.memory_space<vmem>>, vector<16xi32>,
      %swap3A_926 = vector.shape_cast %swap3A_925 : vector<16xi32> to vector<16xi32>
      %swap3A_927 = vector.shape_cast %or3A_923 : vector<16xi32> to vector<16xi32>
      tpu.vector_store %arg10[%swap3A_924], %swap3A_927 {strides = array<i32>} : memref<16384xi32, #tpu.memory_space<vmem>>, vector<16xi32>,
      %mul3A_928 = arith.constant 8 : i32
      %mul3A_929 = arith.muli %scan3A_796, %mul3A_928 : i32
      %add3A_930 = arith.constant 4 : i32
      %add3A_931 = arith.addi %mul3A_929, %add3A_930 : i32
      %mul3A_932 = arith.constant 16 : i32
      %mul3A_933 = arith.muli %add3A_931, %mul3A_932 : i32
      %add3A_934 = arith.constant 6144 : i32
      %add3A_935 = arith.addi %add3A_934, %mul3A_933 : i32
      %get3A_936 = arith.index_cast %add3A_935 : i32 to index
      %get3A_937 = tpu.vector_load %arg7[%get3A_936] {strides = array<i32>} : memref<16384xi32, #tpu.memory_space<vmem>>, vector<16xi32>,
      %get3A_938 = vector.shape_cast %get3A_937 : vector<16xi32> to vector<16xi32>
      %shift_left3A_939 = arith.constant 19 : i32
      %shift_left3A_940 = vector.broadcast %shift_left3A_939 : i32 to vector<16xi32>
      %shift_left3A_941 = arith.shli %get3A_938, %shift_left3A_940 : vector<16xi32>
      %get3A_942 = arith.index_cast %add3A_935 : i32 to index
      %get3A_943 = tpu.vector_load %arg8[%get3A_942] {strides = array<i32>} : memref<16384xi32, #tpu.memory_space<vmem>>, vector<16xi32>,
      %get3A_944 = vector.shape_cast %get3A_943 : vector<16xi32> to vector<16xi32>
      %shift_left3A_945 = arith.constant 13 : i32
      %shift_left3A_946 = vector.broadcast %shift_left3A_945 : i32 to vector<16xi32>
      %shift_left3A_947 = arith.shli %get3A_944, %shift_left3A_946 : vector<16xi32>
      %or3A_948 = arith.ori %shift_left3A_941, %shift_left3A_947 : vector<16xi32>
      %get3A_949 = arith.index_cast %add3A_935 : i32 to index
      %get3A_950 = tpu.vector_load %arg9[%get3A_949] {strides = array<i32>} : memref<16384xi32, #tpu.memory_space<vmem>>, vector<16xi32>,
      %get3A_951 = vector.shape_cast %get3A_950 : vector<16xi32> to vector<16xi32>
      %shift_left3A_952 = arith.constant 7 : i32
      %shift_left3A_953 = vector.broadcast %shift_left3A_952 : i32 to vector<16xi32>
      %shift_left3A_954 = arith.shli %get3A_951, %shift_left3A_953 : vector<16xi32>
      %or3A_955 = arith.ori %or3A_948, %shift_left3A_954 : vector<16xi32>
      %or3A_956 = arith.ori %or3A_955, %broadcast_in_dim3A : vector<16xi32>
      %swap3A_957 = arith.index_cast %add3A_935 : i32 to index
      %swap3A_958 = tpu.vector_load %arg10[%swap3A_957] {strides = array<i32>} : memref<16384xi32, #tpu.memory_space<vmem>>, vector<16xi32>,
      %swap3A_959 = vector.shape_cast %swap3A_958 : vector<16xi32> to vector<16xi32>
      %swap3A_960 = vector.shape_cast %or3A_956 : vector<16xi32> to vector<16xi32>
      tpu.vector_store %arg10[%swap3A_957], %swap3A_960 {strides = array<i32>} : memref<16384xi32, #tpu.memory_space<vmem>>, vector<16xi32>,
      %mul3A_961 = arith.constant 8 : i32
      %mul3A_962 = arith.muli %scan3A_796, %mul3A_961 : i32
      %add3A_963 = arith.constant 5 : i32
      %add3A_964 = arith.addi %mul3A_962, %add3A_963 : i32
      %mul3A_965 = arith.constant 16 : i32
      %mul3A_966 = arith.muli %add3A_964, %mul3A_965 : i32
      %add3A_967 = arith.constant 6144 : i32
      %add3A_968 = arith.addi %add3A_967, %mul3A_966 : i32
      %get3A_969 = arith.index_cast %add3A_968 : i32 to index
      %get3A_970 = tpu.vector_load %arg7[%get3A_969] {strides = array<i32>} : memref<16384xi32, #tpu.memory_space<vmem>>, vector<16xi32>,
      %get3A_971 = vector.shape_cast %get3A_970 : vector<16xi32> to vector<16xi32>
      %shift_left3A_972 = arith.constant 19 : i32
      %shift_left3A_973 = vector.broadcast %shift_left3A_972 : i32 to vector<16xi32>
      %shift_left3A_974 = arith.shli %get3A_971, %shift_left3A_973 : vector<16xi32>
      %get3A_975 = arith.index_cast %add3A_968 : i32 to index
      %get3A_976 = tpu.vector_load %arg8[%get3A_975] {strides = array<i32>} : memref<16384xi32, #tpu.memory_space<vmem>>, vector<16xi32>,
      %get3A_977 = vector.shape_cast %get3A_976 : vector<16xi32> to vector<16xi32>
      %shift_left3A_978 = arith.constant 13 : i32
      %shift_left3A_979 = vector.broadcast %shift_left3A_978 : i32 to vector<16xi32>
      %shift_left3A_980 = arith.shli %get3A_977, %shift_left3A_979 : vector<16xi32>
      %or3A_981 = arith.ori %shift_left3A_974, %shift_left3A_980 : vector<16xi32>
      %get3A_982 = arith.index_cast %add3A_968 : i32 to index
      %get3A_983 = tpu.vector_load %arg9[%get3A_982] {strides = array<i32>} : memref<16384xi32, #tpu.memory_space<vmem>>, vector<16xi32>,
      %get3A_984 = vector.shape_cast %get3A_983 : vector<16xi32> to vector<16xi32>
      %shift_left3A_985 = arith.constant 7 : i32
      %shift_left3A_986 = vector.broadcast %shift_left3A_985 : i32 to vector<16xi32>
      %shift_left3A_987 = arith.shli %get3A_984, %shift_left3A_986 : vector<16xi32>
      %or3A_988 = arith.ori %or3A_981, %shift_left3A_987 : vector<16xi32>
      %or3A_989 = arith.ori %or3A_988, %broadcast_in_dim3A : vector<16xi32>
      %swap3A_990 = arith.index_cast %add3A_968 : i32 to index
      %swap3A_991 = tpu.vector_load %arg10[%swap3A_990] {strides = array<i32>} : memref<16384xi32, #tpu.memory_space<vmem>>, vector<16xi32>,
      %swap3A_992 = vector.shape_cast %swap3A_991 : vector<16xi32> to vector<16xi32>
      %swap3A_993 = vector.shape_cast %or3A_989 : vector<16xi32> to vector<16xi32>
      tpu.vector_store %arg10[%swap3A_990], %swap3A_993 {strides = array<i32>} : memref<16384xi32, #tpu.memory_space<vmem>>, vector<16xi32>,
      %mul3A_994 = arith.constant 8 : i32
      %mul3A_995 = arith.muli %scan3A_796, %mul3A_994 : i32
      %add3A_996 = arith.constant 6 : i32
      %add3A_997 = arith.addi %mul3A_995, %add3A_996 : i32
      %mul3A_998 = arith.constant 16 : i32
      %mul3A_999 = arith.muli %add3A_997, %mul3A_998 : i32
      %add3A_1000 = arith.constant 6144 : i32
      %add3A_1001 = arith.addi %add3A_1000, %mul3A_999 : i32
      %get3A_1002 = arith.index_cast %add3A_1001 : i32 to index
      %get3A_1003 = tpu.vector_load %arg7[%get3A_1002] {strides = array<i32>} : memref<16384xi32, #tpu.memory_space<vmem>>, vector<16xi32>,
      %get3A_1004 = vector.shape_cast %get3A_1003 : vector<16xi32> to vector<16xi32>
      %shift_left3A_1005 = arith.constant 19 : i32
      %shift_left3A_1006 = vector.broadcast %shift_left3A_1005 : i32 to vector<16xi32>
      %shift_left3A_1007 = arith.shli %get3A_1004, %shift_left3A_1006 : vector<16xi32>
      %get3A_1008 = arith.index_cast %add3A_1001 : i32 to index
      %get3A_1009 = tpu.vector_load %arg8[%get3A_1008] {strides = array<i32>} : memref<16384xi32, #tpu.memory_space<vmem>>, vector<16xi32>,
      %get3A_1010 = vector.shape_cast %get3A_1009 : vector<16xi32> to vector<16xi32>
      %shift_left3A_1011 = arith.constant 13 : i32
      %shift_left3A_1012 = vector.broadcast %shift_left3A_1011 : i32 to vector<16xi32>
      %shift_left3A_1013 = arith.shli %get3A_1010, %shift_left3A_1012 : vector<16xi32>
      %or3A_1014 = arith.ori %shift_left3A_1007, %shift_left3A_1013 : vector<16xi32>
      %get3A_1015 = arith.index_cast %add3A_1001 : i32 to index
      %get3A_1016 = tpu.vector_load %arg9[%get3A_1015] {strides = array<i32>} : memref<16384xi32, #tpu.memory_space<vmem>>, vector<16xi32>,
      %get3A_1017 = vector.shape_cast %get3A_1016 : vector<16xi32> to vector<16xi32>
      %shift_left3A_1018 = arith.constant 7 : i32
      %shift_left3A_1019 = vector.broadcast %shift_left3A_1018 : i32 to vector<16xi32>
      %shift_left3A_1020 = arith.shli %get3A_1017, %shift_left3A_1019 : vector<16xi32>
      %or3A_1021 = arith.ori %or3A_1014, %shift_left3A_1020 : vector<16xi32>
      %or3A_1022 = arith.ori %or3A_1021, %broadcast_in_dim3A : vector<16xi32>
      %swap3A_1023 = arith.index_cast %add3A_1001 : i32 to index
      %swap3A_1024 = tpu.vector_load %arg10[%swap3A_1023] {strides = array<i32>} : memref<16384xi32, #tpu.memory_space<vmem>>, vector<16xi32>,
      %swap3A_1025 = vector.shape_cast %swap3A_1024 : vector<16xi32> to vector<16xi32>
      %swap3A_1026 = vector.shape_cast %or3A_1022 : vector<16xi32> to vector<16xi32>
      tpu.vector_store %arg10[%swap3A_1023], %swap3A_1026 {strides = array<i32>} : memref<16384xi32, #tpu.memory_space<vmem>>, vector<16xi32>,
      %mul3A_1027 = arith.constant 8 : i32
      %mul3A_1028 = arith.muli %scan3A_796, %mul3A_1027 : i32
      %add3A_1029 = arith.constant 7 : i32
      %add3A_1030 = arith.addi %mul3A_1028, %add3A_1029 : i32
      %mul3A_1031 = arith.constant 16 : i32
      %mul3A_1032 = arith.muli %add3A_1030, %mul3A_1031 : i32
      %add3A_1033 = arith.constant 6144 : i32
      %add3A_1034 = arith.addi %add3A_1033, %mul3A_1032 : i32
      %get3A_1035 = arith.index_cast %add3A_1034 : i32 to index
      %get3A_1036 = tpu.vector_load %arg7[%get3A_1035] {strides = array<i32>} : memref<16384xi32, #tpu.memory_space<vmem>>, vector<16xi32>,
      %get3A_1037 = vector.shape_cast %get3A_1036 : vector<16xi32> to vector<16xi32>
      %shift_left3A_1038 = arith.constant 19 : i32
      %shift_left3A_1039 = vector.broadcast %shift_left3A_1038 : i32 to vector<16xi32>
      %shift_left3A_1040 = arith.shli %get3A_1037, %shift_left3A_1039 : vector<16xi32>
      %get3A_1041 = arith.index_cast %add3A_1034 : i32 to index
      %get3A_1042 = tpu.vector_load %arg8[%get3A_1041] {strides = array<i32>} : memref<16384xi32, #tpu.memory_space<vmem>>, vector<16xi32>,
      %get3A_1043 = vector.shape_cast %get3A_1042 : vector<16xi32> to vector<16xi32>
      %shift_left3A_1044 = arith.constant 13 : i32
      %shift_left3A_1045 = vector.broadcast %shift_left3A_1044 : i32 to vector<16xi32>
      %shift_left3A_1046 = arith.shli %get3A_1043, %shift_left3A_1045 : vector<16xi32>
      %or3A_1047 = arith.ori %shift_left3A_1040, %shift_left3A_1046 : vector<16xi32>
      %get3A_1048 = arith.index_cast %add3A_1034 : i32 to index
      %get3A_1049 = tpu.vector_load %arg9[%get3A_1048] {strides = array<i32>} : memref<16384xi32, #tpu.memory_space<vmem>>, vector<16xi32>,
      %get3A_1050 = vector.shape_cast %get3A_1049 : vector<16xi32> to vector<16xi32>
      %shift_left3A_1051 = arith.constant 7 : i32
      %shift_left3A_1052 = vector.broadcast %shift_left3A_1051 : i32 to vector<16xi32>
      %shift_left3A_1053 = arith.shli %get3A_1050, %shift_left3A_1052 : vector<16xi32>
      %or3A_1054 = arith.ori %or3A_1047, %shift_left3A_1053 : vector<16xi32>
      %or3A_1055 = arith.ori %or3A_1054, %broadcast_in_dim3A : vector<16xi32>
      %swap3A_1056 = arith.index_cast %add3A_1034 : i32 to index
      %swap3A_1057 = tpu.vector_load %arg10[%swap3A_1056] {strides = array<i32>} : memref<16384xi32, #tpu.memory_space<vmem>>, vector<16xi32>,
      %swap3A_1058 = vector.shape_cast %swap3A_1057 : vector<16xi32> to vector<16xi32>
      %swap3A_1059 = vector.shape_cast %or3A_1055 : vector<16xi32> to vector<16xi32>
      tpu.vector_store %arg10[%swap3A_1056], %swap3A_1059 {strides = array<i32>} : memref<16384xi32, #tpu.memory_space<vmem>>, vector<16xi32>,
      %scan3A_1060 = arith.constant 0 : i32
      scf.yield %scan3A_1060 : i32
    }
    %scan3A_394 = arith.constant 16 : i32
    %dma_start3A_395 = arith.constant 3 : i32
    %dma_start3A_396 = arith.constant 6144 : i32
    %dma_start3A_397 = tpu.memref_slice %arg11[%dma_start3A_396] : memref<16384xf32, #tpu.memory_space<vmem>> -> memref<2048xf32, #tpu.memory_space<vmem>>
    %dma_start3A_398 = arith.constant 6144 : i32
    %dma_start3A_399 = tpu.memref_slice %arg10[%dma_start3A_398] : memref<16384xi32, #tpu.memory_space<vmem>> -> memref<2048xi32, #tpu.memory_space<vmem>>
    %dma_start3A_400 = arith.constant 0 : i32
    %dma_start3A_401 = tpu.memref_slice %arg2[%dma_start3A_400] : memref<33554432xf32, #tpu.memory_space<hbm>> -> memref<33554432xf32, #tpu.memory_space<hbm>>
    %dma_start3A_402 = tpu.memref_slice %arg12[%dma_start3A_395] : memref<8x!tpu.dma_semaphore, #tpu.memory_space<semaphore_mem>> -> memref<1x!tpu.dma_semaphore, #tpu.memory_space<semaphore_mem>>
    %dma_start3A_403 = tpu.memref_squeeze %dma_start3A_402 : memref<1x!tpu.dma_semaphore, #tpu.memory_space<semaphore_mem>> -> memref<!tpu.dma_semaphore, #tpu.memory_space<semaphore_mem>>
    tpu.enqueue_indirect_dma source(%dma_start3A_401 : memref<33554432xf32, #tpu.memory_space<hbm>>) target(%dma_start3A_397 : memref<2048xf32, #tpu.memory_space<vmem>>) offsets(%dma_start3A_399 : memref<2048xi32, #tpu.memory_space<vmem>>) semaphore(%dma_start3A_403 : memref<!tpu.dma_semaphore, #tpu.memory_space<semaphore_mem>>)
    %dma_wait3A_404 = arith.constant 8192 : i32
    %dma_wait3A_405 = tpu.memref_slice %arg7[%dma_wait3A_404] : memref<16384xi32, #tpu.memory_space<vmem>> -> memref<2048xi32, #tpu.memory_space<vmem>>
    %dma_wait3A_406 = tpu.memref_slice %arg3[%mul3A_6, %mul3A_4] : memref<128x4096xi32, #tpu.memory_space<hbm>> -> memref<1x2048xi32, #tpu.memory_space<hbm>>
    %dma_wait3A_407 = tpu.memref_squeeze %dma_wait3A_406 : memref<1x2048xi32, #tpu.memory_space<hbm>> -> memref<2048xi32, #tpu.memory_space<hbm>>
    %dma_wait3A_408 = arith.constant 8192 : i32
    %dma_wait3A_409 = tpu.memref_slice %arg7[%dma_wait3A_408] : memref<16384xi32, #tpu.memory_space<vmem>> -> memref<2048xi32, #tpu.memory_space<vmem>>
    %dma_wait3A_410 = tpu.memref_slice %arg3[%mul3A_6, %mul3A_4] : memref<128x4096xi32, #tpu.memory_space<hbm>> -> memref<1x2048xi32, #tpu.memory_space<hbm>>
    %dma_wait3A_411 = tpu.memref_squeeze %dma_wait3A_410 : memref<1x2048xi32, #tpu.memory_space<hbm>> -> memref<2048xi32, #tpu.memory_space<hbm>>
    tpu.wait_dma2 semaphore(%arg13 : memref<!tpu.dma_semaphore, #tpu.memory_space<semaphore_mem>>) src(%dma_wait3A_411 : memref<2048xi32, #tpu.memory_space<hbm>>) dst(%dma_wait3A_409 : memref<2048xi32, #tpu.memory_space<vmem>>)
    %dma_wait3A_412 = arith.constant 8192 : i32
    %dma_wait3A_413 = tpu.memref_slice %arg8[%dma_wait3A_412] : memref<16384xi32, #tpu.memory_space<vmem>> -> memref<2048xi32, #tpu.memory_space<vmem>>
    %dma_wait3A_414 = tpu.memref_slice %arg3[%mul3A_6, %mul3A_4] : memref<128x4096xi32, #tpu.memory_space<hbm>> -> memref<1x2048xi32, #tpu.memory_space<hbm>>
    %dma_wait3A_415 = tpu.memref_squeeze %dma_wait3A_414 : memref<1x2048xi32, #tpu.memory_space<hbm>> -> memref<2048xi32, #tpu.memory_space<hbm>>
    %dma_wait3A_416 = arith.constant 8192 : i32
    %dma_wait3A_417 = tpu.memref_slice %arg8[%dma_wait3A_416] : memref<16384xi32, #tpu.memory_space<vmem>> -> memref<2048xi32, #tpu.memory_space<vmem>>
    %dma_wait3A_418 = tpu.memref_slice %arg3[%mul3A_6, %mul3A_4] : memref<128x4096xi32, #tpu.memory_space<hbm>> -> memref<1x2048xi32, #tpu.memory_space<hbm>>
    %dma_wait3A_419 = tpu.memref_squeeze %dma_wait3A_418 : memref<1x2048xi32, #tpu.memory_space<hbm>> -> memref<2048xi32, #tpu.memory_space<hbm>>
    tpu.wait_dma2 semaphore(%arg13 : memref<!tpu.dma_semaphore, #tpu.memory_space<semaphore_mem>>) src(%dma_wait3A_419 : memref<2048xi32, #tpu.memory_space<hbm>>) dst(%dma_wait3A_417 : memref<2048xi32, #tpu.memory_space<vmem>>)
    %dma_wait3A_420 = arith.constant 8192 : i32
    %dma_wait3A_421 = tpu.memref_slice %arg9[%dma_wait3A_420] : memref<16384xi32, #tpu.memory_space<vmem>> -> memref<2048xi32, #tpu.memory_space<vmem>>
    %dma_wait3A_422 = tpu.memref_slice %arg3[%mul3A_6, %mul3A_4] : memref<128x4096xi32, #tpu.memory_space<hbm>> -> memref<1x2048xi32, #tpu.memory_space<hbm>>
    %dma_wait3A_423 = tpu.memref_squeeze %dma_wait3A_422 : memref<1x2048xi32, #tpu.memory_space<hbm>> -> memref<2048xi32, #tpu.memory_space<hbm>>
    %dma_wait3A_424 = arith.constant 8192 : i32
    %dma_wait3A_425 = tpu.memref_slice %arg9[%dma_wait3A_424] : memref<16384xi32, #tpu.memory_space<vmem>> -> memref<2048xi32, #tpu.memory_space<vmem>>
    %dma_wait3A_426 = tpu.memref_slice %arg3[%mul3A_6, %mul3A_4] : memref<128x4096xi32, #tpu.memory_space<hbm>> -> memref<1x2048xi32, #tpu.memory_space<hbm>>
    %dma_wait3A_427 = tpu.memref_squeeze %dma_wait3A_426 : memref<1x2048xi32, #tpu.memory_space<hbm>> -> memref<2048xi32, #tpu.memory_space<hbm>>
    tpu.wait_dma2 semaphore(%arg13 : memref<!tpu.dma_semaphore, #tpu.memory_space<semaphore_mem>>) src(%dma_wait3A_427 : memref<2048xi32, #tpu.memory_space<hbm>>) dst(%dma_wait3A_425 : memref<2048xi32, #tpu.memory_space<vmem>>)
    %scan3A_428 = arith.constant 0 : i32
    %scan3A_429 = arith.constant 0 : i32
    %scan3A_430 = arith.constant 16 : i32
    %scan3A_431 = arith.addi %scan3A_429, %scan3A_430 : i32
    %scan3A_432 = arith.constant 1 : i32
    %scan3A_433 = scf.for %scan3A_796 = %scan3A_429 to %scan3A_431 step %scan3A_432 iter_args(%scan3A_797 = %scan3A_428) -> (i32)  : i32 {
      %add3A_798 = arith.constant 4 : i32
      %add3A_799 = arith.addi %mul3A_6, %add3A_798 : i32
      %broadcast_in_dim3A = vector.broadcast %add3A_799 : i32 to vector<16xi32>
      %mul3A_800 = arith.constant 8 : i32
      %mul3A_801 = arith.muli %scan3A_796, %mul3A_800 : i32
      %add3A_802 = arith.constant 0 : i32
      %add3A_803 = arith.addi %mul3A_801, %add3A_802 : i32
      %mul3A_804 = arith.constant 16 : i32
      %mul3A_805 = arith.muli %add3A_803, %mul3A_804 : i32
      %add3A_806 = arith.constant 8192 : i32
      %add3A_807 = arith.addi %add3A_806, %mul3A_805 : i32
      %get3A = arith.index_cast %add3A_807 : i32 to index
      %get3A_808 = tpu.vector_load %arg7[%get3A] {strides = array<i32>} : memref<16384xi32, #tpu.memory_space<vmem>>, vector<16xi32>,
      %get3A_809 = vector.shape_cast %get3A_808 : vector<16xi32> to vector<16xi32>
      %shift_left3A = arith.constant 19 : i32
      %shift_left3A_810 = vector.broadcast %shift_left3A : i32 to vector<16xi32>
      %shift_left3A_811 = arith.shli %get3A_809, %shift_left3A_810 : vector<16xi32>
      %get3A_812 = arith.index_cast %add3A_807 : i32 to index
      %get3A_813 = tpu.vector_load %arg8[%get3A_812] {strides = array<i32>} : memref<16384xi32, #tpu.memory_space<vmem>>, vector<16xi32>,
      %get3A_814 = vector.shape_cast %get3A_813 : vector<16xi32> to vector<16xi32>
      %shift_left3A_815 = arith.constant 13 : i32
      %shift_left3A_816 = vector.broadcast %shift_left3A_815 : i32 to vector<16xi32>
      %shift_left3A_817 = arith.shli %get3A_814, %shift_left3A_816 : vector<16xi32>
      %or3A = arith.ori %shift_left3A_811, %shift_left3A_817 : vector<16xi32>
      %get3A_818 = arith.index_cast %add3A_807 : i32 to index
      %get3A_819 = tpu.vector_load %arg9[%get3A_818] {strides = array<i32>} : memref<16384xi32, #tpu.memory_space<vmem>>, vector<16xi32>,
      %get3A_820 = vector.shape_cast %get3A_819 : vector<16xi32> to vector<16xi32>
      %shift_left3A_821 = arith.constant 7 : i32
      %shift_left3A_822 = vector.broadcast %shift_left3A_821 : i32 to vector<16xi32>
      %shift_left3A_823 = arith.shli %get3A_820, %shift_left3A_822 : vector<16xi32>
      %or3A_824 = arith.ori %or3A, %shift_left3A_823 : vector<16xi32>
      %or3A_825 = arith.ori %or3A_824, %broadcast_in_dim3A : vector<16xi32>
      %swap3A = arith.index_cast %add3A_807 : i32 to index
      %swap3A_826 = tpu.vector_load %arg10[%swap3A] {strides = array<i32>} : memref<16384xi32, #tpu.memory_space<vmem>>, vector<16xi32>,
      %swap3A_827 = vector.shape_cast %swap3A_826 : vector<16xi32> to vector<16xi32>
      %swap3A_828 = vector.shape_cast %or3A_825 : vector<16xi32> to vector<16xi32>
      tpu.vector_store %arg10[%swap3A], %swap3A_828 {strides = array<i32>} : memref<16384xi32, #tpu.memory_space<vmem>>, vector<16xi32>,
      %mul3A_829 = arith.constant 8 : i32
      %mul3A_830 = arith.muli %scan3A_796, %mul3A_829 : i32
      %add3A_831 = arith.constant 1 : i32
      %add3A_832 = arith.addi %mul3A_830, %add3A_831 : i32
      %mul3A_833 = arith.constant 16 : i32
      %mul3A_834 = arith.muli %add3A_832, %mul3A_833 : i32
      %add3A_835 = arith.constant 8192 : i32
      %add3A_836 = arith.addi %add3A_835, %mul3A_834 : i32
      %get3A_837 = arith.index_cast %add3A_836 : i32 to index
      %get3A_838 = tpu.vector_load %arg7[%get3A_837] {strides = array<i32>} : memref<16384xi32, #tpu.memory_space<vmem>>, vector<16xi32>,
      %get3A_839 = vector.shape_cast %get3A_838 : vector<16xi32> to vector<16xi32>
      %shift_left3A_840 = arith.constant 19 : i32
      %shift_left3A_841 = vector.broadcast %shift_left3A_840 : i32 to vector<16xi32>
      %shift_left3A_842 = arith.shli %get3A_839, %shift_left3A_841 : vector<16xi32>
      %get3A_843 = arith.index_cast %add3A_836 : i32 to index
      %get3A_844 = tpu.vector_load %arg8[%get3A_843] {strides = array<i32>} : memref<16384xi32, #tpu.memory_space<vmem>>, vector<16xi32>,
      %get3A_845 = vector.shape_cast %get3A_844 : vector<16xi32> to vector<16xi32>
      %shift_left3A_846 = arith.constant 13 : i32
      %shift_left3A_847 = vector.broadcast %shift_left3A_846 : i32 to vector<16xi32>
      %shift_left3A_848 = arith.shli %get3A_845, %shift_left3A_847 : vector<16xi32>
      %or3A_849 = arith.ori %shift_left3A_842, %shift_left3A_848 : vector<16xi32>
      %get3A_850 = arith.index_cast %add3A_836 : i32 to index
      %get3A_851 = tpu.vector_load %arg9[%get3A_850] {strides = array<i32>} : memref<16384xi32, #tpu.memory_space<vmem>>, vector<16xi32>,
      %get3A_852 = vector.shape_cast %get3A_851 : vector<16xi32> to vector<16xi32>
      %shift_left3A_853 = arith.constant 7 : i32
      %shift_left3A_854 = vector.broadcast %shift_left3A_853 : i32 to vector<16xi32>
      %shift_left3A_855 = arith.shli %get3A_852, %shift_left3A_854 : vector<16xi32>
      %or3A_856 = arith.ori %or3A_849, %shift_left3A_855 : vector<16xi32>
      %or3A_857 = arith.ori %or3A_856, %broadcast_in_dim3A : vector<16xi32>
      %swap3A_858 = arith.index_cast %add3A_836 : i32 to index
      %swap3A_859 = tpu.vector_load %arg10[%swap3A_858] {strides = array<i32>} : memref<16384xi32, #tpu.memory_space<vmem>>, vector<16xi32>,
      %swap3A_860 = vector.shape_cast %swap3A_859 : vector<16xi32> to vector<16xi32>
      %swap3A_861 = vector.shape_cast %or3A_857 : vector<16xi32> to vector<16xi32>
      tpu.vector_store %arg10[%swap3A_858], %swap3A_861 {strides = array<i32>} : memref<16384xi32, #tpu.memory_space<vmem>>, vector<16xi32>,
      %mul3A_862 = arith.constant 8 : i32
      %mul3A_863 = arith.muli %scan3A_796, %mul3A_862 : i32
      %add3A_864 = arith.constant 2 : i32
      %add3A_865 = arith.addi %mul3A_863, %add3A_864 : i32
      %mul3A_866 = arith.constant 16 : i32
      %mul3A_867 = arith.muli %add3A_865, %mul3A_866 : i32
      %add3A_868 = arith.constant 8192 : i32
      %add3A_869 = arith.addi %add3A_868, %mul3A_867 : i32
      %get3A_870 = arith.index_cast %add3A_869 : i32 to index
      %get3A_871 = tpu.vector_load %arg7[%get3A_870] {strides = array<i32>} : memref<16384xi32, #tpu.memory_space<vmem>>, vector<16xi32>,
      %get3A_872 = vector.shape_cast %get3A_871 : vector<16xi32> to vector<16xi32>
      %shift_left3A_873 = arith.constant 19 : i32
      %shift_left3A_874 = vector.broadcast %shift_left3A_873 : i32 to vector<16xi32>
      %shift_left3A_875 = arith.shli %get3A_872, %shift_left3A_874 : vector<16xi32>
      %get3A_876 = arith.index_cast %add3A_869 : i32 to index
      %get3A_877 = tpu.vector_load %arg8[%get3A_876] {strides = array<i32>} : memref<16384xi32, #tpu.memory_space<vmem>>, vector<16xi32>,
      %get3A_878 = vector.shape_cast %get3A_877 : vector<16xi32> to vector<16xi32>
      %shift_left3A_879 = arith.constant 13 : i32
      %shift_left3A_880 = vector.broadcast %shift_left3A_879 : i32 to vector<16xi32>
      %shift_left3A_881 = arith.shli %get3A_878, %shift_left3A_880 : vector<16xi32>
      %or3A_882 = arith.ori %shift_left3A_875, %shift_left3A_881 : vector<16xi32>
      %get3A_883 = arith.index_cast %add3A_869 : i32 to index
      %get3A_884 = tpu.vector_load %arg9[%get3A_883] {strides = array<i32>} : memref<16384xi32, #tpu.memory_space<vmem>>, vector<16xi32>,
      %get3A_885 = vector.shape_cast %get3A_884 : vector<16xi32> to vector<16xi32>
      %shift_left3A_886 = arith.constant 7 : i32
      %shift_left3A_887 = vector.broadcast %shift_left3A_886 : i32 to vector<16xi32>
      %shift_left3A_888 = arith.shli %get3A_885, %shift_left3A_887 : vector<16xi32>
      %or3A_889 = arith.ori %or3A_882, %shift_left3A_888 : vector<16xi32>
      %or3A_890 = arith.ori %or3A_889, %broadcast_in_dim3A : vector<16xi32>
      %swap3A_891 = arith.index_cast %add3A_869 : i32 to index
      %swap3A_892 = tpu.vector_load %arg10[%swap3A_891] {strides = array<i32>} : memref<16384xi32, #tpu.memory_space<vmem>>, vector<16xi32>,
      %swap3A_893 = vector.shape_cast %swap3A_892 : vector<16xi32> to vector<16xi32>
      %swap3A_894 = vector.shape_cast %or3A_890 : vector<16xi32> to vector<16xi32>
      tpu.vector_store %arg10[%swap3A_891], %swap3A_894 {strides = array<i32>} : memref<16384xi32, #tpu.memory_space<vmem>>, vector<16xi32>,
      %mul3A_895 = arith.constant 8 : i32
      %mul3A_896 = arith.muli %scan3A_796, %mul3A_895 : i32
      %add3A_897 = arith.constant 3 : i32
      %add3A_898 = arith.addi %mul3A_896, %add3A_897 : i32
      %mul3A_899 = arith.constant 16 : i32
      %mul3A_900 = arith.muli %add3A_898, %mul3A_899 : i32
      %add3A_901 = arith.constant 8192 : i32
      %add3A_902 = arith.addi %add3A_901, %mul3A_900 : i32
      %get3A_903 = arith.index_cast %add3A_902 : i32 to index
      %get3A_904 = tpu.vector_load %arg7[%get3A_903] {strides = array<i32>} : memref<16384xi32, #tpu.memory_space<vmem>>, vector<16xi32>,
      %get3A_905 = vector.shape_cast %get3A_904 : vector<16xi32> to vector<16xi32>
      %shift_left3A_906 = arith.constant 19 : i32
      %shift_left3A_907 = vector.broadcast %shift_left3A_906 : i32 to vector<16xi32>
      %shift_left3A_908 = arith.shli %get3A_905, %shift_left3A_907 : vector<16xi32>
      %get3A_909 = arith.index_cast %add3A_902 : i32 to index
      %get3A_910 = tpu.vector_load %arg8[%get3A_909] {strides = array<i32>} : memref<16384xi32, #tpu.memory_space<vmem>>, vector<16xi32>,
      %get3A_911 = vector.shape_cast %get3A_910 : vector<16xi32> to vector<16xi32>
      %shift_left3A_912 = arith.constant 13 : i32
      %shift_left3A_913 = vector.broadcast %shift_left3A_912 : i32 to vector<16xi32>
      %shift_left3A_914 = arith.shli %get3A_911, %shift_left3A_913 : vector<16xi32>
      %or3A_915 = arith.ori %shift_left3A_908, %shift_left3A_914 : vector<16xi32>
      %get3A_916 = arith.index_cast %add3A_902 : i32 to index
      %get3A_917 = tpu.vector_load %arg9[%get3A_916] {strides = array<i32>} : memref<16384xi32, #tpu.memory_space<vmem>>, vector<16xi32>,
      %get3A_918 = vector.shape_cast %get3A_917 : vector<16xi32> to vector<16xi32>
      %shift_left3A_919 = arith.constant 7 : i32
      %shift_left3A_920 = vector.broadcast %shift_left3A_919 : i32 to vector<16xi32>
      %shift_left3A_921 = arith.shli %get3A_918, %shift_left3A_920 : vector<16xi32>
      %or3A_922 = arith.ori %or3A_915, %shift_left3A_921 : vector<16xi32>
      %or3A_923 = arith.ori %or3A_922, %broadcast_in_dim3A : vector<16xi32>
      %swap3A_924 = arith.index_cast %add3A_902 : i32 to index
      %swap3A_925 = tpu.vector_load %arg10[%swap3A_924] {strides = array<i32>} : memref<16384xi32, #tpu.memory_space<vmem>>, vector<16xi32>,
      %swap3A_926 = vector.shape_cast %swap3A_925 : vector<16xi32> to vector<16xi32>
      %swap3A_927 = vector.shape_cast %or3A_923 : vector<16xi32> to vector<16xi32>
      tpu.vector_store %arg10[%swap3A_924], %swap3A_927 {strides = array<i32>} : memref<16384xi32, #tpu.memory_space<vmem>>, vector<16xi32>,
      %mul3A_928 = arith.constant 8 : i32
      %mul3A_929 = arith.muli %scan3A_796, %mul3A_928 : i32
      %add3A_930 = arith.constant 4 : i32
      %add3A_931 = arith.addi %mul3A_929, %add3A_930 : i32
      %mul3A_932 = arith.constant 16 : i32
      %mul3A_933 = arith.muli %add3A_931, %mul3A_932 : i32
      %add3A_934 = arith.constant 8192 : i32
      %add3A_935 = arith.addi %add3A_934, %mul3A_933 : i32
      %get3A_936 = arith.index_cast %add3A_935 : i32 to index
      %get3A_937 = tpu.vector_load %arg7[%get3A_936] {strides = array<i32>} : memref<16384xi32, #tpu.memory_space<vmem>>, vector<16xi32>,
      %get3A_938 = vector.shape_cast %get3A_937 : vector<16xi32> to vector<16xi32>
      %shift_left3A_939 = arith.constant 19 : i32
      %shift_left3A_940 = vector.broadcast %shift_left3A_939 : i32 to vector<16xi32>
      %shift_left3A_941 = arith.shli %get3A_938, %shift_left3A_940 : vector<16xi32>
      %get3A_942 = arith.index_cast %add3A_935 : i32 to index
      %get3A_943 = tpu.vector_load %arg8[%get3A_942] {strides = array<i32>} : memref<16384xi32, #tpu.memory_space<vmem>>, vector<16xi32>,
      %get3A_944 = vector.shape_cast %get3A_943 : vector<16xi32> to vector<16xi32>
      %shift_left3A_945 = arith.constant 13 : i32
      %shift_left3A_946 = vector.broadcast %shift_left3A_945 : i32 to vector<16xi32>
      %shift_left3A_947 = arith.shli %get3A_944, %shift_left3A_946 : vector<16xi32>
      %or3A_948 = arith.ori %shift_left3A_941, %shift_left3A_947 : vector<16xi32>
      %get3A_949 = arith.index_cast %add3A_935 : i32 to index
      %get3A_950 = tpu.vector_load %arg9[%get3A_949] {strides = array<i32>} : memref<16384xi32, #tpu.memory_space<vmem>>, vector<16xi32>,
      %get3A_951 = vector.shape_cast %get3A_950 : vector<16xi32> to vector<16xi32>
      %shift_left3A_952 = arith.constant 7 : i32
      %shift_left3A_953 = vector.broadcast %shift_left3A_952 : i32 to vector<16xi32>
      %shift_left3A_954 = arith.shli %get3A_951, %shift_left3A_953 : vector<16xi32>
      %or3A_955 = arith.ori %or3A_948, %shift_left3A_954 : vector<16xi32>
      %or3A_956 = arith.ori %or3A_955, %broadcast_in_dim3A : vector<16xi32>
      %swap3A_957 = arith.index_cast %add3A_935 : i32 to index
      %swap3A_958 = tpu.vector_load %arg10[%swap3A_957] {strides = array<i32>} : memref<16384xi32, #tpu.memory_space<vmem>>, vector<16xi32>,
      %swap3A_959 = vector.shape_cast %swap3A_958 : vector<16xi32> to vector<16xi32>
      %swap3A_960 = vector.shape_cast %or3A_956 : vector<16xi32> to vector<16xi32>
      tpu.vector_store %arg10[%swap3A_957], %swap3A_960 {strides = array<i32>} : memref<16384xi32, #tpu.memory_space<vmem>>, vector<16xi32>,
      %mul3A_961 = arith.constant 8 : i32
      %mul3A_962 = arith.muli %scan3A_796, %mul3A_961 : i32
      %add3A_963 = arith.constant 5 : i32
      %add3A_964 = arith.addi %mul3A_962, %add3A_963 : i32
      %mul3A_965 = arith.constant 16 : i32
      %mul3A_966 = arith.muli %add3A_964, %mul3A_965 : i32
      %add3A_967 = arith.constant 8192 : i32
      %add3A_968 = arith.addi %add3A_967, %mul3A_966 : i32
      %get3A_969 = arith.index_cast %add3A_968 : i32 to index
      %get3A_970 = tpu.vector_load %arg7[%get3A_969] {strides = array<i32>} : memref<16384xi32, #tpu.memory_space<vmem>>, vector<16xi32>,
      %get3A_971 = vector.shape_cast %get3A_970 : vector<16xi32> to vector<16xi32>
      %shift_left3A_972 = arith.constant 19 : i32
      %shift_left3A_973 = vector.broadcast %shift_left3A_972 : i32 to vector<16xi32>
      %shift_left3A_974 = arith.shli %get3A_971, %shift_left3A_973 : vector<16xi32>
      %get3A_975 = arith.index_cast %add3A_968 : i32 to index
      %get3A_976 = tpu.vector_load %arg8[%get3A_975] {strides = array<i32>} : memref<16384xi32, #tpu.memory_space<vmem>>, vector<16xi32>,
      %get3A_977 = vector.shape_cast %get3A_976 : vector<16xi32> to vector<16xi32>
      %shift_left3A_978 = arith.constant 13 : i32
      %shift_left3A_979 = vector.broadcast %shift_left3A_978 : i32 to vector<16xi32>
      %shift_left3A_980 = arith.shli %get3A_977, %shift_left3A_979 : vector<16xi32>
      %or3A_981 = arith.ori %shift_left3A_974, %shift_left3A_980 : vector<16xi32>
      %get3A_982 = arith.index_cast %add3A_968 : i32 to index
      %get3A_983 = tpu.vector_load %arg9[%get3A_982] {strides = array<i32>} : memref<16384xi32, #tpu.memory_space<vmem>>, vector<16xi32>,
      %get3A_984 = vector.shape_cast %get3A_983 : vector<16xi32> to vector<16xi32>
      %shift_left3A_985 = arith.constant 7 : i32
      %shift_left3A_986 = vector.broadcast %shift_left3A_985 : i32 to vector<16xi32>
      %shift_left3A_987 = arith.shli %get3A_984, %shift_left3A_986 : vector<16xi32>
      %or3A_988 = arith.ori %or3A_981, %shift_left3A_987 : vector<16xi32>
      %or3A_989 = arith.ori %or3A_988, %broadcast_in_dim3A : vector<16xi32>
      %swap3A_990 = arith.index_cast %add3A_968 : i32 to index
      %swap3A_991 = tpu.vector_load %arg10[%swap3A_990] {strides = array<i32>} : memref<16384xi32, #tpu.memory_space<vmem>>, vector<16xi32>,
      %swap3A_992 = vector.shape_cast %swap3A_991 : vector<16xi32> to vector<16xi32>
      %swap3A_993 = vector.shape_cast %or3A_989 : vector<16xi32> to vector<16xi32>
      tpu.vector_store %arg10[%swap3A_990], %swap3A_993 {strides = array<i32>} : memref<16384xi32, #tpu.memory_space<vmem>>, vector<16xi32>,
      %mul3A_994 = arith.constant 8 : i32
      %mul3A_995 = arith.muli %scan3A_796, %mul3A_994 : i32
      %add3A_996 = arith.constant 6 : i32
      %add3A_997 = arith.addi %mul3A_995, %add3A_996 : i32
      %mul3A_998 = arith.constant 16 : i32
      %mul3A_999 = arith.muli %add3A_997, %mul3A_998 : i32
      %add3A_1000 = arith.constant 8192 : i32
      %add3A_1001 = arith.addi %add3A_1000, %mul3A_999 : i32
      %get3A_1002 = arith.index_cast %add3A_1001 : i32 to index
      %get3A_1003 = tpu.vector_load %arg7[%get3A_1002] {strides = array<i32>} : memref<16384xi32, #tpu.memory_space<vmem>>, vector<16xi32>,
      %get3A_1004 = vector.shape_cast %get3A_1003 : vector<16xi32> to vector<16xi32>
      %shift_left3A_1005 = arith.constant 19 : i32
      %shift_left3A_1006 = vector.broadcast %shift_left3A_1005 : i32 to vector<16xi32>
      %shift_left3A_1007 = arith.shli %get3A_1004, %shift_left3A_1006 : vector<16xi32>
      %get3A_1008 = arith.index_cast %add3A_1001 : i32 to index
      %get3A_1009 = tpu.vector_load %arg8[%get3A_1008] {strides = array<i32>} : memref<16384xi32, #tpu.memory_space<vmem>>, vector<16xi32>,
      %get3A_1010 = vector.shape_cast %get3A_1009 : vector<16xi32> to vector<16xi32>
      %shift_left3A_1011 = arith.constant 13 : i32
      %shift_left3A_1012 = vector.broadcast %shift_left3A_1011 : i32 to vector<16xi32>
      %shift_left3A_1013 = arith.shli %get3A_1010, %shift_left3A_1012 : vector<16xi32>
      %or3A_1014 = arith.ori %shift_left3A_1007, %shift_left3A_1013 : vector<16xi32>
      %get3A_1015 = arith.index_cast %add3A_1001 : i32 to index
      %get3A_1016 = tpu.vector_load %arg9[%get3A_1015] {strides = array<i32>} : memref<16384xi32, #tpu.memory_space<vmem>>, vector<16xi32>,
      %get3A_1017 = vector.shape_cast %get3A_1016 : vector<16xi32> to vector<16xi32>
      %shift_left3A_1018 = arith.constant 7 : i32
      %shift_left3A_1019 = vector.broadcast %shift_left3A_1018 : i32 to vector<16xi32>
      %shift_left3A_1020 = arith.shli %get3A_1017, %shift_left3A_1019 : vector<16xi32>
      %or3A_1021 = arith.ori %or3A_1014, %shift_left3A_1020 : vector<16xi32>
      %or3A_1022 = arith.ori %or3A_1021, %broadcast_in_dim3A : vector<16xi32>
      %swap3A_1023 = arith.index_cast %add3A_1001 : i32 to index
      %swap3A_1024 = tpu.vector_load %arg10[%swap3A_1023] {strides = array<i32>} : memref<16384xi32, #tpu.memory_space<vmem>>, vector<16xi32>,
      %swap3A_1025 = vector.shape_cast %swap3A_1024 : vector<16xi32> to vector<16xi32>
      %swap3A_1026 = vector.shape_cast %or3A_1022 : vector<16xi32> to vector<16xi32>
      tpu.vector_store %arg10[%swap3A_1023], %swap3A_1026 {strides = array<i32>} : memref<16384xi32, #tpu.memory_space<vmem>>, vector<16xi32>,
      %mul3A_1027 = arith.constant 8 : i32
      %mul3A_1028 = arith.muli %scan3A_796, %mul3A_1027 : i32
      %add3A_1029 = arith.constant 7 : i32
      %add3A_1030 = arith.addi %mul3A_1028, %add3A_1029 : i32
      %mul3A_1031 = arith.constant 16 : i32
      %mul3A_1032 = arith.muli %add3A_1030, %mul3A_1031 : i32
      %add3A_1033 = arith.constant 8192 : i32
      %add3A_1034 = arith.addi %add3A_1033, %mul3A_1032 : i32
      %get3A_1035 = arith.index_cast %add3A_1034 : i32 to index
      %get3A_1036 = tpu.vector_load %arg7[%get3A_1035] {strides = array<i32>} : memref<16384xi32, #tpu.memory_space<vmem>>, vector<16xi32>,
      %get3A_1037 = vector.shape_cast %get3A_1036 : vector<16xi32> to vector<16xi32>
      %shift_left3A_1038 = arith.constant 19 : i32
      %shift_left3A_1039 = vector.broadcast %shift_left3A_1038 : i32 to vector<16xi32>
      %shift_left3A_1040 = arith.shli %get3A_1037, %shift_left3A_1039 : vector<16xi32>
      %get3A_1041 = arith.index_cast %add3A_1034 : i32 to index
      %get3A_1042 = tpu.vector_load %arg8[%get3A_1041] {strides = array<i32>} : memref<16384xi32, #tpu.memory_space<vmem>>, vector<16xi32>,
      %get3A_1043 = vector.shape_cast %get3A_1042 : vector<16xi32> to vector<16xi32>
      %shift_left3A_1044 = arith.constant 13 : i32
      %shift_left3A_1045 = vector.broadcast %shift_left3A_1044 : i32 to vector<16xi32>
      %shift_left3A_1046 = arith.shli %get3A_1043, %shift_left3A_1045 : vector<16xi32>
      %or3A_1047 = arith.ori %shift_left3A_1040, %shift_left3A_1046 : vector<16xi32>
      %get3A_1048 = arith.index_cast %add3A_1034 : i32 to index
      %get3A_1049 = tpu.vector_load %arg9[%get3A_1048] {strides = array<i32>} : memref<16384xi32, #tpu.memory_space<vmem>>, vector<16xi32>,
      %get3A_1050 = vector.shape_cast %get3A_1049 : vector<16xi32> to vector<16xi32>
      %shift_left3A_1051 = arith.constant 7 : i32
      %shift_left3A_1052 = vector.broadcast %shift_left3A_1051 : i32 to vector<16xi32>
      %shift_left3A_1053 = arith.shli %get3A_1050, %shift_left3A_1052 : vector<16xi32>
      %or3A_1054 = arith.ori %or3A_1047, %shift_left3A_1053 : vector<16xi32>
      %or3A_1055 = arith.ori %or3A_1054, %broadcast_in_dim3A : vector<16xi32>
      %swap3A_1056 = arith.index_cast %add3A_1034 : i32 to index
      %swap3A_1057 = tpu.vector_load %arg10[%swap3A_1056] {strides = array<i32>} : memref<16384xi32, #tpu.memory_space<vmem>>, vector<16xi32>,
      %swap3A_1058 = vector.shape_cast %swap3A_1057 : vector<16xi32> to vector<16xi32>
      %swap3A_1059 = vector.shape_cast %or3A_1055 : vector<16xi32> to vector<16xi32>
      tpu.vector_store %arg10[%swap3A_1056], %swap3A_1059 {strides = array<i32>} : memref<16384xi32, #tpu.memory_space<vmem>>, vector<16xi32>,
      %scan3A_1060 = arith.constant 0 : i32
      scf.yield %scan3A_1060 : i32
    }
    %scan3A_434 = arith.constant 16 : i32
    %dma_start3A_435 = arith.constant 4 : i32
    %dma_start3A_436 = arith.constant 8192 : i32
    %dma_start3A_437 = tpu.memref_slice %arg11[%dma_start3A_436] : memref<16384xf32, #tpu.memory_space<vmem>> -> memref<2048xf32, #tpu.memory_space<vmem>>
    %dma_start3A_438 = arith.constant 8192 : i32
    %dma_start3A_439 = tpu.memref_slice %arg10[%dma_start3A_438] : memref<16384xi32, #tpu.memory_space<vmem>> -> memref<2048xi32, #tpu.memory_space<vmem>>
    %dma_start3A_440 = arith.constant 0 : i32
    %dma_start3A_441 = tpu.memref_slice %arg2[%dma_start3A_440] : memref<33554432xf32, #tpu.memory_space<hbm>> -> memref<33554432xf32, #tpu.memory_space<hbm>>
    %dma_start3A_442 = tpu.memref_slice %arg12[%dma_start3A_435] : memref<8x!tpu.dma_semaphore, #tpu.memory_space<semaphore_mem>> -> memref<1x!tpu.dma_semaphore, #tpu.memory_space<semaphore_mem>>
    %dma_start3A_443 = tpu.memref_squeeze %dma_start3A_442 : memref<1x!tpu.dma_semaphore, #tpu.memory_space<semaphore_mem>> -> memref<!tpu.dma_semaphore, #tpu.memory_space<semaphore_mem>>
    tpu.enqueue_indirect_dma source(%dma_start3A_441 : memref<33554432xf32, #tpu.memory_space<hbm>>) target(%dma_start3A_437 : memref<2048xf32, #tpu.memory_space<vmem>>) offsets(%dma_start3A_439 : memref<2048xi32, #tpu.memory_space<vmem>>) semaphore(%dma_start3A_443 : memref<!tpu.dma_semaphore, #tpu.memory_space<semaphore_mem>>)
    %dma_wait3A_444 = arith.constant 10240 : i32
    %dma_wait3A_445 = tpu.memref_slice %arg7[%dma_wait3A_444] : memref<16384xi32, #tpu.memory_space<vmem>> -> memref<2048xi32, #tpu.memory_space<vmem>>
    %dma_wait3A_446 = tpu.memref_slice %arg3[%mul3A_6, %mul3A_4] : memref<128x4096xi32, #tpu.memory_space<hbm>> -> memref<1x2048xi32, #tpu.memory_space<hbm>>
    %dma_wait3A_447 = tpu.memref_squeeze %dma_wait3A_446 : memref<1x2048xi32, #tpu.memory_space<hbm>> -> memref<2048xi32, #tpu.memory_space<hbm>>
    %dma_wait3A_448 = arith.constant 10240 : i32
    %dma_wait3A_449 = tpu.memref_slice %arg7[%dma_wait3A_448] : memref<16384xi32, #tpu.memory_space<vmem>> -> memref<2048xi32, #tpu.memory_space<vmem>>
    %dma_wait3A_450 = tpu.memref_slice %arg3[%mul3A_6, %mul3A_4] : memref<128x4096xi32, #tpu.memory_space<hbm>> -> memref<1x2048xi32, #tpu.memory_space<hbm>>
    %dma_wait3A_451 = tpu.memref_squeeze %dma_wait3A_450 : memref<1x2048xi32, #tpu.memory_space<hbm>> -> memref<2048xi32, #tpu.memory_space<hbm>>
    tpu.wait_dma2 semaphore(%arg13 : memref<!tpu.dma_semaphore, #tpu.memory_space<semaphore_mem>>) src(%dma_wait3A_451 : memref<2048xi32, #tpu.memory_space<hbm>>) dst(%dma_wait3A_449 : memref<2048xi32, #tpu.memory_space<vmem>>)
    %dma_wait3A_452 = arith.constant 10240 : i32
    %dma_wait3A_453 = tpu.memref_slice %arg8[%dma_wait3A_452] : memref<16384xi32, #tpu.memory_space<vmem>> -> memref<2048xi32, #tpu.memory_space<vmem>>
    %dma_wait3A_454 = tpu.memref_slice %arg3[%mul3A_6, %mul3A_4] : memref<128x4096xi32, #tpu.memory_space<hbm>> -> memref<1x2048xi32, #tpu.memory_space<hbm>>
    %dma_wait3A_455 = tpu.memref_squeeze %dma_wait3A_454 : memref<1x2048xi32, #tpu.memory_space<hbm>> -> memref<2048xi32, #tpu.memory_space<hbm>>
    %dma_wait3A_456 = arith.constant 10240 : i32
    %dma_wait3A_457 = tpu.memref_slice %arg8[%dma_wait3A_456] : memref<16384xi32, #tpu.memory_space<vmem>> -> memref<2048xi32, #tpu.memory_space<vmem>>
    %dma_wait3A_458 = tpu.memref_slice %arg3[%mul3A_6, %mul3A_4] : memref<128x4096xi32, #tpu.memory_space<hbm>> -> memref<1x2048xi32, #tpu.memory_space<hbm>>
    %dma_wait3A_459 = tpu.memref_squeeze %dma_wait3A_458 : memref<1x2048xi32, #tpu.memory_space<hbm>> -> memref<2048xi32, #tpu.memory_space<hbm>>
    tpu.wait_dma2 semaphore(%arg13 : memref<!tpu.dma_semaphore, #tpu.memory_space<semaphore_mem>>) src(%dma_wait3A_459 : memref<2048xi32, #tpu.memory_space<hbm>>) dst(%dma_wait3A_457 : memref<2048xi32, #tpu.memory_space<vmem>>)
    %dma_wait3A_460 = arith.constant 10240 : i32
    %dma_wait3A_461 = tpu.memref_slice %arg9[%dma_wait3A_460] : memref<16384xi32, #tpu.memory_space<vmem>> -> memref<2048xi32, #tpu.memory_space<vmem>>
    %dma_wait3A_462 = tpu.memref_slice %arg3[%mul3A_6, %mul3A_4] : memref<128x4096xi32, #tpu.memory_space<hbm>> -> memref<1x2048xi32, #tpu.memory_space<hbm>>
    %dma_wait3A_463 = tpu.memref_squeeze %dma_wait3A_462 : memref<1x2048xi32, #tpu.memory_space<hbm>> -> memref<2048xi32, #tpu.memory_space<hbm>>
    %dma_wait3A_464 = arith.constant 10240 : i32
    %dma_wait3A_465 = tpu.memref_slice %arg9[%dma_wait3A_464] : memref<16384xi32, #tpu.memory_space<vmem>> -> memref<2048xi32, #tpu.memory_space<vmem>>
    %dma_wait3A_466 = tpu.memref_slice %arg3[%mul3A_6, %mul3A_4] : memref<128x4096xi32, #tpu.memory_space<hbm>> -> memref<1x2048xi32, #tpu.memory_space<hbm>>
    %dma_wait3A_467 = tpu.memref_squeeze %dma_wait3A_466 : memref<1x2048xi32, #tpu.memory_space<hbm>> -> memref<2048xi32, #tpu.memory_space<hbm>>
    tpu.wait_dma2 semaphore(%arg13 : memref<!tpu.dma_semaphore, #tpu.memory_space<semaphore_mem>>) src(%dma_wait3A_467 : memref<2048xi32, #tpu.memory_space<hbm>>) dst(%dma_wait3A_465 : memref<2048xi32, #tpu.memory_space<vmem>>)
    %scan3A_468 = arith.constant 0 : i32
    %scan3A_469 = arith.constant 0 : i32
    %scan3A_470 = arith.constant 16 : i32
    %scan3A_471 = arith.addi %scan3A_469, %scan3A_470 : i32
    %scan3A_472 = arith.constant 1 : i32
    %scan3A_473 = scf.for %scan3A_796 = %scan3A_469 to %scan3A_471 step %scan3A_472 iter_args(%scan3A_797 = %scan3A_468) -> (i32)  : i32 {
      %add3A_798 = arith.constant 5 : i32
      %add3A_799 = arith.addi %mul3A_6, %add3A_798 : i32
      %broadcast_in_dim3A = vector.broadcast %add3A_799 : i32 to vector<16xi32>
      %mul3A_800 = arith.constant 8 : i32
      %mul3A_801 = arith.muli %scan3A_796, %mul3A_800 : i32
      %add3A_802 = arith.constant 0 : i32
      %add3A_803 = arith.addi %mul3A_801, %add3A_802 : i32
      %mul3A_804 = arith.constant 16 : i32
      %mul3A_805 = arith.muli %add3A_803, %mul3A_804 : i32
      %add3A_806 = arith.constant 10240 : i32
      %add3A_807 = arith.addi %add3A_806, %mul3A_805 : i32
      %get3A = arith.index_cast %add3A_807 : i32 to index
      %get3A_808 = tpu.vector_load %arg7[%get3A] {strides = array<i32>} : memref<16384xi32, #tpu.memory_space<vmem>>, vector<16xi32>,
      %get3A_809 = vector.shape_cast %get3A_808 : vector<16xi32> to vector<16xi32>
      %shift_left3A = arith.constant 19 : i32
      %shift_left3A_810 = vector.broadcast %shift_left3A : i32 to vector<16xi32>
      %shift_left3A_811 = arith.shli %get3A_809, %shift_left3A_810 : vector<16xi32>
      %get3A_812 = arith.index_cast %add3A_807 : i32 to index
      %get3A_813 = tpu.vector_load %arg8[%get3A_812] {strides = array<i32>} : memref<16384xi32, #tpu.memory_space<vmem>>, vector<16xi32>,
      %get3A_814 = vector.shape_cast %get3A_813 : vector<16xi32> to vector<16xi32>
      %shift_left3A_815 = arith.constant 13 : i32
      %shift_left3A_816 = vector.broadcast %shift_left3A_815 : i32 to vector<16xi32>
      %shift_left3A_817 = arith.shli %get3A_814, %shift_left3A_816 : vector<16xi32>
      %or3A = arith.ori %shift_left3A_811, %shift_left3A_817 : vector<16xi32>
      %get3A_818 = arith.index_cast %add3A_807 : i32 to index
      %get3A_819 = tpu.vector_load %arg9[%get3A_818] {strides = array<i32>} : memref<16384xi32, #tpu.memory_space<vmem>>, vector<16xi32>,
      %get3A_820 = vector.shape_cast %get3A_819 : vector<16xi32> to vector<16xi32>
      %shift_left3A_821 = arith.constant 7 : i32
      %shift_left3A_822 = vector.broadcast %shift_left3A_821 : i32 to vector<16xi32>
      %shift_left3A_823 = arith.shli %get3A_820, %shift_left3A_822 : vector<16xi32>
      %or3A_824 = arith.ori %or3A, %shift_left3A_823 : vector<16xi32>
      %or3A_825 = arith.ori %or3A_824, %broadcast_in_dim3A : vector<16xi32>
      %swap3A = arith.index_cast %add3A_807 : i32 to index
      %swap3A_826 = tpu.vector_load %arg10[%swap3A] {strides = array<i32>} : memref<16384xi32, #tpu.memory_space<vmem>>, vector<16xi32>,
      %swap3A_827 = vector.shape_cast %swap3A_826 : vector<16xi32> to vector<16xi32>
      %swap3A_828 = vector.shape_cast %or3A_825 : vector<16xi32> to vector<16xi32>
      tpu.vector_store %arg10[%swap3A], %swap3A_828 {strides = array<i32>} : memref<16384xi32, #tpu.memory_space<vmem>>, vector<16xi32>,
      %mul3A_829 = arith.constant 8 : i32
      %mul3A_830 = arith.muli %scan3A_796, %mul3A_829 : i32
      %add3A_831 = arith.constant 1 : i32
      %add3A_832 = arith.addi %mul3A_830, %add3A_831 : i32
      %mul3A_833 = arith.constant 16 : i32
      %mul3A_834 = arith.muli %add3A_832, %mul3A_833 : i32
      %add3A_835 = arith.constant 10240 : i32
      %add3A_836 = arith.addi %add3A_835, %mul3A_834 : i32
      %get3A_837 = arith.index_cast %add3A_836 : i32 to index
      %get3A_838 = tpu.vector_load %arg7[%get3A_837] {strides = array<i32>} : memref<16384xi32, #tpu.memory_space<vmem>>, vector<16xi32>,
      %get3A_839 = vector.shape_cast %get3A_838 : vector<16xi32> to vector<16xi32>
      %shift_left3A_840 = arith.constant 19 : i32
      %shift_left3A_841 = vector.broadcast %shift_left3A_840 : i32 to vector<16xi32>
      %shift_left3A_842 = arith.shli %get3A_839, %shift_left3A_841 : vector<16xi32>
      %get3A_843 = arith.index_cast %add3A_836 : i32 to index
      %get3A_844 = tpu.vector_load %arg8[%get3A_843] {strides = array<i32>} : memref<16384xi32, #tpu.memory_space<vmem>>, vector<16xi32>,
      %get3A_845 = vector.shape_cast %get3A_844 : vector<16xi32> to vector<16xi32>
      %shift_left3A_846 = arith.constant 13 : i32
      %shift_left3A_847 = vector.broadcast %shift_left3A_846 : i32 to vector<16xi32>
      %shift_left3A_848 = arith.shli %get3A_845, %shift_left3A_847 : vector<16xi32>
      %or3A_849 = arith.ori %shift_left3A_842, %shift_left3A_848 : vector<16xi32>
      %get3A_850 = arith.index_cast %add3A_836 : i32 to index
      %get3A_851 = tpu.vector_load %arg9[%get3A_850] {strides = array<i32>} : memref<16384xi32, #tpu.memory_space<vmem>>, vector<16xi32>,
      %get3A_852 = vector.shape_cast %get3A_851 : vector<16xi32> to vector<16xi32>
      %shift_left3A_853 = arith.constant 7 : i32
      %shift_left3A_854 = vector.broadcast %shift_left3A_853 : i32 to vector<16xi32>
      %shift_left3A_855 = arith.shli %get3A_852, %shift_left3A_854 : vector<16xi32>
      %or3A_856 = arith.ori %or3A_849, %shift_left3A_855 : vector<16xi32>
      %or3A_857 = arith.ori %or3A_856, %broadcast_in_dim3A : vector<16xi32>
      %swap3A_858 = arith.index_cast %add3A_836 : i32 to index
      %swap3A_859 = tpu.vector_load %arg10[%swap3A_858] {strides = array<i32>} : memref<16384xi32, #tpu.memory_space<vmem>>, vector<16xi32>,
      %swap3A_860 = vector.shape_cast %swap3A_859 : vector<16xi32> to vector<16xi32>
      %swap3A_861 = vector.shape_cast %or3A_857 : vector<16xi32> to vector<16xi32>
      tpu.vector_store %arg10[%swap3A_858], %swap3A_861 {strides = array<i32>} : memref<16384xi32, #tpu.memory_space<vmem>>, vector<16xi32>,
      %mul3A_862 = arith.constant 8 : i32
      %mul3A_863 = arith.muli %scan3A_796, %mul3A_862 : i32
      %add3A_864 = arith.constant 2 : i32
      %add3A_865 = arith.addi %mul3A_863, %add3A_864 : i32
      %mul3A_866 = arith.constant 16 : i32
      %mul3A_867 = arith.muli %add3A_865, %mul3A_866 : i32
      %add3A_868 = arith.constant 10240 : i32
      %add3A_869 = arith.addi %add3A_868, %mul3A_867 : i32
      %get3A_870 = arith.index_cast %add3A_869 : i32 to index
      %get3A_871 = tpu.vector_load %arg7[%get3A_870] {strides = array<i32>} : memref<16384xi32, #tpu.memory_space<vmem>>, vector<16xi32>,
      %get3A_872 = vector.shape_cast %get3A_871 : vector<16xi32> to vector<16xi32>
      %shift_left3A_873 = arith.constant 19 : i32
      %shift_left3A_874 = vector.broadcast %shift_left3A_873 : i32 to vector<16xi32>
      %shift_left3A_875 = arith.shli %get3A_872, %shift_left3A_874 : vector<16xi32>
      %get3A_876 = arith.index_cast %add3A_869 : i32 to index
      %get3A_877 = tpu.vector_load %arg8[%get3A_876] {strides = array<i32>} : memref<16384xi32, #tpu.memory_space<vmem>>, vector<16xi32>,
      %get3A_878 = vector.shape_cast %get3A_877 : vector<16xi32> to vector<16xi32>
      %shift_left3A_879 = arith.constant 13 : i32
      %shift_left3A_880 = vector.broadcast %shift_left3A_879 : i32 to vector<16xi32>
      %shift_left3A_881 = arith.shli %get3A_878, %shift_left3A_880 : vector<16xi32>
      %or3A_882 = arith.ori %shift_left3A_875, %shift_left3A_881 : vector<16xi32>
      %get3A_883 = arith.index_cast %add3A_869 : i32 to index
      %get3A_884 = tpu.vector_load %arg9[%get3A_883] {strides = array<i32>} : memref<16384xi32, #tpu.memory_space<vmem>>, vector<16xi32>,
      %get3A_885 = vector.shape_cast %get3A_884 : vector<16xi32> to vector<16xi32>
      %shift_left3A_886 = arith.constant 7 : i32
      %shift_left3A_887 = vector.broadcast %shift_left3A_886 : i32 to vector<16xi32>
      %shift_left3A_888 = arith.shli %get3A_885, %shift_left3A_887 : vector<16xi32>
      %or3A_889 = arith.ori %or3A_882, %shift_left3A_888 : vector<16xi32>
      %or3A_890 = arith.ori %or3A_889, %broadcast_in_dim3A : vector<16xi32>
      %swap3A_891 = arith.index_cast %add3A_869 : i32 to index
      %swap3A_892 = tpu.vector_load %arg10[%swap3A_891] {strides = array<i32>} : memref<16384xi32, #tpu.memory_space<vmem>>, vector<16xi32>,
      %swap3A_893 = vector.shape_cast %swap3A_892 : vector<16xi32> to vector<16xi32>
      %swap3A_894 = vector.shape_cast %or3A_890 : vector<16xi32> to vector<16xi32>
      tpu.vector_store %arg10[%swap3A_891], %swap3A_894 {strides = array<i32>} : memref<16384xi32, #tpu.memory_space<vmem>>, vector<16xi32>,
      %mul3A_895 = arith.constant 8 : i32
      %mul3A_896 = arith.muli %scan3A_796, %mul3A_895 : i32
      %add3A_897 = arith.constant 3 : i32
      %add3A_898 = arith.addi %mul3A_896, %add3A_897 : i32
      %mul3A_899 = arith.constant 16 : i32
      %mul3A_900 = arith.muli %add3A_898, %mul3A_899 : i32
      %add3A_901 = arith.constant 10240 : i32
      %add3A_902 = arith.addi %add3A_901, %mul3A_900 : i32
      %get3A_903 = arith.index_cast %add3A_902 : i32 to index
      %get3A_904 = tpu.vector_load %arg7[%get3A_903] {strides = array<i32>} : memref<16384xi32, #tpu.memory_space<vmem>>, vector<16xi32>,
      %get3A_905 = vector.shape_cast %get3A_904 : vector<16xi32> to vector<16xi32>
      %shift_left3A_906 = arith.constant 19 : i32
      %shift_left3A_907 = vector.broadcast %shift_left3A_906 : i32 to vector<16xi32>
      %shift_left3A_908 = arith.shli %get3A_905, %shift_left3A_907 : vector<16xi32>
      %get3A_909 = arith.index_cast %add3A_902 : i32 to index
      %get3A_910 = tpu.vector_load %arg8[%get3A_909] {strides = array<i32>} : memref<16384xi32, #tpu.memory_space<vmem>>, vector<16xi32>,
      %get3A_911 = vector.shape_cast %get3A_910 : vector<16xi32> to vector<16xi32>
      %shift_left3A_912 = arith.constant 13 : i32
      %shift_left3A_913 = vector.broadcast %shift_left3A_912 : i32 to vector<16xi32>
      %shift_left3A_914 = arith.shli %get3A_911, %shift_left3A_913 : vector<16xi32>
      %or3A_915 = arith.ori %shift_left3A_908, %shift_left3A_914 : vector<16xi32>
      %get3A_916 = arith.index_cast %add3A_902 : i32 to index
      %get3A_917 = tpu.vector_load %arg9[%get3A_916] {strides = array<i32>} : memref<16384xi32, #tpu.memory_space<vmem>>, vector<16xi32>,
      %get3A_918 = vector.shape_cast %get3A_917 : vector<16xi32> to vector<16xi32>
      %shift_left3A_919 = arith.constant 7 : i32
      %shift_left3A_920 = vector.broadcast %shift_left3A_919 : i32 to vector<16xi32>
      %shift_left3A_921 = arith.shli %get3A_918, %shift_left3A_920 : vector<16xi32>
      %or3A_922 = arith.ori %or3A_915, %shift_left3A_921 : vector<16xi32>
      %or3A_923 = arith.ori %or3A_922, %broadcast_in_dim3A : vector<16xi32>
      %swap3A_924 = arith.index_cast %add3A_902 : i32 to index
      %swap3A_925 = tpu.vector_load %arg10[%swap3A_924] {strides = array<i32>} : memref<16384xi32, #tpu.memory_space<vmem>>, vector<16xi32>,
      %swap3A_926 = vector.shape_cast %swap3A_925 : vector<16xi32> to vector<16xi32>
      %swap3A_927 = vector.shape_cast %or3A_923 : vector<16xi32> to vector<16xi32>
      tpu.vector_store %arg10[%swap3A_924], %swap3A_927 {strides = array<i32>} : memref<16384xi32, #tpu.memory_space<vmem>>, vector<16xi32>,
      %mul3A_928 = arith.constant 8 : i32
      %mul3A_929 = arith.muli %scan3A_796, %mul3A_928 : i32
      %add3A_930 = arith.constant 4 : i32
      %add3A_931 = arith.addi %mul3A_929, %add3A_930 : i32
      %mul3A_932 = arith.constant 16 : i32
      %mul3A_933 = arith.muli %add3A_931, %mul3A_932 : i32
      %add3A_934 = arith.constant 10240 : i32
      %add3A_935 = arith.addi %add3A_934, %mul3A_933 : i32
      %get3A_936 = arith.index_cast %add3A_935 : i32 to index
      %get3A_937 = tpu.vector_load %arg7[%get3A_936] {strides = array<i32>} : memref<16384xi32, #tpu.memory_space<vmem>>, vector<16xi32>,
      %get3A_938 = vector.shape_cast %get3A_937 : vector<16xi32> to vector<16xi32>
      %shift_left3A_939 = arith.constant 19 : i32
      %shift_left3A_940 = vector.broadcast %shift_left3A_939 : i32 to vector<16xi32>
      %shift_left3A_941 = arith.shli %get3A_938, %shift_left3A_940 : vector<16xi32>
      %get3A_942 = arith.index_cast %add3A_935 : i32 to index
      %get3A_943 = tpu.vector_load %arg8[%get3A_942] {strides = array<i32>} : memref<16384xi32, #tpu.memory_space<vmem>>, vector<16xi32>,
      %get3A_944 = vector.shape_cast %get3A_943 : vector<16xi32> to vector<16xi32>
      %shift_left3A_945 = arith.constant 13 : i32
      %shift_left3A_946 = vector.broadcast %shift_left3A_945 : i32 to vector<16xi32>
      %shift_left3A_947 = arith.shli %get3A_944, %shift_left3A_946 : vector<16xi32>
      %or3A_948 = arith.ori %shift_left3A_941, %shift_left3A_947 : vector<16xi32>
      %get3A_949 = arith.index_cast %add3A_935 : i32 to index
      %get3A_950 = tpu.vector_load %arg9[%get3A_949] {strides = array<i32>} : memref<16384xi32, #tpu.memory_space<vmem>>, vector<16xi32>,
      %get3A_951 = vector.shape_cast %get3A_950 : vector<16xi32> to vector<16xi32>
      %shift_left3A_952 = arith.constant 7 : i32
      %shift_left3A_953 = vector.broadcast %shift_left3A_952 : i32 to vector<16xi32>
      %shift_left3A_954 = arith.shli %get3A_951, %shift_left3A_953 : vector<16xi32>
      %or3A_955 = arith.ori %or3A_948, %shift_left3A_954 : vector<16xi32>
      %or3A_956 = arith.ori %or3A_955, %broadcast_in_dim3A : vector<16xi32>
      %swap3A_957 = arith.index_cast %add3A_935 : i32 to index
      %swap3A_958 = tpu.vector_load %arg10[%swap3A_957] {strides = array<i32>} : memref<16384xi32, #tpu.memory_space<vmem>>, vector<16xi32>,
      %swap3A_959 = vector.shape_cast %swap3A_958 : vector<16xi32> to vector<16xi32>
      %swap3A_960 = vector.shape_cast %or3A_956 : vector<16xi32> to vector<16xi32>
      tpu.vector_store %arg10[%swap3A_957], %swap3A_960 {strides = array<i32>} : memref<16384xi32, #tpu.memory_space<vmem>>, vector<16xi32>,
      %mul3A_961 = arith.constant 8 : i32
      %mul3A_962 = arith.muli %scan3A_796, %mul3A_961 : i32
      %add3A_963 = arith.constant 5 : i32
      %add3A_964 = arith.addi %mul3A_962, %add3A_963 : i32
      %mul3A_965 = arith.constant 16 : i32
      %mul3A_966 = arith.muli %add3A_964, %mul3A_965 : i32
      %add3A_967 = arith.constant 10240 : i32
      %add3A_968 = arith.addi %add3A_967, %mul3A_966 : i32
      %get3A_969 = arith.index_cast %add3A_968 : i32 to index
      %get3A_970 = tpu.vector_load %arg7[%get3A_969] {strides = array<i32>} : memref<16384xi32, #tpu.memory_space<vmem>>, vector<16xi32>,
      %get3A_971 = vector.shape_cast %get3A_970 : vector<16xi32> to vector<16xi32>
      %shift_left3A_972 = arith.constant 19 : i32
      %shift_left3A_973 = vector.broadcast %shift_left3A_972 : i32 to vector<16xi32>
      %shift_left3A_974 = arith.shli %get3A_971, %shift_left3A_973 : vector<16xi32>
      %get3A_975 = arith.index_cast %add3A_968 : i32 to index
      %get3A_976 = tpu.vector_load %arg8[%get3A_975] {strides = array<i32>} : memref<16384xi32, #tpu.memory_space<vmem>>, vector<16xi32>,
      %get3A_977 = vector.shape_cast %get3A_976 : vector<16xi32> to vector<16xi32>
      %shift_left3A_978 = arith.constant 13 : i32
      %shift_left3A_979 = vector.broadcast %shift_left3A_978 : i32 to vector<16xi32>
      %shift_left3A_980 = arith.shli %get3A_977, %shift_left3A_979 : vector<16xi32>
      %or3A_981 = arith.ori %shift_left3A_974, %shift_left3A_980 : vector<16xi32>
      %get3A_982 = arith.index_cast %add3A_968 : i32 to index
      %get3A_983 = tpu.vector_load %arg9[%get3A_982] {strides = array<i32>} : memref<16384xi32, #tpu.memory_space<vmem>>, vector<16xi32>,
      %get3A_984 = vector.shape_cast %get3A_983 : vector<16xi32> to vector<16xi32>
      %shift_left3A_985 = arith.constant 7 : i32
      %shift_left3A_986 = vector.broadcast %shift_left3A_985 : i32 to vector<16xi32>
      %shift_left3A_987 = arith.shli %get3A_984, %shift_left3A_986 : vector<16xi32>
      %or3A_988 = arith.ori %or3A_981, %shift_left3A_987 : vector<16xi32>
      %or3A_989 = arith.ori %or3A_988, %broadcast_in_dim3A : vector<16xi32>
      %swap3A_990 = arith.index_cast %add3A_968 : i32 to index
      %swap3A_991 = tpu.vector_load %arg10[%swap3A_990] {strides = array<i32>} : memref<16384xi32, #tpu.memory_space<vmem>>, vector<16xi32>,
      %swap3A_992 = vector.shape_cast %swap3A_991 : vector<16xi32> to vector<16xi32>
      %swap3A_993 = vector.shape_cast %or3A_989 : vector<16xi32> to vector<16xi32>
      tpu.vector_store %arg10[%swap3A_990], %swap3A_993 {strides = array<i32>} : memref<16384xi32, #tpu.memory_space<vmem>>, vector<16xi32>,
      %mul3A_994 = arith.constant 8 : i32
      %mul3A_995 = arith.muli %scan3A_796, %mul3A_994 : i32
      %add3A_996 = arith.constant 6 : i32
      %add3A_997 = arith.addi %mul3A_995, %add3A_996 : i32
      %mul3A_998 = arith.constant 16 : i32
      %mul3A_999 = arith.muli %add3A_997, %mul3A_998 : i32
      %add3A_1000 = arith.constant 10240 : i32
      %add3A_1001 = arith.addi %add3A_1000, %mul3A_999 : i32
      %get3A_1002 = arith.index_cast %add3A_1001 : i32 to index
      %get3A_1003 = tpu.vector_load %arg7[%get3A_1002] {strides = array<i32>} : memref<16384xi32, #tpu.memory_space<vmem>>, vector<16xi32>,
      %get3A_1004 = vector.shape_cast %get3A_1003 : vector<16xi32> to vector<16xi32>
      %shift_left3A_1005 = arith.constant 19 : i32
      %shift_left3A_1006 = vector.broadcast %shift_left3A_1005 : i32 to vector<16xi32>
      %shift_left3A_1007 = arith.shli %get3A_1004, %shift_left3A_1006 : vector<16xi32>
      %get3A_1008 = arith.index_cast %add3A_1001 : i32 to index
      %get3A_1009 = tpu.vector_load %arg8[%get3A_1008] {strides = array<i32>} : memref<16384xi32, #tpu.memory_space<vmem>>, vector<16xi32>,
      %get3A_1010 = vector.shape_cast %get3A_1009 : vector<16xi32> to vector<16xi32>
      %shift_left3A_1011 = arith.constant 13 : i32
      %shift_left3A_1012 = vector.broadcast %shift_left3A_1011 : i32 to vector<16xi32>
      %shift_left3A_1013 = arith.shli %get3A_1010, %shift_left3A_1012 : vector<16xi32>
      %or3A_1014 = arith.ori %shift_left3A_1007, %shift_left3A_1013 : vector<16xi32>
      %get3A_1015 = arith.index_cast %add3A_1001 : i32 to index
      %get3A_1016 = tpu.vector_load %arg9[%get3A_1015] {strides = array<i32>} : memref<16384xi32, #tpu.memory_space<vmem>>, vector<16xi32>,
      %get3A_1017 = vector.shape_cast %get3A_1016 : vector<16xi32> to vector<16xi32>
      %shift_left3A_1018 = arith.constant 7 : i32
      %shift_left3A_1019 = vector.broadcast %shift_left3A_1018 : i32 to vector<16xi32>
      %shift_left3A_1020 = arith.shli %get3A_1017, %shift_left3A_1019 : vector<16xi32>
      %or3A_1021 = arith.ori %or3A_1014, %shift_left3A_1020 : vector<16xi32>
      %or3A_1022 = arith.ori %or3A_1021, %broadcast_in_dim3A : vector<16xi32>
      %swap3A_1023 = arith.index_cast %add3A_1001 : i32 to index
      %swap3A_1024 = tpu.vector_load %arg10[%swap3A_1023] {strides = array<i32>} : memref<16384xi32, #tpu.memory_space<vmem>>, vector<16xi32>,
      %swap3A_1025 = vector.shape_cast %swap3A_1024 : vector<16xi32> to vector<16xi32>
      %swap3A_1026 = vector.shape_cast %or3A_1022 : vector<16xi32> to vector<16xi32>
      tpu.vector_store %arg10[%swap3A_1023], %swap3A_1026 {strides = array<i32>} : memref<16384xi32, #tpu.memory_space<vmem>>, vector<16xi32>,
      %mul3A_1027 = arith.constant 8 : i32
      %mul3A_1028 = arith.muli %scan3A_796, %mul3A_1027 : i32
      %add3A_1029 = arith.constant 7 : i32
      %add3A_1030 = arith.addi %mul3A_1028, %add3A_1029 : i32
      %mul3A_1031 = arith.constant 16 : i32
      %mul3A_1032 = arith.muli %add3A_1030, %mul3A_1031 : i32
      %add3A_1033 = arith.constant 10240 : i32
      %add3A_1034 = arith.addi %add3A_1033, %mul3A_1032 : i32
      %get3A_1035 = arith.index_cast %add3A_1034 : i32 to index
      %get3A_1036 = tpu.vector_load %arg7[%get3A_1035] {strides = array<i32>} : memref<16384xi32, #tpu.memory_space<vmem>>, vector<16xi32>,
      %get3A_1037 = vector.shape_cast %get3A_1036 : vector<16xi32> to vector<16xi32>
      %shift_left3A_1038 = arith.constant 19 : i32
      %shift_left3A_1039 = vector.broadcast %shift_left3A_1038 : i32 to vector<16xi32>
      %shift_left3A_1040 = arith.shli %get3A_1037, %shift_left3A_1039 : vector<16xi32>
      %get3A_1041 = arith.index_cast %add3A_1034 : i32 to index
      %get3A_1042 = tpu.vector_load %arg8[%get3A_1041] {strides = array<i32>} : memref<16384xi32, #tpu.memory_space<vmem>>, vector<16xi32>,
      %get3A_1043 = vector.shape_cast %get3A_1042 : vector<16xi32> to vector<16xi32>
      %shift_left3A_1044 = arith.constant 13 : i32
      %shift_left3A_1045 = vector.broadcast %shift_left3A_1044 : i32 to vector<16xi32>
      %shift_left3A_1046 = arith.shli %get3A_1043, %shift_left3A_1045 : vector<16xi32>
      %or3A_1047 = arith.ori %shift_left3A_1040, %shift_left3A_1046 : vector<16xi32>
      %get3A_1048 = arith.index_cast %add3A_1034 : i32 to index
      %get3A_1049 = tpu.vector_load %arg9[%get3A_1048] {strides = array<i32>} : memref<16384xi32, #tpu.memory_space<vmem>>, vector<16xi32>,
      %get3A_1050 = vector.shape_cast %get3A_1049 : vector<16xi32> to vector<16xi32>
      %shift_left3A_1051 = arith.constant 7 : i32
      %shift_left3A_1052 = vector.broadcast %shift_left3A_1051 : i32 to vector<16xi32>
      %shift_left3A_1053 = arith.shli %get3A_1050, %shift_left3A_1052 : vector<16xi32>
      %or3A_1054 = arith.ori %or3A_1047, %shift_left3A_1053 : vector<16xi32>
      %or3A_1055 = arith.ori %or3A_1054, %broadcast_in_dim3A : vector<16xi32>
      %swap3A_1056 = arith.index_cast %add3A_1034 : i32 to index
      %swap3A_1057 = tpu.vector_load %arg10[%swap3A_1056] {strides = array<i32>} : memref<16384xi32, #tpu.memory_space<vmem>>, vector<16xi32>,
      %swap3A_1058 = vector.shape_cast %swap3A_1057 : vector<16xi32> to vector<16xi32>
      %swap3A_1059 = vector.shape_cast %or3A_1055 : vector<16xi32> to vector<16xi32>
      tpu.vector_store %arg10[%swap3A_1056], %swap3A_1059 {strides = array<i32>} : memref<16384xi32, #tpu.memory_space<vmem>>, vector<16xi32>,
      %scan3A_1060 = arith.constant 0 : i32
      scf.yield %scan3A_1060 : i32
    }
    %scan3A_474 = arith.constant 16 : i32
    %dma_start3A_475 = arith.constant 5 : i32
    %dma_start3A_476 = arith.constant 10240 : i32
    %dma_start3A_477 = tpu.memref_slice %arg11[%dma_start3A_476] : memref<16384xf32, #tpu.memory_space<vmem>> -> memref<2048xf32, #tpu.memory_space<vmem>>
    %dma_start3A_478 = arith.constant 10240 : i32
    %dma_start3A_479 = tpu.memref_slice %arg10[%dma_start3A_478] : memref<16384xi32, #tpu.memory_space<vmem>> -> memref<2048xi32, #tpu.memory_space<vmem>>
    %dma_start3A_480 = arith.constant 0 : i32
    %dma_start3A_481 = tpu.memref_slice %arg2[%dma_start3A_480] : memref<33554432xf32, #tpu.memory_space<hbm>> -> memref<33554432xf32, #tpu.memory_space<hbm>>
    %dma_start3A_482 = tpu.memref_slice %arg12[%dma_start3A_475] : memref<8x!tpu.dma_semaphore, #tpu.memory_space<semaphore_mem>> -> memref<1x!tpu.dma_semaphore, #tpu.memory_space<semaphore_mem>>
    %dma_start3A_483 = tpu.memref_squeeze %dma_start3A_482 : memref<1x!tpu.dma_semaphore, #tpu.memory_space<semaphore_mem>> -> memref<!tpu.dma_semaphore, #tpu.memory_space<semaphore_mem>>
    tpu.enqueue_indirect_dma source(%dma_start3A_481 : memref<33554432xf32, #tpu.memory_space<hbm>>) target(%dma_start3A_477 : memref<2048xf32, #tpu.memory_space<vmem>>) offsets(%dma_start3A_479 : memref<2048xi32, #tpu.memory_space<vmem>>) semaphore(%dma_start3A_483 : memref<!tpu.dma_semaphore, #tpu.memory_space<semaphore_mem>>)
    %dma_wait3A_484 = arith.constant 12288 : i32
    %dma_wait3A_485 = tpu.memref_slice %arg7[%dma_wait3A_484] : memref<16384xi32, #tpu.memory_space<vmem>> -> memref<2048xi32, #tpu.memory_space<vmem>>
    %dma_wait3A_486 = tpu.memref_slice %arg3[%mul3A_6, %mul3A_4] : memref<128x4096xi32, #tpu.memory_space<hbm>> -> memref<1x2048xi32, #tpu.memory_space<hbm>>
    %dma_wait3A_487 = tpu.memref_squeeze %dma_wait3A_486 : memref<1x2048xi32, #tpu.memory_space<hbm>> -> memref<2048xi32, #tpu.memory_space<hbm>>
    %dma_wait3A_488 = arith.constant 12288 : i32
    %dma_wait3A_489 = tpu.memref_slice %arg7[%dma_wait3A_488] : memref<16384xi32, #tpu.memory_space<vmem>> -> memref<2048xi32, #tpu.memory_space<vmem>>
    %dma_wait3A_490 = tpu.memref_slice %arg3[%mul3A_6, %mul3A_4] : memref<128x4096xi32, #tpu.memory_space<hbm>> -> memref<1x2048xi32, #tpu.memory_space<hbm>>
    %dma_wait3A_491 = tpu.memref_squeeze %dma_wait3A_490 : memref<1x2048xi32, #tpu.memory_space<hbm>> -> memref<2048xi32, #tpu.memory_space<hbm>>
    tpu.wait_dma2 semaphore(%arg13 : memref<!tpu.dma_semaphore, #tpu.memory_space<semaphore_mem>>) src(%dma_wait3A_491 : memref<2048xi32, #tpu.memory_space<hbm>>) dst(%dma_wait3A_489 : memref<2048xi32, #tpu.memory_space<vmem>>)
    %dma_wait3A_492 = arith.constant 12288 : i32
    %dma_wait3A_493 = tpu.memref_slice %arg8[%dma_wait3A_492] : memref<16384xi32, #tpu.memory_space<vmem>> -> memref<2048xi32, #tpu.memory_space<vmem>>
    %dma_wait3A_494 = tpu.memref_slice %arg3[%mul3A_6, %mul3A_4] : memref<128x4096xi32, #tpu.memory_space<hbm>> -> memref<1x2048xi32, #tpu.memory_space<hbm>>
    %dma_wait3A_495 = tpu.memref_squeeze %dma_wait3A_494 : memref<1x2048xi32, #tpu.memory_space<hbm>> -> memref<2048xi32, #tpu.memory_space<hbm>>
    %dma_wait3A_496 = arith.constant 12288 : i32
    %dma_wait3A_497 = tpu.memref_slice %arg8[%dma_wait3A_496] : memref<16384xi32, #tpu.memory_space<vmem>> -> memref<2048xi32, #tpu.memory_space<vmem>>
    %dma_wait3A_498 = tpu.memref_slice %arg3[%mul3A_6, %mul3A_4] : memref<128x4096xi32, #tpu.memory_space<hbm>> -> memref<1x2048xi32, #tpu.memory_space<hbm>>
    %dma_wait3A_499 = tpu.memref_squeeze %dma_wait3A_498 : memref<1x2048xi32, #tpu.memory_space<hbm>> -> memref<2048xi32, #tpu.memory_space<hbm>>
    tpu.wait_dma2 semaphore(%arg13 : memref<!tpu.dma_semaphore, #tpu.memory_space<semaphore_mem>>) src(%dma_wait3A_499 : memref<2048xi32, #tpu.memory_space<hbm>>) dst(%dma_wait3A_497 : memref<2048xi32, #tpu.memory_space<vmem>>)
    %dma_wait3A_500 = arith.constant 12288 : i32
    %dma_wait3A_501 = tpu.memref_slice %arg9[%dma_wait3A_500] : memref<16384xi32, #tpu.memory_space<vmem>> -> memref<2048xi32, #tpu.memory_space<vmem>>
    %dma_wait3A_502 = tpu.memref_slice %arg3[%mul3A_6, %mul3A_4] : memref<128x4096xi32, #tpu.memory_space<hbm>> -> memref<1x2048xi32, #tpu.memory_space<hbm>>
    %dma_wait3A_503 = tpu.memref_squeeze %dma_wait3A_502 : memref<1x2048xi32, #tpu.memory_space<hbm>> -> memref<2048xi32, #tpu.memory_space<hbm>>
    %dma_wait3A_504 = arith.constant 12288 : i32
    %dma_wait3A_505 = tpu.memref_slice %arg9[%dma_wait3A_504] : memref<16384xi32, #tpu.memory_space<vmem>> -> memref<2048xi32, #tpu.memory_space<vmem>>
    %dma_wait3A_506 = tpu.memref_slice %arg3[%mul3A_6, %mul3A_4] : memref<128x4096xi32, #tpu.memory_space<hbm>> -> memref<1x2048xi32, #tpu.memory_space<hbm>>
    %dma_wait3A_507 = tpu.memref_squeeze %dma_wait3A_506 : memref<1x2048xi32, #tpu.memory_space<hbm>> -> memref<2048xi32, #tpu.memory_space<hbm>>
    tpu.wait_dma2 semaphore(%arg13 : memref<!tpu.dma_semaphore, #tpu.memory_space<semaphore_mem>>) src(%dma_wait3A_507 : memref<2048xi32, #tpu.memory_space<hbm>>) dst(%dma_wait3A_505 : memref<2048xi32, #tpu.memory_space<vmem>>)
    %scan3A_508 = arith.constant 0 : i32
    %scan3A_509 = arith.constant 0 : i32
    %scan3A_510 = arith.constant 16 : i32
    %scan3A_511 = arith.addi %scan3A_509, %scan3A_510 : i32
    %scan3A_512 = arith.constant 1 : i32
    %scan3A_513 = scf.for %scan3A_796 = %scan3A_509 to %scan3A_511 step %scan3A_512 iter_args(%scan3A_797 = %scan3A_508) -> (i32)  : i32 {
      %add3A_798 = arith.constant 6 : i32
      %add3A_799 = arith.addi %mul3A_6, %add3A_798 : i32
      %broadcast_in_dim3A = vector.broadcast %add3A_799 : i32 to vector<16xi32>
      %mul3A_800 = arith.constant 8 : i32
      %mul3A_801 = arith.muli %scan3A_796, %mul3A_800 : i32
      %add3A_802 = arith.constant 0 : i32
      %add3A_803 = arith.addi %mul3A_801, %add3A_802 : i32
      %mul3A_804 = arith.constant 16 : i32
      %mul3A_805 = arith.muli %add3A_803, %mul3A_804 : i32
      %add3A_806 = arith.constant 12288 : i32
      %add3A_807 = arith.addi %add3A_806, %mul3A_805 : i32
      %get3A = arith.index_cast %add3A_807 : i32 to index
      %get3A_808 = tpu.vector_load %arg7[%get3A] {strides = array<i32>} : memref<16384xi32, #tpu.memory_space<vmem>>, vector<16xi32>,
      %get3A_809 = vector.shape_cast %get3A_808 : vector<16xi32> to vector<16xi32>
      %shift_left3A = arith.constant 19 : i32
      %shift_left3A_810 = vector.broadcast %shift_left3A : i32 to vector<16xi32>
      %shift_left3A_811 = arith.shli %get3A_809, %shift_left3A_810 : vector<16xi32>
      %get3A_812 = arith.index_cast %add3A_807 : i32 to index
      %get3A_813 = tpu.vector_load %arg8[%get3A_812] {strides = array<i32>} : memref<16384xi32, #tpu.memory_space<vmem>>, vector<16xi32>,
      %get3A_814 = vector.shape_cast %get3A_813 : vector<16xi32> to vector<16xi32>
      %shift_left3A_815 = arith.constant 13 : i32
      %shift_left3A_816 = vector.broadcast %shift_left3A_815 : i32 to vector<16xi32>
      %shift_left3A_817 = arith.shli %get3A_814, %shift_left3A_816 : vector<16xi32>
      %or3A = arith.ori %shift_left3A_811, %shift_left3A_817 : vector<16xi32>
      %get3A_818 = arith.index_cast %add3A_807 : i32 to index
      %get3A_819 = tpu.vector_load %arg9[%get3A_818] {strides = array<i32>} : memref<16384xi32, #tpu.memory_space<vmem>>, vector<16xi32>,
      %get3A_820 = vector.shape_cast %get3A_819 : vector<16xi32> to vector<16xi32>
      %shift_left3A_821 = arith.constant 7 : i32
      %shift_left3A_822 = vector.broadcast %shift_left3A_821 : i32 to vector<16xi32>
      %shift_left3A_823 = arith.shli %get3A_820, %shift_left3A_822 : vector<16xi32>
      %or3A_824 = arith.ori %or3A, %shift_left3A_823 : vector<16xi32>
      %or3A_825 = arith.ori %or3A_824, %broadcast_in_dim3A : vector<16xi32>
      %swap3A = arith.index_cast %add3A_807 : i32 to index
      %swap3A_826 = tpu.vector_load %arg10[%swap3A] {strides = array<i32>} : memref<16384xi32, #tpu.memory_space<vmem>>, vector<16xi32>,
      %swap3A_827 = vector.shape_cast %swap3A_826 : vector<16xi32> to vector<16xi32>
      %swap3A_828 = vector.shape_cast %or3A_825 : vector<16xi32> to vector<16xi32>
      tpu.vector_store %arg10[%swap3A], %swap3A_828 {strides = array<i32>} : memref<16384xi32, #tpu.memory_space<vmem>>, vector<16xi32>,
      %mul3A_829 = arith.constant 8 : i32
      %mul3A_830 = arith.muli %scan3A_796, %mul3A_829 : i32
      %add3A_831 = arith.constant 1 : i32
      %add3A_832 = arith.addi %mul3A_830, %add3A_831 : i32
      %mul3A_833 = arith.constant 16 : i32
      %mul3A_834 = arith.muli %add3A_832, %mul3A_833 : i32
      %add3A_835 = arith.constant 12288 : i32
      %add3A_836 = arith.addi %add3A_835, %mul3A_834 : i32
      %get3A_837 = arith.index_cast %add3A_836 : i32 to index
      %get3A_838 = tpu.vector_load %arg7[%get3A_837] {strides = array<i32>} : memref<16384xi32, #tpu.memory_space<vmem>>, vector<16xi32>,
      %get3A_839 = vector.shape_cast %get3A_838 : vector<16xi32> to vector<16xi32>
      %shift_left3A_840 = arith.constant 19 : i32
      %shift_left3A_841 = vector.broadcast %shift_left3A_840 : i32 to vector<16xi32>
      %shift_left3A_842 = arith.shli %get3A_839, %shift_left3A_841 : vector<16xi32>
      %get3A_843 = arith.index_cast %add3A_836 : i32 to index
      %get3A_844 = tpu.vector_load %arg8[%get3A_843] {strides = array<i32>} : memref<16384xi32, #tpu.memory_space<vmem>>, vector<16xi32>,
      %get3A_845 = vector.shape_cast %get3A_844 : vector<16xi32> to vector<16xi32>
      %shift_left3A_846 = arith.constant 13 : i32
      %shift_left3A_847 = vector.broadcast %shift_left3A_846 : i32 to vector<16xi32>
      %shift_left3A_848 = arith.shli %get3A_845, %shift_left3A_847 : vector<16xi32>
      %or3A_849 = arith.ori %shift_left3A_842, %shift_left3A_848 : vector<16xi32>
      %get3A_850 = arith.index_cast %add3A_836 : i32 to index
      %get3A_851 = tpu.vector_load %arg9[%get3A_850] {strides = array<i32>} : memref<16384xi32, #tpu.memory_space<vmem>>, vector<16xi32>,
      %get3A_852 = vector.shape_cast %get3A_851 : vector<16xi32> to vector<16xi32>
      %shift_left3A_853 = arith.constant 7 : i32
      %shift_left3A_854 = vector.broadcast %shift_left3A_853 : i32 to vector<16xi32>
      %shift_left3A_855 = arith.shli %get3A_852, %shift_left3A_854 : vector<16xi32>
      %or3A_856 = arith.ori %or3A_849, %shift_left3A_855 : vector<16xi32>
      %or3A_857 = arith.ori %or3A_856, %broadcast_in_dim3A : vector<16xi32>
      %swap3A_858 = arith.index_cast %add3A_836 : i32 to index
      %swap3A_859 = tpu.vector_load %arg10[%swap3A_858] {strides = array<i32>} : memref<16384xi32, #tpu.memory_space<vmem>>, vector<16xi32>,
      %swap3A_860 = vector.shape_cast %swap3A_859 : vector<16xi32> to vector<16xi32>
      %swap3A_861 = vector.shape_cast %or3A_857 : vector<16xi32> to vector<16xi32>
      tpu.vector_store %arg10[%swap3A_858], %swap3A_861 {strides = array<i32>} : memref<16384xi32, #tpu.memory_space<vmem>>, vector<16xi32>,
      %mul3A_862 = arith.constant 8 : i32
      %mul3A_863 = arith.muli %scan3A_796, %mul3A_862 : i32
      %add3A_864 = arith.constant 2 : i32
      %add3A_865 = arith.addi %mul3A_863, %add3A_864 : i32
      %mul3A_866 = arith.constant 16 : i32
      %mul3A_867 = arith.muli %add3A_865, %mul3A_866 : i32
      %add3A_868 = arith.constant 12288 : i32
      %add3A_869 = arith.addi %add3A_868, %mul3A_867 : i32
      %get3A_870 = arith.index_cast %add3A_869 : i32 to index
      %get3A_871 = tpu.vector_load %arg7[%get3A_870] {strides = array<i32>} : memref<16384xi32, #tpu.memory_space<vmem>>, vector<16xi32>,
      %get3A_872 = vector.shape_cast %get3A_871 : vector<16xi32> to vector<16xi32>
      %shift_left3A_873 = arith.constant 19 : i32
      %shift_left3A_874 = vector.broadcast %shift_left3A_873 : i32 to vector<16xi32>
      %shift_left3A_875 = arith.shli %get3A_872, %shift_left3A_874 : vector<16xi32>
      %get3A_876 = arith.index_cast %add3A_869 : i32 to index
      %get3A_877 = tpu.vector_load %arg8[%get3A_876] {strides = array<i32>} : memref<16384xi32, #tpu.memory_space<vmem>>, vector<16xi32>,
      %get3A_878 = vector.shape_cast %get3A_877 : vector<16xi32> to vector<16xi32>
      %shift_left3A_879 = arith.constant 13 : i32
      %shift_left3A_880 = vector.broadcast %shift_left3A_879 : i32 to vector<16xi32>
      %shift_left3A_881 = arith.shli %get3A_878, %shift_left3A_880 : vector<16xi32>
      %or3A_882 = arith.ori %shift_left3A_875, %shift_left3A_881 : vector<16xi32>
      %get3A_883 = arith.index_cast %add3A_869 : i32 to index
      %get3A_884 = tpu.vector_load %arg9[%get3A_883] {strides = array<i32>} : memref<16384xi32, #tpu.memory_space<vmem>>, vector<16xi32>,
      %get3A_885 = vector.shape_cast %get3A_884 : vector<16xi32> to vector<16xi32>
      %shift_left3A_886 = arith.constant 7 : i32
      %shift_left3A_887 = vector.broadcast %shift_left3A_886 : i32 to vector<16xi32>
      %shift_left3A_888 = arith.shli %get3A_885, %shift_left3A_887 : vector<16xi32>
      %or3A_889 = arith.ori %or3A_882, %shift_left3A_888 : vector<16xi32>
      %or3A_890 = arith.ori %or3A_889, %broadcast_in_dim3A : vector<16xi32>
      %swap3A_891 = arith.index_cast %add3A_869 : i32 to index
      %swap3A_892 = tpu.vector_load %arg10[%swap3A_891] {strides = array<i32>} : memref<16384xi32, #tpu.memory_space<vmem>>, vector<16xi32>,
      %swap3A_893 = vector.shape_cast %swap3A_892 : vector<16xi32> to vector<16xi32>
      %swap3A_894 = vector.shape_cast %or3A_890 : vector<16xi32> to vector<16xi32>
      tpu.vector_store %arg10[%swap3A_891], %swap3A_894 {strides = array<i32>} : memref<16384xi32, #tpu.memory_space<vmem>>, vector<16xi32>,
      %mul3A_895 = arith.constant 8 : i32
      %mul3A_896 = arith.muli %scan3A_796, %mul3A_895 : i32
      %add3A_897 = arith.constant 3 : i32
      %add3A_898 = arith.addi %mul3A_896, %add3A_897 : i32
      %mul3A_899 = arith.constant 16 : i32
      %mul3A_900 = arith.muli %add3A_898, %mul3A_899 : i32
      %add3A_901 = arith.constant 12288 : i32
      %add3A_902 = arith.addi %add3A_901, %mul3A_900 : i32
      %get3A_903 = arith.index_cast %add3A_902 : i32 to index
      %get3A_904 = tpu.vector_load %arg7[%get3A_903] {strides = array<i32>} : memref<16384xi32, #tpu.memory_space<vmem>>, vector<16xi32>,
      %get3A_905 = vector.shape_cast %get3A_904 : vector<16xi32> to vector<16xi32>
      %shift_left3A_906 = arith.constant 19 : i32
      %shift_left3A_907 = vector.broadcast %shift_left3A_906 : i32 to vector<16xi32>
      %shift_left3A_908 = arith.shli %get3A_905, %shift_left3A_907 : vector<16xi32>
      %get3A_909 = arith.index_cast %add3A_902 : i32 to index
      %get3A_910 = tpu.vector_load %arg8[%get3A_909] {strides = array<i32>} : memref<16384xi32, #tpu.memory_space<vmem>>, vector<16xi32>,
      %get3A_911 = vector.shape_cast %get3A_910 : vector<16xi32> to vector<16xi32>
      %shift_left3A_912 = arith.constant 13 : i32
      %shift_left3A_913 = vector.broadcast %shift_left3A_912 : i32 to vector<16xi32>
      %shift_left3A_914 = arith.shli %get3A_911, %shift_left3A_913 : vector<16xi32>
      %or3A_915 = arith.ori %shift_left3A_908, %shift_left3A_914 : vector<16xi32>
      %get3A_916 = arith.index_cast %add3A_902 : i32 to index
      %get3A_917 = tpu.vector_load %arg9[%get3A_916] {strides = array<i32>} : memref<16384xi32, #tpu.memory_space<vmem>>, vector<16xi32>,
      %get3A_918 = vector.shape_cast %get3A_917 : vector<16xi32> to vector<16xi32>
      %shift_left3A_919 = arith.constant 7 : i32
      %shift_left3A_920 = vector.broadcast %shift_left3A_919 : i32 to vector<16xi32>
      %shift_left3A_921 = arith.shli %get3A_918, %shift_left3A_920 : vector<16xi32>
      %or3A_922 = arith.ori %or3A_915, %shift_left3A_921 : vector<16xi32>
      %or3A_923 = arith.ori %or3A_922, %broadcast_in_dim3A : vector<16xi32>
      %swap3A_924 = arith.index_cast %add3A_902 : i32 to index
      %swap3A_925 = tpu.vector_load %arg10[%swap3A_924] {strides = array<i32>} : memref<16384xi32, #tpu.memory_space<vmem>>, vector<16xi32>,
      %swap3A_926 = vector.shape_cast %swap3A_925 : vector<16xi32> to vector<16xi32>
      %swap3A_927 = vector.shape_cast %or3A_923 : vector<16xi32> to vector<16xi32>
      tpu.vector_store %arg10[%swap3A_924], %swap3A_927 {strides = array<i32>} : memref<16384xi32, #tpu.memory_space<vmem>>, vector<16xi32>,
      %mul3A_928 = arith.constant 8 : i32
      %mul3A_929 = arith.muli %scan3A_796, %mul3A_928 : i32
      %add3A_930 = arith.constant 4 : i32
      %add3A_931 = arith.addi %mul3A_929, %add3A_930 : i32
      %mul3A_932 = arith.constant 16 : i32
      %mul3A_933 = arith.muli %add3A_931, %mul3A_932 : i32
      %add3A_934 = arith.constant 12288 : i32
      %add3A_935 = arith.addi %add3A_934, %mul3A_933 : i32
      %get3A_936 = arith.index_cast %add3A_935 : i32 to index
      %get3A_937 = tpu.vector_load %arg7[%get3A_936] {strides = array<i32>} : memref<16384xi32, #tpu.memory_space<vmem>>, vector<16xi32>,
      %get3A_938 = vector.shape_cast %get3A_937 : vector<16xi32> to vector<16xi32>
      %shift_left3A_939 = arith.constant 19 : i32
      %shift_left3A_940 = vector.broadcast %shift_left3A_939 : i32 to vector<16xi32>
      %shift_left3A_941 = arith.shli %get3A_938, %shift_left3A_940 : vector<16xi32>
      %get3A_942 = arith.index_cast %add3A_935 : i32 to index
      %get3A_943 = tpu.vector_load %arg8[%get3A_942] {strides = array<i32>} : memref<16384xi32, #tpu.memory_space<vmem>>, vector<16xi32>,
      %get3A_944 = vector.shape_cast %get3A_943 : vector<16xi32> to vector<16xi32>
      %shift_left3A_945 = arith.constant 13 : i32
      %shift_left3A_946 = vector.broadcast %shift_left3A_945 : i32 to vector<16xi32>
      %shift_left3A_947 = arith.shli %get3A_944, %shift_left3A_946 : vector<16xi32>
      %or3A_948 = arith.ori %shift_left3A_941, %shift_left3A_947 : vector<16xi32>
      %get3A_949 = arith.index_cast %add3A_935 : i32 to index
      %get3A_950 = tpu.vector_load %arg9[%get3A_949] {strides = array<i32>} : memref<16384xi32, #tpu.memory_space<vmem>>, vector<16xi32>,
      %get3A_951 = vector.shape_cast %get3A_950 : vector<16xi32> to vector<16xi32>
      %shift_left3A_952 = arith.constant 7 : i32
      %shift_left3A_953 = vector.broadcast %shift_left3A_952 : i32 to vector<16xi32>
      %shift_left3A_954 = arith.shli %get3A_951, %shift_left3A_953 : vector<16xi32>
      %or3A_955 = arith.ori %or3A_948, %shift_left3A_954 : vector<16xi32>
      %or3A_956 = arith.ori %or3A_955, %broadcast_in_dim3A : vector<16xi32>
      %swap3A_957 = arith.index_cast %add3A_935 : i32 to index
      %swap3A_958 = tpu.vector_load %arg10[%swap3A_957] {strides = array<i32>} : memref<16384xi32, #tpu.memory_space<vmem>>, vector<16xi32>,
      %swap3A_959 = vector.shape_cast %swap3A_958 : vector<16xi32> to vector<16xi32>
      %swap3A_960 = vector.shape_cast %or3A_956 : vector<16xi32> to vector<16xi32>
      tpu.vector_store %arg10[%swap3A_957], %swap3A_960 {strides = array<i32>} : memref<16384xi32, #tpu.memory_space<vmem>>, vector<16xi32>,
      %mul3A_961 = arith.constant 8 : i32
      %mul3A_962 = arith.muli %scan3A_796, %mul3A_961 : i32
      %add3A_963 = arith.constant 5 : i32
      %add3A_964 = arith.addi %mul3A_962, %add3A_963 : i32
      %mul3A_965 = arith.constant 16 : i32
      %mul3A_966 = arith.muli %add3A_964, %mul3A_965 : i32
      %add3A_967 = arith.constant 12288 : i32
      %add3A_968 = arith.addi %add3A_967, %mul3A_966 : i32
      %get3A_969 = arith.index_cast %add3A_968 : i32 to index
      %get3A_970 = tpu.vector_load %arg7[%get3A_969] {strides = array<i32>} : memref<16384xi32, #tpu.memory_space<vmem>>, vector<16xi32>,
      %get3A_971 = vector.shape_cast %get3A_970 : vector<16xi32> to vector<16xi32>
      %shift_left3A_972 = arith.constant 19 : i32
      %shift_left3A_973 = vector.broadcast %shift_left3A_972 : i32 to vector<16xi32>
      %shift_left3A_974 = arith.shli %get3A_971, %shift_left3A_973 : vector<16xi32>
      %get3A_975 = arith.index_cast %add3A_968 : i32 to index
      %get3A_976 = tpu.vector_load %arg8[%get3A_975] {strides = array<i32>} : memref<16384xi32, #tpu.memory_space<vmem>>, vector<16xi32>,
      %get3A_977 = vector.shape_cast %get3A_976 : vector<16xi32> to vector<16xi32>
      %shift_left3A_978 = arith.constant 13 : i32
      %shift_left3A_979 = vector.broadcast %shift_left3A_978 : i32 to vector<16xi32>
      %shift_left3A_980 = arith.shli %get3A_977, %shift_left3A_979 : vector<16xi32>
      %or3A_981 = arith.ori %shift_left3A_974, %shift_left3A_980 : vector<16xi32>
      %get3A_982 = arith.index_cast %add3A_968 : i32 to index
      %get3A_983 = tpu.vector_load %arg9[%get3A_982] {strides = array<i32>} : memref<16384xi32, #tpu.memory_space<vmem>>, vector<16xi32>,
      %get3A_984 = vector.shape_cast %get3A_983 : vector<16xi32> to vector<16xi32>
      %shift_left3A_985 = arith.constant 7 : i32
      %shift_left3A_986 = vector.broadcast %shift_left3A_985 : i32 to vector<16xi32>
      %shift_left3A_987 = arith.shli %get3A_984, %shift_left3A_986 : vector<16xi32>
      %or3A_988 = arith.ori %or3A_981, %shift_left3A_987 : vector<16xi32>
      %or3A_989 = arith.ori %or3A_988, %broadcast_in_dim3A : vector<16xi32>
      %swap3A_990 = arith.index_cast %add3A_968 : i32 to index
      %swap3A_991 = tpu.vector_load %arg10[%swap3A_990] {strides = array<i32>} : memref<16384xi32, #tpu.memory_space<vmem>>, vector<16xi32>,
      %swap3A_992 = vector.shape_cast %swap3A_991 : vector<16xi32> to vector<16xi32>
      %swap3A_993 = vector.shape_cast %or3A_989 : vector<16xi32> to vector<16xi32>
      tpu.vector_store %arg10[%swap3A_990], %swap3A_993 {strides = array<i32>} : memref<16384xi32, #tpu.memory_space<vmem>>, vector<16xi32>,
      %mul3A_994 = arith.constant 8 : i32
      %mul3A_995 = arith.muli %scan3A_796, %mul3A_994 : i32
      %add3A_996 = arith.constant 6 : i32
      %add3A_997 = arith.addi %mul3A_995, %add3A_996 : i32
      %mul3A_998 = arith.constant 16 : i32
      %mul3A_999 = arith.muli %add3A_997, %mul3A_998 : i32
      %add3A_1000 = arith.constant 12288 : i32
      %add3A_1001 = arith.addi %add3A_1000, %mul3A_999 : i32
      %get3A_1002 = arith.index_cast %add3A_1001 : i32 to index
      %get3A_1003 = tpu.vector_load %arg7[%get3A_1002] {strides = array<i32>} : memref<16384xi32, #tpu.memory_space<vmem>>, vector<16xi32>,
      %get3A_1004 = vector.shape_cast %get3A_1003 : vector<16xi32> to vector<16xi32>
      %shift_left3A_1005 = arith.constant 19 : i32
      %shift_left3A_1006 = vector.broadcast %shift_left3A_1005 : i32 to vector<16xi32>
      %shift_left3A_1007 = arith.shli %get3A_1004, %shift_left3A_1006 : vector<16xi32>
      %get3A_1008 = arith.index_cast %add3A_1001 : i32 to index
      %get3A_1009 = tpu.vector_load %arg8[%get3A_1008] {strides = array<i32>} : memref<16384xi32, #tpu.memory_space<vmem>>, vector<16xi32>,
      %get3A_1010 = vector.shape_cast %get3A_1009 : vector<16xi32> to vector<16xi32>
      %shift_left3A_1011 = arith.constant 13 : i32
      %shift_left3A_1012 = vector.broadcast %shift_left3A_1011 : i32 to vector<16xi32>
      %shift_left3A_1013 = arith.shli %get3A_1010, %shift_left3A_1012 : vector<16xi32>
      %or3A_1014 = arith.ori %shift_left3A_1007, %shift_left3A_1013 : vector<16xi32>
      %get3A_1015 = arith.index_cast %add3A_1001 : i32 to index
      %get3A_1016 = tpu.vector_load %arg9[%get3A_1015] {strides = array<i32>} : memref<16384xi32, #tpu.memory_space<vmem>>, vector<16xi32>,
      %get3A_1017 = vector.shape_cast %get3A_1016 : vector<16xi32> to vector<16xi32>
      %shift_left3A_1018 = arith.constant 7 : i32
      %shift_left3A_1019 = vector.broadcast %shift_left3A_1018 : i32 to vector<16xi32>
      %shift_left3A_1020 = arith.shli %get3A_1017, %shift_left3A_1019 : vector<16xi32>
      %or3A_1021 = arith.ori %or3A_1014, %shift_left3A_1020 : vector<16xi32>
      %or3A_1022 = arith.ori %or3A_1021, %broadcast_in_dim3A : vector<16xi32>
      %swap3A_1023 = arith.index_cast %add3A_1001 : i32 to index
      %swap3A_1024 = tpu.vector_load %arg10[%swap3A_1023] {strides = array<i32>} : memref<16384xi32, #tpu.memory_space<vmem>>, vector<16xi32>,
      %swap3A_1025 = vector.shape_cast %swap3A_1024 : vector<16xi32> to vector<16xi32>
      %swap3A_1026 = vector.shape_cast %or3A_1022 : vector<16xi32> to vector<16xi32>
      tpu.vector_store %arg10[%swap3A_1023], %swap3A_1026 {strides = array<i32>} : memref<16384xi32, #tpu.memory_space<vmem>>, vector<16xi32>,
      %mul3A_1027 = arith.constant 8 : i32
      %mul3A_1028 = arith.muli %scan3A_796, %mul3A_1027 : i32
      %add3A_1029 = arith.constant 7 : i32
      %add3A_1030 = arith.addi %mul3A_1028, %add3A_1029 : i32
      %mul3A_1031 = arith.constant 16 : i32
      %mul3A_1032 = arith.muli %add3A_1030, %mul3A_1031 : i32
      %add3A_1033 = arith.constant 12288 : i32
      %add3A_1034 = arith.addi %add3A_1033, %mul3A_1032 : i32
      %get3A_1035 = arith.index_cast %add3A_1034 : i32 to index
      %get3A_1036 = tpu.vector_load %arg7[%get3A_1035] {strides = array<i32>} : memref<16384xi32, #tpu.memory_space<vmem>>, vector<16xi32>,
      %get3A_1037 = vector.shape_cast %get3A_1036 : vector<16xi32> to vector<16xi32>
      %shift_left3A_1038 = arith.constant 19 : i32
      %shift_left3A_1039 = vector.broadcast %shift_left3A_1038 : i32 to vector<16xi32>
      %shift_left3A_1040 = arith.shli %get3A_1037, %shift_left3A_1039 : vector<16xi32>
      %get3A_1041 = arith.index_cast %add3A_1034 : i32 to index
      %get3A_1042 = tpu.vector_load %arg8[%get3A_1041] {strides = array<i32>} : memref<16384xi32, #tpu.memory_space<vmem>>, vector<16xi32>,
      %get3A_1043 = vector.shape_cast %get3A_1042 : vector<16xi32> to vector<16xi32>
      %shift_left3A_1044 = arith.constant 13 : i32
      %shift_left3A_1045 = vector.broadcast %shift_left3A_1044 : i32 to vector<16xi32>
      %shift_left3A_1046 = arith.shli %get3A_1043, %shift_left3A_1045 : vector<16xi32>
      %or3A_1047 = arith.ori %shift_left3A_1040, %shift_left3A_1046 : vector<16xi32>
      %get3A_1048 = arith.index_cast %add3A_1034 : i32 to index
      %get3A_1049 = tpu.vector_load %arg9[%get3A_1048] {strides = array<i32>} : memref<16384xi32, #tpu.memory_space<vmem>>, vector<16xi32>,
      %get3A_1050 = vector.shape_cast %get3A_1049 : vector<16xi32> to vector<16xi32>
      %shift_left3A_1051 = arith.constant 7 : i32
      %shift_left3A_1052 = vector.broadcast %shift_left3A_1051 : i32 to vector<16xi32>
      %shift_left3A_1053 = arith.shli %get3A_1050, %shift_left3A_1052 : vector<16xi32>
      %or3A_1054 = arith.ori %or3A_1047, %shift_left3A_1053 : vector<16xi32>
      %or3A_1055 = arith.ori %or3A_1054, %broadcast_in_dim3A : vector<16xi32>
      %swap3A_1056 = arith.index_cast %add3A_1034 : i32 to index
      %swap3A_1057 = tpu.vector_load %arg10[%swap3A_1056] {strides = array<i32>} : memref<16384xi32, #tpu.memory_space<vmem>>, vector<16xi32>,
      %swap3A_1058 = vector.shape_cast %swap3A_1057 : vector<16xi32> to vector<16xi32>
      %swap3A_1059 = vector.shape_cast %or3A_1055 : vector<16xi32> to vector<16xi32>
      tpu.vector_store %arg10[%swap3A_1056], %swap3A_1059 {strides = array<i32>} : memref<16384xi32, #tpu.memory_space<vmem>>, vector<16xi32>,
      %scan3A_1060 = arith.constant 0 : i32
      scf.yield %scan3A_1060 : i32
    }
    %scan3A_514 = arith.constant 16 : i32
    %dma_start3A_515 = arith.constant 6 : i32
    %dma_start3A_516 = arith.constant 12288 : i32
    %dma_start3A_517 = tpu.memref_slice %arg11[%dma_start3A_516] : memref<16384xf32, #tpu.memory_space<vmem>> -> memref<2048xf32, #tpu.memory_space<vmem>>
    %dma_start3A_518 = arith.constant 12288 : i32
    %dma_start3A_519 = tpu.memref_slice %arg10[%dma_start3A_518] : memref<16384xi32, #tpu.memory_space<vmem>> -> memref<2048xi32, #tpu.memory_space<vmem>>
    %dma_start3A_520 = arith.constant 0 : i32
    %dma_start3A_521 = tpu.memref_slice %arg2[%dma_start3A_520] : memref<33554432xf32, #tpu.memory_space<hbm>> -> memref<33554432xf32, #tpu.memory_space<hbm>>
    %dma_start3A_522 = tpu.memref_slice %arg12[%dma_start3A_515] : memref<8x!tpu.dma_semaphore, #tpu.memory_space<semaphore_mem>> -> memref<1x!tpu.dma_semaphore, #tpu.memory_space<semaphore_mem>>
    %dma_start3A_523 = tpu.memref_squeeze %dma_start3A_522 : memref<1x!tpu.dma_semaphore, #tpu.memory_space<semaphore_mem>> -> memref<!tpu.dma_semaphore, #tpu.memory_space<semaphore_mem>>
    tpu.enqueue_indirect_dma source(%dma_start3A_521 : memref<33554432xf32, #tpu.memory_space<hbm>>) target(%dma_start3A_517 : memref<2048xf32, #tpu.memory_space<vmem>>) offsets(%dma_start3A_519 : memref<2048xi32, #tpu.memory_space<vmem>>) semaphore(%dma_start3A_523 : memref<!tpu.dma_semaphore, #tpu.memory_space<semaphore_mem>>)
    %dma_wait3A_524 = arith.constant 14336 : i32
    %dma_wait3A_525 = tpu.memref_slice %arg7[%dma_wait3A_524] : memref<16384xi32, #tpu.memory_space<vmem>> -> memref<2048xi32, #tpu.memory_space<vmem>>
    %dma_wait3A_526 = tpu.memref_slice %arg3[%mul3A_6, %mul3A_4] : memref<128x4096xi32, #tpu.memory_space<hbm>> -> memref<1x2048xi32, #tpu.memory_space<hbm>>
    %dma_wait3A_527 = tpu.memref_squeeze %dma_wait3A_526 : memref<1x2048xi32, #tpu.memory_space<hbm>> -> memref<2048xi32, #tpu.memory_space<hbm>>
    %dma_wait3A_528 = arith.constant 14336 : i32
    %dma_wait3A_529 = tpu.memref_slice %arg7[%dma_wait3A_528] : memref<16384xi32, #tpu.memory_space<vmem>> -> memref<2048xi32, #tpu.memory_space<vmem>>
    %dma_wait3A_530 = tpu.memref_slice %arg3[%mul3A_6, %mul3A_4] : memref<128x4096xi32, #tpu.memory_space<hbm>> -> memref<1x2048xi32, #tpu.memory_space<hbm>>
    %dma_wait3A_531 = tpu.memref_squeeze %dma_wait3A_530 : memref<1x2048xi32, #tpu.memory_space<hbm>> -> memref<2048xi32, #tpu.memory_space<hbm>>
    tpu.wait_dma2 semaphore(%arg13 : memref<!tpu.dma_semaphore, #tpu.memory_space<semaphore_mem>>) src(%dma_wait3A_531 : memref<2048xi32, #tpu.memory_space<hbm>>) dst(%dma_wait3A_529 : memref<2048xi32, #tpu.memory_space<vmem>>)
    %dma_wait3A_532 = arith.constant 14336 : i32
    %dma_wait3A_533 = tpu.memref_slice %arg8[%dma_wait3A_532] : memref<16384xi32, #tpu.memory_space<vmem>> -> memref<2048xi32, #tpu.memory_space<vmem>>
    %dma_wait3A_534 = tpu.memref_slice %arg3[%mul3A_6, %mul3A_4] : memref<128x4096xi32, #tpu.memory_space<hbm>> -> memref<1x2048xi32, #tpu.memory_space<hbm>>
    %dma_wait3A_535 = tpu.memref_squeeze %dma_wait3A_534 : memref<1x2048xi32, #tpu.memory_space<hbm>> -> memref<2048xi32, #tpu.memory_space<hbm>>
    %dma_wait3A_536 = arith.constant 14336 : i32
    %dma_wait3A_537 = tpu.memref_slice %arg8[%dma_wait3A_536] : memref<16384xi32, #tpu.memory_space<vmem>> -> memref<2048xi32, #tpu.memory_space<vmem>>
    %dma_wait3A_538 = tpu.memref_slice %arg3[%mul3A_6, %mul3A_4] : memref<128x4096xi32, #tpu.memory_space<hbm>> -> memref<1x2048xi32, #tpu.memory_space<hbm>>
    %dma_wait3A_539 = tpu.memref_squeeze %dma_wait3A_538 : memref<1x2048xi32, #tpu.memory_space<hbm>> -> memref<2048xi32, #tpu.memory_space<hbm>>
    tpu.wait_dma2 semaphore(%arg13 : memref<!tpu.dma_semaphore, #tpu.memory_space<semaphore_mem>>) src(%dma_wait3A_539 : memref<2048xi32, #tpu.memory_space<hbm>>) dst(%dma_wait3A_537 : memref<2048xi32, #tpu.memory_space<vmem>>)
    %dma_wait3A_540 = arith.constant 14336 : i32
    %dma_wait3A_541 = tpu.memref_slice %arg9[%dma_wait3A_540] : memref<16384xi32, #tpu.memory_space<vmem>> -> memref<2048xi32, #tpu.memory_space<vmem>>
    %dma_wait3A_542 = tpu.memref_slice %arg3[%mul3A_6, %mul3A_4] : memref<128x4096xi32, #tpu.memory_space<hbm>> -> memref<1x2048xi32, #tpu.memory_space<hbm>>
    %dma_wait3A_543 = tpu.memref_squeeze %dma_wait3A_542 : memref<1x2048xi32, #tpu.memory_space<hbm>> -> memref<2048xi32, #tpu.memory_space<hbm>>
    %dma_wait3A_544 = arith.constant 14336 : i32
    %dma_wait3A_545 = tpu.memref_slice %arg9[%dma_wait3A_544] : memref<16384xi32, #tpu.memory_space<vmem>> -> memref<2048xi32, #tpu.memory_space<vmem>>
    %dma_wait3A_546 = tpu.memref_slice %arg3[%mul3A_6, %mul3A_4] : memref<128x4096xi32, #tpu.memory_space<hbm>> -> memref<1x2048xi32, #tpu.memory_space<hbm>>
    %dma_wait3A_547 = tpu.memref_squeeze %dma_wait3A_546 : memref<1x2048xi32, #tpu.memory_space<hbm>> -> memref<2048xi32, #tpu.memory_space<hbm>>
    tpu.wait_dma2 semaphore(%arg13 : memref<!tpu.dma_semaphore, #tpu.memory_space<semaphore_mem>>) src(%dma_wait3A_547 : memref<2048xi32, #tpu.memory_space<hbm>>) dst(%dma_wait3A_545 : memref<2048xi32, #tpu.memory_space<vmem>>)
    %scan3A_548 = arith.constant 0 : i32
    %scan3A_549 = arith.constant 0 : i32
    %scan3A_550 = arith.constant 16 : i32
    %scan3A_551 = arith.addi %scan3A_549, %scan3A_550 : i32
    %scan3A_552 = arith.constant 1 : i32
    %scan3A_553 = scf.for %scan3A_796 = %scan3A_549 to %scan3A_551 step %scan3A_552 iter_args(%scan3A_797 = %scan3A_548) -> (i32)  : i32 {
      %add3A_798 = arith.constant 7 : i32
      %add3A_799 = arith.addi %mul3A_6, %add3A_798 : i32
      %broadcast_in_dim3A = vector.broadcast %add3A_799 : i32 to vector<16xi32>
      %mul3A_800 = arith.constant 8 : i32
      %mul3A_801 = arith.muli %scan3A_796, %mul3A_800 : i32
      %add3A_802 = arith.constant 0 : i32
      %add3A_803 = arith.addi %mul3A_801, %add3A_802 : i32
      %mul3A_804 = arith.constant 16 : i32
      %mul3A_805 = arith.muli %add3A_803, %mul3A_804 : i32
      %add3A_806 = arith.constant 14336 : i32
      %add3A_807 = arith.addi %add3A_806, %mul3A_805 : i32
      %get3A = arith.index_cast %add3A_807 : i32 to index
      %get3A_808 = tpu.vector_load %arg7[%get3A] {strides = array<i32>} : memref<16384xi32, #tpu.memory_space<vmem>>, vector<16xi32>,
      %get3A_809 = vector.shape_cast %get3A_808 : vector<16xi32> to vector<16xi32>
      %shift_left3A = arith.constant 19 : i32
      %shift_left3A_810 = vector.broadcast %shift_left3A : i32 to vector<16xi32>
      %shift_left3A_811 = arith.shli %get3A_809, %shift_left3A_810 : vector<16xi32>
      %get3A_812 = arith.index_cast %add3A_807 : i32 to index
      %get3A_813 = tpu.vector_load %arg8[%get3A_812] {strides = array<i32>} : memref<16384xi32, #tpu.memory_space<vmem>>, vector<16xi32>,
      %get3A_814 = vector.shape_cast %get3A_813 : vector<16xi32> to vector<16xi32>
      %shift_left3A_815 = arith.constant 13 : i32
      %shift_left3A_816 = vector.broadcast %shift_left3A_815 : i32 to vector<16xi32>
      %shift_left3A_817 = arith.shli %get3A_814, %shift_left3A_816 : vector<16xi32>
      %or3A = arith.ori %shift_left3A_811, %shift_left3A_817 : vector<16xi32>
      %get3A_818 = arith.index_cast %add3A_807 : i32 to index
      %get3A_819 = tpu.vector_load %arg9[%get3A_818] {strides = array<i32>} : memref<16384xi32, #tpu.memory_space<vmem>>, vector<16xi32>,
      %get3A_820 = vector.shape_cast %get3A_819 : vector<16xi32> to vector<16xi32>
      %shift_left3A_821 = arith.constant 7 : i32
      %shift_left3A_822 = vector.broadcast %shift_left3A_821 : i32 to vector<16xi32>
      %shift_left3A_823 = arith.shli %get3A_820, %shift_left3A_822 : vector<16xi32>
      %or3A_824 = arith.ori %or3A, %shift_left3A_823 : vector<16xi32>
      %or3A_825 = arith.ori %or3A_824, %broadcast_in_dim3A : vector<16xi32>
      %swap3A = arith.index_cast %add3A_807 : i32 to index
      %swap3A_826 = tpu.vector_load %arg10[%swap3A] {strides = array<i32>} : memref<16384xi32, #tpu.memory_space<vmem>>, vector<16xi32>,
      %swap3A_827 = vector.shape_cast %swap3A_826 : vector<16xi32> to vector<16xi32>
      %swap3A_828 = vector.shape_cast %or3A_825 : vector<16xi32> to vector<16xi32>
      tpu.vector_store %arg10[%swap3A], %swap3A_828 {strides = array<i32>} : memref<16384xi32, #tpu.memory_space<vmem>>, vector<16xi32>,
      %mul3A_829 = arith.constant 8 : i32
      %mul3A_830 = arith.muli %scan3A_796, %mul3A_829 : i32
      %add3A_831 = arith.constant 1 : i32
      %add3A_832 = arith.addi %mul3A_830, %add3A_831 : i32
      %mul3A_833 = arith.constant 16 : i32
      %mul3A_834 = arith.muli %add3A_832, %mul3A_833 : i32
      %add3A_835 = arith.constant 14336 : i32
      %add3A_836 = arith.addi %add3A_835, %mul3A_834 : i32
      %get3A_837 = arith.index_cast %add3A_836 : i32 to index
      %get3A_838 = tpu.vector_load %arg7[%get3A_837] {strides = array<i32>} : memref<16384xi32, #tpu.memory_space<vmem>>, vector<16xi32>,
      %get3A_839 = vector.shape_cast %get3A_838 : vector<16xi32> to vector<16xi32>
      %shift_left3A_840 = arith.constant 19 : i32
      %shift_left3A_841 = vector.broadcast %shift_left3A_840 : i32 to vector<16xi32>
      %shift_left3A_842 = arith.shli %get3A_839, %shift_left3A_841 : vector<16xi32>
      %get3A_843 = arith.index_cast %add3A_836 : i32 to index
      %get3A_844 = tpu.vector_load %arg8[%get3A_843] {strides = array<i32>} : memref<16384xi32, #tpu.memory_space<vmem>>, vector<16xi32>,
      %get3A_845 = vector.shape_cast %get3A_844 : vector<16xi32> to vector<16xi32>
      %shift_left3A_846 = arith.constant 13 : i32
      %shift_left3A_847 = vector.broadcast %shift_left3A_846 : i32 to vector<16xi32>
      %shift_left3A_848 = arith.shli %get3A_845, %shift_left3A_847 : vector<16xi32>
      %or3A_849 = arith.ori %shift_left3A_842, %shift_left3A_848 : vector<16xi32>
      %get3A_850 = arith.index_cast %add3A_836 : i32 to index
      %get3A_851 = tpu.vector_load %arg9[%get3A_850] {strides = array<i32>} : memref<16384xi32, #tpu.memory_space<vmem>>, vector<16xi32>,
      %get3A_852 = vector.shape_cast %get3A_851 : vector<16xi32> to vector<16xi32>
      %shift_left3A_853 = arith.constant 7 : i32
      %shift_left3A_854 = vector.broadcast %shift_left3A_853 : i32 to vector<16xi32>
      %shift_left3A_855 = arith.shli %get3A_852, %shift_left3A_854 : vector<16xi32>
      %or3A_856 = arith.ori %or3A_849, %shift_left3A_855 : vector<16xi32>
      %or3A_857 = arith.ori %or3A_856, %broadcast_in_dim3A : vector<16xi32>
      %swap3A_858 = arith.index_cast %add3A_836 : i32 to index
      %swap3A_859 = tpu.vector_load %arg10[%swap3A_858] {strides = array<i32>} : memref<16384xi32, #tpu.memory_space<vmem>>, vector<16xi32>,
      %swap3A_860 = vector.shape_cast %swap3A_859 : vector<16xi32> to vector<16xi32>
      %swap3A_861 = vector.shape_cast %or3A_857 : vector<16xi32> to vector<16xi32>
      tpu.vector_store %arg10[%swap3A_858], %swap3A_861 {strides = array<i32>} : memref<16384xi32, #tpu.memory_space<vmem>>, vector<16xi32>,
      %mul3A_862 = arith.constant 8 : i32
      %mul3A_863 = arith.muli %scan3A_796, %mul3A_862 : i32
      %add3A_864 = arith.constant 2 : i32
      %add3A_865 = arith.addi %mul3A_863, %add3A_864 : i32
      %mul3A_866 = arith.constant 16 : i32
      %mul3A_867 = arith.muli %add3A_865, %mul3A_866 : i32
      %add3A_868 = arith.constant 14336 : i32
      %add3A_869 = arith.addi %add3A_868, %mul3A_867 : i32
      %get3A_870 = arith.index_cast %add3A_869 : i32 to index
      %get3A_871 = tpu.vector_load %arg7[%get3A_870] {strides = array<i32>} : memref<16384xi32, #tpu.memory_space<vmem>>, vector<16xi32>,
      %get3A_872 = vector.shape_cast %get3A_871 : vector<16xi32> to vector<16xi32>
      %shift_left3A_873 = arith.constant 19 : i32
      %shift_left3A_874 = vector.broadcast %shift_left3A_873 : i32 to vector<16xi32>
      %shift_left3A_875 = arith.shli %get3A_872, %shift_left3A_874 : vector<16xi32>
      %get3A_876 = arith.index_cast %add3A_869 : i32 to index
      %get3A_877 = tpu.vector_load %arg8[%get3A_876] {strides = array<i32>} : memref<16384xi32, #tpu.memory_space<vmem>>, vector<16xi32>,
      %get3A_878 = vector.shape_cast %get3A_877 : vector<16xi32> to vector<16xi32>
      %shift_left3A_879 = arith.constant 13 : i32
      %shift_left3A_880 = vector.broadcast %shift_left3A_879 : i32 to vector<16xi32>
      %shift_left3A_881 = arith.shli %get3A_878, %shift_left3A_880 : vector<16xi32>
      %or3A_882 = arith.ori %shift_left3A_875, %shift_left3A_881 : vector<16xi32>
      %get3A_883 = arith.index_cast %add3A_869 : i32 to index
      %get3A_884 = tpu.vector_load %arg9[%get3A_883] {strides = array<i32>} : memref<16384xi32, #tpu.memory_space<vmem>>, vector<16xi32>,
      %get3A_885 = vector.shape_cast %get3A_884 : vector<16xi32> to vector<16xi32>
      %shift_left3A_886 = arith.constant 7 : i32
      %shift_left3A_887 = vector.broadcast %shift_left3A_886 : i32 to vector<16xi32>
      %shift_left3A_888 = arith.shli %get3A_885, %shift_left3A_887 : vector<16xi32>
      %or3A_889 = arith.ori %or3A_882, %shift_left3A_888 : vector<16xi32>
      %or3A_890 = arith.ori %or3A_889, %broadcast_in_dim3A : vector<16xi32>
      %swap3A_891 = arith.index_cast %add3A_869 : i32 to index
      %swap3A_892 = tpu.vector_load %arg10[%swap3A_891] {strides = array<i32>} : memref<16384xi32, #tpu.memory_space<vmem>>, vector<16xi32>,
      %swap3A_893 = vector.shape_cast %swap3A_892 : vector<16xi32> to vector<16xi32>
      %swap3A_894 = vector.shape_cast %or3A_890 : vector<16xi32> to vector<16xi32>
      tpu.vector_store %arg10[%swap3A_891], %swap3A_894 {strides = array<i32>} : memref<16384xi32, #tpu.memory_space<vmem>>, vector<16xi32>,
      %mul3A_895 = arith.constant 8 : i32
      %mul3A_896 = arith.muli %scan3A_796, %mul3A_895 : i32
      %add3A_897 = arith.constant 3 : i32
      %add3A_898 = arith.addi %mul3A_896, %add3A_897 : i32
      %mul3A_899 = arith.constant 16 : i32
      %mul3A_900 = arith.muli %add3A_898, %mul3A_899 : i32
      %add3A_901 = arith.constant 14336 : i32
      %add3A_902 = arith.addi %add3A_901, %mul3A_900 : i32
      %get3A_903 = arith.index_cast %add3A_902 : i32 to index
      %get3A_904 = tpu.vector_load %arg7[%get3A_903] {strides = array<i32>} : memref<16384xi32, #tpu.memory_space<vmem>>, vector<16xi32>,
      %get3A_905 = vector.shape_cast %get3A_904 : vector<16xi32> to vector<16xi32>
      %shift_left3A_906 = arith.constant 19 : i32
      %shift_left3A_907 = vector.broadcast %shift_left3A_906 : i32 to vector<16xi32>
      %shift_left3A_908 = arith.shli %get3A_905, %shift_left3A_907 : vector<16xi32>
      %get3A_909 = arith.index_cast %add3A_902 : i32 to index
      %get3A_910 = tpu.vector_load %arg8[%get3A_909] {strides = array<i32>} : memref<16384xi32, #tpu.memory_space<vmem>>, vector<16xi32>,
      %get3A_911 = vector.shape_cast %get3A_910 : vector<16xi32> to vector<16xi32>
      %shift_left3A_912 = arith.constant 13 : i32
      %shift_left3A_913 = vector.broadcast %shift_left3A_912 : i32 to vector<16xi32>
      %shift_left3A_914 = arith.shli %get3A_911, %shift_left3A_913 : vector<16xi32>
      %or3A_915 = arith.ori %shift_left3A_908, %shift_left3A_914 : vector<16xi32>
      %get3A_916 = arith.index_cast %add3A_902 : i32 to index
      %get3A_917 = tpu.vector_load %arg9[%get3A_916] {strides = array<i32>} : memref<16384xi32, #tpu.memory_space<vmem>>, vector<16xi32>,
      %get3A_918 = vector.shape_cast %get3A_917 : vector<16xi32> to vector<16xi32>
      %shift_left3A_919 = arith.constant 7 : i32
      %shift_left3A_920 = vector.broadcast %shift_left3A_919 : i32 to vector<16xi32>
      %shift_left3A_921 = arith.shli %get3A_918, %shift_left3A_920 : vector<16xi32>
      %or3A_922 = arith.ori %or3A_915, %shift_left3A_921 : vector<16xi32>
      %or3A_923 = arith.ori %or3A_922, %broadcast_in_dim3A : vector<16xi32>
      %swap3A_924 = arith.index_cast %add3A_902 : i32 to index
      %swap3A_925 = tpu.vector_load %arg10[%swap3A_924] {strides = array<i32>} : memref<16384xi32, #tpu.memory_space<vmem>>, vector<16xi32>,
      %swap3A_926 = vector.shape_cast %swap3A_925 : vector<16xi32> to vector<16xi32>
      %swap3A_927 = vector.shape_cast %or3A_923 : vector<16xi32> to vector<16xi32>
      tpu.vector_store %arg10[%swap3A_924], %swap3A_927 {strides = array<i32>} : memref<16384xi32, #tpu.memory_space<vmem>>, vector<16xi32>,
      %mul3A_928 = arith.constant 8 : i32
      %mul3A_929 = arith.muli %scan3A_796, %mul3A_928 : i32
      %add3A_930 = arith.constant 4 : i32
      %add3A_931 = arith.addi %mul3A_929, %add3A_930 : i32
      %mul3A_932 = arith.constant 16 : i32
      %mul3A_933 = arith.muli %add3A_931, %mul3A_932 : i32
      %add3A_934 = arith.constant 14336 : i32
      %add3A_935 = arith.addi %add3A_934, %mul3A_933 : i32
      %get3A_936 = arith.index_cast %add3A_935 : i32 to index
      %get3A_937 = tpu.vector_load %arg7[%get3A_936] {strides = array<i32>} : memref<16384xi32, #tpu.memory_space<vmem>>, vector<16xi32>,
      %get3A_938 = vector.shape_cast %get3A_937 : vector<16xi32> to vector<16xi32>
      %shift_left3A_939 = arith.constant 19 : i32
      %shift_left3A_940 = vector.broadcast %shift_left3A_939 : i32 to vector<16xi32>
      %shift_left3A_941 = arith.shli %get3A_938, %shift_left3A_940 : vector<16xi32>
      %get3A_942 = arith.index_cast %add3A_935 : i32 to index
      %get3A_943 = tpu.vector_load %arg8[%get3A_942] {strides = array<i32>} : memref<16384xi32, #tpu.memory_space<vmem>>, vector<16xi32>,
      %get3A_944 = vector.shape_cast %get3A_943 : vector<16xi32> to vector<16xi32>
      %shift_left3A_945 = arith.constant 13 : i32
      %shift_left3A_946 = vector.broadcast %shift_left3A_945 : i32 to vector<16xi32>
      %shift_left3A_947 = arith.shli %get3A_944, %shift_left3A_946 : vector<16xi32>
      %or3A_948 = arith.ori %shift_left3A_941, %shift_left3A_947 : vector<16xi32>
      %get3A_949 = arith.index_cast %add3A_935 : i32 to index
      %get3A_950 = tpu.vector_load %arg9[%get3A_949] {strides = array<i32>} : memref<16384xi32, #tpu.memory_space<vmem>>, vector<16xi32>,
      %get3A_951 = vector.shape_cast %get3A_950 : vector<16xi32> to vector<16xi32>
      %shift_left3A_952 = arith.constant 7 : i32
      %shift_left3A_953 = vector.broadcast %shift_left3A_952 : i32 to vector<16xi32>
      %shift_left3A_954 = arith.shli %get3A_951, %shift_left3A_953 : vector<16xi32>
      %or3A_955 = arith.ori %or3A_948, %shift_left3A_954 : vector<16xi32>
      %or3A_956 = arith.ori %or3A_955, %broadcast_in_dim3A : vector<16xi32>
      %swap3A_957 = arith.index_cast %add3A_935 : i32 to index
      %swap3A_958 = tpu.vector_load %arg10[%swap3A_957] {strides = array<i32>} : memref<16384xi32, #tpu.memory_space<vmem>>, vector<16xi32>,
      %swap3A_959 = vector.shape_cast %swap3A_958 : vector<16xi32> to vector<16xi32>
      %swap3A_960 = vector.shape_cast %or3A_956 : vector<16xi32> to vector<16xi32>
      tpu.vector_store %arg10[%swap3A_957], %swap3A_960 {strides = array<i32>} : memref<16384xi32, #tpu.memory_space<vmem>>, vector<16xi32>,
      %mul3A_961 = arith.constant 8 : i32
      %mul3A_962 = arith.muli %scan3A_796, %mul3A_961 : i32
      %add3A_963 = arith.constant 5 : i32
      %add3A_964 = arith.addi %mul3A_962, %add3A_963 : i32
      %mul3A_965 = arith.constant 16 : i32
      %mul3A_966 = arith.muli %add3A_964, %mul3A_965 : i32
      %add3A_967 = arith.constant 14336 : i32
      %add3A_968 = arith.addi %add3A_967, %mul3A_966 : i32
      %get3A_969 = arith.index_cast %add3A_968 : i32 to index
      %get3A_970 = tpu.vector_load %arg7[%get3A_969] {strides = array<i32>} : memref<16384xi32, #tpu.memory_space<vmem>>, vector<16xi32>,
      %get3A_971 = vector.shape_cast %get3A_970 : vector<16xi32> to vector<16xi32>
      %shift_left3A_972 = arith.constant 19 : i32
      %shift_left3A_973 = vector.broadcast %shift_left3A_972 : i32 to vector<16xi32>
      %shift_left3A_974 = arith.shli %get3A_971, %shift_left3A_973 : vector<16xi32>
      %get3A_975 = arith.index_cast %add3A_968 : i32 to index
      %get3A_976 = tpu.vector_load %arg8[%get3A_975] {strides = array<i32>} : memref<16384xi32, #tpu.memory_space<vmem>>, vector<16xi32>,
      %get3A_977 = vector.shape_cast %get3A_976 : vector<16xi32> to vector<16xi32>
      %shift_left3A_978 = arith.constant 13 : i32
      %shift_left3A_979 = vector.broadcast %shift_left3A_978 : i32 to vector<16xi32>
      %shift_left3A_980 = arith.shli %get3A_977, %shift_left3A_979 : vector<16xi32>
      %or3A_981 = arith.ori %shift_left3A_974, %shift_left3A_980 : vector<16xi32>
      %get3A_982 = arith.index_cast %add3A_968 : i32 to index
      %get3A_983 = tpu.vector_load %arg9[%get3A_982] {strides = array<i32>} : memref<16384xi32, #tpu.memory_space<vmem>>, vector<16xi32>,
      %get3A_984 = vector.shape_cast %get3A_983 : vector<16xi32> to vector<16xi32>
      %shift_left3A_985 = arith.constant 7 : i32
      %shift_left3A_986 = vector.broadcast %shift_left3A_985 : i32 to vector<16xi32>
      %shift_left3A_987 = arith.shli %get3A_984, %shift_left3A_986 : vector<16xi32>
      %or3A_988 = arith.ori %or3A_981, %shift_left3A_987 : vector<16xi32>
      %or3A_989 = arith.ori %or3A_988, %broadcast_in_dim3A : vector<16xi32>
      %swap3A_990 = arith.index_cast %add3A_968 : i32 to index
      %swap3A_991 = tpu.vector_load %arg10[%swap3A_990] {strides = array<i32>} : memref<16384xi32, #tpu.memory_space<vmem>>, vector<16xi32>,
      %swap3A_992 = vector.shape_cast %swap3A_991 : vector<16xi32> to vector<16xi32>
      %swap3A_993 = vector.shape_cast %or3A_989 : vector<16xi32> to vector<16xi32>
      tpu.vector_store %arg10[%swap3A_990], %swap3A_993 {strides = array<i32>} : memref<16384xi32, #tpu.memory_space<vmem>>, vector<16xi32>,
      %mul3A_994 = arith.constant 8 : i32
      %mul3A_995 = arith.muli %scan3A_796, %mul3A_994 : i32
      %add3A_996 = arith.constant 6 : i32
      %add3A_997 = arith.addi %mul3A_995, %add3A_996 : i32
      %mul3A_998 = arith.constant 16 : i32
      %mul3A_999 = arith.muli %add3A_997, %mul3A_998 : i32
      %add3A_1000 = arith.constant 14336 : i32
      %add3A_1001 = arith.addi %add3A_1000, %mul3A_999 : i32
      %get3A_1002 = arith.index_cast %add3A_1001 : i32 to index
      %get3A_1003 = tpu.vector_load %arg7[%get3A_1002] {strides = array<i32>} : memref<16384xi32, #tpu.memory_space<vmem>>, vector<16xi32>,
      %get3A_1004 = vector.shape_cast %get3A_1003 : vector<16xi32> to vector<16xi32>
      %shift_left3A_1005 = arith.constant 19 : i32
      %shift_left3A_1006 = vector.broadcast %shift_left3A_1005 : i32 to vector<16xi32>
      %shift_left3A_1007 = arith.shli %get3A_1004, %shift_left3A_1006 : vector<16xi32>
      %get3A_1008 = arith.index_cast %add3A_1001 : i32 to index
      %get3A_1009 = tpu.vector_load %arg8[%get3A_1008] {strides = array<i32>} : memref<16384xi32, #tpu.memory_space<vmem>>, vector<16xi32>,
      %get3A_1010 = vector.shape_cast %get3A_1009 : vector<16xi32> to vector<16xi32>
      %shift_left3A_1011 = arith.constant 13 : i32
      %shift_left3A_1012 = vector.broadcast %shift_left3A_1011 : i32 to vector<16xi32>
      %shift_left3A_1013 = arith.shli %get3A_1010, %shift_left3A_1012 : vector<16xi32>
      %or3A_1014 = arith.ori %shift_left3A_1007, %shift_left3A_1013 : vector<16xi32>
      %get3A_1015 = arith.index_cast %add3A_1001 : i32 to index
      %get3A_1016 = tpu.vector_load %arg9[%get3A_1015] {strides = array<i32>} : memref<16384xi32, #tpu.memory_space<vmem>>, vector<16xi32>,
      %get3A_1017 = vector.shape_cast %get3A_1016 : vector<16xi32> to vector<16xi32>
      %shift_left3A_1018 = arith.constant 7 : i32
      %shift_left3A_1019 = vector.broadcast %shift_left3A_1018 : i32 to vector<16xi32>
      %shift_left3A_1020 = arith.shli %get3A_1017, %shift_left3A_1019 : vector<16xi32>
      %or3A_1021 = arith.ori %or3A_1014, %shift_left3A_1020 : vector<16xi32>
      %or3A_1022 = arith.ori %or3A_1021, %broadcast_in_dim3A : vector<16xi32>
      %swap3A_1023 = arith.index_cast %add3A_1001 : i32 to index
      %swap3A_1024 = tpu.vector_load %arg10[%swap3A_1023] {strides = array<i32>} : memref<16384xi32, #tpu.memory_space<vmem>>, vector<16xi32>,
      %swap3A_1025 = vector.shape_cast %swap3A_1024 : vector<16xi32> to vector<16xi32>
      %swap3A_1026 = vector.shape_cast %or3A_1022 : vector<16xi32> to vector<16xi32>
      tpu.vector_store %arg10[%swap3A_1023], %swap3A_1026 {strides = array<i32>} : memref<16384xi32, #tpu.memory_space<vmem>>, vector<16xi32>,
      %mul3A_1027 = arith.constant 8 : i32
      %mul3A_1028 = arith.muli %scan3A_796, %mul3A_1027 : i32
      %add3A_1029 = arith.constant 7 : i32
      %add3A_1030 = arith.addi %mul3A_1028, %add3A_1029 : i32
      %mul3A_1031 = arith.constant 16 : i32
      %mul3A_1032 = arith.muli %add3A_1030, %mul3A_1031 : i32
      %add3A_1033 = arith.constant 14336 : i32
      %add3A_1034 = arith.addi %add3A_1033, %mul3A_1032 : i32
      %get3A_1035 = arith.index_cast %add3A_1034 : i32 to index
      %get3A_1036 = tpu.vector_load %arg7[%get3A_1035] {strides = array<i32>} : memref<16384xi32, #tpu.memory_space<vmem>>, vector<16xi32>,
      %get3A_1037 = vector.shape_cast %get3A_1036 : vector<16xi32> to vector<16xi32>
      %shift_left3A_1038 = arith.constant 19 : i32
      %shift_left3A_1039 = vector.broadcast %shift_left3A_1038 : i32 to vector<16xi32>
      %shift_left3A_1040 = arith.shli %get3A_1037, %shift_left3A_1039 : vector<16xi32>
      %get3A_1041 = arith.index_cast %add3A_1034 : i32 to index
      %get3A_1042 = tpu.vector_load %arg8[%get3A_1041] {strides = array<i32>} : memref<16384xi32, #tpu.memory_space<vmem>>, vector<16xi32>,
      %get3A_1043 = vector.shape_cast %get3A_1042 : vector<16xi32> to vector<16xi32>
      %shift_left3A_1044 = arith.constant 13 : i32
      %shift_left3A_1045 = vector.broadcast %shift_left3A_1044 : i32 to vector<16xi32>
      %shift_left3A_1046 = arith.shli %get3A_1043, %shift_left3A_1045 : vector<16xi32>
      %or3A_1047 = arith.ori %shift_left3A_1040, %shift_left3A_1046 : vector<16xi32>
      %get3A_1048 = arith.index_cast %add3A_1034 : i32 to index
      %get3A_1049 = tpu.vector_load %arg9[%get3A_1048] {strides = array<i32>} : memref<16384xi32, #tpu.memory_space<vmem>>, vector<16xi32>,
      %get3A_1050 = vector.shape_cast %get3A_1049 : vector<16xi32> to vector<16xi32>
      %shift_left3A_1051 = arith.constant 7 : i32
      %shift_left3A_1052 = vector.broadcast %shift_left3A_1051 : i32 to vector<16xi32>
      %shift_left3A_1053 = arith.shli %get3A_1050, %shift_left3A_1052 : vector<16xi32>
      %or3A_1054 = arith.ori %or3A_1047, %shift_left3A_1053 : vector<16xi32>
      %or3A_1055 = arith.ori %or3A_1054, %broadcast_in_dim3A : vector<16xi32>
      %swap3A_1056 = arith.index_cast %add3A_1034 : i32 to index
      %swap3A_1057 = tpu.vector_load %arg10[%swap3A_1056] {strides = array<i32>} : memref<16384xi32, #tpu.memory_space<vmem>>, vector<16xi32>,
      %swap3A_1058 = vector.shape_cast %swap3A_1057 : vector<16xi32> to vector<16xi32>
      %swap3A_1059 = vector.shape_cast %or3A_1055 : vector<16xi32> to vector<16xi32>
      tpu.vector_store %arg10[%swap3A_1056], %swap3A_1059 {strides = array<i32>} : memref<16384xi32, #tpu.memory_space<vmem>>, vector<16xi32>,
      %scan3A_1060 = arith.constant 0 : i32
      scf.yield %scan3A_1060 : i32
    }
    %scan3A_554 = arith.constant 16 : i32
    %dma_start3A_555 = arith.constant 7 : i32
    %dma_start3A_556 = arith.constant 14336 : i32
    %dma_start3A_557 = tpu.memref_slice %arg11[%dma_start3A_556] : memref<16384xf32, #tpu.memory_space<vmem>> -> memref<2048xf32, #tpu.memory_space<vmem>>
    %dma_start3A_558 = arith.constant 14336 : i32
    %dma_start3A_559 = tpu.memref_slice %arg10[%dma_start3A_558] : memref<16384xi32, #tpu.memory_space<vmem>> -> memref<2048xi32, #tpu.memory_space<vmem>>
    %dma_start3A_560 = arith.constant 0 : i32
    %dma_start3A_561 = tpu.memref_slice %arg2[%dma_start3A_560] : memref<33554432xf32, #tpu.memory_space<hbm>> -> memref<33554432xf32, #tpu.memory_space<hbm>>
    %dma_start3A_562 = tpu.memref_slice %arg12[%dma_start3A_555] : memref<8x!tpu.dma_semaphore, #tpu.memory_space<semaphore_mem>> -> memref<1x!tpu.dma_semaphore, #tpu.memory_space<semaphore_mem>>
    %dma_start3A_563 = tpu.memref_squeeze %dma_start3A_562 : memref<1x!tpu.dma_semaphore, #tpu.memory_space<semaphore_mem>> -> memref<!tpu.dma_semaphore, #tpu.memory_space<semaphore_mem>>
    tpu.enqueue_indirect_dma source(%dma_start3A_561 : memref<33554432xf32, #tpu.memory_space<hbm>>) target(%dma_start3A_557 : memref<2048xf32, #tpu.memory_space<vmem>>) offsets(%dma_start3A_559 : memref<2048xi32, #tpu.memory_space<vmem>>) semaphore(%dma_start3A_563 : memref<!tpu.dma_semaphore, #tpu.memory_space<semaphore_mem>>)
    %dma_wait3A_564 = arith.constant 0 : i32
    %dma_wait3A_565 = arith.constant 0 : i32
    %dma_wait3A_566 = tpu.memref_slice %arg11[%dma_wait3A_565] : memref<16384xf32, #tpu.memory_space<vmem>> -> memref<2048xf32, #tpu.memory_space<vmem>>
    %dma_wait3A_567 = arith.constant 0 : i32
    %dma_wait3A_568 = tpu.memref_slice %arg10[%dma_wait3A_567] : memref<16384xi32, #tpu.memory_space<vmem>> -> memref<2048xi32, #tpu.memory_space<vmem>>
    %dma_wait3A_569 = arith.constant 0 : i32
    %dma_wait3A_570 = tpu.memref_slice %arg2[%dma_wait3A_569] : memref<33554432xf32, #tpu.memory_space<hbm>> -> memref<33554432xf32, #tpu.memory_space<hbm>>
    %dma_wait3A_571 = tpu.memref_slice %arg12[%dma_wait3A_564] : memref<8x!tpu.dma_semaphore, #tpu.memory_space<semaphore_mem>> -> memref<1x!tpu.dma_semaphore, #tpu.memory_space<semaphore_mem>>
    %dma_wait3A_572 = tpu.memref_squeeze %dma_wait3A_571 : memref<1x!tpu.dma_semaphore, #tpu.memory_space<semaphore_mem>> -> memref<!tpu.dma_semaphore, #tpu.memory_space<semaphore_mem>>
    tpu.wait_indirect_dma semaphore(%dma_wait3A_572 : memref<!tpu.dma_semaphore, #tpu.memory_space<semaphore_mem>>) src(%dma_wait3A_570 : memref<33554432xf32, #tpu.memory_space<hbm>>) dst(%dma_wait3A_566 : memref<2048xf32, #tpu.memory_space<vmem>>)
    %add3A_573 = arith.constant 0 : i32
    %add3A_574 = arith.addi %mul3A_6, %add3A_573 : i32
    %dma_start3A_575 = arith.constant 0 : i32
    %dma_start3A_576 = tpu.memref_slice %arg11[%dma_start3A_575] : memref<16384xf32, #tpu.memory_space<vmem>> -> memref<2048xf32, #tpu.memory_space<vmem>>
    %dma_start3A_577 = tpu.memref_slice %arg6[%add3A_574, %mul3A_4] : memref<128x4096xf32, #tpu.memory_space<hbm>> -> memref<1x2048xf32, #tpu.memory_space<hbm>>
    %dma_start3A_578 = tpu.memref_squeeze %dma_start3A_577 : memref<1x2048xf32, #tpu.memory_space<hbm>> -> memref<2048xf32, #tpu.memory_space<hbm>>
    %dma_start3A_579 = tpu.memref_slice %arg6[%add3A_574, %mul3A_4] : memref<128x4096xf32, #tpu.memory_space<hbm>> -> memref<1x2048xf32, #tpu.memory_space<hbm>>
    %dma_start3A_580 = tpu.memref_squeeze %dma_start3A_579 : memref<1x2048xf32, #tpu.memory_space<hbm>> -> memref<2048xf32, #tpu.memory_space<hbm>>
    %dma_start3A_581 = arith.constant 0 : i32
    %dma_start3A_582 = tpu.memref_slice %arg11[%dma_start3A_581] : memref<16384xf32, #tpu.memory_space<vmem>> -> memref<2048xf32, #tpu.memory_space<vmem>>
    tpu.enqueue_dma source(%dma_start3A_582 : memref<2048xf32, #tpu.memory_space<vmem>>) target(%dma_start3A_580 : memref<2048xf32, #tpu.memory_space<hbm>>) target_semaphore(%arg13 : memref<!tpu.dma_semaphore, #tpu.memory_space<semaphore_mem>>)
    %dma_wait3A_583 = arith.constant 1 : i32
    %dma_wait3A_584 = arith.constant 2048 : i32
    %dma_wait3A_585 = tpu.memref_slice %arg11[%dma_wait3A_584] : memref<16384xf32, #tpu.memory_space<vmem>> -> memref<2048xf32, #tpu.memory_space<vmem>>
    %dma_wait3A_586 = arith.constant 2048 : i32
    %dma_wait3A_587 = tpu.memref_slice %arg10[%dma_wait3A_586] : memref<16384xi32, #tpu.memory_space<vmem>> -> memref<2048xi32, #tpu.memory_space<vmem>>
    %dma_wait3A_588 = arith.constant 0 : i32
    %dma_wait3A_589 = tpu.memref_slice %arg2[%dma_wait3A_588] : memref<33554432xf32, #tpu.memory_space<hbm>> -> memref<33554432xf32, #tpu.memory_space<hbm>>
    %dma_wait3A_590 = tpu.memref_slice %arg12[%dma_wait3A_583] : memref<8x!tpu.dma_semaphore, #tpu.memory_space<semaphore_mem>> -> memref<1x!tpu.dma_semaphore, #tpu.memory_space<semaphore_mem>>
    %dma_wait3A_591 = tpu.memref_squeeze %dma_wait3A_590 : memref<1x!tpu.dma_semaphore, #tpu.memory_space<semaphore_mem>> -> memref<!tpu.dma_semaphore, #tpu.memory_space<semaphore_mem>>
    tpu.wait_indirect_dma semaphore(%dma_wait3A_591 : memref<!tpu.dma_semaphore, #tpu.memory_space<semaphore_mem>>) src(%dma_wait3A_589 : memref<33554432xf32, #tpu.memory_space<hbm>>) dst(%dma_wait3A_585 : memref<2048xf32, #tpu.memory_space<vmem>>)
    %add3A_592 = arith.constant 1 : i32
    %add3A_593 = arith.addi %mul3A_6, %add3A_592 : i32
    %dma_start3A_594 = arith.constant 2048 : i32
    %dma_start3A_595 = tpu.memref_slice %arg11[%dma_start3A_594] : memref<16384xf32, #tpu.memory_space<vmem>> -> memref<2048xf32, #tpu.memory_space<vmem>>
    %dma_start3A_596 = tpu.memref_slice %arg6[%add3A_593, %mul3A_4] : memref<128x4096xf32, #tpu.memory_space<hbm>> -> memref<1x2048xf32, #tpu.memory_space<hbm>>
    %dma_start3A_597 = tpu.memref_squeeze %dma_start3A_596 : memref<1x2048xf32, #tpu.memory_space<hbm>> -> memref<2048xf32, #tpu.memory_space<hbm>>
    %dma_start3A_598 = tpu.memref_slice %arg6[%add3A_593, %mul3A_4] : memref<128x4096xf32, #tpu.memory_space<hbm>> -> memref<1x2048xf32, #tpu.memory_space<hbm>>
    %dma_start3A_599 = tpu.memref_squeeze %dma_start3A_598 : memref<1x2048xf32, #tpu.memory_space<hbm>> -> memref<2048xf32, #tpu.memory_space<hbm>>
    %dma_start3A_600 = arith.constant 2048 : i32
    %dma_start3A_601 = tpu.memref_slice %arg11[%dma_start3A_600] : memref<16384xf32, #tpu.memory_space<vmem>> -> memref<2048xf32, #tpu.memory_space<vmem>>
    tpu.enqueue_dma source(%dma_start3A_601 : memref<2048xf32, #tpu.memory_space<vmem>>) target(%dma_start3A_599 : memref<2048xf32, #tpu.memory_space<hbm>>) target_semaphore(%arg13 : memref<!tpu.dma_semaphore, #tpu.memory_space<semaphore_mem>>)
    %dma_wait3A_602 = arith.constant 2 : i32
    %dma_wait3A_603 = arith.constant 4096 : i32
    %dma_wait3A_604 = tpu.memref_slice %arg11[%dma_wait3A_603] : memref<16384xf32, #tpu.memory_space<vmem>> -> memref<2048xf32, #tpu.memory_space<vmem>>
    %dma_wait3A_605 = arith.constant 4096 : i32
    %dma_wait3A_606 = tpu.memref_slice %arg10[%dma_wait3A_605] : memref<16384xi32, #tpu.memory_space<vmem>> -> memref<2048xi32, #tpu.memory_space<vmem>>
    %dma_wait3A_607 = arith.constant 0 : i32
    %dma_wait3A_608 = tpu.memref_slice %arg2[%dma_wait3A_607] : memref<33554432xf32, #tpu.memory_space<hbm>> -> memref<33554432xf32, #tpu.memory_space<hbm>>
    %dma_wait3A_609 = tpu.memref_slice %arg12[%dma_wait3A_602] : memref<8x!tpu.dma_semaphore, #tpu.memory_space<semaphore_mem>> -> memref<1x!tpu.dma_semaphore, #tpu.memory_space<semaphore_mem>>
    %dma_wait3A_610 = tpu.memref_squeeze %dma_wait3A_609 : memref<1x!tpu.dma_semaphore, #tpu.memory_space<semaphore_mem>> -> memref<!tpu.dma_semaphore, #tpu.memory_space<semaphore_mem>>
    tpu.wait_indirect_dma semaphore(%dma_wait3A_610 : memref<!tpu.dma_semaphore, #tpu.memory_space<semaphore_mem>>) src(%dma_wait3A_608 : memref<33554432xf32, #tpu.memory_space<hbm>>) dst(%dma_wait3A_604 : memref<2048xf32, #tpu.memory_space<vmem>>)
    %add3A_611 = arith.constant 2 : i32
    %add3A_612 = arith.addi %mul3A_6, %add3A_611 : i32
    %dma_start3A_613 = arith.constant 4096 : i32
    %dma_start3A_614 = tpu.memref_slice %arg11[%dma_start3A_613] : memref<16384xf32, #tpu.memory_space<vmem>> -> memref<2048xf32, #tpu.memory_space<vmem>>
    %dma_start3A_615 = tpu.memref_slice %arg6[%add3A_612, %mul3A_4] : memref<128x4096xf32, #tpu.memory_space<hbm>> -> memref<1x2048xf32, #tpu.memory_space<hbm>>
    %dma_start3A_616 = tpu.memref_squeeze %dma_start3A_615 : memref<1x2048xf32, #tpu.memory_space<hbm>> -> memref<2048xf32, #tpu.memory_space<hbm>>
    %dma_start3A_617 = tpu.memref_slice %arg6[%add3A_612, %mul3A_4] : memref<128x4096xf32, #tpu.memory_space<hbm>> -> memref<1x2048xf32, #tpu.memory_space<hbm>>
    %dma_start3A_618 = tpu.memref_squeeze %dma_start3A_617 : memref<1x2048xf32, #tpu.memory_space<hbm>> -> memref<2048xf32, #tpu.memory_space<hbm>>
    %dma_start3A_619 = arith.constant 4096 : i32
    %dma_start3A_620 = tpu.memref_slice %arg11[%dma_start3A_619] : memref<16384xf32, #tpu.memory_space<vmem>> -> memref<2048xf32, #tpu.memory_space<vmem>>
    tpu.enqueue_dma source(%dma_start3A_620 : memref<2048xf32, #tpu.memory_space<vmem>>) target(%dma_start3A_618 : memref<2048xf32, #tpu.memory_space<hbm>>) target_semaphore(%arg13 : memref<!tpu.dma_semaphore, #tpu.memory_space<semaphore_mem>>)
    %dma_wait3A_621 = arith.constant 3 : i32
    %dma_wait3A_622 = arith.constant 6144 : i32
    %dma_wait3A_623 = tpu.memref_slice %arg11[%dma_wait3A_622] : memref<16384xf32, #tpu.memory_space<vmem>> -> memref<2048xf32, #tpu.memory_space<vmem>>
    %dma_wait3A_624 = arith.constant 6144 : i32
    %dma_wait3A_625 = tpu.memref_slice %arg10[%dma_wait3A_624] : memref<16384xi32, #tpu.memory_space<vmem>> -> memref<2048xi32, #tpu.memory_space<vmem>>
    %dma_wait3A_626 = arith.constant 0 : i32
    %dma_wait3A_627 = tpu.memref_slice %arg2[%dma_wait3A_626] : memref<33554432xf32, #tpu.memory_space<hbm>> -> memref<33554432xf32, #tpu.memory_space<hbm>>
    %dma_wait3A_628 = tpu.memref_slice %arg12[%dma_wait3A_621] : memref<8x!tpu.dma_semaphore, #tpu.memory_space<semaphore_mem>> -> memref<1x!tpu.dma_semaphore, #tpu.memory_space<semaphore_mem>>
    %dma_wait3A_629 = tpu.memref_squeeze %dma_wait3A_628 : memref<1x!tpu.dma_semaphore, #tpu.memory_space<semaphore_mem>> -> memref<!tpu.dma_semaphore, #tpu.memory_space<semaphore_mem>>
    tpu.wait_indirect_dma semaphore(%dma_wait3A_629 : memref<!tpu.dma_semaphore, #tpu.memory_space<semaphore_mem>>) src(%dma_wait3A_627 : memref<33554432xf32, #tpu.memory_space<hbm>>) dst(%dma_wait3A_623 : memref<2048xf32, #tpu.memory_space<vmem>>)
    %add3A_630 = arith.constant 3 : i32
    %add3A_631 = arith.addi %mul3A_6, %add3A_630 : i32
    %dma_start3A_632 = arith.constant 6144 : i32
    %dma_start3A_633 = tpu.memref_slice %arg11[%dma_start3A_632] : memref<16384xf32, #tpu.memory_space<vmem>> -> memref<2048xf32, #tpu.memory_space<vmem>>
    %dma_start3A_634 = tpu.memref_slice %arg6[%add3A_631, %mul3A_4] : memref<128x4096xf32, #tpu.memory_space<hbm>> -> memref<1x2048xf32, #tpu.memory_space<hbm>>
    %dma_start3A_635 = tpu.memref_squeeze %dma_start3A_634 : memref<1x2048xf32, #tpu.memory_space<hbm>> -> memref<2048xf32, #tpu.memory_space<hbm>>
    %dma_start3A_636 = tpu.memref_slice %arg6[%add3A_631, %mul3A_4] : memref<128x4096xf32, #tpu.memory_space<hbm>> -> memref<1x2048xf32, #tpu.memory_space<hbm>>
    %dma_start3A_637 = tpu.memref_squeeze %dma_start3A_636 : memref<1x2048xf32, #tpu.memory_space<hbm>> -> memref<2048xf32, #tpu.memory_space<hbm>>
    %dma_start3A_638 = arith.constant 6144 : i32
    %dma_start3A_639 = tpu.memref_slice %arg11[%dma_start3A_638] : memref<16384xf32, #tpu.memory_space<vmem>> -> memref<2048xf32, #tpu.memory_space<vmem>>
    tpu.enqueue_dma source(%dma_start3A_639 : memref<2048xf32, #tpu.memory_space<vmem>>) target(%dma_start3A_637 : memref<2048xf32, #tpu.memory_space<hbm>>) target_semaphore(%arg13 : memref<!tpu.dma_semaphore, #tpu.memory_space<semaphore_mem>>)
    %dma_wait3A_640 = arith.constant 4 : i32
    %dma_wait3A_641 = arith.constant 8192 : i32
    %dma_wait3A_642 = tpu.memref_slice %arg11[%dma_wait3A_641] : memref<16384xf32, #tpu.memory_space<vmem>> -> memref<2048xf32, #tpu.memory_space<vmem>>
    %dma_wait3A_643 = arith.constant 8192 : i32
    %dma_wait3A_644 = tpu.memref_slice %arg10[%dma_wait3A_643] : memref<16384xi32, #tpu.memory_space<vmem>> -> memref<2048xi32, #tpu.memory_space<vmem>>
    %dma_wait3A_645 = arith.constant 0 : i32
    %dma_wait3A_646 = tpu.memref_slice %arg2[%dma_wait3A_645] : memref<33554432xf32, #tpu.memory_space<hbm>> -> memref<33554432xf32, #tpu.memory_space<hbm>>
    %dma_wait3A_647 = tpu.memref_slice %arg12[%dma_wait3A_640] : memref<8x!tpu.dma_semaphore, #tpu.memory_space<semaphore_mem>> -> memref<1x!tpu.dma_semaphore, #tpu.memory_space<semaphore_mem>>
    %dma_wait3A_648 = tpu.memref_squeeze %dma_wait3A_647 : memref<1x!tpu.dma_semaphore, #tpu.memory_space<semaphore_mem>> -> memref<!tpu.dma_semaphore, #tpu.memory_space<semaphore_mem>>
    tpu.wait_indirect_dma semaphore(%dma_wait3A_648 : memref<!tpu.dma_semaphore, #tpu.memory_space<semaphore_mem>>) src(%dma_wait3A_646 : memref<33554432xf32, #tpu.memory_space<hbm>>) dst(%dma_wait3A_642 : memref<2048xf32, #tpu.memory_space<vmem>>)
    %add3A_649 = arith.constant 4 : i32
    %add3A_650 = arith.addi %mul3A_6, %add3A_649 : i32
    %dma_start3A_651 = arith.constant 8192 : i32
    %dma_start3A_652 = tpu.memref_slice %arg11[%dma_start3A_651] : memref<16384xf32, #tpu.memory_space<vmem>> -> memref<2048xf32, #tpu.memory_space<vmem>>
    %dma_start3A_653 = tpu.memref_slice %arg6[%add3A_650, %mul3A_4] : memref<128x4096xf32, #tpu.memory_space<hbm>> -> memref<1x2048xf32, #tpu.memory_space<hbm>>
    %dma_start3A_654 = tpu.memref_squeeze %dma_start3A_653 : memref<1x2048xf32, #tpu.memory_space<hbm>> -> memref<2048xf32, #tpu.memory_space<hbm>>
    %dma_start3A_655 = tpu.memref_slice %arg6[%add3A_650, %mul3A_4] : memref<128x4096xf32, #tpu.memory_space<hbm>> -> memref<1x2048xf32, #tpu.memory_space<hbm>>
    %dma_start3A_656 = tpu.memref_squeeze %dma_start3A_655 : memref<1x2048xf32, #tpu.memory_space<hbm>> -> memref<2048xf32, #tpu.memory_space<hbm>>
    %dma_start3A_657 = arith.constant 8192 : i32
    %dma_start3A_658 = tpu.memref_slice %arg11[%dma_start3A_657] : memref<16384xf32, #tpu.memory_space<vmem>> -> memref<2048xf32, #tpu.memory_space<vmem>>
    tpu.enqueue_dma source(%dma_start3A_658 : memref<2048xf32, #tpu.memory_space<vmem>>) target(%dma_start3A_656 : memref<2048xf32, #tpu.memory_space<hbm>>) target_semaphore(%arg13 : memref<!tpu.dma_semaphore, #tpu.memory_space<semaphore_mem>>)
    %dma_wait3A_659 = arith.constant 5 : i32
    %dma_wait3A_660 = arith.constant 10240 : i32
    %dma_wait3A_661 = tpu.memref_slice %arg11[%dma_wait3A_660] : memref<16384xf32, #tpu.memory_space<vmem>> -> memref<2048xf32, #tpu.memory_space<vmem>>
    %dma_wait3A_662 = arith.constant 10240 : i32
    %dma_wait3A_663 = tpu.memref_slice %arg10[%dma_wait3A_662] : memref<16384xi32, #tpu.memory_space<vmem>> -> memref<2048xi32, #tpu.memory_space<vmem>>
    %dma_wait3A_664 = arith.constant 0 : i32
    %dma_wait3A_665 = tpu.memref_slice %arg2[%dma_wait3A_664] : memref<33554432xf32, #tpu.memory_space<hbm>> -> memref<33554432xf32, #tpu.memory_space<hbm>>
    %dma_wait3A_666 = tpu.memref_slice %arg12[%dma_wait3A_659] : memref<8x!tpu.dma_semaphore, #tpu.memory_space<semaphore_mem>> -> memref<1x!tpu.dma_semaphore, #tpu.memory_space<semaphore_mem>>
    %dma_wait3A_667 = tpu.memref_squeeze %dma_wait3A_666 : memref<1x!tpu.dma_semaphore, #tpu.memory_space<semaphore_mem>> -> memref<!tpu.dma_semaphore, #tpu.memory_space<semaphore_mem>>
    tpu.wait_indirect_dma semaphore(%dma_wait3A_667 : memref<!tpu.dma_semaphore, #tpu.memory_space<semaphore_mem>>) src(%dma_wait3A_665 : memref<33554432xf32, #tpu.memory_space<hbm>>) dst(%dma_wait3A_661 : memref<2048xf32, #tpu.memory_space<vmem>>)
    %add3A_668 = arith.constant 5 : i32
    %add3A_669 = arith.addi %mul3A_6, %add3A_668 : i32
    %dma_start3A_670 = arith.constant 10240 : i32
    %dma_start3A_671 = tpu.memref_slice %arg11[%dma_start3A_670] : memref<16384xf32, #tpu.memory_space<vmem>> -> memref<2048xf32, #tpu.memory_space<vmem>>
    %dma_start3A_672 = tpu.memref_slice %arg6[%add3A_669, %mul3A_4] : memref<128x4096xf32, #tpu.memory_space<hbm>> -> memref<1x2048xf32, #tpu.memory_space<hbm>>
    %dma_start3A_673 = tpu.memref_squeeze %dma_start3A_672 : memref<1x2048xf32, #tpu.memory_space<hbm>> -> memref<2048xf32, #tpu.memory_space<hbm>>
    %dma_start3A_674 = tpu.memref_slice %arg6[%add3A_669, %mul3A_4] : memref<128x4096xf32, #tpu.memory_space<hbm>> -> memref<1x2048xf32, #tpu.memory_space<hbm>>
    %dma_start3A_675 = tpu.memref_squeeze %dma_start3A_674 : memref<1x2048xf32, #tpu.memory_space<hbm>> -> memref<2048xf32, #tpu.memory_space<hbm>>
    %dma_start3A_676 = arith.constant 10240 : i32
    %dma_start3A_677 = tpu.memref_slice %arg11[%dma_start3A_676] : memref<16384xf32, #tpu.memory_space<vmem>> -> memref<2048xf32, #tpu.memory_space<vmem>>
    tpu.enqueue_dma source(%dma_start3A_677 : memref<2048xf32, #tpu.memory_space<vmem>>) target(%dma_start3A_675 : memref<2048xf32, #tpu.memory_space<hbm>>) target_semaphore(%arg13 : memref<!tpu.dma_semaphore, #tpu.memory_space<semaphore_mem>>)
    %dma_wait3A_678 = arith.constant 6 : i32
    %dma_wait3A_679 = arith.constant 12288 : i32
    %dma_wait3A_680 = tpu.memref_slice %arg11[%dma_wait3A_679] : memref<16384xf32, #tpu.memory_space<vmem>> -> memref<2048xf32, #tpu.memory_space<vmem>>
    %dma_wait3A_681 = arith.constant 12288 : i32
    %dma_wait3A_682 = tpu.memref_slice %arg10[%dma_wait3A_681] : memref<16384xi32, #tpu.memory_space<vmem>> -> memref<2048xi32, #tpu.memory_space<vmem>>
    %dma_wait3A_683 = arith.constant 0 : i32
    %dma_wait3A_684 = tpu.memref_slice %arg2[%dma_wait3A_683] : memref<33554432xf32, #tpu.memory_space<hbm>> -> memref<33554432xf32, #tpu.memory_space<hbm>>
    %dma_wait3A_685 = tpu.memref_slice %arg12[%dma_wait3A_678] : memref<8x!tpu.dma_semaphore, #tpu.memory_space<semaphore_mem>> -> memref<1x!tpu.dma_semaphore, #tpu.memory_space<semaphore_mem>>
    %dma_wait3A_686 = tpu.memref_squeeze %dma_wait3A_685 : memref<1x!tpu.dma_semaphore, #tpu.memory_space<semaphore_mem>> -> memref<!tpu.dma_semaphore, #tpu.memory_space<semaphore_mem>>
    tpu.wait_indirect_dma semaphore(%dma_wait3A_686 : memref<!tpu.dma_semaphore, #tpu.memory_space<semaphore_mem>>) src(%dma_wait3A_684 : memref<33554432xf32, #tpu.memory_space<hbm>>) dst(%dma_wait3A_680 : memref<2048xf32, #tpu.memory_space<vmem>>)
    %add3A_687 = arith.constant 6 : i32
    %add3A_688 = arith.addi %mul3A_6, %add3A_687 : i32
    %dma_start3A_689 = arith.constant 12288 : i32
    %dma_start3A_690 = tpu.memref_slice %arg11[%dma_start3A_689] : memref<16384xf32, #tpu.memory_space<vmem>> -> memref<2048xf32, #tpu.memory_space<vmem>>
    %dma_start3A_691 = tpu.memref_slice %arg6[%add3A_688, %mul3A_4] : memref<128x4096xf32, #tpu.memory_space<hbm>> -> memref<1x2048xf32, #tpu.memory_space<hbm>>
    %dma_start3A_692 = tpu.memref_squeeze %dma_start3A_691 : memref<1x2048xf32, #tpu.memory_space<hbm>> -> memref<2048xf32, #tpu.memory_space<hbm>>
    %dma_start3A_693 = tpu.memref_slice %arg6[%add3A_688, %mul3A_4] : memref<128x4096xf32, #tpu.memory_space<hbm>> -> memref<1x2048xf32, #tpu.memory_space<hbm>>
    %dma_start3A_694 = tpu.memref_squeeze %dma_start3A_693 : memref<1x2048xf32, #tpu.memory_space<hbm>> -> memref<2048xf32, #tpu.memory_space<hbm>>
    %dma_start3A_695 = arith.constant 12288 : i32
    %dma_start3A_696 = tpu.memref_slice %arg11[%dma_start3A_695] : memref<16384xf32, #tpu.memory_space<vmem>> -> memref<2048xf32, #tpu.memory_space<vmem>>
    tpu.enqueue_dma source(%dma_start3A_696 : memref<2048xf32, #tpu.memory_space<vmem>>) target(%dma_start3A_694 : memref<2048xf32, #tpu.memory_space<hbm>>) target_semaphore(%arg13 : memref<!tpu.dma_semaphore, #tpu.memory_space<semaphore_mem>>)
    %dma_wait3A_697 = arith.constant 7 : i32
    %dma_wait3A_698 = arith.constant 14336 : i32
    %dma_wait3A_699 = tpu.memref_slice %arg11[%dma_wait3A_698] : memref<16384xf32, #tpu.memory_space<vmem>> -> memref<2048xf32, #tpu.memory_space<vmem>>
    %dma_wait3A_700 = arith.constant 14336 : i32
    %dma_wait3A_701 = tpu.memref_slice %arg10[%dma_wait3A_700] : memref<16384xi32, #tpu.memory_space<vmem>> -> memref<2048xi32, #tpu.memory_space<vmem>>
    %dma_wait3A_702 = arith.constant 0 : i32
    %dma_wait3A_703 = tpu.memref_slice %arg2[%dma_wait3A_702] : memref<33554432xf32, #tpu.memory_space<hbm>> -> memref<33554432xf32, #tpu.memory_space<hbm>>
    %dma_wait3A_704 = tpu.memref_slice %arg12[%dma_wait3A_697] : memref<8x!tpu.dma_semaphore, #tpu.memory_space<semaphore_mem>> -> memref<1x!tpu.dma_semaphore, #tpu.memory_space<semaphore_mem>>
    %dma_wait3A_705 = tpu.memref_squeeze %dma_wait3A_704 : memref<1x!tpu.dma_semaphore, #tpu.memory_space<semaphore_mem>> -> memref<!tpu.dma_semaphore, #tpu.memory_space<semaphore_mem>>
    tpu.wait_indirect_dma semaphore(%dma_wait3A_705 : memref<!tpu.dma_semaphore, #tpu.memory_space<semaphore_mem>>) src(%dma_wait3A_703 : memref<33554432xf32, #tpu.memory_space<hbm>>) dst(%dma_wait3A_699 : memref<2048xf32, #tpu.memory_space<vmem>>)
    %add3A_706 = arith.constant 7 : i32
    %add3A_707 = arith.addi %mul3A_6, %add3A_706 : i32
    %dma_start3A_708 = arith.constant 14336 : i32
    %dma_start3A_709 = tpu.memref_slice %arg11[%dma_start3A_708] : memref<16384xf32, #tpu.memory_space<vmem>> -> memref<2048xf32, #tpu.memory_space<vmem>>
    %dma_start3A_710 = tpu.memref_slice %arg6[%add3A_707, %mul3A_4] : memref<128x4096xf32, #tpu.memory_space<hbm>> -> memref<1x2048xf32, #tpu.memory_space<hbm>>
    %dma_start3A_711 = tpu.memref_squeeze %dma_start3A_710 : memref<1x2048xf32, #tpu.memory_space<hbm>> -> memref<2048xf32, #tpu.memory_space<hbm>>
    %dma_start3A_712 = tpu.memref_slice %arg6[%add3A_707, %mul3A_4] : memref<128x4096xf32, #tpu.memory_space<hbm>> -> memref<1x2048xf32, #tpu.memory_space<hbm>>
    %dma_start3A_713 = tpu.memref_squeeze %dma_start3A_712 : memref<1x2048xf32, #tpu.memory_space<hbm>> -> memref<2048xf32, #tpu.memory_space<hbm>>
    %dma_start3A_714 = arith.constant 14336 : i32
    %dma_start3A_715 = tpu.memref_slice %arg11[%dma_start3A_714] : memref<16384xf32, #tpu.memory_space<vmem>> -> memref<2048xf32, #tpu.memory_space<vmem>>
    tpu.enqueue_dma source(%dma_start3A_715 : memref<2048xf32, #tpu.memory_space<vmem>>) target(%dma_start3A_713 : memref<2048xf32, #tpu.memory_space<hbm>>) target_semaphore(%arg13 : memref<!tpu.dma_semaphore, #tpu.memory_space<semaphore_mem>>)
    %add3A_716 = arith.constant 0 : i32
    %add3A_717 = arith.addi %mul3A_6, %add3A_716 : i32
    %dma_wait3A_718 = arith.constant 0 : i32
    %dma_wait3A_719 = tpu.memref_slice %arg11[%dma_wait3A_718] : memref<16384xf32, #tpu.memory_space<vmem>> -> memref<2048xf32, #tpu.memory_space<vmem>>
    %dma_wait3A_720 = tpu.memref_slice %arg6[%add3A_717, %mul3A_4] : memref<128x4096xf32, #tpu.memory_space<hbm>> -> memref<1x2048xf32, #tpu.memory_space<hbm>>
    %dma_wait3A_721 = tpu.memref_squeeze %dma_wait3A_720 : memref<1x2048xf32, #tpu.memory_space<hbm>> -> memref<2048xf32, #tpu.memory_space<hbm>>
    %dma_wait3A_722 = tpu.memref_slice %arg6[%add3A_717, %mul3A_4] : memref<128x4096xf32, #tpu.memory_space<hbm>> -> memref<1x2048xf32, #tpu.memory_space<hbm>>
    %dma_wait3A_723 = tpu.memref_squeeze %dma_wait3A_722 : memref<1x2048xf32, #tpu.memory_space<hbm>> -> memref<2048xf32, #tpu.memory_space<hbm>>
    %dma_wait3A_724 = arith.constant 0 : i32
    %dma_wait3A_725 = tpu.memref_slice %arg11[%dma_wait3A_724] : memref<16384xf32, #tpu.memory_space<vmem>> -> memref<2048xf32, #tpu.memory_space<vmem>>
    tpu.wait_dma2 semaphore(%arg13 : memref<!tpu.dma_semaphore, #tpu.memory_space<semaphore_mem>>) src(%dma_wait3A_725 : memref<2048xf32, #tpu.memory_space<vmem>>) dst(%dma_wait3A_723 : memref<2048xf32, #tpu.memory_space<hbm>>)
    %add3A_726 = arith.constant 1 : i32
    %add3A_727 = arith.addi %mul3A_6, %add3A_726 : i32
    %dma_wait3A_728 = arith.constant 2048 : i32
    %dma_wait3A_729 = tpu.memref_slice %arg11[%dma_wait3A_728] : memref<16384xf32, #tpu.memory_space<vmem>> -> memref<2048xf32, #tpu.memory_space<vmem>>
    %dma_wait3A_730 = tpu.memref_slice %arg6[%add3A_727, %mul3A_4] : memref<128x4096xf32, #tpu.memory_space<hbm>> -> memref<1x2048xf32, #tpu.memory_space<hbm>>
    %dma_wait3A_731 = tpu.memref_squeeze %dma_wait3A_730 : memref<1x2048xf32, #tpu.memory_space<hbm>> -> memref<2048xf32, #tpu.memory_space<hbm>>
    %dma_wait3A_732 = tpu.memref_slice %arg6[%add3A_727, %mul3A_4] : memref<128x4096xf32, #tpu.memory_space<hbm>> -> memref<1x2048xf32, #tpu.memory_space<hbm>>
    %dma_wait3A_733 = tpu.memref_squeeze %dma_wait3A_732 : memref<1x2048xf32, #tpu.memory_space<hbm>> -> memref<2048xf32, #tpu.memory_space<hbm>>
    %dma_wait3A_734 = arith.constant 2048 : i32
    %dma_wait3A_735 = tpu.memref_slice %arg11[%dma_wait3A_734] : memref<16384xf32, #tpu.memory_space<vmem>> -> memref<2048xf32, #tpu.memory_space<vmem>>
    tpu.wait_dma2 semaphore(%arg13 : memref<!tpu.dma_semaphore, #tpu.memory_space<semaphore_mem>>) src(%dma_wait3A_735 : memref<2048xf32, #tpu.memory_space<vmem>>) dst(%dma_wait3A_733 : memref<2048xf32, #tpu.memory_space<hbm>>)
    %add3A_736 = arith.constant 2 : i32
    %add3A_737 = arith.addi %mul3A_6, %add3A_736 : i32
    %dma_wait3A_738 = arith.constant 4096 : i32
    %dma_wait3A_739 = tpu.memref_slice %arg11[%dma_wait3A_738] : memref<16384xf32, #tpu.memory_space<vmem>> -> memref<2048xf32, #tpu.memory_space<vmem>>
    %dma_wait3A_740 = tpu.memref_slice %arg6[%add3A_737, %mul3A_4] : memref<128x4096xf32, #tpu.memory_space<hbm>> -> memref<1x2048xf32, #tpu.memory_space<hbm>>
    %dma_wait3A_741 = tpu.memref_squeeze %dma_wait3A_740 : memref<1x2048xf32, #tpu.memory_space<hbm>> -> memref<2048xf32, #tpu.memory_space<hbm>>
    %dma_wait3A_742 = tpu.memref_slice %arg6[%add3A_737, %mul3A_4] : memref<128x4096xf32, #tpu.memory_space<hbm>> -> memref<1x2048xf32, #tpu.memory_space<hbm>>
    %dma_wait3A_743 = tpu.memref_squeeze %dma_wait3A_742 : memref<1x2048xf32, #tpu.memory_space<hbm>> -> memref<2048xf32, #tpu.memory_space<hbm>>
    %dma_wait3A_744 = arith.constant 4096 : i32
    %dma_wait3A_745 = tpu.memref_slice %arg11[%dma_wait3A_744] : memref<16384xf32, #tpu.memory_space<vmem>> -> memref<2048xf32, #tpu.memory_space<vmem>>
    tpu.wait_dma2 semaphore(%arg13 : memref<!tpu.dma_semaphore, #tpu.memory_space<semaphore_mem>>) src(%dma_wait3A_745 : memref<2048xf32, #tpu.memory_space<vmem>>) dst(%dma_wait3A_743 : memref<2048xf32, #tpu.memory_space<hbm>>)
    %add3A_746 = arith.constant 3 : i32
    %add3A_747 = arith.addi %mul3A_6, %add3A_746 : i32
    %dma_wait3A_748 = arith.constant 6144 : i32
    %dma_wait3A_749 = tpu.memref_slice %arg11[%dma_wait3A_748] : memref<16384xf32, #tpu.memory_space<vmem>> -> memref<2048xf32, #tpu.memory_space<vmem>>
    %dma_wait3A_750 = tpu.memref_slice %arg6[%add3A_747, %mul3A_4] : memref<128x4096xf32, #tpu.memory_space<hbm>> -> memref<1x2048xf32, #tpu.memory_space<hbm>>
    %dma_wait3A_751 = tpu.memref_squeeze %dma_wait3A_750 : memref<1x2048xf32, #tpu.memory_space<hbm>> -> memref<2048xf32, #tpu.memory_space<hbm>>
    %dma_wait3A_752 = tpu.memref_slice %arg6[%add3A_747, %mul3A_4] : memref<128x4096xf32, #tpu.memory_space<hbm>> -> memref<1x2048xf32, #tpu.memory_space<hbm>>
    %dma_wait3A_753 = tpu.memref_squeeze %dma_wait3A_752 : memref<1x2048xf32, #tpu.memory_space<hbm>> -> memref<2048xf32, #tpu.memory_space<hbm>>
    %dma_wait3A_754 = arith.constant 6144 : i32
    %dma_wait3A_755 = tpu.memref_slice %arg11[%dma_wait3A_754] : memref<16384xf32, #tpu.memory_space<vmem>> -> memref<2048xf32, #tpu.memory_space<vmem>>
    tpu.wait_dma2 semaphore(%arg13 : memref<!tpu.dma_semaphore, #tpu.memory_space<semaphore_mem>>) src(%dma_wait3A_755 : memref<2048xf32, #tpu.memory_space<vmem>>) dst(%dma_wait3A_753 : memref<2048xf32, #tpu.memory_space<hbm>>)
    %add3A_756 = arith.constant 4 : i32
    %add3A_757 = arith.addi %mul3A_6, %add3A_756 : i32
    %dma_wait3A_758 = arith.constant 8192 : i32
    %dma_wait3A_759 = tpu.memref_slice %arg11[%dma_wait3A_758] : memref<16384xf32, #tpu.memory_space<vmem>> -> memref<2048xf32, #tpu.memory_space<vmem>>
    %dma_wait3A_760 = tpu.memref_slice %arg6[%add3A_757, %mul3A_4] : memref<128x4096xf32, #tpu.memory_space<hbm>> -> memref<1x2048xf32, #tpu.memory_space<hbm>>
    %dma_wait3A_761 = tpu.memref_squeeze %dma_wait3A_760 : memref<1x2048xf32, #tpu.memory_space<hbm>> -> memref<2048xf32, #tpu.memory_space<hbm>>
    %dma_wait3A_762 = tpu.memref_slice %arg6[%add3A_757, %mul3A_4] : memref<128x4096xf32, #tpu.memory_space<hbm>> -> memref<1x2048xf32, #tpu.memory_space<hbm>>
    %dma_wait3A_763 = tpu.memref_squeeze %dma_wait3A_762 : memref<1x2048xf32, #tpu.memory_space<hbm>> -> memref<2048xf32, #tpu.memory_space<hbm>>
    %dma_wait3A_764 = arith.constant 8192 : i32
    %dma_wait3A_765 = tpu.memref_slice %arg11[%dma_wait3A_764] : memref<16384xf32, #tpu.memory_space<vmem>> -> memref<2048xf32, #tpu.memory_space<vmem>>
    tpu.wait_dma2 semaphore(%arg13 : memref<!tpu.dma_semaphore, #tpu.memory_space<semaphore_mem>>) src(%dma_wait3A_765 : memref<2048xf32, #tpu.memory_space<vmem>>) dst(%dma_wait3A_763 : memref<2048xf32, #tpu.memory_space<hbm>>)
    %add3A_766 = arith.constant 5 : i32
    %add3A_767 = arith.addi %mul3A_6, %add3A_766 : i32
    %dma_wait3A_768 = arith.constant 10240 : i32
    %dma_wait3A_769 = tpu.memref_slice %arg11[%dma_wait3A_768] : memref<16384xf32, #tpu.memory_space<vmem>> -> memref<2048xf32, #tpu.memory_space<vmem>>
    %dma_wait3A_770 = tpu.memref_slice %arg6[%add3A_767, %mul3A_4] : memref<128x4096xf32, #tpu.memory_space<hbm>> -> memref<1x2048xf32, #tpu.memory_space<hbm>>
    %dma_wait3A_771 = tpu.memref_squeeze %dma_wait3A_770 : memref<1x2048xf32, #tpu.memory_space<hbm>> -> memref<2048xf32, #tpu.memory_space<hbm>>
    %dma_wait3A_772 = tpu.memref_slice %arg6[%add3A_767, %mul3A_4] : memref<128x4096xf32, #tpu.memory_space<hbm>> -> memref<1x2048xf32, #tpu.memory_space<hbm>>
    %dma_wait3A_773 = tpu.memref_squeeze %dma_wait3A_772 : memref<1x2048xf32, #tpu.memory_space<hbm>> -> memref<2048xf32, #tpu.memory_space<hbm>>
    %dma_wait3A_774 = arith.constant 10240 : i32
    %dma_wait3A_775 = tpu.memref_slice %arg11[%dma_wait3A_774] : memref<16384xf32, #tpu.memory_space<vmem>> -> memref<2048xf32, #tpu.memory_space<vmem>>
    tpu.wait_dma2 semaphore(%arg13 : memref<!tpu.dma_semaphore, #tpu.memory_space<semaphore_mem>>) src(%dma_wait3A_775 : memref<2048xf32, #tpu.memory_space<vmem>>) dst(%dma_wait3A_773 : memref<2048xf32, #tpu.memory_space<hbm>>)
    %add3A_776 = arith.constant 6 : i32
    %add3A_777 = arith.addi %mul3A_6, %add3A_776 : i32
    %dma_wait3A_778 = arith.constant 12288 : i32
    %dma_wait3A_779 = tpu.memref_slice %arg11[%dma_wait3A_778] : memref<16384xf32, #tpu.memory_space<vmem>> -> memref<2048xf32, #tpu.memory_space<vmem>>
    %dma_wait3A_780 = tpu.memref_slice %arg6[%add3A_777, %mul3A_4] : memref<128x4096xf32, #tpu.memory_space<hbm>> -> memref<1x2048xf32, #tpu.memory_space<hbm>>
    %dma_wait3A_781 = tpu.memref_squeeze %dma_wait3A_780 : memref<1x2048xf32, #tpu.memory_space<hbm>> -> memref<2048xf32, #tpu.memory_space<hbm>>
    %dma_wait3A_782 = tpu.memref_slice %arg6[%add3A_777, %mul3A_4] : memref<128x4096xf32, #tpu.memory_space<hbm>> -> memref<1x2048xf32, #tpu.memory_space<hbm>>
    %dma_wait3A_783 = tpu.memref_squeeze %dma_wait3A_782 : memref<1x2048xf32, #tpu.memory_space<hbm>> -> memref<2048xf32, #tpu.memory_space<hbm>>
    %dma_wait3A_784 = arith.constant 12288 : i32
    %dma_wait3A_785 = tpu.memref_slice %arg11[%dma_wait3A_784] : memref<16384xf32, #tpu.memory_space<vmem>> -> memref<2048xf32, #tpu.memory_space<vmem>>
    tpu.wait_dma2 semaphore(%arg13 : memref<!tpu.dma_semaphore, #tpu.memory_space<semaphore_mem>>) src(%dma_wait3A_785 : memref<2048xf32, #tpu.memory_space<vmem>>) dst(%dma_wait3A_783 : memref<2048xf32, #tpu.memory_space<hbm>>)
    %add3A_786 = arith.constant 7 : i32
    %add3A_787 = arith.addi %mul3A_6, %add3A_786 : i32
    %dma_wait3A_788 = arith.constant 14336 : i32
    %dma_wait3A_789 = tpu.memref_slice %arg11[%dma_wait3A_788] : memref<16384xf32, #tpu.memory_space<vmem>> -> memref<2048xf32, #tpu.memory_space<vmem>>
    %dma_wait3A_790 = tpu.memref_slice %arg6[%add3A_787, %mul3A_4] : memref<128x4096xf32, #tpu.memory_space<hbm>> -> memref<1x2048xf32, #tpu.memory_space<hbm>>
    %dma_wait3A_791 = tpu.memref_squeeze %dma_wait3A_790 : memref<1x2048xf32, #tpu.memory_space<hbm>> -> memref<2048xf32, #tpu.memory_space<hbm>>
    %dma_wait3A_792 = tpu.memref_slice %arg6[%add3A_787, %mul3A_4] : memref<128x4096xf32, #tpu.memory_space<hbm>> -> memref<1x2048xf32, #tpu.memory_space<hbm>>
    %dma_wait3A_793 = tpu.memref_squeeze %dma_wait3A_792 : memref<1x2048xf32, #tpu.memory_space<hbm>> -> memref<2048xf32, #tpu.memory_space<hbm>>
    %dma_wait3A_794 = arith.constant 14336 : i32
    %dma_wait3A_795 = tpu.memref_slice %arg11[%dma_wait3A_794] : memref<16384xf32, #tpu.memory_space<vmem>> -> memref<2048xf32, #tpu.memory_space<vmem>>
    tpu.wait_dma2 semaphore(%arg13 : memref<!tpu.dma_semaphore, #tpu.memory_space<semaphore_mem>>) src(%dma_wait3A_795 : memref<2048xf32, #tpu.memory_space<vmem>>) dst(%dma_wait3A_793 : memref<2048xf32, #tpu.memory_space<hbm>>)
    return
  }
}

</mosaic_0001>

<sc_bundles>
// kernel: _sc_gather.3.cloned.1.call-start
scs
__scs_entry_jumppad:
0x0: {  	(pc) =	sbr.rel $0x88, $3  }
0x1: {  	(tag) =	ssettag $0x0;
	lr =	simm.s32 $0x1  }
0x2: {  	[smem:$0x3F9D] =	sst lr;
	_ =	strace $0xD0000000  }
0x3: {  	_ = 	snop  }
0x4: {  	_ = 	snop  }
0x5: {  	_ = 	snop  }
0x6: {  	_ = 	snop  }
0x7: {  	_ = 	snop  }
__scs_overlays_trampoline_lowered:
0x8: {  	[smem:$0x3FAC] =	sst s0  }
0x9: {  	[smem:$0x3FAD] =	sst s1  }
0xa: {  	[smem:$0x3FAE] =	sst s2  }
0xb: {  	[smem:$0x3FAF] =	sst s3  }
0xc: {  	[smem:$0x3FB0] =	sst s4  }
0xd: {  	[smem:$0x3FB1] =	sst s5  }
0xe: {  	[smem:$0x3FB2] =	sst s6  }
0xf: {  	[smem:$0x3FB3] =	sst s7  }
0x10: {  	[smem:$0x3FB4] =	sst s8  }
0x11: {  	[smem:$0x3FB5] =	sst s9;
	s0 =	simm.s32 @!p0 $0x0  }
0x12: {  	s1 =	sld [smem:$0x3F9B];
	s0 =	simm.s32 @p0 $0x1  }
0x13: {  	[smem:$0x3FB6] =	sst s0;
	s0 =	simm.s32 @!p1 $0x0  }
0x14: {  	s2 =	sld [smem:$0x3F9A];
	s0 =	simm.s32 @p1 $0x1  }
0x15: {  	[smem:$0x3FB7] =	sst s0;
	s0 =	simm.s32 @!p2 $0x0  }
0x16: {  	s3 =	sld [smem:$0x3FDB];
	s0 =	simm.s32 @p2 $0x1  }
0x17: {  	s4 =	simm.s32 $0x1BF5;
	[smem:$0x3FB9] =	sst s0  }
0x18: {  	s0 =	sld [smem:$0x3F9C];
	_ =	swait.ge [sflag:s4], $0x0  }
0x19: {  	s7 =	sld [smem:$0x3F9D]  }
0x1a: {  	s8 =	sadd.s32 $0xFFFFE003, lr  }
0x1b: {  	s9 =	sadd.s32 $0xFFFFFEF7, lr;
	s5 =	simm.s32 $0xFFFFFFFF;
	p2 =	slt.u32 s8, $0xFFFFF086  }
0x1c: {  	p1 =	slt.u32 s9, $0xF7A;
	s5 =	simm.s32 @!p2 $0x0  }
0x1d: {  	s5 =	simm.s32 @p1 $0x1;
	p0 =	seq.s32 s7, s2  }
0x1e: {  	s7 =	smul.u32 @!p0 $0xF7A, s2;
	p2 =	seq.s32 @!p0 s5, $0x0  }
0x1f: {  	s9 =	smul.u32 $0xF7A, s1;
	s8 =	simm.s32 @!p0 $0x1BF5;
	p2 =	por !p2, p0  }
0x20: {  	[sflag:s8] =	ssyncset.s32 @!p0 $0xFFFFF086;
	s6 =	sadd.s32 @!p0 s3, s7;
	s7 =	simm.s32 @!p0 $0x108  }
0x21: {  	s3 =	sadd.s32 s3, s9;
	s6 =	sadd.s32 @!p0 $0x88, s6;
	s7 =	simm.s32 @p2 $0x1082  }
0x22: {  	[simem:s7], [sflag:s8] =	dma.local @!p0 [hbm:s6], $0xF7A  }
0x23: {  	s9 =	sor.u32 $0xD0000000, s2;
	s6 =	simm.s32 $0x108;
	_ =	swait.ge @!p0 [sflag:s8], $0x0  }
0x24: {  	s3 =	sadd.s32 $0x88, s3;
	s6 =	simm.s32 @!p1 $0x1082;
	[sflag:s4] =	ssyncset.s32 $0xFFFFF086  }
0x25: {  	[simem:s6], [sflag:s4] =	dma.local [hbm:s3], $0xF7A  }
0x26: {  	[smem:$0x3F9D] =	sst s1;
	(tag) =	ssettag s2;
	_ =	strace s9  }
0x27: {  	s1 =	sld [smem:$0x3FAD]  }
0x28: {  	s2 =	sld [smem:$0x3FAE]  }
0x29: {  	s4 =	sld [smem:$0x3FB0]  }
0x2a: {  	p0 =	seq.s32 s5, $0x0;
	s5 =	sld [smem:$0x3FB1]  }
0x2b: {  	s6 =	sld [smem:$0x3FB2]  }
0x2c: {  	s7 =	sld [smem:$0x3FB3]  }
0x2d: {  	s3 =	simm.s32 $0x108;
	s8 =	sld [smem:$0x3FB4]  }
0x2e: {  	s3 =	simm.s32 @!p0 $0x1082;
	s9 =	sld [smem:$0x3FB5]  }
0x2f: {  	lr =	sadd.s32 s0, s3;
	s0 =	sld [smem:$0x3FAC]  }
0x30: {  	s3 =	sld [smem:$0x3FAF]  }
0x31: {  	[smem:$0x3FB8] =	sst s10  }
0x32: {  	s10 =	sld [smem:$0x3FB6];
	_ =	sdelay $0x3  }
0x33: {  	p0 =	seq.s32 s10, $0x1;
	s10 =	sld [smem:$0x3FB8];
	_ =	sdelay $0x3  }
0x34: {  	[smem:$0x3FB8] =	sst s10  }
0x35: {  	s10 =	sld [smem:$0x3FB7];
	_ =	sdelay $0x3  }
0x36: {  	p1 =	seq.s32 s10, $0x1;
	s10 =	sld [smem:$0x3FB8];
	_ =	sdelay $0x3  }
0x37: {  	[smem:$0x3FB8] =	sst s10  }
0x38: {  	s10 =	sld [smem:$0x3FB9]  }
0x39: {  	_ = 	snop;
	(pc) =	sbr.ind lr, $3  }
0x3a: {  	_ = 	snop  }
0x3b: {  	_ = 	snop  }
0x3c: {  	p2 =	seq.s32 s10, $0x1;
	s10 =	sld [smem:$0x3FB8]  }
0x3d: {  	_ =	shalt  }
0x3e: {  	_ =	shalt  }
0x3f: {  	_ =	shalt  }
0x40: {  	_ =	shalt  }
0x41: {  	_ =	shalt  }
0x42: {  	_ =	shalt  }
0x43: {  	_ =	shalt  }
0x44: {  	_ =	shalt  }
0x45: {  	_ =	shalt  }
0x46: {  	_ =	shalt  }
0x47: {  	_ =	shalt  }
0x48: {  	_ =	shalt  }
0x49: {  	_ =	shalt  }
0x4a: {  	_ =	shalt  }
0x4b: {  	_ =	shalt  }
0x4c: {  	_ =	shalt  }
0x4d: {  	_ =	shalt  }
0x4e: {  	_ =	shalt  }
0x4f: {  	_ =	shalt  }
0x50: {  	_ =	shalt  }
0x51: {  	_ =	shalt  }
0x52: {  	_ =	shalt  }
0x53: {  	_ =	shalt  }
0x54: {  	_ =	shalt  }
0x55: {  	_ =	shalt  }
0x56: {  	_ =	shalt  }
0x57: {  	_ =	shalt  }
0x58: {  	_ =	shalt  }
0x59: {  	_ =	shalt  }
0x5a: {  	_ =	shalt  }
0x5b: {  	_ =	shalt  }
0x5c: {  	_ =	shalt  }
0x5d: {  	_ =	shalt  }
0x5e: {  	_ =	shalt  }
0x5f: {  	_ =	shalt  }
0x60: {  	_ =	shalt  }
0x61: {  	_ =	shalt  }
0x62: {  	_ =	shalt  }
0x63: {  	_ =	shalt  }
0x64: {  	_ =	shalt  }
0x65: {  	_ =	shalt  }
0x66: {  	_ =	shalt  }
0x67: {  	_ =	shalt  }
0x68: {  	_ =	shalt  }
0x69: {  	_ =	shalt  }
0x6a: {  	_ =	shalt  }
0x6b: {  	_ =	shalt  }
0x6c: {  	_ =	shalt  }
0x6d: {  	_ =	shalt  }
0x6e: {  	_ =	shalt  }
0x6f: {  	_ =	shalt  }
0x70: {  	_ =	shalt  }
0x71: {  	_ =	shalt  }
0x72: {  	_ =	shalt  }
0x73: {  	_ =	shalt  }
0x74: {  	_ =	shalt  }
0x75: {  	_ =	shalt  }
0x76: {  	_ =	shalt  }
0x77: {  	_ =	shalt  }
0x78: {  	_ =	shalt  }
0x79: {  	_ =	shalt  }
0x7a: {  	_ =	shalt  }
0x7b: {  	_ =	shalt  }
0x7c: {  	_ =	shalt  }
0x7d: {  	_ =	shalt  }
0x7e: {  	_ =	shalt  }
0x7f: {  	_ =	shalt  }
0x80: {  	_ =	shalt  }
0x81: {  	_ =	shalt  }
0x82: {  	_ =	shalt  }
0x83: {  	_ =	shalt  }
0x84: {  	_ =	shalt  }
0x85: {  	_ =	shalt  }
0x86: {  	_ =	shalt  }
0x87: {  	_ =	shalt  }
.Lfunc_end0:
.L_simem_size_0:
called_computation_lowered:
.L_overlay_start_0:
0x88: {  	s2 =	sld [smem:$0x3FD9]  }
0x89: {  	s3 =	sld [smem:$0x3FFE];
	_ =	sdelay $0x1  }
0x8a: {  	s1 =	srdreg.scid  }
0x8b: {  	s0 =	sand.u32 $0x1, s1  }
0x8c: {  	s18 =	sshll.u32 s0, $0xA;
	s2 =	sadd.s32 s3, s2  }
0x8d: {  	s2 =	sadd.s32 s2, s18  }
0x8e: {  	[smem:$0x3FC4] =	sst s2  }
0x8f: {  	_ = 	snop  }
0x90: {  	s2 =	sld [smem:$0x3FC9]  }
0x91: {  	s19 =	sld [smem:$0x3FC8]  }
0x92: {  	s4 =	sld [smem:$0x3FC7]  }
0x93: {  	s5 =	sld [smem:$0x3FC6]  }
0x94: {  	s6 =	sld [smem:$0x3FD0];
	(tm) =	ssettm $0x1  }
0x95: {  	s7 =	sld [smem:$0x3FFB];
	_ =	sdelay $0x3  }
0x96: {  	_ =	strace s7  }
0x97: {  	s7 =	sld [smem:$0x3FFC];
	_ =	sdelay $0x3  }
0x98: {  	_ =	strace s7  }
0x99: {  	s7 =	sld [smem:$0x3FFD];
	_ =	sdelay $0x3  }
0x9a: {  	_ =	strace s7  }
0x9b: {  	_ =	strace $0x8FFFFFFF  }
0x9c: {  	s20 =	sld [smem:$0x3FDB];
	_ =	sdelay $0x1  }
0x9d: {  	s8 =	simm.s32 $_scs_section_size  }
0x9e: {  	s9 =	simm.s32 $_size__tile_overlayer_lowered;
	s10 =	simm.s32 $_tile_overlayer_lowered  }
0x9f: {  	s23 =	simm.s32 $0x1BFF;
	s22 =	sshll.u32 s10, $0x1;
	s7 =	sadd.s32 s8, s20  }
0xa0: {  	s11 =	simm.s32 $0x0;
	s21 =	sshll.u32 s9, $0x1;
	s9 =	sadd.s32 s22, s7  }
0xa1: {  	[timem:s11], [sflag:s23] =	dma.local [hbm:s9], s21  }
0xa2: {  	_ =	swait.ge [sflag:s23], s21  }
0xa3: {  	s8 =	ssub.s32 $0x0, s21;
	[sflag:s23] =	ssyncset.done $0x0  }
0xa4: {  	[sflag:s23] =	ssyncadd.s32 s8;
	_ =	sdelay $0x1  }
0xa5: {  	s24 =	simm.s32 $0x1B8B  }
0xa6: {  	_ =	swait.ge [sflag:s24], $0x1  }
0xa7: {  	[sflag:s24] =	ssyncset.done $0x0  }
0xa8: {  	s25 =	simm.s32 $0x1B8E;
	[sflag:s24] =	ssyncadd.s32 $0xFFFFFFFF  }
0xa9: {  	s26 =	simm.s32 $execute0_lowered;
	[smem:$0x3FD2] =	sst s25  }
0xaa: {  	s8 =	sshll.u32 s26, $0x1;
	_ =	strace $0x80000046;
	[dreg:$0x1] =	wrdreg $0xFFFFFFFF  }
0xab: {  	s28 =	simm.s32 $_size_execute0_lowered;
	s7 =	sadd.s32 s7, s8;
	[dreg:$0x0] =	wrdreg $0x0  }
0xac: {  	s8 =	sshll.u32 s28, $0x1;
	[dreg:$0x2] =	wrdreg s7  }
0xad: {  	[dreg:$0x3] =	wrdreg s8  }
0xae: {  	[dreg:$0x4] =	wrdreg $0xC0  }
0xaf: {  	_ =	task [dreg:s11], $0x5FFFF  }
0xb0: {  	[dreg:$0x1] =	wrdreg $0xFFFFFFFF  }
0xb1: {  	[dreg:$0x0] =	wrdreg $0x60  }
0xb2: {  	[dreg:$0x2] =	wrdreg s2  }
0xb3: {  	[dreg:$0x3] =	wrdreg s19  }
0xb4: {  	[dreg:$0x4] =	wrdreg s4  }
0xb5: {  	[dreg:$0x5] =	wrdreg s5  }
0xb6: {  	[dreg:$0x6] =	wrdreg s6  }
0xb7: {  	[dreg:$0x7] =	wrdreg $0x9  }
0xb8: {  	_ =	task.clear_ibuf [dreg:s11], $0x8FFFF;
	_ =	strace $0x90000046  }
0xb9: {  	s29 =	simm.s32 $0x9;
	_ =	strace $0x80000048  }
0xba: {  	_ =	swait.ge [sflag:s29], $0x1  }
0xbb: {  	[sflag:s29] =	ssyncadd.s32 $0xFFFFFFFF  }
0xbc: {  	_ =	strace $0x90000048  }
0xbd: {  	_ =	sfence  }
0xbe: {  	s30 =	sld [smem:$0x0];
	_ =	sdelay $0x2  }
0xbf: {  	s31 =	sshll.u32 s1, $0xD;
	s1 =	sshrl.u32 s1, $0x2  }
0xc0: {  	s3 =	sand.u32 $0x4000, s31;
	s1 =	sadd.s32 s1, s30  }
0xc1: {  	s0 =	sor.u32 s3, s0;
	s1 =	sshll.u32 s1, $0x11  }
0xc2: {  	s0 =	sor.u32 s1, s0  }
0xc3: {  	s0 =	sadd.s32 $0x8F2B, s0  }
0xc4: {  	[sflag:s0] =	ssyncadd.remote.s32 $0x1  }
0xc5: {  	_ =	sfence.sel $0xFFFF  }
0xc6: {  	[dreg:$0x0] =	wrdreg $0xFFFFFFFF;
	(pc) =	sbr.abs _section_cstart, $3  }
0xc7: {  	[dreg:$0x1] =	wrdreg $0xFFFFFFFF  }
0xc8: {  	_ =	task.clear_ibuf [dreg:s11], $0x2FFFF;
	_ =	strace $0x9FFFFFFF  }
0xc9: {  	(tm) =	ssettm $0x7FFFFFFF  }
tec
execute0_lowered:
.L_overlay_start_1:
0x0: {  	(tag) =	ssettag $0x1  }
0x1: {  	s0 =	rddreg [dreg:$0x1];
	s2 =	srdreg.scid  }
0x2: {  	s1 =	rddreg [dreg:$0x2];
	s13 =	stileid.u32;
	s2 =	sand.u32 $0x1, s2  }
0x3: {  	s5 =	sshll.u32 s13, $0xC;
	s4 =	ssub.s32 $0x2, s2;
	s2 =	sshll.u32 s2, $0xB  }
0x4: {  	s3 =	rddreg [dreg:$0x3];
	s7 =	simm.s32 $0x0;
	s2 =	sor.u32 s2, s5  }
0x5: {  	[smem:$0x7FF] =	sst s7;
	s6 =	sshrl.u32 s4, $0x1;
	s5 =	sadd.s32 s0, s2  }
0x6: {  	s4 =	ssub.s32 s4, s6;
	s23 =	sadd.s32 s1, s2;
	[dreg:$0x6] =	wrdreg s5  }
0x7: {  	s6 =	sor.u32 $0x20, s2;
	s18 =	sadd.s32 s3, s2;
	[dreg:$0x7] =	wrdreg s23  }
0x8: {  	s26 =	sadd.s32 s0, s6;
	[dreg:$0x16] =	wrdreg s18  }
0x9: {  	s7 =	sor.u32 $0x30, s2;
	s28 =	sadd.s32 s1, s6;
	[dreg:$0xa] =	wrdreg s26  }
0xa: {  	s9 =	sadd.s32 s0, s7;
	[dreg:$0xb] =	wrdreg s28  }
0xb: {  	s8 =	sor.u32 $0x40, s2;
	s29 =	sadd.s32 s1, s7;
	[dreg:$0xc] =	wrdreg s9  }
0xc: {  	s10 =	sadd.s32 s0, s8;
	[dreg:$0xd] =	wrdreg s29  }
0xd: {  	s14 =	sor.u32 $0x70, s2;
	s11 =	sadd.s32 s1, s8;
	[dreg:$0xe] =	wrdreg s10  }
0xe: {  	s17 =	sadd.s32 s1, s14;
	[dreg:$0xf] =	wrdreg s11  }
0xf: {  	s20 =	sadd.s32 s3, s6;
	[dreg:$0x15] =	wrdreg s17  }
0x10: {  	s21 =	sadd.s32 s3, s7;
	[dreg:$0x18] =	wrdreg s20  }
0x11: {  	s5 =	sor.u32 $0x10, s2;
	s22 =	sadd.s32 s3, s8;
	[dreg:$0x19] =	wrdreg s21  }
0x12: {  	s24 =	sadd.s32 s0, s5;
	[dreg:$0x1a] =	wrdreg s22  }
0x13: {  	s25 =	sadd.s32 s1, s5;
	[dreg:$0x8] =	wrdreg s24  }
0x14: {  	s9 =	sor.u32 $0x50, s2;
	s19 =	sadd.s32 s3, s5;
	[dreg:$0x9] =	wrdreg s25  }
0x15: {  	s10 =	sor.u32 $0x60, s2;
	s11 =	sadd.s32 s0, s9;
	[dreg:$0x17] =	wrdreg s19  }
0x16: {  	s12 =	sadd.s32 s0, s10;
	[dreg:$0x10] =	wrdreg s11  }
0x17: {  	s0 =	sadd.s32 s0, s14;
	[dreg:$0x11] =	wrdreg s12  }
0x18: {  	s15 =	sadd.s32 s1, s9;
	[dreg:$0x12] =	wrdreg s0  }
0x19: {  	s16 =	sadd.s32 s1, s10;
	[dreg:$0x13] =	wrdreg s15  }
0x1a: {  	s4 =	smax.u32 s4, $0x1;
	s17 =	sshll.u32 s13, $0x3;
	[dreg:$0x14] =	wrdreg s16  }
0x1b: {  	s23 =	sadd.s32 s3, s9;
	s24 =	sadd.s32 s3, s10;
	s12 =	rddreg [dreg:$0x4]  }
0x1c: {  	s25 =	sadd.s32 s3, s14;
	s18 =	sor.u32 $0x1, s17;
	[dreg:$0x1b] =	wrdreg s23  }
0x1d: {  	s20 =	sor.u32 $0x2, s17;
	s21 =	sor.u32 $0x3, s17;
	[dreg:$0x1c] =	wrdreg s24  }
0x1e: {  	s22 =	sor.u32 $0x4, s17;
	s19 =	simm.s32 $0x3;
	[dreg:$0x1d] =	wrdreg s25  }
0x1f: {  	s23 =	sor.u32 $0x5, s17;
	s24 =	sor.u32 $0x6, s17;
	s25 =	sshllo.u32 s13, $0x3  }
0x20: {  	s11 =	simm.s32 $0x11000;
	s13 =	simm.s32 $0x12000;
	s15 =	simm.s32 $0x13000  }
0x21: {  	v0 =	vmov s17;
	s16 =	simm.s32 $0x13800;
	v1 =	vmov s18;
	s17 =	simm.s32 $0x1;
	s18 =	simm.s32 $0x2  }
0x22: {  	v2 =	vmov s20;
	v3 =	vmov s21;
	v4 =	vmov s22;
	s20 =	simm.s32 $0x4;
	s21 =	simm.s32 $0x5;
	s22 =	simm.s32 $0x6  }
0x23: {  	s26 =	sadd.s32 s12, s2;
	s28 =	sadd.s32 s12, s5;
	s29 =	sadd.s32 s12, s6  }
0x24: {  	s31 =	sadd.s32 s12, s7;
	s30 =	sadd.s32 s12, s8;
	s0 =	sadd.s32 s12, s9  }
0x25: {  	s1 =	sadd.s32 s12, s10;
	s2 =	rddreg [dreg:$0x0];
	s3 =	sadd.s32 s12, s14  }
0x26: {  	s5 =	simm.s32 $0x80;
	s6 =	simm.s32 $0x400;
	s7 =	simm.s32 $0x800  }
0x27: {  	s8 =	simm.s32 $0x9;
	s9 =	simm.s32 $0x10000;
	[dreg:$0x1e] =	wrdreg s26  }
0x28: {  	s10 =	simm.s32 $0x10800;
	s12 =	simm.s32 $0x11800;
	[dreg:$0x1f] =	wrdreg s28  }
0x29: {  	s14 =	simm.s32 $0x12800;
	v5 =	vmov s23;
	s23 =	simm.s32 $0x7;
	[smem:$0x7FD] =	sst s29  }
0x2a: {  	v6 =	vmov s24;
	v7 =	vmov s25;
	s24 =	simm.s32 $0x8;
	s25 =	simm.s32 $0x0;
	_ =	strace $0x80000047  }
.LBB2_1:
0x2b: {  	s26 =	simm.s32 $0x0;
	s28 =	rddreg [dreg:$0x6]  }
0x2c: {  	[tilespmem:s26], [sflag:$0x9] =	stream.strided.gather [hbm4b:s28+s5], $0x800, s6, s5, $0x38;
	[tilespmem:$0x14000] =	vst v63  }
0x2d: {  	s26 =	rddreg [dreg:$0x7];
	s28 =	simm.s32 $0x4000  }
0x2e: {  	[tilespmem:s28], [sflag:$0x9] =	stream.strided.gather [hbm4b:s26+s5], $0x800, s6, s5, $0x38;
	[tilespmem:$0x14000] =	vst v63  }
0x2f: {  	s26 =	rddreg [dreg:$0x16];
	s28 =	simm.s32 $0x8000  }
0x30: {  	[tilespmem:s28], [sflag:$0x9] =	stream.strided.gather [hbm4b:s26+s5], $0x800, s6, s5, $0x38;
	[tilespmem:$0x14000] =	vst v63  }
0x31: {  	s26 =	rddreg [dreg:$0x8]  }
0x32: {  	[tilespmem:s7], [sflag:$0x9] =	stream.strided.gather [hbm4b:s26+s5], $0x800, s6, s5, $0x38;
	[tilespmem:$0x14000] =	vst v63  }
0x33: {  	s28 =	simm.s32 $0x4800;
	s26 =	rddreg [dreg:$0x9]  }
0x34: {  	[tilespmem:s28], [sflag:$0x9] =	stream.strided.gather [hbm4b:s26+s5], $0x800, s6, s5, $0x38;
	[tilespmem:$0x14000] =	vst v63  }
0x35: {  	s26 =	rddreg [dreg:$0x17];
	s28 =	simm.s32 $0x8800  }
0x36: {  	[tilespmem:s28], [sflag:$0x9] =	stream.strided.gather [hbm4b:s26+s5], $0x800, s6, s5, $0x38;
	[tilespmem:$0x14000] =	vst v63  }
0x37: {  	s26 =	rddreg [dreg:$0xa];
	s28 =	simm.s32 $0x1000  }
0x38: {  	[tilespmem:s28], [sflag:$0x9] =	stream.strided.gather [hbm4b:s26+s5], $0x800, s6, s5, $0x38;
	[tilespmem:$0x14000] =	vst v63  }
0x39: {  	s26 =	rddreg [dreg:$0xb];
	s28 =	simm.s32 $0x5000  }
0x3a: {  	[tilespmem:s28], [sflag:$0x9] =	stream.strided.gather [hbm4b:s26+s5], $0x800, s6, s5, $0x38;
	[tilespmem:$0x14000] =	vst v63  }
0x3b: {  	s26 =	rddreg [dreg:$0x18];
	s28 =	simm.s32 $0x9000  }
0x3c: {  	[tilespmem:s28], [sflag:$0x9] =	stream.strided.gather [hbm4b:s26+s5], $0x800, s6, s5, $0x38;
	[tilespmem:$0x14000] =	vst v63  }
0x3d: {  	s26 =	rddreg [dreg:$0xc];
	s28 =	simm.s32 $0x1800  }
0x3e: {  	[tilespmem:s28], [sflag:$0x9] =	stream.strided.gather [hbm4b:s26+s5], $0x800, s6, s5, $0x38;
	[tilespmem:$0x14000] =	vst v63  }
0x3f: {  	s26 =	rddreg [dreg:$0xd];
	s28 =	simm.s32 $0x5800  }
0x40: {  	[tilespmem:s28], [sflag:$0x9] =	stream.strided.gather [hbm4b:s26+s5], $0x800, s6, s5, $0x38;
	[tilespmem:$0x14000] =	vst v63  }
0x41: {  	s26 =	rddreg [dreg:$0x19];
	s28 =	simm.s32 $0x9800  }
0x42: {  	[tilespmem:s28], [sflag:$0x9] =	stream.strided.gather [hbm4b:s26+s5], $0x800, s6, s5, $0x38;
	[tilespmem:$0x14000] =	vst v63  }
0x43: {  	s26 =	rddreg [dreg:$0xe];
	s28 =	simm.s32 $0x2000  }
0x44: {  	[tilespmem:s28], [sflag:$0x9] =	stream.strided.gather [hbm4b:s26+s5], $0x800, s6, s5, $0x38;
	[tilespmem:$0x14000] =	vst v63  }
0x45: {  	s26 =	rddreg [dreg:$0xf];
	s28 =	simm.s32 $0x6000  }
0x46: {  	[tilespmem:s28], [sflag:$0x9] =	stream.strided.gather [hbm4b:s26+s5], $0x800, s6, s5, $0x38;
	[tilespmem:$0x14000] =	vst v63  }
0x47: {  	s26 =	rddreg [dreg:$0x1a];
	s28 =	simm.s32 $0xA000  }
0x48: {  	[tilespmem:s28], [sflag:$0x9] =	stream.strided.gather [hbm4b:s26+s5], $0x800, s6, s5, $0x38;
	[tilespmem:$0x14000] =	vst v63  }
0x49: {  	s26 =	rddreg [dreg:$0x10];
	s28 =	simm.s32 $0x2800  }
0x4a: {  	[tilespmem:s28], [sflag:$0x9] =	stream.strided.gather [hbm4b:s26+s5], $0x800, s6, s5, $0x38;
	[tilespmem:$0x14000] =	vst v63  }
0x4b: {  	s26 =	rddreg [dreg:$0x13];
	s28 =	simm.s32 $0x6800  }
0x4c: {  	[tilespmem:s28], [sflag:$0x9] =	stream.strided.gather [hbm4b:s26+s5], $0x800, s6, s5, $0x38;
	[tilespmem:$0x14000] =	vst v63  }
0x4d: {  	s26 =	rddreg [dreg:$0x1b];
	s28 =	simm.s32 $0xA800  }
0x4e: {  	[tilespmem:s28], [sflag:$0x9] =	stream.strided.gather [hbm4b:s26+s5], $0x800, s6, s5, $0x38;
	[tilespmem:$0x14000] =	vst v63  }
0x4f: {  	s26 =	rddreg [dreg:$0x11];
	s28 =	simm.s32 $0x3000  }
0x50: {  	[tilespmem:s28], [sflag:$0x9] =	stream.strided.gather [hbm4b:s26+s5], $0x800, s6, s5, $0x38;
	[tilespmem:$0x14000] =	vst v63  }
0x51: {  	s26 =	rddreg [dreg:$0x14];
	s28 =	simm.s32 $0x7000  }
0x52: {  	[tilespmem:s28], [sflag:$0x9] =	stream.strided.gather [hbm4b:s26+s5], $0x800, s6, s5, $0x38;
	[tilespmem:$0x14000] =	vst v63  }
0x53: {  	s26 =	rddreg [dreg:$0x1c];
	s28 =	simm.s32 $0xB000  }
0x54: {  	[tilespmem:s28], [sflag:$0x9] =	stream.strided.gather [hbm4b:s26+s5], $0x800, s6, s5, $0x38;
	[tilespmem:$0x14000] =	vst v63  }
0x55: {  	s26 =	rddreg [dreg:$0x12];
	s28 =	simm.s32 $0x3800  }
0x56: {  	[tilespmem:s28], [sflag:$0x9] =	stream.strided.gather [hbm4b:s26+s5], $0x800, s6, s5, $0x38;
	[tilespmem:$0x14000] =	vst v63  }
0x57: {  	s26 =	rddreg [dreg:$0x15];
	s28 =	simm.s32 $0x7800  }
0x58: {  	[tilespmem:s28], [sflag:$0x9] =	stream.strided.gather [hbm4b:s26+s5], $0x800, s6, s5, $0x38;
	[tilespmem:$0x14000] =	vst v63  }
0x59: {  	s26 =	rddreg [dreg:$0x1d];
	s28 =	simm.s32 $0xB800  }
0x5a: {  	[tilespmem:s28], [sflag:$0x9] =	stream.strided.gather [hbm4b:s26+s5], $0x800, s6, s5, $0x38;
	[tilespmem:$0x14000] =	vst v63  }
0x5b: {  	_ =	swait.ge [sflag:s8], $0x800  }
0x5c: {  	[sflag:s8] =	ssyncset.done $0x0  }
0x5d: {  	[sflag:s8] =	ssyncadd.s32 $0xFFFFF800  }
0x5e: {  	_ =	swait.ge [sflag:s8], $0x800  }
0x5f: {  	[sflag:s8] =	ssyncset.done $0x0  }
0x60: {  	[sflag:s8] =	ssyncadd.s32 $0xFFFFF800  }
0x61: {  	_ =	swait.ge [sflag:s8], $0x800  }
0x62: {  	[sflag:s8] =	ssyncset.done $0x0  }
0x63: {  	s26 =	simm.s32 $0x0;
	[sflag:s8] =	ssyncadd.s32 $0xFFFFF800  }
0x64: {  	v8 =	vld [tilespmem:s26+$0x70]  }
0x65: {  	v9 =	vld [tilespmem:s26+$0x4070]  }
0x66: {  	v10 =	vld [tilespmem:s26+$0x8070]  }
0x67: {  	v11 =	vld [tilespmem:s26+$0x0]  }
0x68: {  	v12 =	vld [tilespmem:s26+$0x4000]  }
0x69: {  	v13 =	vld [tilespmem:s26+$0x10]  }
0x6a: {  	v14 =	vld [tilespmem:s26+$0x4010]  }
0x6b: {  	v15 =	vld [tilespmem:s26+$0x20]  }
0x6c: {  	v16 =	vld [tilespmem:s26+$0x4030]  }
0x6d: {  	v17 =	vld [tilespmem:s26+$0x40]  }
0x6e: {  	v18 =	vld [tilespmem:s26+$0x4040]  }
0x6f: {  	v19 =	vld [tilespmem:s26+$0x50];
	v8 =	vshll.u32 v8, $0x13;
	v9 =	vshll.u32 v9, $0xD  }
0x70: {  	v8 =	vor.u32 v9, v8;
	v9 =	vld [tilespmem:s26+$0x4020]  }
0x71: {  	v20 =	vld [tilespmem:s26+$0x4050];
	v10 =	vshll.u32 v10, $0x7  }
0x72: {  	v21 =	vld [tilespmem:s26+$0x60];
	v8 =	vor.u32 v10, v8  }
0x73: {  	v10 =	vld [tilespmem:s26+$0x30];
	v8 =	vor.u32 v0, v8  }
0x74: {  	v22 =	vld [tilespmem:s26+$0x8000];
	v14 =	vshll.u32 v14, $0xD;
	v15 =	vshll.u32 v15, $0x13;
	[tilespmem:s26+$0xC070] =	vst v8;
	v8 =	vshll.u32 v11, $0x13  }
0x75: {  	v11 =	vshll.u32 v12, $0xD;
	v12 =	vshll.u32 v13, $0x13;
	v13 =	vld [tilespmem:s26+$0x4060];
	v9 =	vshll.u32 v9, $0xD  }
0x76: {  	v23 =	vor.u32 v11, v8;
	v24 =	vor.u32 v14, v12;
	v8 =	vor.u32 v9, v15;
	v15 =	vld [tilespmem:s26+$0x8010]  }
0x77: {  	v25 =	vld [tilespmem:s26+$0x8020];
	v11 =	vshll.u32 v17, $0x13;
	v14 =	vshll.u32 v18, $0xD;
	v18 =	vshll.u32 v20, $0xD  }
0x78: {  	v17 =	vld [tilespmem:s26+$0x8030];
	v9 =	vshll.u32 v10, $0x13;
	v10 =	vshll.u32 v16, $0xD;
	v16 =	vshll.u32 v19, $0x13  }
0x79: {  	v12 =	vor.u32 v10, v9;
	v10 =	vor.u32 v14, v11;
	v9 =	vor.u32 v18, v16;
	v16 =	vld [tilespmem:s26+$0x8040]  }
0x7a: {  	v11 =	vshll.u32 v21, $0x13;
	v18 =	vshll.u32 v22, $0x7;
	v14 =	vld [tilespmem:s26+$0x8050];
	v13 =	vshll.u32 v13, $0xD  }
0x7b: {  	s28 =	simm.s32 $0x80;
	v18 =	vor.u32 v18, v23;
	v11 =	vor.u32 v13, v11;
	v20 =	vshll.u32 v15, $0x7;
	v15 =	vld [tilespmem:s26+$0x8060]  }
0x7c: {  	s29 =	simm.s32 $0x400;
	v13 =	vld [tilespmem:s28+$0x70];
	v19 =	vor.u32 v0, v18;
	v18 =	vshll.u32 v25, $0x7;
	v20 =	vor.u32 v20, v24  }
.LBB2_2:
0x7d: {  	p0 =	sne.s32 s29, $0x1E00;
	v21 =	vld [tilespmem:s28+$0x4070];
	[tilespmem:s26+$0xC000] =	vst v19;
	v19 =	vor.u32 v0, v20;
	v8 =	vor.u32 v18, v8;
	v17 =	vshll.u32 v17, $0x7  }
0x7e: {  	v18 =	vld [tilespmem:s28+$0x8070];
	[tilespmem:s26+$0xC010] =	vst v19;
	v8 =	vor.u32 v0, v8;
	v12 =	vor.u32 v17, v12;
	v16 =	vshll.u32 v16, $0x7  }
0x7f: {  	v17 =	vld [tilespmem:s28+$0x0];
	[tilespmem:s26+$0xC020] =	vst v8;
	v8 =	vor.u32 v0, v12;
	v10 =	vor.u32 v16, v10;
	v12 =	vshll.u32 v14, $0x7  }
0x80: {  	v14 =	vld [tilespmem:s28+$0x4000];
	[tilespmem:s26+$0xC030] =	vst v8;
	v8 =	vor.u32 v0, v10;
	v9 =	vor.u32 v12, v9;
	v10 =	vshll.u32 v15, $0x7  }
0x81: {  	v12 =	vld [tilespmem:s28+$0x10];
	[tilespmem:s26+$0xC040] =	vst v8;
	v8 =	vor.u32 v0, v9;
	v9 =	vor.u32 v10, v11  }
0x82: {  	v11 =	vshll.u32 v13, $0x13;
	v10 =	vld [tilespmem:s28+$0x4010];
	v13 =	vshll.u32 v21, $0xD;
	[tilespmem:s26+$0xC050] =	vst v8;
	v8 =	vor.u32 v0, v9  }
0x83: {  	v9 =	vld [tilespmem:s28+$0x20];
	v15 =	vshll.u32 v18, $0x7;
	v11 =	vor.u32 v13, v11;
	[tilespmem:s26+$0xC060] =	vst v8;
	s26 =	smov.u32 s28  }
0x84: {  	v8 =	vshll.u32 v17, $0x13;
	v13 =	vld [tilespmem:s26+$0x4020];
	v11 =	vor.u32 v15, v11  }
0x85: {  	v14 =	vshll.u32 v14, $0xD;
	v15 =	vld [tilespmem:s26+$0x30];
	v11 =	vor.u32 v0, v11  }
0x86: {  	v18 =	vor.u32 v14, v8;
	v8 =	vshll.u32 v12, $0x13;
	v12 =	vld [tilespmem:s26+$0x4030];
	[tilespmem:s26+$0xC070] =	vst v11  }
0x87: {  	v10 =	vshll.u32 v10, $0xD;
	v11 =	vld [tilespmem:s26+$0x40]  }
0x88: {  	v20 =	vor.u32 v10, v8;
	v8 =	vshll.u32 v9, $0x13;
	v9 =	vld [tilespmem:s26+$0x4040]  }
0x89: {  	v10 =	vshll.u32 v13, $0xD;
	v13 =	vld [tilespmem:s26+$0x50]  }
0x8a: {  	v8 =	vor.u32 v10, v8;
	v10 =	vshll.u32 v15, $0x13;
	v14 =	vld [tilespmem:s26+$0x4050]  }
0x8b: {  	v12 =	vshll.u32 v12, $0xD;
	v15 =	vld [tilespmem:s26+$0x60]  }
0x8c: {  	v12 =	vor.u32 v12, v10;
	v10 =	vshll.u32 v11, $0x13;
	v11 =	vld [tilespmem:s26+$0x4060]  }
0x8d: {  	v19 =	vld [tilespmem:s26+$0x8000];
	v9 =	vshll.u32 v9, $0xD  }
0x8e: {  	v21 =	vld [tilespmem:s26+$0x8010];
	v10 =	vor.u32 v9, v10;
	v9 =	vshll.u32 v13, $0x13  }
0x8f: {  	v22 =	vld [tilespmem:s26+$0x8020];
	v13 =	vshll.u32 v14, $0xD  }
.Ltmp0:
0x90: {  	v17 =	vld [tilespmem:s26+$0x8030];
	v9 =	vor.u32 v13, v9;
	v13 =	vshll.u32 v15, $0x13;
	(pc) =	sbr.rel @p0 .LBB2_2-.Ltmp0, $4  }
0x91: {  	v16 =	vld [tilespmem:s26+$0x8040];
	v11 =	vshll.u32 v11, $0xD  }
0x92: {  	v15 =	vshll.u32 v19, $0x7;
	v14 =	vld [tilespmem:s26+$0x8050];
	v11 =	vor.u32 v11, v13  }
0x93: {  	s28 =	sshra.s32 s29, $0x2;
	v18 =	vor.u32 v15, v18;
	v21 =	vshll.u32 v21, $0x7;
	v15 =	vld [tilespmem:s26+$0x8060]  }
0x94: {  	s29 =	sadd.s32 $0x200, s29;
	v13 =	vld [tilespmem:s28+$0x70];
	v19 =	vor.u32 v0, v18;
	v20 =	vor.u32 v21, v20;
	v18 =	vshll.u32 v22, $0x7  }
0x95: {  	v21 =	vld [tilespmem:s28+$0x4070];
	[tilespmem:s26+$0xC000] =	vst v19;
	v19 =	vor.u32 v0, v20;
	v8 =	vor.u32 v18, v8  }
0x96: {  	v17 =	vshll.u32 v17, $0x7;
	v20 =	vld [tilespmem:s28+$0x8070];
	[tilespmem:s26+$0xC010] =	vst v19;
	v8 =	vor.u32 v0, v8  }
0x97: {  	v12 =	vor.u32 v17, v12;
	v18 =	vld [tilespmem:s28+$0x0];
	[tilespmem:s26+$0xC020] =	vst v8;
	v8 =	vshll.u32 v16, $0x7  }
0x98: {  	v12 =	vor.u32 v0, v12;
	v8 =	vor.u32 v8, v10  }
0x99: {  	v16 =	vld [tilespmem:s28+$0x4000];
	[tilespmem:s26+$0xC030] =	vst v12;
	v10 =	vshll.u32 v14, $0x7;
	v8 =	vor.u32 v0, v8  }
0x9a: {  	v12 =	vld [tilespmem:s28+$0x10];
	v9 =	vor.u32 v10, v9;
	[tilespmem:s26+$0xC040] =	vst v8;
	v8 =	vshll.u32 v15, $0x7  }
0x9b: {  	v9 =	vor.u32 v0, v9;
	v8 =	vor.u32 v8, v11  }
0x9c: {  	v10 =	vld [tilespmem:s28+$0x4010];
	[tilespmem:s26+$0xC050] =	vst v9;
	v8 =	vor.u32 v0, v8  }
0x9d: {  	v11 =	vshll.u32 v13, $0x13;
	v13 =	vshll.u32 v21, $0xD;
	v9 =	vld [tilespmem:s28+$0x20];
	[tilespmem:s26+$0xC060] =	vst v8  }
0x9e: {  	v11 =	vor.u32 v13, v11;
	v8 =	vshll.u32 v20, $0x7;
	v13 =	vld [tilespmem:s28+$0x4020]  }
0x9f: {  	v8 =	vor.u32 v8, v11;
	v11 =	vld [tilespmem:s28+$0x30]  }
0xa0: {  	v14 =	vld [tilespmem:s28+$0x4030]  }
0xa1: {  	v15 =	vld [tilespmem:s28+$0x4040]  }
0xa2: {  	v17 =	vld [tilespmem:s28+$0x50]  }
0xa3: {  	v19 =	vld [tilespmem:s28+$0x4050]  }
0xa4: {  	v20 =	vld [tilespmem:s28+$0x60];
	v8 =	vor.u32 v0, v8  }
0xa5: {  	[tilespmem:s28+$0xC070] =	vst v8;
	v8 =	vld [tilespmem:s28+$0x40]  }
0xa6: {  	v18 =	vshll.u32 v18, $0x13;
	v16 =	vshll.u32 v16, $0xD;
	v12 =	vshll.u32 v12, $0x13;
	v21 =	vld [tilespmem:s28+$0x4060]  }
0xa7: {  	v22 =	vld [tilespmem:s28+$0x8000];
	v16 =	vor.u32 v16, v18;
	v10 =	vshll.u32 v10, $0xD;
	v9 =	vshll.u32 v9, $0x13  }
0xa8: {  	v10 =	vor.u32 v10, v12;
	v12 =	vld [tilespmem:s28+$0x8010];
	v13 =	vshll.u32 v13, $0xD;
	v11 =	vshll.u32 v11, $0x13  }
0xa9: {  	v15 =	vshll.u32 v15, $0xD;
	v9 =	vor.u32 v13, v9;
	v13 =	vshll.u32 v14, $0xD;
	v14 =	vld [tilespmem:s28+$0x8020]  }
0xaa: {  	v17 =	vshll.u32 v17, $0x13;
	v18 =	vshll.u32 v19, $0xD;
	v19 =	vld [tilespmem:s28+$0x8030];
	v8 =	vshll.u32 v8, $0x13  }
0xab: {  	v11 =	vor.u32 v13, v11;
	v13 =	vor.u32 v18, v17;
	v8 =	vor.u32 v15, v8;
	v15 =	vld [tilespmem:s28+$0x8040]  }
0xac: {  	v17 =	vshll.u32 v20, $0x13;
	v18 =	vshll.u32 v21, $0xD;
	v20 =	vshll.u32 v22, $0x7;
	v21 =	vld [tilespmem:s28+$0x8050]  }
0xad: {  	v17 =	vor.u32 v18, v17;
	v16 =	vor.u32 v20, v16;
	v12 =	vshll.u32 v12, $0x7;
	v18 =	vld [tilespmem:s28+$0x8060]  }
0xae: {  	v16 =	vor.u32 v0, v16;
	v10 =	vor.u32 v12, v10;
	v12 =	vshll.u32 v14, $0x7  }
0xaf: {  	[tilespmem:s28+$0xC000] =	vst v16;
	v10 =	vor.u32 v0, v10;
	v9 =	vor.u32 v12, v9;
	v12 =	vshll.u32 v19, $0x7  }
0xb0: {  	[tilespmem:s28+$0xC010] =	vst v10;
	v9 =	vor.u32 v0, v9;
	v10 =	vor.u32 v12, v11;
	v11 =	vshll.u32 v15, $0x7  }
0xb1: {  	[tilespmem:s28+$0xC020] =	vst v9;
	v9 =	vor.u32 v0, v10;
	v8 =	vor.u32 v11, v8;
	v10 =	vshll.u32 v21, $0x7  }
0xb2: {  	[tilespmem:s28+$0xC030] =	vst v9;
	v8 =	vor.u32 v0, v8;
	v9 =	vor.u32 v10, v13;
	v10 =	vshll.u32 v18, $0x7  }
0xb3: {  	[tilespmem:s28+$0xC040] =	vst v8;
	v8 =	vor.u32 v0, v9;
	v9 =	vor.u32 v10, v17  }
0xb4: {  	[tilespmem:s28+$0xC050] =	vst v8;
	v8 =	vor.u32 v0, v9  }
0xb5: {  	s26 =	simm.s32 $0xC000;
	[tilespmem:s28+$0xC060] =	vst v8  }
0xb6: {  	[tilespmem:s9], [sflag:$0x1] =	stream.indirect.gather [hbm4b:s2+s7], $0x1, s26, s7, $0xb8;
	[tilespmem:$0x14000] =	vst v63  }
0xb7: {  	_ =	swait.ge [sflag:s8], $0x800  }
0xb8: {  	[sflag:s8] =	ssyncset.done $0x0  }
0xb9: {  	[sflag:s8] =	ssyncadd.s32 $0xFFFFF800  }
0xba: {  	_ =	swait.ge [sflag:s8], $0x800  }
0xbb: {  	[sflag:s8] =	ssyncset.done $0x0  }
0xbc: {  	[sflag:s8] =	ssyncadd.s32 $0xFFFFF800  }
0xbd: {  	_ =	swait.ge [sflag:s8], $0x800  }
0xbe: {  	[sflag:s8] =	ssyncset.done $0x0  }
0xbf: {  	s26 =	simm.s32 $0x0;
	[sflag:s8] =	ssyncadd.s32 $0xFFFFF800  }
0xc0: {  	v8 =	vld [tilespmem:s26+$0x870]  }
0xc1: {  	v9 =	vld [tilespmem:s26+$0x4870]  }
0xc2: {  	v10 =	vld [tilespmem:s26+$0x8870]  }
0xc3: {  	v11 =	vld [tilespmem:s26+$0x800]  }
0xc4: {  	v12 =	vld [tilespmem:s26+$0x4800]  }
0xc5: {  	v13 =	vld [tilespmem:s26+$0x810]  }
0xc6: {  	v14 =	vld [tilespmem:s26+$0x4810]  }
0xc7: {  	v15 =	vld [tilespmem:s26+$0x820]  }
0xc8: {  	v16 =	vld [tilespmem:s26+$0x4830]  }
0xc9: {  	v17 =	vld [tilespmem:s26+$0x840]  }
0xca: {  	v18 =	vld [tilespmem:s26+$0x4840]  }
0xcb: {  	v19 =	vld [tilespmem:s26+$0x850];
	v8 =	vshll.u32 v8, $0x13;
	v9 =	vshll.u32 v9, $0xD  }
0xcc: {  	v8 =	vor.u32 v9, v8;
	v9 =	vld [tilespmem:s26+$0x4820]  }
0xcd: {  	v20 =	vld [tilespmem:s26+$0x4850];
	v10 =	vshll.u32 v10, $0x7  }
0xce: {  	v21 =	vld [tilespmem:s26+$0x860];
	v8 =	vor.u32 v10, v8  }
0xcf: {  	v10 =	vld [tilespmem:s26+$0x830];
	v8 =	vor.u32 v1, v8  }
0xd0: {  	v22 =	vld [tilespmem:s26+$0x8800];
	v14 =	vshll.u32 v14, $0xD;
	v15 =	vshll.u32 v15, $0x13;
	[tilespmem:s26+$0xC870] =	vst v8;
	v8 =	vshll.u32 v11, $0x13  }
0xd1: {  	v11 =	vshll.u32 v12, $0xD;
	v12 =	vshll.u32 v13, $0x13;
	v13 =	vld [tilespmem:s26+$0x4860];
	v9 =	vshll.u32 v9, $0xD  }
0xd2: {  	v23 =	vor.u32 v11, v8;
	v24 =	vor.u32 v14, v12;
	v8 =	vor.u32 v9, v15;
	v15 =	vld [tilespmem:s26+$0x8810]  }
0xd3: {  	v25 =	vld [tilespmem:s26+$0x8820];
	v11 =	vshll.u32 v17, $0x13;
	v14 =	vshll.u32 v18, $0xD;
	v18 =	vshll.u32 v20, $0xD  }
0xd4: {  	v17 =	vld [tilespmem:s26+$0x8830];
	v9 =	vshll.u32 v10, $0x13;
	v10 =	vshll.u32 v16, $0xD;
	v16 =	vshll.u32 v19, $0x13  }
0xd5: {  	v12 =	vor.u32 v10, v9;
	v10 =	vor.u32 v14, v11;
	v9 =	vor.u32 v18, v16;
	v16 =	vld [tilespmem:s26+$0x8840]  }
0xd6: {  	v11 =	vshll.u32 v21, $0x13;
	v18 =	vshll.u32 v22, $0x7;
	v14 =	vld [tilespmem:s26+$0x8850];
	v13 =	vshll.u32 v13, $0xD  }
0xd7: {  	s28 =	simm.s32 $0x80;
	v18 =	vor.u32 v18, v23;
	v11 =	vor.u32 v13, v11;
	v20 =	vshll.u32 v15, $0x7;
	v15 =	vld [tilespmem:s26+$0x8860]  }
0xd8: {  	s29 =	simm.s32 $0x400;
	v13 =	vld [tilespmem:s28+$0x870];
	v19 =	vor.u32 v1, v18;
	v18 =	vshll.u32 v25, $0x7;
	v20 =	vor.u32 v20, v24  }
.LBB2_4:
0xd9: {  	p0 =	sne.s32 s29, $0x1E00;
	v21 =	vld [tilespmem:s28+$0x4870];
	[tilespmem:s26+$0xC800] =	vst v19;
	v19 =	vor.u32 v1, v20;
	v8 =	vor.u32 v18, v8;
	v17 =	vshll.u32 v17, $0x7  }
0xda: {  	v18 =	vld [tilespmem:s28+$0x8870];
	[tilespmem:s26+$0xC810] =	vst v19;
	v8 =	vor.u32 v1, v8;
	v12 =	vor.u32 v17, v12;
	v16 =	vshll.u32 v16, $0x7  }
0xdb: {  	v17 =	vld [tilespmem:s28+$0x800];
	[tilespmem:s26+$0xC820] =	vst v8;
	v8 =	vor.u32 v1, v12;
	v10 =	vor.u32 v16, v10;
	v12 =	vshll.u32 v14, $0x7  }
0xdc: {  	v14 =	vld [tilespmem:s28+$0x4800];
	[tilespmem:s26+$0xC830] =	vst v8;
	v8 =	vor.u32 v1, v10;
	v9 =	vor.u32 v12, v9;
	v10 =	vshll.u32 v15, $0x7  }
0xdd: {  	v12 =	vld [tilespmem:s28+$0x810];
	[tilespmem:s26+$0xC840] =	vst v8;
	v8 =	vor.u32 v1, v9;
	v9 =	vor.u32 v10, v11  }
0xde: {  	v11 =	vshll.u32 v13, $0x13;
	v10 =	vld [tilespmem:s28+$0x4810];
	v13 =	vshll.u32 v21, $0xD;
	[tilespmem:s26+$0xC850] =	vst v8;
	v8 =	vor.u32 v1, v9  }
0xdf: {  	v9 =	vld [tilespmem:s28+$0x820];
	v15 =	vshll.u32 v18, $0x7;
	v11 =	vor.u32 v13, v11;
	[tilespmem:s26+$0xC860] =	vst v8;
	s26 =	smov.u32 s28  }
0xe0: {  	v8 =	vshll.u32 v17, $0x13;
	v13 =	vld [tilespmem:s26+$0x4820];
	v11 =	vor.u32 v15, v11  }
0xe1: {  	v14 =	vshll.u32 v14, $0xD;
	v15 =	vld [tilespmem:s26+$0x830];
	v11 =	vor.u32 v1, v11  }
0xe2: {  	v18 =	vor.u32 v14, v8;
	v8 =	vshll.u32 v12, $0x13;
	v12 =	vld [tilespmem:s26+$0x4830];
	[tilespmem:s26+$0xC870] =	vst v11  }
0xe3: {  	v10 =	vshll.u32 v10, $0xD;
	v11 =	vld [tilespmem:s26+$0x840]  }
0xe4: {  	v20 =	vor.u32 v10, v8;
	v8 =	vshll.u32 v9, $0x13;
	v9 =	vld [tilespmem:s26+$0x4840]  }
0xe5: {  	v10 =	vshll.u32 v13, $0xD;
	v13 =	vld [tilespmem:s26+$0x850]  }
0xe6: {  	v8 =	vor.u32 v10, v8;
	v10 =	vshll.u32 v15, $0x13;
	v14 =	vld [tilespmem:s26+$0x4850]  }
0xe7: {  	v12 =	vshll.u32 v12, $0xD;
	v15 =	vld [tilespmem:s26+$0x860]  }
0xe8: {  	v12 =	vor.u32 v12, v10;
	v10 =	vshll.u32 v11, $0x13;
	v11 =	vld [tilespmem:s26+$0x4860]  }
0xe9: {  	v19 =	vld [tilespmem:s26+$0x8800];
	v9 =	vshll.u32 v9, $0xD  }
0xea: {  	v21 =	vld [tilespmem:s26+$0x8810];
	v10 =	vor.u32 v9, v10;
	v9 =	vshll.u32 v13, $0x13  }
0xeb: {  	v22 =	vld [tilespmem:s26+$0x8820];
	v13 =	vshll.u32 v14, $0xD  }
.Ltmp1:
0xec: {  	v17 =	vld [tilespmem:s26+$0x8830];
	v9 =	vor.u32 v13, v9;
	v13 =	vshll.u32 v15, $0x13;
	(pc) =	sbr.rel @p0 .LBB2_4-.Ltmp1, $4  }
0xed: {  	v16 =	vld [tilespmem:s26+$0x8840];
	v11 =	vshll.u32 v11, $0xD  }
0xee: {  	v15 =	vshll.u32 v19, $0x7;
	v14 =	vld [tilespmem:s26+$0x8850];
	v11 =	vor.u32 v11, v13  }
0xef: {  	s28 =	sshra.s32 s29, $0x2;
	v18 =	vor.u32 v15, v18;
	v21 =	vshll.u32 v21, $0x7;
	v15 =	vld [tilespmem:s26+$0x8860]  }
0xf0: {  	s29 =	sadd.s32 $0x200, s29;
	v13 =	vld [tilespmem:s28+$0x870];
	v19 =	vor.u32 v1, v18;
	v20 =	vor.u32 v21, v20;
	v18 =	vshll.u32 v22, $0x7  }
0xf1: {  	v21 =	vld [tilespmem:s28+$0x4870];
	[tilespmem:s26+$0xC800] =	vst v19;
	v19 =	vor.u32 v1, v20;
	v8 =	vor.u32 v18, v8  }
0xf2: {  	v17 =	vshll.u32 v17, $0x7;
	v20 =	vld [tilespmem:s28+$0x8870];
	[tilespmem:s26+$0xC810] =	vst v19;
	v8 =	vor.u32 v1, v8  }
0xf3: {  	v12 =	vor.u32 v17, v12;
	v18 =	vld [tilespmem:s28+$0x800];
	[tilespmem:s26+$0xC820] =	vst v8;
	v8 =	vshll.u32 v16, $0x7  }
0xf4: {  	v12 =	vor.u32 v1, v12;
	v8 =	vor.u32 v8, v10  }
0xf5: {  	v16 =	vld [tilespmem:s28+$0x4800];
	[tilespmem:s26+$0xC830] =	vst v12;
	v10 =	vshll.u32 v14, $0x7;
	v8 =	vor.u32 v1, v8  }
0xf6: {  	v12 =	vld [tilespmem:s28+$0x810];
	v9 =	vor.u32 v10, v9;
	[tilespmem:s26+$0xC840] =	vst v8;
	v8 =	vshll.u32 v15, $0x7  }
0xf7: {  	v9 =	vor.u32 v1, v9;
	v8 =	vor.u32 v8, v11  }
0xf8: {  	v10 =	vld [tilespmem:s28+$0x4810];
	[tilespmem:s26+$0xC850] =	vst v9;
	v8 =	vor.u32 v1, v8  }
0xf9: {  	v11 =	vshll.u32 v13, $0x13;
	v13 =	vshll.u32 v21, $0xD;
	v9 =	vld [tilespmem:s28+$0x820];
	[tilespmem:s26+$0xC860] =	vst v8  }
0xfa: {  	v11 =	vor.u32 v13, v11;
	v8 =	vshll.u32 v20, $0x7;
	v13 =	vld [tilespmem:s28+$0x4820]  }
0xfb: {  	v8 =	vor.u32 v8, v11;
	v11 =	vld [tilespmem:s28+$0x830]  }
0xfc: {  	v14 =	vld [tilespmem:s28+$0x4830]  }
0xfd: {  	v15 =	vld [tilespmem:s28+$0x4840]  }
0xfe: {  	v17 =	vld [tilespmem:s28+$0x850]  }
0xff: {  	v19 =	vld [tilespmem:s28+$0x4850]  }
0x100: {  	v20 =	vld [tilespmem:s28+$0x860];
	v8 =	vor.u32 v1, v8  }
0x101: {  	[tilespmem:s28+$0xC870] =	vst v8;
	v8 =	vld [tilespmem:s28+$0x840]  }
0x102: {  	v18 =	vshll.u32 v18, $0x13;
	v16 =	vshll.u32 v16, $0xD;
	v12 =	vshll.u32 v12, $0x13;
	v21 =	vld [tilespmem:s28+$0x4860]  }
0x103: {  	v22 =	vld [tilespmem:s28+$0x8800];
	v16 =	vor.u32 v16, v18;
	v10 =	vshll.u32 v10, $0xD;
	v9 =	vshll.u32 v9, $0x13  }
0x104: {  	v10 =	vor.u32 v10, v12;
	v12 =	vld [tilespmem:s28+$0x8810];
	v13 =	vshll.u32 v13, $0xD;
	v11 =	vshll.u32 v11, $0x13  }
0x105: {  	v15 =	vshll.u32 v15, $0xD;
	v9 =	vor.u32 v13, v9;
	v13 =	vshll.u32 v14, $0xD;
	v14 =	vld [tilespmem:s28+$0x8820]  }
0x106: {  	v17 =	vshll.u32 v17, $0x13;
	v18 =	vshll.u32 v19, $0xD;
	v19 =	vld [tilespmem:s28+$0x8830];
	v8 =	vshll.u32 v8, $0x13  }
0x107: {  	v11 =	vor.u32 v13, v11;
	v13 =	vor.u32 v18, v17;
	v8 =	vor.u32 v15, v8;
	v15 =	vld [tilespmem:s28+$0x8840]  }
0x108: {  	v17 =	vshll.u32 v20, $0x13;
	v18 =	vshll.u32 v21, $0xD;
	v20 =	vshll.u32 v22, $0x7;
	v21 =	vld [tilespmem:s28+$0x8850]  }
0x109: {  	v17 =	vor.u32 v18, v17;
	v16 =	vor.u32 v20, v16;
	v12 =	vshll.u32 v12, $0x7;
	v18 =	vld [tilespmem:s28+$0x8860]  }
0x10a: {  	v16 =	vor.u32 v1, v16;
	v10 =	vor.u32 v12, v10;
	v12 =	vshll.u32 v14, $0x7  }
0x10b: {  	[tilespmem:s28+$0xC800] =	vst v16;
	v10 =	vor.u32 v1, v10;
	v9 =	vor.u32 v12, v9;
	v12 =	vshll.u32 v19, $0x7  }
0x10c: {  	[tilespmem:s28+$0xC810] =	vst v10;
	v9 =	vor.u32 v1, v9;
	v10 =	vor.u32 v12, v11;
	v11 =	vshll.u32 v15, $0x7  }
0x10d: {  	[tilespmem:s28+$0xC820] =	vst v9;
	v9 =	vor.u32 v1, v10;
	v8 =	vor.u32 v11, v8;
	v10 =	vshll.u32 v21, $0x7  }
0x10e: {  	[tilespmem:s28+$0xC830] =	vst v9;
	v8 =	vor.u32 v1, v8;
	v9 =	vor.u32 v10, v13;
	v10 =	vshll.u32 v18, $0x7  }
0x10f: {  	[tilespmem:s28+$0xC840] =	vst v8;
	v8 =	vor.u32 v1, v9;
	v9 =	vor.u32 v10, v17  }
0x110: {  	[tilespmem:s28+$0xC850] =	vst v8;
	v8 =	vor.u32 v1, v9  }
0x111: {  	s26 =	simm.s32 $0xC800;
	[tilespmem:s28+$0xC860] =	vst v8  }
0x112: {  	[tilespmem:s10], [sflag:$0x2] =	stream.indirect.gather [hbm4b:s2+s7], $0x1, s26, s7, $0xb8;
	[tilespmem:$0x14000] =	vst v63  }
0x113: {  	_ =	swait.ge [sflag:s8], $0x800  }
0x114: {  	[sflag:s8] =	ssyncset.done $0x0  }
0x115: {  	[sflag:s8] =	ssyncadd.s32 $0xFFFFF800  }
0x116: {  	_ =	swait.ge [sflag:s8], $0x800  }
0x117: {  	[sflag:s8] =	ssyncset.done $0x0  }
0x118: {  	[sflag:s8] =	ssyncadd.s32 $0xFFFFF800  }
0x119: {  	_ =	swait.ge [sflag:s8], $0x800  }
0x11a: {  	[sflag:s8] =	ssyncset.done $0x0  }
0x11b: {  	s26 =	simm.s32 $0x0;
	[sflag:s8] =	ssyncadd.s32 $0xFFFFF800  }
0x11c: {  	v8 =	vld [tilespmem:s26+$0x1070]  }
0x11d: {  	v9 =	vld [tilespmem:s26+$0x5070]  }
0x11e: {  	v10 =	vld [tilespmem:s26+$0x9070]  }
0x11f: {  	v11 =	vld [tilespmem:s26+$0x1000]  }
0x120: {  	v12 =	vld [tilespmem:s26+$0x5000]  }
0x121: {  	v13 =	vld [tilespmem:s26+$0x1010]  }
0x122: {  	v14 =	vld [tilespmem:s26+$0x5010]  }
0x123: {  	v15 =	vld [tilespmem:s26+$0x1020]  }
0x124: {  	v16 =	vld [tilespmem:s26+$0x5030]  }
0x125: {  	v17 =	vld [tilespmem:s26+$0x1040]  }
0x126: {  	v18 =	vld [tilespmem:s26+$0x5040]  }
0x127: {  	v19 =	vld [tilespmem:s26+$0x1050];
	v8 =	vshll.u32 v8, $0x13;
	v9 =	vshll.u32 v9, $0xD  }
0x128: {  	v8 =	vor.u32 v9, v8;
	v9 =	vld [tilespmem:s26+$0x5020]  }
0x129: {  	v20 =	vld [tilespmem:s26+$0x5050];
	v10 =	vshll.u32 v10, $0x7  }
0x12a: {  	v21 =	vld [tilespmem:s26+$0x1060];
	v8 =	vor.u32 v10, v8  }
0x12b: {  	v10 =	vld [tilespmem:s26+$0x1030];
	v8 =	vor.u32 v2, v8  }
0x12c: {  	v22 =	vld [tilespmem:s26+$0x9000];
	v14 =	vshll.u32 v14, $0xD;
	v15 =	vshll.u32 v15, $0x13;
	[tilespmem:s26+$0xD070] =	vst v8;
	v8 =	vshll.u32 v11, $0x13  }
0x12d: {  	v11 =	vshll.u32 v12, $0xD;
	v12 =	vshll.u32 v13, $0x13;
	v13 =	vld [tilespmem:s26+$0x5060];
	v9 =	vshll.u32 v9, $0xD  }
0x12e: {  	v23 =	vor.u32 v11, v8;
	v24 =	vor.u32 v14, v12;
	v8 =	vor.u32 v9, v15;
	v15 =	vld [tilespmem:s26+$0x9010]  }
0x12f: {  	v25 =	vld [tilespmem:s26+$0x9020];
	v11 =	vshll.u32 v17, $0x13;
	v14 =	vshll.u32 v18, $0xD;
	v18 =	vshll.u32 v20, $0xD  }
0x130: {  	v17 =	vld [tilespmem:s26+$0x9030];
	v9 =	vshll.u32 v10, $0x13;
	v10 =	vshll.u32 v16, $0xD;
	v16 =	vshll.u32 v19, $0x13  }
0x131: {  	v12 =	vor.u32 v10, v9;
	v10 =	vor.u32 v14, v11;
	v9 =	vor.u32 v18, v16;
	v16 =	vld [tilespmem:s26+$0x9040]  }
0x132: {  	v11 =	vshll.u32 v21, $0x13;
	v18 =	vshll.u32 v22, $0x7;
	v14 =	vld [tilespmem:s26+$0x9050];
	v13 =	vshll.u32 v13, $0xD  }
0x133: {  	s28 =	simm.s32 $0x80;
	v18 =	vor.u32 v18, v23;
	v11 =	vor.u32 v13, v11;
	v20 =	vshll.u32 v15, $0x7;
	v15 =	vld [tilespmem:s26+$0x9060]  }
0x134: {  	s29 =	simm.s32 $0x400;
	v13 =	vld [tilespmem:s28+$0x1070];
	v19 =	vor.u32 v2, v18;
	v18 =	vshll.u32 v25, $0x7;
	v20 =	vor.u32 v20, v24  }
.LBB2_6:
0x135: {  	p0 =	sne.s32 s29, $0x1E00;
	v21 =	vld [tilespmem:s28+$0x5070];
	[tilespmem:s26+$0xD000] =	vst v19;
	v19 =	vor.u32 v2, v20;
	v8 =	vor.u32 v18, v8;
	v17 =	vshll.u32 v17, $0x7  }
0x136: {  	v18 =	vld [tilespmem:s28+$0x9070];
	[tilespmem:s26+$0xD010] =	vst v19;
	v8 =	vor.u32 v2, v8;
	v12 =	vor.u32 v17, v12;
	v16 =	vshll.u32 v16, $0x7  }
0x137: {  	v17 =	vld [tilespmem:s28+$0x1000];
	[tilespmem:s26+$0xD020] =	vst v8;
	v8 =	vor.u32 v2, v12;
	v10 =	vor.u32 v16, v10;
	v12 =	vshll.u32 v14, $0x7  }
0x138: {  	v14 =	vld [tilespmem:s28+$0x5000];
	[tilespmem:s26+$0xD030] =	vst v8;
	v8 =	vor.u32 v2, v10;
	v9 =	vor.u32 v12, v9;
	v10 =	vshll.u32 v15, $0x7  }
0x139: {  	v12 =	vld [tilespmem:s28+$0x1010];
	[tilespmem:s26+$0xD040] =	vst v8;
	v8 =	vor.u32 v2, v9;
	v9 =	vor.u32 v10, v11  }
0x13a: {  	v11 =	vshll.u32 v13, $0x13;
	v10 =	vld [tilespmem:s28+$0x5010];
	v13 =	vshll.u32 v21, $0xD;
	[tilespmem:s26+$0xD050] =	vst v8;
	v8 =	vor.u32 v2, v9  }
0x13b: {  	v9 =	vld [tilespmem:s28+$0x1020];
	v15 =	vshll.u32 v18, $0x7;
	v11 =	vor.u32 v13, v11;
	[tilespmem:s26+$0xD060] =	vst v8;
	s26 =	smov.u32 s28  }
0x13c: {  	v8 =	vshll.u32 v17, $0x13;
	v13 =	vld [tilespmem:s26+$0x5020];
	v11 =	vor.u32 v15, v11  }
0x13d: {  	v14 =	vshll.u32 v14, $0xD;
	v15 =	vld [tilespmem:s26+$0x1030];
	v11 =	vor.u32 v2, v11  }
0x13e: {  	v18 =	vor.u32 v14, v8;
	v8 =	vshll.u32 v12, $0x13;
	v12 =	vld [tilespmem:s26+$0x5030];
	[tilespmem:s26+$0xD070] =	vst v11  }
0x13f: {  	v10 =	vshll.u32 v10, $0xD;
	v11 =	vld [tilespmem:s26+$0x1040]  }
0x140: {  	v20 =	vor.u32 v10, v8;
	v8 =	vshll.u32 v9, $0x13;
	v9 =	vld [tilespmem:s26+$0x5040]  }
0x141: {  	v10 =	vshll.u32 v13, $0xD;
	v13 =	vld [tilespmem:s26+$0x1050]  }
0x142: {  	v8 =	vor.u32 v10, v8;
	v10 =	vshll.u32 v15, $0x13;
	v14 =	vld [tilespmem:s26+$0x5050]  }
0x143: {  	v12 =	vshll.u32 v12, $0xD;
	v15 =	vld [tilespmem:s26+$0x1060]  }
0x144: {  	v12 =	vor.u32 v12, v10;
	v10 =	vshll.u32 v11, $0x13;
	v11 =	vld [tilespmem:s26+$0x5060]  }
0x145: {  	v19 =	vld [tilespmem:s26+$0x9000];
	v9 =	vshll.u32 v9, $0xD  }
0x146: {  	v21 =	vld [tilespmem:s26+$0x9010];
	v10 =	vor.u32 v9, v10;
	v9 =	vshll.u32 v13, $0x13  }
0x147: {  	v22 =	vld [tilespmem:s26+$0x9020];
	v13 =	vshll.u32 v14, $0xD  }
.Ltmp2:
0x148: {  	v17 =	vld [tilespmem:s26+$0x9030];
	v9 =	vor.u32 v13, v9;
	v13 =	vshll.u32 v15, $0x13;
	(pc) =	sbr.rel @p0 .LBB2_6-.Ltmp2, $4  }
0x149: {  	v16 =	vld [tilespmem:s26+$0x9040];
	v11 =	vshll.u32 v11, $0xD  }
0x14a: {  	v15 =	vshll.u32 v19, $0x7;
	v14 =	vld [tilespmem:s26+$0x9050];
	v11 =	vor.u32 v11, v13  }
0x14b: {  	s28 =	sshra.s32 s29, $0x2;
	v18 =	vor.u32 v15, v18;
	v21 =	vshll.u32 v21, $0x7;
	v15 =	vld [tilespmem:s26+$0x9060]  }
0x14c: {  	s29 =	sadd.s32 $0x200, s29;
	v13 =	vld [tilespmem:s28+$0x1070];
	v19 =	vor.u32 v2, v18;
	v20 =	vor.u32 v21, v20;
	v18 =	vshll.u32 v22, $0x7  }
0x14d: {  	v21 =	vld [tilespmem:s28+$0x5070];
	[tilespmem:s26+$0xD000] =	vst v19;
	v19 =	vor.u32 v2, v20;
	v8 =	vor.u32 v18, v8  }
0x14e: {  	v17 =	vshll.u32 v17, $0x7;
	v20 =	vld [tilespmem:s28+$0x9070];
	[tilespmem:s26+$0xD010] =	vst v19;
	v8 =	vor.u32 v2, v8  }
0x14f: {  	v12 =	vor.u32 v17, v12;
	v18 =	vld [tilespmem:s28+$0x1000];
	[tilespmem:s26+$0xD020] =	vst v8;
	v8 =	vshll.u32 v16, $0x7  }
0x150: {  	v12 =	vor.u32 v2, v12;
	v8 =	vor.u32 v8, v10  }
0x151: {  	v16 =	vld [tilespmem:s28+$0x5000];
	[tilespmem:s26+$0xD030] =	vst v12;
	v10 =	vshll.u32 v14, $0x7;
	v8 =	vor.u32 v2, v8  }
0x152: {  	v12 =	vld [tilespmem:s28+$0x1010];
	v9 =	vor.u32 v10, v9;
	[tilespmem:s26+$0xD040] =	vst v8;
	v8 =	vshll.u32 v15, $0x7  }
0x153: {  	v9 =	vor.u32 v2, v9;
	v8 =	vor.u32 v8, v11  }
0x154: {  	v10 =	vld [tilespmem:s28+$0x5010];
	[tilespmem:s26+$0xD050] =	vst v9;
	v8 =	vor.u32 v2, v8  }
0x155: {  	v11 =	vshll.u32 v13, $0x13;
	v13 =	vshll.u32 v21, $0xD;
	v9 =	vld [tilespmem:s28+$0x1020];
	[tilespmem:s26+$0xD060] =	vst v8  }
0x156: {  	v11 =	vor.u32 v13, v11;
	v8 =	vshll.u32 v20, $0x7;
	v13 =	vld [tilespmem:s28+$0x5020]  }
0x157: {  	v8 =	vor.u32 v8, v11;
	v11 =	vld [tilespmem:s28+$0x1030]  }
0x158: {  	v14 =	vld [tilespmem:s28+$0x5030]  }
0x159: {  	v15 =	vld [tilespmem:s28+$0x5040]  }
0x15a: {  	v17 =	vld [tilespmem:s28+$0x1050]  }
0x15b: {  	v19 =	vld [tilespmem:s28+$0x5050]  }
0x15c: {  	v20 =	vld [tilespmem:s28+$0x1060];
	v8 =	vor.u32 v2, v8  }
0x15d: {  	[tilespmem:s28+$0xD070] =	vst v8;
	v8 =	vld [tilespmem:s28+$0x1040]  }
0x15e: {  	v18 =	vshll.u32 v18, $0x13;
	v16 =	vshll.u32 v16, $0xD;
	v12 =	vshll.u32 v12, $0x13;
	v21 =	vld [tilespmem:s28+$0x5060]  }
0x15f: {  	v22 =	vld [tilespmem:s28+$0x9000];
	v16 =	vor.u32 v16, v18;
	v10 =	vshll.u32 v10, $0xD;
	v9 =	vshll.u32 v9, $0x13  }
0x160: {  	v10 =	vor.u32 v10, v12;
	v12 =	vld [tilespmem:s28+$0x9010];
	v13 =	vshll.u32 v13, $0xD;
	v11 =	vshll.u32 v11, $0x13  }
0x161: {  	v15 =	vshll.u32 v15, $0xD;
	v9 =	vor.u32 v13, v9;
	v13 =	vshll.u32 v14, $0xD;
	v14 =	vld [tilespmem:s28+$0x9020]  }
0x162: {  	v17 =	vshll.u32 v17, $0x13;
	v18 =	vshll.u32 v19, $0xD;
	v19 =	vld [tilespmem:s28+$0x9030];
	v8 =	vshll.u32 v8, $0x13  }
0x163: {  	v11 =	vor.u32 v13, v11;
	v13 =	vor.u32 v18, v17;
	v8 =	vor.u32 v15, v8;
	v15 =	vld [tilespmem:s28+$0x9040]  }
0x164: {  	v17 =	vshll.u32 v20, $0x13;
	v18 =	vshll.u32 v21, $0xD;
	v20 =	vshll.u32 v22, $0x7;
	v21 =	vld [tilespmem:s28+$0x9050]  }
0x165: {  	v17 =	vor.u32 v18, v17;
	v16 =	vor.u32 v20, v16;
	v12 =	vshll.u32 v12, $0x7;
	v18 =	vld [tilespmem:s28+$0x9060]  }
0x166: {  	v16 =	vor.u32 v2, v16;
	v10 =	vor.u32 v12, v10;
	v12 =	vshll.u32 v14, $0x7  }
0x167: {  	[tilespmem:s28+$0xD000] =	vst v16;
	v10 =	vor.u32 v2, v10;
	v9 =	vor.u32 v12, v9;
	v12 =	vshll.u32 v19, $0x7  }
0x168: {  	[tilespmem:s28+$0xD010] =	vst v10;
	v9 =	vor.u32 v2, v9;
	v10 =	vor.u32 v12, v11;
	v11 =	vshll.u32 v15, $0x7  }
0x169: {  	[tilespmem:s28+$0xD020] =	vst v9;
	v9 =	vor.u32 v2, v10;
	v8 =	vor.u32 v11, v8;
	v10 =	vshll.u32 v21, $0x7  }
0x16a: {  	[tilespmem:s28+$0xD030] =	vst v9;
	v8 =	vor.u32 v2, v8;
	v9 =	vor.u32 v10, v13;
	v10 =	vshll.u32 v18, $0x7  }
0x16b: {  	[tilespmem:s28+$0xD040] =	vst v8;
	v8 =	vor.u32 v2, v9;
	v9 =	vor.u32 v10, v17  }
0x16c: {  	[tilespmem:s28+$0xD050] =	vst v8;
	v8 =	vor.u32 v2, v9  }
0x16d: {  	s26 =	simm.s32 $0xD000;
	[tilespmem:s28+$0xD060] =	vst v8  }
0x16e: {  	[tilespmem:s11], [sflag:$0x3] =	stream.indirect.gather [hbm4b:s2+s7], $0x1, s26, s7, $0xb8;
	[tilespmem:$0x14000] =	vst v63  }
0x16f: {  	_ =	swait.ge [sflag:s8], $0x800  }
0x170: {  	[sflag:s8] =	ssyncset.done $0x0  }
0x171: {  	[sflag:s8] =	ssyncadd.s32 $0xFFFFF800  }
0x172: {  	_ =	swait.ge [sflag:s8], $0x800  }
0x173: {  	[sflag:s8] =	ssyncset.done $0x0  }
0x174: {  	[sflag:s8] =	ssyncadd.s32 $0xFFFFF800  }
0x175: {  	_ =	swait.ge [sflag:s8], $0x800  }
0x176: {  	[sflag:s8] =	ssyncset.done $0x0  }
0x177: {  	s26 =	simm.s32 $0x0;
	[sflag:s8] =	ssyncadd.s32 $0xFFFFF800  }
0x178: {  	v8 =	vld [tilespmem:s26+$0x1870]  }
0x179: {  	v9 =	vld [tilespmem:s26+$0x5870]  }
0x17a: {  	v10 =	vld [tilespmem:s26+$0x9870]  }
0x17b: {  	v11 =	vld [tilespmem:s26+$0x1800]  }
0x17c: {  	v12 =	vld [tilespmem:s26+$0x5800]  }
0x17d: {  	v13 =	vld [tilespmem:s26+$0x1810]  }
0x17e: {  	v14 =	vld [tilespmem:s26+$0x5810]  }
0x17f: {  	v15 =	vld [tilespmem:s26+$0x1820]  }
0x180: {  	v16 =	vld [tilespmem:s26+$0x5830]  }
0x181: {  	v17 =	vld [tilespmem:s26+$0x1840]  }
0x182: {  	v18 =	vld [tilespmem:s26+$0x5840]  }
0x183: {  	v19 =	vld [tilespmem:s26+$0x1850];
	v8 =	vshll.u32 v8, $0x13;
	v9 =	vshll.u32 v9, $0xD  }
0x184: {  	v8 =	vor.u32 v9, v8;
	v9 =	vld [tilespmem:s26+$0x5820]  }
0x185: {  	v20 =	vld [tilespmem:s26+$0x5850];
	v10 =	vshll.u32 v10, $0x7  }
0x186: {  	v21 =	vld [tilespmem:s26+$0x1860];
	v8 =	vor.u32 v10, v8  }
0x187: {  	v10 =	vld [tilespmem:s26+$0x1830];
	v8 =	vor.u32 v3, v8  }
0x188: {  	v22 =	vld [tilespmem:s26+$0x9800];
	v14 =	vshll.u32 v14, $0xD;
	v15 =	vshll.u32 v15, $0x13;
	[tilespmem:s26+$0xD870] =	vst v8;
	v8 =	vshll.u32 v11, $0x13  }
0x189: {  	v11 =	vshll.u32 v12, $0xD;
	v12 =	vshll.u32 v13, $0x13;
	v13 =	vld [tilespmem:s26+$0x5860];
	v9 =	vshll.u32 v9, $0xD  }
0x18a: {  	v23 =	vor.u32 v11, v8;
	v24 =	vor.u32 v14, v12;
	v8 =	vor.u32 v9, v15;
	v15 =	vld [tilespmem:s26+$0x9810]  }
0x18b: {  	v25 =	vld [tilespmem:s26+$0x9820];
	v11 =	vshll.u32 v17, $0x13;
	v14 =	vshll.u32 v18, $0xD;
	v18 =	vshll.u32 v20, $0xD  }
0x18c: {  	v17 =	vld [tilespmem:s26+$0x9830];
	v9 =	vshll.u32 v10, $0x13;
	v10 =	vshll.u32 v16, $0xD;
	v16 =	vshll.u32 v19, $0x13  }
0x18d: {  	v12 =	vor.u32 v10, v9;
	v10 =	vor.u32 v14, v11;
	v9 =	vor.u32 v18, v16;
	v16 =	vld [tilespmem:s26+$0x9840]  }
0x18e: {  	v11 =	vshll.u32 v21, $0x13;
	v18 =	vshll.u32 v22, $0x7;
	v14 =	vld [tilespmem:s26+$0x9850];
	v13 =	vshll.u32 v13, $0xD  }
0x18f: {  	s28 =	simm.s32 $0x80;
	v18 =	vor.u32 v18, v23;
	v11 =	vor.u32 v13, v11;
	v20 =	vshll.u32 v15, $0x7;
	v15 =	vld [tilespmem:s26+$0x9860]  }
0x190: {  	s29 =	simm.s32 $0x400;
	v13 =	vld [tilespmem:s28+$0x1870];
	v19 =	vor.u32 v3, v18;
	v18 =	vshll.u32 v25, $0x7;
	v20 =	vor.u32 v20, v24  }
.LBB2_8:
0x191: {  	p0 =	sne.s32 s29, $0x1E00;
	v21 =	vld [tilespmem:s28+$0x5870];
	[tilespmem:s26+$0xD800] =	vst v19;
	v19 =	vor.u32 v3, v20;
	v8 =	vor.u32 v18, v8;
	v17 =	vshll.u32 v17, $0x7  }
0x192: {  	v18 =	vld [tilespmem:s28+$0x9870];
	[tilespmem:s26+$0xD810] =	vst v19;
	v8 =	vor.u32 v3, v8;
	v12 =	vor.u32 v17, v12;
	v16 =	vshll.u32 v16, $0x7  }
0x193: {  	v17 =	vld [tilespmem:s28+$0x1800];
	[tilespmem:s26+$0xD820] =	vst v8;
	v8 =	vor.u32 v3, v12;
	v10 =	vor.u32 v16, v10;
	v12 =	vshll.u32 v14, $0x7  }
0x194: {  	v14 =	vld [tilespmem:s28+$0x5800];
	[tilespmem:s26+$0xD830] =	vst v8;
	v8 =	vor.u32 v3, v10;
	v9 =	vor.u32 v12, v9;
	v10 =	vshll.u32 v15, $0x7  }
0x195: {  	v12 =	vld [tilespmem:s28+$0x1810];
	[tilespmem:s26+$0xD840] =	vst v8;
	v8 =	vor.u32 v3, v9;
	v9 =	vor.u32 v10, v11  }
0x196: {  	v11 =	vshll.u32 v13, $0x13;
	v10 =	vld [tilespmem:s28+$0x5810];
	v13 =	vshll.u32 v21, $0xD;
	[tilespmem:s26+$0xD850] =	vst v8;
	v8 =	vor.u32 v3, v9  }
0x197: {  	v9 =	vld [tilespmem:s28+$0x1820];
	v15 =	vshll.u32 v18, $0x7;
	v11 =	vor.u32 v13, v11;
	[tilespmem:s26+$0xD860] =	vst v8;
	s26 =	smov.u32 s28  }
0x198: {  	v8 =	vshll.u32 v17, $0x13;
	v13 =	vld [tilespmem:s26+$0x5820];
	v11 =	vor.u32 v15, v11  }
0x199: {  	v14 =	vshll.u32 v14, $0xD;
	v15 =	vld [tilespmem:s26+$0x1830];
	v11 =	vor.u32 v3, v11  }
0x19a: {  	v18 =	vor.u32 v14, v8;
	v8 =	vshll.u32 v12, $0x13;
	v12 =	vld [tilespmem:s26+$0x5830];
	[tilespmem:s26+$0xD870] =	vst v11  }
0x19b: {  	v10 =	vshll.u32 v10, $0xD;
	v11 =	vld [tilespmem:s26+$0x1840]  }
0x19c: {  	v20 =	vor.u32 v10, v8;
	v8 =	vshll.u32 v9, $0x13;
	v9 =	vld [tilespmem:s26+$0x5840]  }
0x19d: {  	v10 =	vshll.u32 v13, $0xD;
	v13 =	vld [tilespmem:s26+$0x1850]  }
0x19e: {  	v8 =	vor.u32 v10, v8;
	v10 =	vshll.u32 v15, $0x13;
	v14 =	vld [tilespmem:s26+$0x5850]  }
0x19f: {  	v12 =	vshll.u32 v12, $0xD;
	v15 =	vld [tilespmem:s26+$0x1860]  }
0x1a0: {  	v12 =	vor.u32 v12, v10;
	v10 =	vshll.u32 v11, $0x13;
	v11 =	vld [tilespmem:s26+$0x5860]  }
0x1a1: {  	v19 =	vld [tilespmem:s26+$0x9800];
	v9 =	vshll.u32 v9, $0xD  }
0x1a2: {  	v21 =	vld [tilespmem:s26+$0x9810];
	v10 =	vor.u32 v9, v10;
	v9 =	vshll.u32 v13, $0x13  }
0x1a3: {  	v22 =	vld [tilespmem:s26+$0x9820];
	v13 =	vshll.u32 v14, $0xD  }
.Ltmp3:
0x1a4: {  	v17 =	vld [tilespmem:s26+$0x9830];
	v9 =	vor.u32 v13, v9;
	v13 =	vshll.u32 v15, $0x13;
	(pc) =	sbr.rel @p0 .LBB2_8-.Ltmp3, $4  }
0x1a5: {  	v16 =	vld [tilespmem:s26+$0x9840];
	v11 =	vshll.u32 v11, $0xD  }
0x1a6: {  	v15 =	vshll.u32 v19, $0x7;
	v14 =	vld [tilespmem:s26+$0x9850];
	v11 =	vor.u32 v11, v13  }
0x1a7: {  	s28 =	sshra.s32 s29, $0x2;
	v18 =	vor.u32 v15, v18;
	v21 =	vshll.u32 v21, $0x7;
	v15 =	vld [tilespmem:s26+$0x9860]  }
0x1a8: {  	s29 =	sadd.s32 $0x200, s29;
	v13 =	vld [tilespmem:s28+$0x1870];
	v19 =	vor.u32 v3, v18;
	v20 =	vor.u32 v21, v20;
	v18 =	vshll.u32 v22, $0x7  }
0x1a9: {  	v21 =	vld [tilespmem:s28+$0x5870];
	[tilespmem:s26+$0xD800] =	vst v19;
	v19 =	vor.u32 v3, v20;
	v8 =	vor.u32 v18, v8  }
0x1aa: {  	v17 =	vshll.u32 v17, $0x7;
	v20 =	vld [tilespmem:s28+$0x9870];
	[tilespmem:s26+$0xD810] =	vst v19;
	v8 =	vor.u32 v3, v8  }
0x1ab: {  	v12 =	vor.u32 v17, v12;
	v18 =	vld [tilespmem:s28+$0x1800];
	[tilespmem:s26+$0xD820] =	vst v8;
	v8 =	vshll.u32 v16, $0x7  }
0x1ac: {  	v12 =	vor.u32 v3, v12;
	v8 =	vor.u32 v8, v10  }
0x1ad: {  	v16 =	vld [tilespmem:s28+$0x5800];
	[tilespmem:s26+$0xD830] =	vst v12;
	v10 =	vshll.u32 v14, $0x7;
	v8 =	vor.u32 v3, v8  }
0x1ae: {  	v12 =	vld [tilespmem:s28+$0x1810];
	v9 =	vor.u32 v10, v9;
	[tilespmem:s26+$0xD840] =	vst v8;
	v8 =	vshll.u32 v15, $0x7  }
0x1af: {  	v9 =	vor.u32 v3, v9;
	v8 =	vor.u32 v8, v11  }
0x1b0: {  	v10 =	vld [tilespmem:s28+$0x5810];
	[tilespmem:s26+$0xD850] =	vst v9;
	v8 =	vor.u32 v3, v8  }
0x1b1: {  	v11 =	vshll.u32 v13, $0x13;
	v13 =	vshll.u32 v21, $0xD;
	v9 =	vld [tilespmem:s28+$0x1820];
	[tilespmem:s26+$0xD860] =	vst v8  }
0x1b2: {  	v11 =	vor.u32 v13, v11;
	v8 =	vshll.u32 v20, $0x7;
	v13 =	vld [tilespmem:s28+$0x5820]  }
0x1b3: {  	v8 =	vor.u32 v8, v11;
	v11 =	vld [tilespmem:s28+$0x1830]  }
0x1b4: {  	v14 =	vld [tilespmem:s28+$0x5830]  }
0x1b5: {  	v15 =	vld [tilespmem:s28+$0x5840]  }
0x1b6: {  	v17 =	vld [tilespmem:s28+$0x1850]  }
0x1b7: {  	v19 =	vld [tilespmem:s28+$0x5850]  }
0x1b8: {  	v20 =	vld [tilespmem:s28+$0x1860];
	v8 =	vor.u32 v3, v8  }
0x1b9: {  	[tilespmem:s28+$0xD870] =	vst v8;
	v8 =	vld [tilespmem:s28+$0x1840]  }
0x1ba: {  	v18 =	vshll.u32 v18, $0x13;
	v16 =	vshll.u32 v16, $0xD;
	v12 =	vshll.u32 v12, $0x13;
	v21 =	vld [tilespmem:s28+$0x5860]  }
0x1bb: {  	v22 =	vld [tilespmem:s28+$0x9800];
	v16 =	vor.u32 v16, v18;
	v10 =	vshll.u32 v10, $0xD;
	v9 =	vshll.u32 v9, $0x13  }
0x1bc: {  	v10 =	vor.u32 v10, v12;
	v12 =	vld [tilespmem:s28+$0x9810];
	v13 =	vshll.u32 v13, $0xD;
	v11 =	vshll.u32 v11, $0x13  }
0x1bd: {  	v15 =	vshll.u32 v15, $0xD;
	v9 =	vor.u32 v13, v9;
	v13 =	vshll.u32 v14, $0xD;
	v14 =	vld [tilespmem:s28+$0x9820]  }
0x1be: {  	v17 =	vshll.u32 v17, $0x13;
	v18 =	vshll.u32 v19, $0xD;
	v19 =	vld [tilespmem:s28+$0x9830];
	v8 =	vshll.u32 v8, $0x13  }
0x1bf: {  	v11 =	vor.u32 v13, v11;
	v13 =	vor.u32 v18, v17;
	v8 =	vor.u32 v15, v8;
	v15 =	vld [tilespmem:s28+$0x9840]  }
0x1c0: {  	v17 =	vshll.u32 v20, $0x13;
	v18 =	vshll.u32 v21, $0xD;
	v20 =	vshll.u32 v22, $0x7;
	v21 =	vld [tilespmem:s28+$0x9850]  }
0x1c1: {  	v17 =	vor.u32 v18, v17;
	v16 =	vor.u32 v20, v16;
	v12 =	vshll.u32 v12, $0x7;
	v18 =	vld [tilespmem:s28+$0x9860]  }
0x1c2: {  	v16 =	vor.u32 v3, v16;
	v10 =	vor.u32 v12, v10;
	v12 =	vshll.u32 v14, $0x7  }
0x1c3: {  	[tilespmem:s28+$0xD800] =	vst v16;
	v10 =	vor.u32 v3, v10;
	v9 =	vor.u32 v12, v9;
	v12 =	vshll.u32 v19, $0x7  }
0x1c4: {  	[tilespmem:s28+$0xD810] =	vst v10;
	v9 =	vor.u32 v3, v9;
	v10 =	vor.u32 v12, v11;
	v11 =	vshll.u32 v15, $0x7  }
0x1c5: {  	[tilespmem:s28+$0xD820] =	vst v9;
	v9 =	vor.u32 v3, v10;
	v8 =	vor.u32 v11, v8;
	v10 =	vshll.u32 v21, $0x7  }
0x1c6: {  	[tilespmem:s28+$0xD830] =	vst v9;
	v8 =	vor.u32 v3, v8;
	v9 =	vor.u32 v10, v13;
	v10 =	vshll.u32 v18, $0x7  }
0x1c7: {  	[tilespmem:s28+$0xD840] =	vst v8;
	v8 =	vor.u32 v3, v9;
	v9 =	vor.u32 v10, v17  }
0x1c8: {  	[tilespmem:s28+$0xD850] =	vst v8;
	v8 =	vor.u32 v3, v9  }
0x1c9: {  	s26 =	simm.s32 $0xD800;
	[tilespmem:s28+$0xD860] =	vst v8  }
0x1ca: {  	[tilespmem:s12], [sflag:$0x4] =	stream.indirect.gather [hbm4b:s2+s7], $0x1, s26, s7, $0xb8;
	[tilespmem:$0x14000] =	vst v63  }
0x1cb: {  	_ =	swait.ge [sflag:s8], $0x800  }
0x1cc: {  	[sflag:s8] =	ssyncset.done $0x0  }
0x1cd: {  	[sflag:s8] =	ssyncadd.s32 $0xFFFFF800  }
0x1ce: {  	_ =	swait.ge [sflag:s8], $0x800  }
0x1cf: {  	[sflag:s8] =	ssyncset.done $0x0  }
0x1d0: {  	[sflag:s8] =	ssyncadd.s32 $0xFFFFF800  }
0x1d1: {  	_ =	swait.ge [sflag:s8], $0x800  }
0x1d2: {  	[sflag:s8] =	ssyncset.done $0x0  }
0x1d3: {  	s26 =	simm.s32 $0x0;
	[sflag:s8] =	ssyncadd.s32 $0xFFFFF800  }
0x1d4: {  	v8 =	vld [tilespmem:s26+$0x2070]  }
0x1d5: {  	v9 =	vld [tilespmem:s26+$0x6070]  }
0x1d6: {  	v10 =	vld [tilespmem:s26+$0xA070]  }
0x1d7: {  	v11 =	vld [tilespmem:s26+$0x2000]  }
0x1d8: {  	v12 =	vld [tilespmem:s26+$0x6000]  }
0x1d9: {  	v13 =	vld [tilespmem:s26+$0x2010]  }
0x1da: {  	v14 =	vld [tilespmem:s26+$0x6010]  }
0x1db: {  	v15 =	vld [tilespmem:s26+$0x2020]  }
0x1dc: {  	v16 =	vld [tilespmem:s26+$0x6030]  }
0x1dd: {  	v17 =	vld [tilespmem:s26+$0x2040]  }
0x1de: {  	v18 =	vld [tilespmem:s26+$0x6040]  }
0x1df: {  	v19 =	vld [tilespmem:s26+$0x2050];
	v8 =	vshll.u32 v8, $0x13;
	v9 =	vshll.u32 v9, $0xD  }
0x1e0: {  	v8 =	vor.u32 v9, v8;
	v9 =	vld [tilespmem:s26+$0x6020]  }
0x1e1: {  	v20 =	vld [tilespmem:s26+$0x6050];
	v10 =	vshll.u32 v10, $0x7  }
0x1e2: {  	v21 =	vld [tilespmem:s26+$0x2060];
	v8 =	vor.u32 v10, v8  }
0x1e3: {  	v10 =	vld [tilespmem:s26+$0x2030];
	v8 =	vor.u32 v4, v8  }
0x1e4: {  	v22 =	vld [tilespmem:s26+$0xA000];
	v14 =	vshll.u32 v14, $0xD;
	v15 =	vshll.u32 v15, $0x13;
	[tilespmem:s26+$0xE070] =	vst v8;
	v8 =	vshll.u32 v11, $0x13  }
0x1e5: {  	v11 =	vshll.u32 v12, $0xD;
	v12 =	vshll.u32 v13, $0x13;
	v13 =	vld [tilespmem:s26+$0x6060];
	v9 =	vshll.u32 v9, $0xD  }
0x1e6: {  	v23 =	vor.u32 v11, v8;
	v24 =	vor.u32 v14, v12;
	v8 =	vor.u32 v9, v15;
	v15 =	vld [tilespmem:s26+$0xA010]  }
0x1e7: {  	v25 =	vld [tilespmem:s26+$0xA020];
	v11 =	vshll.u32 v17, $0x13;
	v14 =	vshll.u32 v18, $0xD;
	v18 =	vshll.u32 v20, $0xD  }
0x1e8: {  	v17 =	vld [tilespmem:s26+$0xA030];
	v9 =	vshll.u32 v10, $0x13;
	v10 =	vshll.u32 v16, $0xD;
	v16 =	vshll.u32 v19, $0x13  }
0x1e9: {  	v12 =	vor.u32 v10, v9;
	v10 =	vor.u32 v14, v11;
	v9 =	vor.u32 v18, v16;
	v16 =	vld [tilespmem:s26+$0xA040]  }
0x1ea: {  	v11 =	vshll.u32 v21, $0x13;
	v18 =	vshll.u32 v22, $0x7;
	v14 =	vld [tilespmem:s26+$0xA050];
	v13 =	vshll.u32 v13, $0xD  }
0x1eb: {  	s28 =	simm.s32 $0x80;
	v18 =	vor.u32 v18, v23;
	v11 =	vor.u32 v13, v11;
	v20 =	vshll.u32 v15, $0x7;
	v15 =	vld [tilespmem:s26+$0xA060]  }
0x1ec: {  	s29 =	simm.s32 $0x400;
	v13 =	vld [tilespmem:s28+$0x2070];
	v19 =	vor.u32 v4, v18;
	v18 =	vshll.u32 v25, $0x7;
	v20 =	vor.u32 v20, v24  }
.LBB2_10:
0x1ed: {  	p0 =	sne.s32 s29, $0x1E00;
	v21 =	vld [tilespmem:s28+$0x6070];
	[tilespmem:s26+$0xE000] =	vst v19;
	v19 =	vor.u32 v4, v20;
	v8 =	vor.u32 v18, v8;
	v17 =	vshll.u32 v17, $0x7  }
0x1ee: {  	v18 =	vld [tilespmem:s28+$0xA070];
	[tilespmem:s26+$0xE010] =	vst v19;
	v8 =	vor.u32 v4, v8;
	v12 =	vor.u32 v17, v12;
	v16 =	vshll.u32 v16, $0x7  }
0x1ef: {  	v17 =	vld [tilespmem:s28+$0x2000];
	[tilespmem:s26+$0xE020] =	vst v8;
	v8 =	vor.u32 v4, v12;
	v10 =	vor.u32 v16, v10;
	v12 =	vshll.u32 v14, $0x7  }
0x1f0: {  	v14 =	vld [tilespmem:s28+$0x6000];
	[tilespmem:s26+$0xE030] =	vst v8;
	v8 =	vor.u32 v4, v10;
	v9 =	vor.u32 v12, v9;
	v10 =	vshll.u32 v15, $0x7  }
0x1f1: {  	v12 =	vld [tilespmem:s28+$0x2010];
	[tilespmem:s26+$0xE040] =	vst v8;
	v8 =	vor.u32 v4, v9;
	v9 =	vor.u32 v10, v11  }
0x1f2: {  	v11 =	vshll.u32 v13, $0x13;
	v10 =	vld [tilespmem:s28+$0x6010];
	v13 =	vshll.u32 v21, $0xD;
	[tilespmem:s26+$0xE050] =	vst v8;
	v8 =	vor.u32 v4, v9  }
0x1f3: {  	v9 =	vld [tilespmem:s28+$0x2020];
	v15 =	vshll.u32 v18, $0x7;
	v11 =	vor.u32 v13, v11;
	[tilespmem:s26+$0xE060] =	vst v8;
	s26 =	smov.u32 s28  }
0x1f4: {  	v8 =	vshll.u32 v17, $0x13;
	v13 =	vld [tilespmem:s26+$0x6020];
	v11 =	vor.u32 v15, v11  }
0x1f5: {  	v14 =	vshll.u32 v14, $0xD;
	v15 =	vld [tilespmem:s26+$0x2030];
	v11 =	vor.u32 v4, v11  }
0x1f6: {  	v18 =	vor.u32 v14, v8;
	v8 =	vshll.u32 v12, $0x13;
	v12 =	vld [tilespmem:s26+$0x6030];
	[tilespmem:s26+$0xE070] =	vst v11  }
0x1f7: {  	v10 =	vshll.u32 v10, $0xD;
	v11 =	vld [tilespmem:s26+$0x2040]  }
0x1f8: {  	v20 =	vor.u32 v10, v8;
	v8 =	vshll.u32 v9, $0x13;
	v9 =	vld [tilespmem:s26+$0x6040]  }
0x1f9: {  	v10 =	vshll.u32 v13, $0xD;
	v13 =	vld [tilespmem:s26+$0x2050]  }
0x1fa: {  	v8 =	vor.u32 v10, v8;
	v10 =	vshll.u32 v15, $0x13;
	v14 =	vld [tilespmem:s26+$0x6050]  }
0x1fb: {  	v12 =	vshll.u32 v12, $0xD;
	v15 =	vld [tilespmem:s26+$0x2060]  }
0x1fc: {  	v12 =	vor.u32 v12, v10;
	v10 =	vshll.u32 v11, $0x13;
	v11 =	vld [tilespmem:s26+$0x6060]  }
0x1fd: {  	v19 =	vld [tilespmem:s26+$0xA000];
	v9 =	vshll.u32 v9, $0xD  }
0x1fe: {  	v21 =	vld [tilespmem:s26+$0xA010];
	v10 =	vor.u32 v9, v10;
	v9 =	vshll.u32 v13, $0x13  }
0x1ff: {  	v22 =	vld [tilespmem:s26+$0xA020];
	v13 =	vshll.u32 v14, $0xD  }
.Ltmp4:
0x200: {  	v17 =	vld [tilespmem:s26+$0xA030];
	v9 =	vor.u32 v13, v9;
	v13 =	vshll.u32 v15, $0x13;
	(pc) =	sbr.rel @p0 .LBB2_10-.Ltmp4, $4  }
0x201: {  	v16 =	vld [tilespmem:s26+$0xA040];
	v11 =	vshll.u32 v11, $0xD  }
0x202: {  	v15 =	vshll.u32 v19, $0x7;
	v14 =	vld [tilespmem:s26+$0xA050];
	v11 =	vor.u32 v11, v13  }
0x203: {  	s28 =	sshra.s32 s29, $0x2;
	v18 =	vor.u32 v15, v18;
	v21 =	vshll.u32 v21, $0x7;
	v15 =	vld [tilespmem:s26+$0xA060]  }
0x204: {  	s29 =	sadd.s32 $0x200, s29;
	v13 =	vld [tilespmem:s28+$0x2070];
	v19 =	vor.u32 v4, v18;
	v20 =	vor.u32 v21, v20;
	v18 =	vshll.u32 v22, $0x7  }
0x205: {  	v21 =	vld [tilespmem:s28+$0x6070];
	[tilespmem:s26+$0xE000] =	vst v19;
	v19 =	vor.u32 v4, v20;
	v8 =	vor.u32 v18, v8  }
0x206: {  	v17 =	vshll.u32 v17, $0x7;
	v20 =	vld [tilespmem:s28+$0xA070];
	[tilespmem:s26+$0xE010] =	vst v19;
	v8 =	vor.u32 v4, v8  }
0x207: {  	v12 =	vor.u32 v17, v12;
	v18 =	vld [tilespmem:s28+$0x2000];
	[tilespmem:s26+$0xE020] =	vst v8;
	v8 =	vshll.u32 v16, $0x7  }
0x208: {  	v12 =	vor.u32 v4, v12;
	v8 =	vor.u32 v8, v10  }
0x209: {  	v16 =	vld [tilespmem:s28+$0x6000];
	[tilespmem:s26+$0xE030] =	vst v12;
	v10 =	vshll.u32 v14, $0x7;
	v8 =	vor.u32 v4, v8  }
0x20a: {  	v12 =	vld [tilespmem:s28+$0x2010];
	v9 =	vor.u32 v10, v9;
	[tilespmem:s26+$0xE040] =	vst v8;
	v8 =	vshll.u32 v15, $0x7  }
0x20b: {  	v9 =	vor.u32 v4, v9;
	v8 =	vor.u32 v8, v11  }
0x20c: {  	v10 =	vld [tilespmem:s28+$0x6010];
	[tilespmem:s26+$0xE050] =	vst v9;
	v8 =	vor.u32 v4, v8  }
0x20d: {  	v11 =	vshll.u32 v13, $0x13;
	v13 =	vshll.u32 v21, $0xD;
	v9 =	vld [tilespmem:s28+$0x2020];
	[tilespmem:s26+$0xE060] =	vst v8  }
0x20e: {  	v11 =	vor.u32 v13, v11;
	v8 =	vshll.u32 v20, $0x7;
	v13 =	vld [tilespmem:s28+$0x6020]  }
0x20f: {  	v8 =	vor.u32 v8, v11;
	v11 =	vld [tilespmem:s28+$0x2030]  }
0x210: {  	v14 =	vld [tilespmem:s28+$0x6030]  }
0x211: {  	v15 =	vld [tilespmem:s28+$0x6040]  }
0x212: {  	v17 =	vld [tilespmem:s28+$0x2050]  }
0x213: {  	v19 =	vld [tilespmem:s28+$0x6050]  }
0x214: {  	v20 =	vld [tilespmem:s28+$0x2060];
	v8 =	vor.u32 v4, v8  }
0x215: {  	[tilespmem:s28+$0xE070] =	vst v8;
	v8 =	vld [tilespmem:s28+$0x2040]  }
0x216: {  	v18 =	vshll.u32 v18, $0x13;
	v16 =	vshll.u32 v16, $0xD;
	v12 =	vshll.u32 v12, $0x13;
	v21 =	vld [tilespmem:s28+$0x6060]  }
0x217: {  	v22 =	vld [tilespmem:s28+$0xA000];
	v16 =	vor.u32 v16, v18;
	v10 =	vshll.u32 v10, $0xD;
	v9 =	vshll.u32 v9, $0x13  }
0x218: {  	v10 =	vor.u32 v10, v12;
	v12 =	vld [tilespmem:s28+$0xA010];
	v13 =	vshll.u32 v13, $0xD;
	v11 =	vshll.u32 v11, $0x13  }
0x219: {  	v15 =	vshll.u32 v15, $0xD;
	v9 =	vor.u32 v13, v9;
	v13 =	vshll.u32 v14, $0xD;
	v14 =	vld [tilespmem:s28+$0xA020]  }
0x21a: {  	v17 =	vshll.u32 v17, $0x13;
	v18 =	vshll.u32 v19, $0xD;
	v19 =	vld [tilespmem:s28+$0xA030];
	v8 =	vshll.u32 v8, $0x13  }
0x21b: {  	v11 =	vor.u32 v13, v11;
	v13 =	vor.u32 v18, v17;
	v8 =	vor.u32 v15, v8;
	v15 =	vld [tilespmem:s28+$0xA040]  }
0x21c: {  	v17 =	vshll.u32 v20, $0x13;
	v18 =	vshll.u32 v21, $0xD;
	v20 =	vshll.u32 v22, $0x7;
	v21 =	vld [tilespmem:s28+$0xA050]  }
0x21d: {  	v17 =	vor.u32 v18, v17;
	v16 =	vor.u32 v20, v16;
	v12 =	vshll.u32 v12, $0x7;
	v18 =	vld [tilespmem:s28+$0xA060]  }
0x21e: {  	v16 =	vor.u32 v4, v16;
	v10 =	vor.u32 v12, v10;
	v12 =	vshll.u32 v14, $0x7  }
0x21f: {  	[tilespmem:s28+$0xE000] =	vst v16;
	v10 =	vor.u32 v4, v10;
	v9 =	vor.u32 v12, v9;
	v12 =	vshll.u32 v19, $0x7  }
0x220: {  	[tilespmem:s28+$0xE010] =	vst v10;
	v9 =	vor.u32 v4, v9;
	v10 =	vor.u32 v12, v11;
	v11 =	vshll.u32 v15, $0x7  }
0x221: {  	[tilespmem:s28+$0xE020] =	vst v9;
	v9 =	vor.u32 v4, v10;
	v8 =	vor.u32 v11, v8;
	v10 =	vshll.u32 v21, $0x7  }
0x222: {  	[tilespmem:s28+$0xE030] =	vst v9;
	v8 =	vor.u32 v4, v8;
	v9 =	vor.u32 v10, v13;
	v10 =	vshll.u32 v18, $0x7  }
0x223: {  	[tilespmem:s28+$0xE040] =	vst v8;
	v8 =	vor.u32 v4, v9;
	v9 =	vor.u32 v10, v17  }
0x224: {  	[tilespmem:s28+$0xE050] =	vst v8;
	v8 =	vor.u32 v4, v9  }
0x225: {  	s26 =	simm.s32 $0xE000;
	[tilespmem:s28+$0xE060] =	vst v8  }
0x226: {  	[tilespmem:s13], [sflag:$0x5] =	stream.indirect.gather [hbm4b:s2+s7], $0x1, s26, s7, $0xb8;
	[tilespmem:$0x14000] =	vst v63  }
0x227: {  	_ =	swait.ge [sflag:s8], $0x800  }
0x228: {  	[sflag:s8] =	ssyncset.done $0x0  }
0x229: {  	[sflag:s8] =	ssyncadd.s32 $0xFFFFF800  }
0x22a: {  	_ =	swait.ge [sflag:s8], $0x800  }
0x22b: {  	[sflag:s8] =	ssyncset.done $0x0  }
0x22c: {  	[sflag:s8] =	ssyncadd.s32 $0xFFFFF800  }
0x22d: {  	_ =	swait.ge [sflag:s8], $0x800  }
0x22e: {  	[sflag:s8] =	ssyncset.done $0x0  }
0x22f: {  	s26 =	simm.s32 $0x0;
	[sflag:s8] =	ssyncadd.s32 $0xFFFFF800  }
0x230: {  	v8 =	vld [tilespmem:s26+$0x2870]  }
0x231: {  	v9 =	vld [tilespmem:s26+$0x6870]  }
0x232: {  	v10 =	vld [tilespmem:s26+$0xA870]  }
0x233: {  	v11 =	vld [tilespmem:s26+$0x2800]  }
0x234: {  	v12 =	vld [tilespmem:s26+$0x6800]  }
0x235: {  	v13 =	vld [tilespmem:s26+$0x2810]  }
0x236: {  	v14 =	vld [tilespmem:s26+$0x6810]  }
0x237: {  	v15 =	vld [tilespmem:s26+$0x2820]  }
0x238: {  	v16 =	vld [tilespmem:s26+$0x6830]  }
0x239: {  	v17 =	vld [tilespmem:s26+$0x2840]  }
0x23a: {  	v18 =	vld [tilespmem:s26+$0x6840]  }
0x23b: {  	v19 =	vld [tilespmem:s26+$0x2850];
	v8 =	vshll.u32 v8, $0x13;
	v9 =	vshll.u32 v9, $0xD  }
0x23c: {  	v8 =	vor.u32 v9, v8;
	v9 =	vld [tilespmem:s26+$0x6820]  }
0x23d: {  	v20 =	vld [tilespmem:s26+$0x6850];
	v10 =	vshll.u32 v10, $0x7  }
0x23e: {  	v21 =	vld [tilespmem:s26+$0x2860];
	v8 =	vor.u32 v10, v8  }
0x23f: {  	v10 =	vld [tilespmem:s26+$0x2830];
	v8 =	vor.u32 v5, v8  }
0x240: {  	v22 =	vld [tilespmem:s26+$0xA800];
	v14 =	vshll.u32 v14, $0xD;
	v15 =	vshll.u32 v15, $0x13;
	[tilespmem:s26+$0xE870] =	vst v8;
	v8 =	vshll.u32 v11, $0x13  }
0x241: {  	v11 =	vshll.u32 v12, $0xD;
	v12 =	vshll.u32 v13, $0x13;
	v13 =	vld [tilespmem:s26+$0x6860];
	v9 =	vshll.u32 v9, $0xD  }
0x242: {  	v23 =	vor.u32 v11, v8;
	v24 =	vor.u32 v14, v12;
	v8 =	vor.u32 v9, v15;
	v15 =	vld [tilespmem:s26+$0xA810]  }
0x243: {  	v25 =	vld [tilespmem:s26+$0xA820];
	v11 =	vshll.u32 v17, $0x13;
	v14 =	vshll.u32 v18, $0xD;
	v18 =	vshll.u32 v20, $0xD  }
0x244: {  	v17 =	vld [tilespmem:s26+$0xA830];
	v9 =	vshll.u32 v10, $0x13;
	v10 =	vshll.u32 v16, $0xD;
	v16 =	vshll.u32 v19, $0x13  }
0x245: {  	v12 =	vor.u32 v10, v9;
	v10 =	vor.u32 v14, v11;
	v9 =	vor.u32 v18, v16;
	v16 =	vld [tilespmem:s26+$0xA840]  }
0x246: {  	v11 =	vshll.u32 v21, $0x13;
	v18 =	vshll.u32 v22, $0x7;
	v14 =	vld [tilespmem:s26+$0xA850];
	v13 =	vshll.u32 v13, $0xD  }
0x247: {  	s28 =	simm.s32 $0x80;
	v18 =	vor.u32 v18, v23;
	v11 =	vor.u32 v13, v11;
	v20 =	vshll.u32 v15, $0x7;
	v15 =	vld [tilespmem:s26+$0xA860]  }
0x248: {  	s29 =	simm.s32 $0x400;
	v13 =	vld [tilespmem:s28+$0x2870];
	v19 =	vor.u32 v5, v18;
	v18 =	vshll.u32 v25, $0x7;
	v20 =	vor.u32 v20, v24  }
.LBB2_12:
0x249: {  	p0 =	sne.s32 s29, $0x1E00;
	v21 =	vld [tilespmem:s28+$0x6870];
	[tilespmem:s26+$0xE800] =	vst v19;
	v19 =	vor.u32 v5, v20;
	v8 =	vor.u32 v18, v8;
	v17 =	vshll.u32 v17, $0x7  }
0x24a: {  	v18 =	vld [tilespmem:s28+$0xA870];
	[tilespmem:s26+$0xE810] =	vst v19;
	v8 =	vor.u32 v5, v8;
	v12 =	vor.u32 v17, v12;
	v16 =	vshll.u32 v16, $0x7  }
0x24b: {  	v17 =	vld [tilespmem:s28+$0x2800];
	[tilespmem:s26+$0xE820] =	vst v8;
	v8 =	vor.u32 v5, v12;
	v10 =	vor.u32 v16, v10;
	v12 =	vshll.u32 v14, $0x7  }
0x24c: {  	v14 =	vld [tilespmem:s28+$0x6800];
	[tilespmem:s26+$0xE830] =	vst v8;
	v8 =	vor.u32 v5, v10;
	v9 =	vor.u32 v12, v9;
	v10 =	vshll.u32 v15, $0x7  }
0x24d: {  	v12 =	vld [tilespmem:s28+$0x2810];
	[tilespmem:s26+$0xE840] =	vst v8;
	v8 =	vor.u32 v5, v9;
	v9 =	vor.u32 v10, v11  }
0x24e: {  	v11 =	vshll.u32 v13, $0x13;
	v10 =	vld [tilespmem:s28+$0x6810];
	v13 =	vshll.u32 v21, $0xD;
	[tilespmem:s26+$0xE850] =	vst v8;
	v8 =	vor.u32 v5, v9  }
0x24f: {  	v9 =	vld [tilespmem:s28+$0x2820];
	v15 =	vshll.u32 v18, $0x7;
	v11 =	vor.u32 v13, v11;
	[tilespmem:s26+$0xE860] =	vst v8;
	s26 =	smov.u32 s28  }
0x250: {  	v8 =	vshll.u32 v17, $0x13;
	v13 =	vld [tilespmem:s26+$0x6820];
	v11 =	vor.u32 v15, v11  }
0x251: {  	v14 =	vshll.u32 v14, $0xD;
	v15 =	vld [tilespmem:s26+$0x2830];
	v11 =	vor.u32 v5, v11  }
0x252: {  	v18 =	vor.u32 v14, v8;
	v8 =	vshll.u32 v12, $0x13;
	v12 =	vld [tilespmem:s26+$0x6830];
	[tilespmem:s26+$0xE870] =	vst v11  }
0x253: {  	v10 =	vshll.u32 v10, $0xD;
	v11 =	vld [tilespmem:s26+$0x2840]  }
0x254: {  	v20 =	vor.u32 v10, v8;
	v8 =	vshll.u32 v9, $0x13;
	v9 =	vld [tilespmem:s26+$0x6840]  }
0x255: {  	v10 =	vshll.u32 v13, $0xD;
	v13 =	vld [tilespmem:s26+$0x2850]  }
0x256: {  	v8 =	vor.u32 v10, v8;
	v10 =	vshll.u32 v15, $0x13;
	v14 =	vld [tilespmem:s26+$0x6850]  }
0x257: {  	v12 =	vshll.u32 v12, $0xD;
	v15 =	vld [tilespmem:s26+$0x2860]  }
0x258: {  	v12 =	vor.u32 v12, v10;
	v10 =	vshll.u32 v11, $0x13;
	v11 =	vld [tilespmem:s26+$0x6860]  }
0x259: {  	v19 =	vld [tilespmem:s26+$0xA800];
	v9 =	vshll.u32 v9, $0xD  }
0x25a: {  	v21 =	vld [tilespmem:s26+$0xA810];
	v10 =	vor.u32 v9, v10;
	v9 =	vshll.u32 v13, $0x13  }
0x25b: {  	v22 =	vld [tilespmem:s26+$0xA820];
	v13 =	vshll.u32 v14, $0xD  }
.Ltmp5:
0x25c: {  	v17 =	vld [tilespmem:s26+$0xA830];
	v9 =	vor.u32 v13, v9;
	v13 =	vshll.u32 v15, $0x13;
	(pc) =	sbr.rel @p0 .LBB2_12-.Ltmp5, $4  }
0x25d: {  	v16 =	vld [tilespmem:s26+$0xA840];
	v11 =	vshll.u32 v11, $0xD  }
0x25e: {  	v15 =	vshll.u32 v19, $0x7;
	v14 =	vld [tilespmem:s26+$0xA850];
	v11 =	vor.u32 v11, v13  }
0x25f: {  	s28 =	sshra.s32 s29, $0x2;
	v18 =	vor.u32 v15, v18;
	v21 =	vshll.u32 v21, $0x7;
	v15 =	vld [tilespmem:s26+$0xA860]  }
0x260: {  	s29 =	sadd.s32 $0x200, s29;
	v13 =	vld [tilespmem:s28+$0x2870];
	v19 =	vor.u32 v5, v18;
	v20 =	vor.u32 v21, v20;
	v18 =	vshll.u32 v22, $0x7  }
0x261: {  	v21 =	vld [tilespmem:s28+$0x6870];
	[tilespmem:s26+$0xE800] =	vst v19;
	v19 =	vor.u32 v5, v20;
	v8 =	vor.u32 v18, v8  }
0x262: {  	v17 =	vshll.u32 v17, $0x7;
	v20 =	vld [tilespmem:s28+$0xA870];
	[tilespmem:s26+$0xE810] =	vst v19;
	v8 =	vor.u32 v5, v8  }
0x263: {  	v12 =	vor.u32 v17, v12;
	v18 =	vld [tilespmem:s28+$0x2800];
	[tilespmem:s26+$0xE820] =	vst v8;
	v8 =	vshll.u32 v16, $0x7  }
0x264: {  	v12 =	vor.u32 v5, v12;
	v8 =	vor.u32 v8, v10  }
0x265: {  	v16 =	vld [tilespmem:s28+$0x6800];
	[tilespmem:s26+$0xE830] =	vst v12;
	v10 =	vshll.u32 v14, $0x7;
	v8 =	vor.u32 v5, v8  }
0x266: {  	v12 =	vld [tilespmem:s28+$0x2810];
	v9 =	vor.u32 v10, v9;
	[tilespmem:s26+$0xE840] =	vst v8;
	v8 =	vshll.u32 v15, $0x7  }
0x267: {  	v9 =	vor.u32 v5, v9;
	v8 =	vor.u32 v8, v11  }
0x268: {  	v10 =	vld [tilespmem:s28+$0x6810];
	[tilespmem:s26+$0xE850] =	vst v9;
	v8 =	vor.u32 v5, v8  }
0x269: {  	v11 =	vshll.u32 v13, $0x13;
	v13 =	vshll.u32 v21, $0xD;
	v9 =	vld [tilespmem:s28+$0x2820];
	[tilespmem:s26+$0xE860] =	vst v8  }
0x26a: {  	v11 =	vor.u32 v13, v11;
	v8 =	vshll.u32 v20, $0x7;
	v13 =	vld [tilespmem:s28+$0x6820]  }
0x26b: {  	v8 =	vor.u32 v8, v11;
	v11 =	vld [tilespmem:s28+$0x2830]  }
0x26c: {  	v14 =	vld [tilespmem:s28+$0x6830]  }
0x26d: {  	v15 =	vld [tilespmem:s28+$0x6840]  }
0x26e: {  	v17 =	vld [tilespmem:s28+$0x2850]  }
0x26f: {  	v19 =	vld [tilespmem:s28+$0x6850]  }
0x270: {  	v20 =	vld [tilespmem:s28+$0x2860];
	v8 =	vor.u32 v5, v8  }
0x271: {  	[tilespmem:s28+$0xE870] =	vst v8;
	v8 =	vld [tilespmem:s28+$0x2840]  }
0x272: {  	v18 =	vshll.u32 v18, $0x13;
	v16 =	vshll.u32 v16, $0xD;
	v12 =	vshll.u32 v12, $0x13;
	v21 =	vld [tilespmem:s28+$0x6860]  }
0x273: {  	v22 =	vld [tilespmem:s28+$0xA800];
	v16 =	vor.u32 v16, v18;
	v10 =	vshll.u32 v10, $0xD;
	v9 =	vshll.u32 v9, $0x13  }
0x274: {  	v10 =	vor.u32 v10, v12;
	v12 =	vld [tilespmem:s28+$0xA810];
	v13 =	vshll.u32 v13, $0xD;
	v11 =	vshll.u32 v11, $0x13  }
0x275: {  	v15 =	vshll.u32 v15, $0xD;
	v9 =	vor.u32 v13, v9;
	v13 =	vshll.u32 v14, $0xD;
	v14 =	vld [tilespmem:s28+$0xA820]  }
0x276: {  	v17 =	vshll.u32 v17, $0x13;
	v18 =	vshll.u32 v19, $0xD;
	v19 =	vld [tilespmem:s28+$0xA830];
	v8 =	vshll.u32 v8, $0x13  }
0x277: {  	v11 =	vor.u32 v13, v11;
	v13 =	vor.u32 v18, v17;
	v8 =	vor.u32 v15, v8;
	v15 =	vld [tilespmem:s28+$0xA840]  }
0x278: {  	v17 =	vshll.u32 v20, $0x13;
	v18 =	vshll.u32 v21, $0xD;
	v20 =	vshll.u32 v22, $0x7;
	v21 =	vld [tilespmem:s28+$0xA850]  }
0x279: {  	v17 =	vor.u32 v18, v17;
	v16 =	vor.u32 v20, v16;
	v12 =	vshll.u32 v12, $0x7;
	v18 =	vld [tilespmem:s28+$0xA860]  }
0x27a: {  	v16 =	vor.u32 v5, v16;
	v10 =	vor.u32 v12, v10;
	v12 =	vshll.u32 v14, $0x7  }
0x27b: {  	[tilespmem:s28+$0xE800] =	vst v16;
	v10 =	vor.u32 v5, v10;
	v9 =	vor.u32 v12, v9;
	v12 =	vshll.u32 v19, $0x7  }
0x27c: {  	[tilespmem:s28+$0xE810] =	vst v10;
	v9 =	vor.u32 v5, v9;
	v10 =	vor.u32 v12, v11;
	v11 =	vshll.u32 v15, $0x7  }
0x27d: {  	[tilespmem:s28+$0xE820] =	vst v9;
	v9 =	vor.u32 v5, v10;
	v8 =	vor.u32 v11, v8;
	v10 =	vshll.u32 v21, $0x7  }
0x27e: {  	[tilespmem:s28+$0xE830] =	vst v9;
	v8 =	vor.u32 v5, v8;
	v9 =	vor.u32 v10, v13;
	v10 =	vshll.u32 v18, $0x7  }
0x27f: {  	[tilespmem:s28+$0xE840] =	vst v8;
	v8 =	vor.u32 v5, v9;
	v9 =	vor.u32 v10, v17  }
0x280: {  	[tilespmem:s28+$0xE850] =	vst v8;
	v8 =	vor.u32 v5, v9  }
0x281: {  	s26 =	simm.s32 $0xE800;
	[tilespmem:s28+$0xE860] =	vst v8  }
0x282: {  	[tilespmem:s14], [sflag:$0x6] =	stream.indirect.gather [hbm4b:s2+s7], $0x1, s26, s7, $0xb8;
	[tilespmem:$0x14000] =	vst v63  }
0x283: {  	_ =	swait.ge [sflag:s8], $0x800  }
0x284: {  	[sflag:s8] =	ssyncset.done $0x0  }
0x285: {  	[sflag:s8] =	ssyncadd.s32 $0xFFFFF800  }
0x286: {  	_ =	swait.ge [sflag:s8], $0x800  }
0x287: {  	[sflag:s8] =	ssyncset.done $0x0  }
0x288: {  	[sflag:s8] =	ssyncadd.s32 $0xFFFFF800  }
0x289: {  	_ =	swait.ge [sflag:s8], $0x800  }
0x28a: {  	[sflag:s8] =	ssyncset.done $0x0  }
0x28b: {  	s26 =	simm.s32 $0x0;
	[sflag:s8] =	ssyncadd.s32 $0xFFFFF800  }
0x28c: {  	v8 =	vld [tilespmem:s26+$0x3070]  }
0x28d: {  	v9 =	vld [tilespmem:s26+$0x7070]  }
0x28e: {  	v10 =	vld [tilespmem:s26+$0xB070]  }
0x28f: {  	v11 =	vld [tilespmem:s26+$0x3000]  }
0x290: {  	v12 =	vld [tilespmem:s26+$0x7000]  }
0x291: {  	v13 =	vld [tilespmem:s26+$0x3010]  }
0x292: {  	v14 =	vld [tilespmem:s26+$0x7010]  }
0x293: {  	v15 =	vld [tilespmem:s26+$0x3020]  }
0x294: {  	v16 =	vld [tilespmem:s26+$0x7030]  }
0x295: {  	v17 =	vld [tilespmem:s26+$0x3040]  }
0x296: {  	v18 =	vld [tilespmem:s26+$0x7040]  }
0x297: {  	v19 =	vld [tilespmem:s26+$0x3050];
	v8 =	vshll.u32 v8, $0x13;
	v9 =	vshll.u32 v9, $0xD  }
0x298: {  	v8 =	vor.u32 v9, v8;
	v9 =	vld [tilespmem:s26+$0x7020]  }
0x299: {  	v20 =	vld [tilespmem:s26+$0x7050];
	v10 =	vshll.u32 v10, $0x7  }
0x29a: {  	v21 =	vld [tilespmem:s26+$0x3060];
	v8 =	vor.u32 v10, v8  }
0x29b: {  	v10 =	vld [tilespmem:s26+$0x3030];
	v8 =	vor.u32 v6, v8  }
0x29c: {  	v22 =	vld [tilespmem:s26+$0xB000];
	v14 =	vshll.u32 v14, $0xD;
	v15 =	vshll.u32 v15, $0x13;
	[tilespmem:s26+$0xF070] =	vst v8;
	v8 =	vshll.u32 v11, $0x13  }
0x29d: {  	v11 =	vshll.u32 v12, $0xD;
	v12 =	vshll.u32 v13, $0x13;
	v13 =	vld [tilespmem:s26+$0x7060];
	v9 =	vshll.u32 v9, $0xD  }
0x29e: {  	v23 =	vor.u32 v11, v8;
	v24 =	vor.u32 v14, v12;
	v8 =	vor.u32 v9, v15;
	v15 =	vld [tilespmem:s26+$0xB010]  }
0x29f: {  	v25 =	vld [tilespmem:s26+$0xB020];
	v11 =	vshll.u32 v17, $0x13;
	v14 =	vshll.u32 v18, $0xD;
	v18 =	vshll.u32 v20, $0xD  }
0x2a0: {  	v17 =	vld [tilespmem:s26+$0xB030];
	v9 =	vshll.u32 v10, $0x13;
	v10 =	vshll.u32 v16, $0xD;
	v16 =	vshll.u32 v19, $0x13  }
0x2a1: {  	v12 =	vor.u32 v10, v9;
	v10 =	vor.u32 v14, v11;
	v9 =	vor.u32 v18, v16;
	v16 =	vld [tilespmem:s26+$0xB040]  }
0x2a2: {  	v11 =	vshll.u32 v21, $0x13;
	v18 =	vshll.u32 v22, $0x7;
	v14 =	vld [tilespmem:s26+$0xB050];
	v13 =	vshll.u32 v13, $0xD  }
0x2a3: {  	s28 =	simm.s32 $0x80;
	v18 =	vor.u32 v18, v23;
	v11 =	vor.u32 v13, v11;
	v20 =	vshll.u32 v15, $0x7;
	v15 =	vld [tilespmem:s26+$0xB060]  }
0x2a4: {  	s29 =	simm.s32 $0x400;
	v13 =	vld [tilespmem:s28+$0x3070];
	v19 =	vor.u32 v6, v18;
	v18 =	vshll.u32 v25, $0x7;
	v20 =	vor.u32 v20, v24  }
.LBB2_14:
0x2a5: {  	p0 =	sne.s32 s29, $0x1E00;
	v21 =	vld [tilespmem:s28+$0x7070];
	[tilespmem:s26+$0xF000] =	vst v19;
	v19 =	vor.u32 v6, v20;
	v8 =	vor.u32 v18, v8;
	v17 =	vshll.u32 v17, $0x7  }
0x2a6: {  	v18 =	vld [tilespmem:s28+$0xB070];
	[tilespmem:s26+$0xF010] =	vst v19;
	v8 =	vor.u32 v6, v8;
	v12 =	vor.u32 v17, v12;
	v16 =	vshll.u32 v16, $0x7  }
0x2a7: {  	v17 =	vld [tilespmem:s28+$0x3000];
	[tilespmem:s26+$0xF020] =	vst v8;
	v8 =	vor.u32 v6, v12;
	v10 =	vor.u32 v16, v10;
	v12 =	vshll.u32 v14, $0x7  }
0x2a8: {  	v14 =	vld [tilespmem:s28+$0x7000];
	[tilespmem:s26+$0xF030] =	vst v8;
	v8 =	vor.u32 v6, v10;
	v9 =	vor.u32 v12, v9;
	v10 =	vshll.u32 v15, $0x7  }
0x2a9: {  	v12 =	vld [tilespmem:s28+$0x3010];
	[tilespmem:s26+$0xF040] =	vst v8;
	v8 =	vor.u32 v6, v9;
	v9 =	vor.u32 v10, v11  }
0x2aa: {  	v11 =	vshll.u32 v13, $0x13;
	v10 =	vld [tilespmem:s28+$0x7010];
	v13 =	vshll.u32 v21, $0xD;
	[tilespmem:s26+$0xF050] =	vst v8;
	v8 =	vor.u32 v6, v9  }
0x2ab: {  	v9 =	vld [tilespmem:s28+$0x3020];
	v15 =	vshll.u32 v18, $0x7;
	v11 =	vor.u32 v13, v11;
	[tilespmem:s26+$0xF060] =	vst v8;
	s26 =	smov.u32 s28  }
0x2ac: {  	v8 =	vshll.u32 v17, $0x13;
	v13 =	vld [tilespmem:s26+$0x7020];
	v11 =	vor.u32 v15, v11  }
0x2ad: {  	v14 =	vshll.u32 v14, $0xD;
	v15 =	vld [tilespmem:s26+$0x3030];
	v11 =	vor.u32 v6, v11  }
0x2ae: {  	v18 =	vor.u32 v14, v8;
	v8 =	vshll.u32 v12, $0x13;
	v12 =	vld [tilespmem:s26+$0x7030];
	[tilespmem:s26+$0xF070] =	vst v11  }
0x2af: {  	v10 =	vshll.u32 v10, $0xD;
	v11 =	vld [tilespmem:s26+$0x3040]  }
0x2b0: {  	v20 =	vor.u32 v10, v8;
	v8 =	vshll.u32 v9, $0x13;
	v9 =	vld [tilespmem:s26+$0x7040]  }
0x2b1: {  	v10 =	vshll.u32 v13, $0xD;
	v13 =	vld [tilespmem:s26+$0x3050]  }
0x2b2: {  	v8 =	vor.u32 v10, v8;
	v10 =	vshll.u32 v15, $0x13;
	v14 =	vld [tilespmem:s26+$0x7050]  }
0x2b3: {  	v12 =	vshll.u32 v12, $0xD;
	v15 =	vld [tilespmem:s26+$0x3060]  }
0x2b4: {  	v12 =	vor.u32 v12, v10;
	v10 =	vshll.u32 v11, $0x13;
	v11 =	vld [tilespmem:s26+$0x7060]  }
0x2b5: {  	v19 =	vld [tilespmem:s26+$0xB000];
	v9 =	vshll.u32 v9, $0xD  }
0x2b6: {  	v21 =	vld [tilespmem:s26+$0xB010];
	v10 =	vor.u32 v9, v10;
	v9 =	vshll.u32 v13, $0x13  }
0x2b7: {  	v22 =	vld [tilespmem:s26+$0xB020];
	v13 =	vshll.u32 v14, $0xD  }
.Ltmp6:
0x2b8: {  	v17 =	vld [tilespmem:s26+$0xB030];
	v9 =	vor.u32 v13, v9;
	v13 =	vshll.u32 v15, $0x13;
	(pc) =	sbr.rel @p0 .LBB2_14-.Ltmp6, $4  }
0x2b9: {  	v16 =	vld [tilespmem:s26+$0xB040];
	v11 =	vshll.u32 v11, $0xD  }
0x2ba: {  	v15 =	vshll.u32 v19, $0x7;
	v14 =	vld [tilespmem:s26+$0xB050];
	v11 =	vor.u32 v11, v13  }
0x2bb: {  	s28 =	sshra.s32 s29, $0x2;
	v18 =	vor.u32 v15, v18;
	v21 =	vshll.u32 v21, $0x7;
	v15 =	vld [tilespmem:s26+$0xB060]  }
0x2bc: {  	s29 =	sadd.s32 $0x200, s29;
	v13 =	vld [tilespmem:s28+$0x3070];
	v19 =	vor.u32 v6, v18;
	v20 =	vor.u32 v21, v20;
	v18 =	vshll.u32 v22, $0x7  }
0x2bd: {  	v21 =	vld [tilespmem:s28+$0x7070];
	[tilespmem:s26+$0xF000] =	vst v19;
	v19 =	vor.u32 v6, v20;
	v8 =	vor.u32 v18, v8  }
0x2be: {  	v17 =	vshll.u32 v17, $0x7;
	v20 =	vld [tilespmem:s28+$0xB070];
	[tilespmem:s26+$0xF010] =	vst v19;
	v8 =	vor.u32 v6, v8  }
0x2bf: {  	v12 =	vor.u32 v17, v12;
	v18 =	vld [tilespmem:s28+$0x3000];
	[tilespmem:s26+$0xF020] =	vst v8;
	v8 =	vshll.u32 v16, $0x7  }
0x2c0: {  	v12 =	vor.u32 v6, v12;
	v8 =	vor.u32 v8, v10  }
0x2c1: {  	v16 =	vld [tilespmem:s28+$0x7000];
	[tilespmem:s26+$0xF030] =	vst v12;
	v10 =	vshll.u32 v14, $0x7;
	v8 =	vor.u32 v6, v8  }
0x2c2: {  	v12 =	vld [tilespmem:s28+$0x3010];
	v9 =	vor.u32 v10, v9;
	[tilespmem:s26+$0xF040] =	vst v8;
	v8 =	vshll.u32 v15, $0x7  }
0x2c3: {  	v9 =	vor.u32 v6, v9;
	v8 =	vor.u32 v8, v11  }
0x2c4: {  	v10 =	vld [tilespmem:s28+$0x7010];
	[tilespmem:s26+$0xF050] =	vst v9;
	v8 =	vor.u32 v6, v8  }
0x2c5: {  	v11 =	vshll.u32 v13, $0x13;
	v13 =	vshll.u32 v21, $0xD;
	v9 =	vld [tilespmem:s28+$0x3020];
	[tilespmem:s26+$0xF060] =	vst v8  }
0x2c6: {  	v11 =	vor.u32 v13, v11;
	v8 =	vshll.u32 v20, $0x7;
	v13 =	vld [tilespmem:s28+$0x7020]  }
0x2c7: {  	v8 =	vor.u32 v8, v11;
	v11 =	vld [tilespmem:s28+$0x3030]  }
0x2c8: {  	v14 =	vld [tilespmem:s28+$0x7030]  }
0x2c9: {  	v15 =	vld [tilespmem:s28+$0x7040]  }
0x2ca: {  	v17 =	vld [tilespmem:s28+$0x3050]  }
0x2cb: {  	v19 =	vld [tilespmem:s28+$0x7050]  }
0x2cc: {  	v20 =	vld [tilespmem:s28+$0x3060];
	v8 =	vor.u32 v6, v8  }
0x2cd: {  	[tilespmem:s28+$0xF070] =	vst v8;
	v8 =	vld [tilespmem:s28+$0x3040]  }
0x2ce: {  	v18 =	vshll.u32 v18, $0x13;
	v16 =	vshll.u32 v16, $0xD;
	v12 =	vshll.u32 v12, $0x13;
	v21 =	vld [tilespmem:s28+$0x7060]  }
0x2cf: {  	v22 =	vld [tilespmem:s28+$0xB000];
	v16 =	vor.u32 v16, v18;
	v10 =	vshll.u32 v10, $0xD;
	v9 =	vshll.u32 v9, $0x13  }
0x2d0: {  	v10 =	vor.u32 v10, v12;
	v12 =	vld [tilespmem:s28+$0xB010];
	v13 =	vshll.u32 v13, $0xD;
	v11 =	vshll.u32 v11, $0x13  }
0x2d1: {  	v15 =	vshll.u32 v15, $0xD;
	v9 =	vor.u32 v13, v9;
	v13 =	vshll.u32 v14, $0xD;
	v14 =	vld [tilespmem:s28+$0xB020]  }
0x2d2: {  	v17 =	vshll.u32 v17, $0x13;
	v18 =	vshll.u32 v19, $0xD;
	v19 =	vld [tilespmem:s28+$0xB030];
	v8 =	vshll.u32 v8, $0x13  }
0x2d3: {  	v11 =	vor.u32 v13, v11;
	v13 =	vor.u32 v18, v17;
	v8 =	vor.u32 v15, v8;
	v15 =	vld [tilespmem:s28+$0xB040]  }
0x2d4: {  	v17 =	vshll.u32 v20, $0x13;
	v18 =	vshll.u32 v21, $0xD;
	v20 =	vshll.u32 v22, $0x7;
	v21 =	vld [tilespmem:s28+$0xB050]  }
0x2d5: {  	v17 =	vor.u32 v18, v17;
	v16 =	vor.u32 v20, v16;
	v12 =	vshll.u32 v12, $0x7;
	v18 =	vld [tilespmem:s28+$0xB060]  }
0x2d6: {  	v16 =	vor.u32 v6, v16;
	v10 =	vor.u32 v12, v10;
	v12 =	vshll.u32 v14, $0x7  }
0x2d7: {  	[tilespmem:s28+$0xF000] =	vst v16;
	v10 =	vor.u32 v6, v10;
	v9 =	vor.u32 v12, v9;
	v12 =	vshll.u32 v19, $0x7  }
0x2d8: {  	[tilespmem:s28+$0xF010] =	vst v10;
	v9 =	vor.u32 v6, v9;
	v10 =	vor.u32 v12, v11;
	v11 =	vshll.u32 v15, $0x7  }
0x2d9: {  	[tilespmem:s28+$0xF020] =	vst v9;
	v9 =	vor.u32 v6, v10;
	v8 =	vor.u32 v11, v8;
	v10 =	vshll.u32 v21, $0x7  }
0x2da: {  	[tilespmem:s28+$0xF030] =	vst v9;
	v8 =	vor.u32 v6, v8;
	v9 =	vor.u32 v10, v13;
	v10 =	vshll.u32 v18, $0x7  }
0x2db: {  	[tilespmem:s28+$0xF040] =	vst v8;
	v8 =	vor.u32 v6, v9;
	v9 =	vor.u32 v10, v17  }
0x2dc: {  	[tilespmem:s28+$0xF050] =	vst v8;
	v8 =	vor.u32 v6, v9  }
0x2dd: {  	s26 =	simm.s32 $0xF000;
	[tilespmem:s28+$0xF060] =	vst v8  }
0x2de: {  	[tilespmem:s15], [sflag:$0x7] =	stream.indirect.gather [hbm4b:s2+s7], $0x1, s26, s7, $0xb8;
	[tilespmem:$0x14000] =	vst v63  }
0x2df: {  	_ =	swait.ge [sflag:s8], $0x800  }
0x2e0: {  	[sflag:s8] =	ssyncset.done $0x0  }
0x2e1: {  	[sflag:s8] =	ssyncadd.s32 $0xFFFFF800  }
0x2e2: {  	_ =	swait.ge [sflag:s8], $0x800  }
0x2e3: {  	[sflag:s8] =	ssyncset.done $0x0  }
0x2e4: {  	[sflag:s8] =	ssyncadd.s32 $0xFFFFF800  }
0x2e5: {  	_ =	swait.ge [sflag:s8], $0x800  }
0x2e6: {  	[sflag:s8] =	ssyncset.done $0x0  }
0x2e7: {  	s26 =	simm.s32 $0x0;
	[sflag:s8] =	ssyncadd.s32 $0xFFFFF800  }
0x2e8: {  	v8 =	vld [tilespmem:s26+$0x3870]  }
0x2e9: {  	v9 =	vld [tilespmem:s26+$0x7870]  }
0x2ea: {  	v10 =	vld [tilespmem:s26+$0xB870]  }
0x2eb: {  	v11 =	vld [tilespmem:s26+$0x3800]  }
0x2ec: {  	v12 =	vld [tilespmem:s26+$0x7800]  }
0x2ed: {  	v13 =	vld [tilespmem:s26+$0x3810]  }
0x2ee: {  	v14 =	vld [tilespmem:s26+$0x7810]  }
0x2ef: {  	v15 =	vld [tilespmem:s26+$0x3820]  }
0x2f0: {  	v16 =	vld [tilespmem:s26+$0x7830]  }
0x2f1: {  	v17 =	vld [tilespmem:s26+$0x3840]  }
0x2f2: {  	v18 =	vld [tilespmem:s26+$0x7840]  }
0x2f3: {  	v19 =	vld [tilespmem:s26+$0x3850];
	v8 =	vshll.u32 v8, $0x13;
	v9 =	vshll.u32 v9, $0xD  }
0x2f4: {  	v8 =	vor.u32 v9, v8;
	v9 =	vld [tilespmem:s26+$0x7820]  }
0x2f5: {  	v20 =	vld [tilespmem:s26+$0x7850];
	v10 =	vshll.u32 v10, $0x7  }
0x2f6: {  	v21 =	vld [tilespmem:s26+$0x3860];
	v8 =	vor.u32 v10, v8  }
0x2f7: {  	v10 =	vld [tilespmem:s26+$0x3830];
	v8 =	vor.u32 v7, v8  }
0x2f8: {  	v22 =	vld [tilespmem:s26+$0xB800];
	v14 =	vshll.u32 v14, $0xD;
	v15 =	vshll.u32 v15, $0x13;
	[tilespmem:s26+$0xF870] =	vst v8;
	v8 =	vshll.u32 v11, $0x13  }
0x2f9: {  	v11 =	vshll.u32 v12, $0xD;
	v12 =	vshll.u32 v13, $0x13;
	v13 =	vld [tilespmem:s26+$0x7860];
	v9 =	vshll.u32 v9, $0xD  }
0x2fa: {  	v23 =	vor.u32 v11, v8;
	v24 =	vor.u32 v14, v12;
	v8 =	vor.u32 v9, v15;
	v15 =	vld [tilespmem:s26+$0xB810]  }
0x2fb: {  	v25 =	vld [tilespmem:s26+$0xB820];
	v11 =	vshll.u32 v17, $0x13;
	v14 =	vshll.u32 v18, $0xD;
	v18 =	vshll.u32 v20, $0xD  }
0x2fc: {  	v17 =	vld [tilespmem:s26+$0xB830];
	v9 =	vshll.u32 v10, $0x13;
	v10 =	vshll.u32 v16, $0xD;
	v16 =	vshll.u32 v19, $0x13  }
0x2fd: {  	v12 =	vor.u32 v10, v9;
	v10 =	vor.u32 v14, v11;
	v9 =	vor.u32 v18, v16;
	v16 =	vld [tilespmem:s26+$0xB840]  }
0x2fe: {  	v11 =	vshll.u32 v21, $0x13;
	v18 =	vshll.u32 v22, $0x7;
	v14 =	vld [tilespmem:s26+$0xB850];
	v13 =	vshll.u32 v13, $0xD  }
0x2ff: {  	s28 =	simm.s32 $0x80;
	v18 =	vor.u32 v18, v23;
	v11 =	vor.u32 v13, v11;
	v20 =	vshll.u32 v15, $0x7;
	v15 =	vld [tilespmem:s26+$0xB860]  }
0x300: {  	s29 =	simm.s32 $0x400;
	v13 =	vld [tilespmem:s28+$0x3870];
	v19 =	vor.u32 v7, v18;
	v18 =	vshll.u32 v25, $0x7;
	v20 =	vor.u32 v20, v24  }
.LBB2_16:
0x301: {  	p0 =	sne.s32 s29, $0x1E00;
	v21 =	vld [tilespmem:s28+$0x7870];
	[tilespmem:s26+$0xF800] =	vst v19;
	v19 =	vor.u32 v7, v20;
	v8 =	vor.u32 v18, v8;
	v17 =	vshll.u32 v17, $0x7  }
0x302: {  	v18 =	vld [tilespmem:s28+$0xB870];
	[tilespmem:s26+$0xF810] =	vst v19;
	v8 =	vor.u32 v7, v8;
	v12 =	vor.u32 v17, v12;
	v16 =	vshll.u32 v16, $0x7  }
0x303: {  	v17 =	vld [tilespmem:s28+$0x3800];
	[tilespmem:s26+$0xF820] =	vst v8;
	v8 =	vor.u32 v7, v12;
	v10 =	vor.u32 v16, v10;
	v12 =	vshll.u32 v14, $0x7  }
0x304: {  	v14 =	vld [tilespmem:s28+$0x7800];
	[tilespmem:s26+$0xF830] =	vst v8;
	v8 =	vor.u32 v7, v10;
	v9 =	vor.u32 v12, v9;
	v10 =	vshll.u32 v15, $0x7  }
0x305: {  	v12 =	vld [tilespmem:s28+$0x3810];
	[tilespmem:s26+$0xF840] =	vst v8;
	v8 =	vor.u32 v7, v9;
	v9 =	vor.u32 v10, v11  }
0x306: {  	v11 =	vshll.u32 v13, $0x13;
	v10 =	vld [tilespmem:s28+$0x7810];
	v13 =	vshll.u32 v21, $0xD;
	[tilespmem:s26+$0xF850] =	vst v8;
	v8 =	vor.u32 v7, v9  }
0x307: {  	v9 =	vld [tilespmem:s28+$0x3820];
	v15 =	vshll.u32 v18, $0x7;
	v11 =	vor.u32 v13, v11;
	[tilespmem:s26+$0xF860] =	vst v8;
	s26 =	smov.u32 s28  }
0x308: {  	v8 =	vshll.u32 v17, $0x13;
	v13 =	vld [tilespmem:s26+$0x7820];
	v11 =	vor.u32 v15, v11  }
0x309: {  	v14 =	vshll.u32 v14, $0xD;
	v15 =	vld [tilespmem:s26+$0x3830];
	v11 =	vor.u32 v7, v11  }
0x30a: {  	v18 =	vor.u32 v14, v8;
	v8 =	vshll.u32 v12, $0x13;
	v12 =	vld [tilespmem:s26+$0x7830];
	[tilespmem:s26+$0xF870] =	vst v11  }
0x30b: {  	v10 =	vshll.u32 v10, $0xD;
	v11 =	vld [tilespmem:s26+$0x3840]  }
0x30c: {  	v20 =	vor.u32 v10, v8;
	v8 =	vshll.u32 v9, $0x13;
	v9 =	vld [tilespmem:s26+$0x7840]  }
0x30d: {  	v10 =	vshll.u32 v13, $0xD;
	v13 =	vld [tilespmem:s26+$0x3850]  }
0x30e: {  	v8 =	vor.u32 v10, v8;
	v10 =	vshll.u32 v15, $0x13;
	v14 =	vld [tilespmem:s26+$0x7850]  }
0x30f: {  	v12 =	vshll.u32 v12, $0xD;
	v15 =	vld [tilespmem:s26+$0x3860]  }
0x310: {  	v12 =	vor.u32 v12, v10;
	v10 =	vshll.u32 v11, $0x13;
	v11 =	vld [tilespmem:s26+$0x7860]  }
0x311: {  	v19 =	vld [tilespmem:s26+$0xB800];
	v9 =	vshll.u32 v9, $0xD  }
0x312: {  	v21 =	vld [tilespmem:s26+$0xB810];
	v10 =	vor.u32 v9, v10;
	v9 =	vshll.u32 v13, $0x13  }
0x313: {  	v22 =	vld [tilespmem:s26+$0xB820];
	v13 =	vshll.u32 v14, $0xD  }
.Ltmp7:
0x314: {  	v17 =	vld [tilespmem:s26+$0xB830];
	v9 =	vor.u32 v13, v9;
	v13 =	vshll.u32 v15, $0x13;
	(pc) =	sbr.rel @p0 .LBB2_16-.Ltmp7, $4  }
0x315: {  	v16 =	vld [tilespmem:s26+$0xB840];
	v11 =	vshll.u32 v11, $0xD  }
0x316: {  	v15 =	vshll.u32 v19, $0x7;
	v14 =	vld [tilespmem:s26+$0xB850];
	v11 =	vor.u32 v11, v13  }
0x317: {  	s28 =	sshra.s32 s29, $0x2;
	v18 =	vor.u32 v15, v18;
	v21 =	vshll.u32 v21, $0x7;
	v15 =	vld [tilespmem:s26+$0xB860]  }
0x318: {  	s29 =	sadd.s32 $0x200, s29;
	v13 =	vld [tilespmem:s28+$0x3870];
	v19 =	vor.u32 v7, v18;
	v20 =	vor.u32 v21, v20;
	v18 =	vshll.u32 v22, $0x7  }
0x319: {  	v21 =	vld [tilespmem:s28+$0x7870];
	[tilespmem:s26+$0xF800] =	vst v19;
	v27 =	vor.u32 v7, v20;
	v8 =	vor.u32 v18, v8  }
0x31a: {  	v17 =	vshll.u32 v17, $0x7;
	v28 =	vld [tilespmem:s28+$0xB870];
	[tilespmem:s26+$0xF810] =	vst v27;
	v8 =	vor.u32 v7, v8  }
0x31b: {  	v12 =	vor.u32 v17, v12;
	v29 =	vld [tilespmem:s28+$0x3800];
	[tilespmem:s26+$0xF820] =	vst v8;
	v8 =	vshll.u32 v16, $0x7  }
0x31c: {  	v12 =	vor.u32 v7, v12;
	v8 =	vor.u32 v8, v10  }
0x31d: {  	v31 =	vshll.u32 v14, $0x7;
	v30 =	vld [tilespmem:s28+$0x7800];
	[tilespmem:s26+$0xF830] =	vst v12;
	v8 =	vor.u32 v7, v8  }
0x31e: {  	v9 =	vor.u32 v31, v9;
	v12 =	vld [tilespmem:s28+$0x3810];
	[tilespmem:s26+$0xF840] =	vst v8;
	v8 =	vshll.u32 v15, $0x7  }
0x31f: {  	v9 =	vor.u32 v7, v9;
	v8 =	vor.u32 v8, v11  }
0x320: {  	v32 =	vld [tilespmem:s28+$0x7810];
	[tilespmem:s26+$0xF850] =	vst v9;
	v8 =	vor.u32 v7, v8  }
0x321: {  	v9 =	vld [tilespmem:s28+$0x3820];
	[tilespmem:s26+$0xF860] =	vst v8  }
0x322: {  	v35 =	vld [tilespmem:s28+$0x7820]  }
0x323: {  	v36 =	vld [tilespmem:s28+$0x3830]  }
0x324: {  	v37 =	vld [tilespmem:s28+$0x7830]  }
0x325: {  	v38 =	vld [tilespmem:s28+$0x7840]  }
0x326: {  	v39 =	vld [tilespmem:s28+$0x3850]  }
0x327: {  	v19 =	vld [tilespmem:s28+$0x7850]  }
0x328: {  	v40 =	vld [tilespmem:s28+$0x3860]  }
0x329: {  	v41 =	vld [tilespmem:s28+$0x7860]  }
0x32a: {  	v22 =	vld [tilespmem:s28+$0xB800]  }
0x32b: {  	v45 =	vld [tilespmem:s28+$0xB820]  }
0x32c: {  	v33 =	vshll.u32 v21, $0xD;
	v34 =	vshll.u32 v28, $0x7;
	v8 =	vshll.u32 v13, $0x13;
	v47 =	vld [tilespmem:s28+$0xB830]  }
0x32d: {  	v18 =	vshll.u32 v29, $0x13;
	v16 =	vshll.u32 v30, $0xD;
	v8 =	vor.u32 v33, v8;
	v49 =	vld [tilespmem:s28+$0xB840]  }
0x32e: {  	v12 =	vshll.u32 v12, $0x13;
	v16 =	vor.u32 v16, v18;
	v53 =	vld [tilespmem:s28+$0xB850];
	v8 =	vor.u32 v34, v8  }
0x32f: {  	v54 =	vld [tilespmem:s28+$0xB860];
	v8 =	vor.u32 v7, v8;
	v10 =	vshll.u32 v32, $0xD;
	v9 =	vshll.u32 v9, $0x13  }
0x330: {  	v42 =	vld [tilespmem:s28+$0xB810];
	v10 =	vor.u32 v10, v12;
	v11 =	vshll.u32 v35, $0xD;
	v43 =	vshll.u32 v36, $0x13  }
0x331: {  	v44 =	vshll.u32 v37, $0xD;
	v15 =	vshll.u32 v38, $0xD;
	v17 =	vshll.u32 v39, $0x13  }
0x332: {  	[tilespmem:s28+$0xF870] =	vst v8;
	v8 =	vld [tilespmem:s28+$0x3840];
	v46 =	vshll.u32 v19, $0xD;
	v50 =	vshll.u32 v40, $0x13;
	v51 =	vshll.u32 v41, $0xD  }
0x333: {  	v52 =	vshll.u32 v22, $0x7;
	v55 =	vshll.u32 v45, $0x7;
	v56 =	vshll.u32 v47, $0x7  }
0x334: {  	v58 =	vshll.u32 v49, $0x7;
	v60 =	vshll.u32 v53, $0x7;
	v62 =	vshll.u32 v54, $0x7  }
0x335: {  	v9 =	vor.u32 v11, v9;
	v16 =	vor.u32 v52, v16;
	v11 =	vshll.u32 v42, $0x7  }
0x336: {  	v12 =	vor.u32 v44, v43;
	v16 =	vor.u32 v7, v16;
	v10 =	vor.u32 v11, v10  }
0x337: {  	v9 =	vor.u32 v55, v9;
	v8 =	vshll.u32 v8, $0x13;
	[tilespmem:s28+$0xF800] =	vst v16;
	v10 =	vor.u32 v7, v10  }
0x338: {  	v57 =	vor.u32 v56, v12;
	v9 =	vor.u32 v7, v9;
	v8 =	vor.u32 v15, v8;
	[tilespmem:s28+$0xF810] =	vst v10  }
0x339: {  	v48 =	vor.u32 v46, v17;
	v59 =	vor.u32 v7, v57;
	[tilespmem:s28+$0xF820] =	vst v9;
	v8 =	vor.u32 v58, v8  }
0x33a: {  	v17 =	vor.u32 v51, v50;
	v61 =	vor.u32 v60, v48;
	[tilespmem:s28+$0xF830] =	vst v59;
	v8 =	vor.u32 v7, v8  }
0x33b: {  	v63 =	vor.u32 v62, v17;
	[tilespmem:s28+$0xF840] =	vst v8;
	v8 =	vor.u32 v7, v61  }
0x33c: {  	[tilespmem:s28+$0xF850] =	vst v8;
	v8 =	vor.u32 v7, v63  }
0x33d: {  	[tilespmem:s28+$0xF860] =	vst v8;
	s28 =	simm.s32 $0xF800  }
0x33e: {  	[tilespmem:s16], [sflag:$0x8] =	stream.indirect.gather [hbm4b:s2+s7], $0x1, s28, s7, $0xb8;
	[tilespmem:$0x14000] =	vst v63  }
0x33f: {  	_ =	swait.ge [sflag:s17], $0x800  }
0x340: {  	[sflag:s17] =	ssyncset.done $0x0  }
0x341: {  	s29 =	rddreg [dreg:$0x1e];
	[sflag:s17] =	ssyncadd.s32 $0xFFFFF800  }
0x342: {  	[hbm4b:s29+s5] =	stream.strided.scatter [tilespmem:s9], [sflag:$0x9], $0x800, s6, s5, $0x38;
	[tilespmem:$0x14000] =	vst v63  }
0x343: {  	_ =	swait.ge [sflag:s18], $0x800  }
0x344: {  	[sflag:s18] =	ssyncset.done $0x0  }
0x345: {  	s28 =	rddreg [dreg:$0x1f];
	[sflag:s18] =	ssyncadd.s32 $0xFFFFF800  }
0x346: {  	[hbm4b:s28+s5] =	stream.strided.scatter [tilespmem:s10], [sflag:$0x9], $0x800, s6, s5, $0x38;
	[tilespmem:$0x14000] =	vst v63  }
0x347: {  	_ =	swait.ge [sflag:s19], $0x800  }
0x348: {  	s29 =	sld [smem:$0x7FD]  }
0x349: {  	[sflag:s19] =	ssyncset.done $0x0  }
0x34a: {  	[sflag:s19] =	ssyncadd.s32 $0xFFFFF800  }
0x34b: {  	[hbm4b:s29+s5] =	stream.strided.scatter [tilespmem:s11], [sflag:$0x9], $0x800, s6, s5, $0x38;
	[tilespmem:$0x14000] =	vst v63  }
0x34c: {  	_ =	swait.ge [sflag:s20], $0x800  }
0x34d: {  	[sflag:s20] =	ssyncset.done $0x0  }
0x34e: {  	[sflag:s20] =	ssyncadd.s32 $0xFFFFF800  }
0x34f: {  	[hbm4b:s31+s5] =	stream.strided.scatter [tilespmem:s12], [sflag:$0x9], $0x800, s6, s5, $0x38;
	[tilespmem:$0x14000] =	vst v63  }
0x350: {  	_ =	swait.ge [sflag:s21], $0x800  }
0x351: {  	[sflag:s21] =	ssyncset.done $0x0  }
0x352: {  	[sflag:s21] =	ssyncadd.s32 $0xFFFFF800  }
0x353: {  	[hbm4b:s30+s5] =	stream.strided.scatter [tilespmem:s13], [sflag:$0x9], $0x800, s6, s5, $0x38;
	[tilespmem:$0x14000] =	vst v63  }
0x354: {  	_ =	swait.ge [sflag:s22], $0x800  }
0x355: {  	[sflag:s22] =	ssyncset.done $0x0  }
0x356: {  	[sflag:s22] =	ssyncadd.s32 $0xFFFFF800  }
0x357: {  	[hbm4b:s0+s5] =	stream.strided.scatter [tilespmem:s14], [sflag:$0x9], $0x800, s6, s5, $0x38;
	[tilespmem:$0x14000] =	vst v63  }
0x358: {  	_ =	swait.ge [sflag:s23], $0x800  }
0x359: {  	[sflag:s23] =	ssyncset.done $0x0  }
0x35a: {  	[sflag:s23] =	ssyncadd.s32 $0xFFFFF800  }
0x35b: {  	[hbm4b:s1+s5] =	stream.strided.scatter [tilespmem:s15], [sflag:$0x9], $0x800, s6, s5, $0x38;
	[tilespmem:$0x14000] =	vst v63  }
0x35c: {  	_ =	swait.ge [sflag:s24], $0x800  }
0x35d: {  	[sflag:s24] =	ssyncset.done $0x0  }
0x35e: {  	[sflag:s24] =	ssyncadd.s32 $0xFFFFF800  }
0x35f: {  	[hbm4b:s3+s5] =	stream.strided.scatter [tilespmem:s16], [sflag:$0x9], $0x800, s6, s5, $0x38;
	[tilespmem:$0x14000] =	vst v63  }
0x360: {  	_ =	swait.ge [sflag:s8], $0x800  }
0x361: {  	[sflag:s8] =	ssyncset.done $0x0  }
0x362: {  	[sflag:s8] =	ssyncadd.s32 $0xFFFFF800  }
0x363: {  	_ =	swait.ge [sflag:s8], $0x800  }
0x364: {  	[sflag:s8] =	ssyncset.done $0x0  }
0x365: {  	[sflag:s8] =	ssyncadd.s32 $0xFFFFF800  }
0x366: {  	_ =	swait.ge [sflag:s8], $0x800  }
0x367: {  	[sflag:s8] =	ssyncset.done $0x0  }
0x368: {  	[sflag:s8] =	ssyncadd.s32 $0xFFFFF800  }
0x369: {  	_ =	swait.ge [sflag:s8], $0x800  }
0x36a: {  	[sflag:s8] =	ssyncset.done $0x0  }
0x36b: {  	[sflag:s8] =	ssyncadd.s32 $0xFFFFF800  }
0x36c: {  	_ =	swait.ge [sflag:s8], $0x800  }
0x36d: {  	[sflag:s8] =	ssyncset.done $0x0  }
0x36e: {  	[sflag:s8] =	ssyncadd.s32 $0xFFFFF800  }
0x36f: {  	_ =	swait.ge [sflag:s8], $0x800  }
0x370: {  	[sflag:s8] =	ssyncset.done $0x0  }
0x371: {  	s25 =	sadd.s32 $0x1, s25;
	[sflag:s8] =	ssyncadd.s32 $0xFFFFF800  }
0x372: {  	p0 =	sne.s32 s25, s4;
	_ =	swait.ge [sflag:s8], $0x800  }
.Ltmp8:
0x373: {  	[sflag:s8] =	ssyncset.done $0x0;
	(pc) =	sbr.rel @p0 .LBB2_1-.Ltmp8, $4  }
0x374: {  	[sflag:s8] =	ssyncadd.s32 $0xFFFFF800  }
0x375: {  	_ =	swait.ge [sflag:s8], $0x800  }
0x376: {  	[sflag:s8] =	ssyncset.done $0x0  }
0x377: {  	[sflag:s8] =	ssyncadd.s32 $0xFFFFF800  }
0x378: {  	_ =	sfence.sel $0x180000  }
0x379: {  	[bflag:$0x0] =	sbarrier.arrive $0xFFFF  }
0x37a: {  	_ =	strace $0x90000047  }
0x37b: {  	s0 =	stileid.u32;
	[bflag:$0x2] =	sbarrier.arrive $0xFFFF  }
0x37c: {  	p0 =	sne.s32 s0, $0x0;
	s0 =	rddreg [dreg:$0x5]  }
0x37d: {  	s0 =	sadd.s32 @!p0 $0x100000, s0  }
0x37e: {  	[sflag:s0] =	ssyncadd.tile.s32 @!p0 $0x1;
	_ =	shalt  }
.Lfunc_end2:
_tile_overlayer_lowered:
.L_overlay_start_2:
0x37f: {  	(tag) =	ssettag $0x2  }
0x380: {  	s0 =	rddreg [dreg:$0x0];
	s2 =	stileid.u32  }
0x381: {  	s1 =	rddreg [dreg:$0x1];
	p0 =	sne.s32 s2, $0x0  }
0x382: {  	s3 =	rddreg [dreg:$0x2];
	[bflag:$0x3] =	sbarrier.arrive $0xFFFF;
	s2 =	simm.s32 @!p0 $0x1C0A  }
0x383: {  	[timem:s3], [sflag:s2] =	dma.local @!p0 [hbm:s0], s1  }
0x384: {  	s0 =	simm.s32 @!p0 $0xA  }
0x385: {  	_ =	swait.ge @!p0 [sflag:s0], s1  }
0x386: {  	s1 =	ssub.s32 @!p0 $0x0, s1;
	[sflag:s0] =	ssyncset.done @!p0 $0x0  }
0x387: {  	[sflag:s0] =	ssyncadd.s32 @!p0 s1  }
0x388: {  	[bflag:$0x3] =	sbarrier.arrive $0xFFFF  }
0x389: {  	_ =	shalt  }

</sc_bundles>
